<compile_context>
chip_gen: v7x
topology: tpu7x:2x2x1
jax: 0.10.2.dev20260603
libtpu: 0.0.44.dev20260713+nightly
codegen_flags: <defaults>
</compile_context>

<pallas_src>
import functools

import jax
import jax.numpy as jnp
from jax import lax
from jax.experimental import pallas as pl
from jax.experimental.pallas import tpu as pltpu
from jax.experimental.pallas import tpu_sc as plsc

NS = 16
NC = 2
L = 16
DH = 64


def _tc_tables_body(x_ref, w_ref, a1_ref, a2_ref, ai2_ref, jh_ref):
    h = jnp.dot(x_ref[...], w_ref[...], preferred_element_type=jnp.float32)
    ai = jnp.dot(h, a1_ref[...], preferred_element_type=jnp.float32)
    aj = jnp.dot(h, a2_ref[...], preferred_element_type=jnp.float32)
    ai2_ref[0] = ai[:, :DH]
    ai2_ref[1] = ai[:, DH:]
    jh_ref[0] = jnp.concatenate([aj[:, :DH], h[:, :DH]], axis=1)
    jh_ref[1] = jnp.concatenate([aj[:, DH:], h[:, DH:]], axis=1)


def _tc_tables(x, w, a1, a2):
    n, d = x.shape
    bn = 1000
    assert n % bn == 0
    return pl.pallas_call(
        _tc_tables_body,
        grid=(n // bn,),
        in_specs=[
            pl.BlockSpec((bn, d), lambda i: (i, 0)),
            pl.BlockSpec((d, d), lambda i: (0, 0)),
            pl.BlockSpec((d, d), lambda i: (0, 0)),
            pl.BlockSpec((d, d), lambda i: (0, 0)),
        ],
        out_specs=[
            pl.BlockSpec((NC, bn, DH), lambda i: (0, i, 0)),
            pl.BlockSpec((NC, bn, 2 * DH), lambda i: (0, i, 0)),
        ],
        out_shape=[
            jax.ShapeDtypeStruct((NC, n, DH), jnp.float32),
            jax.ShapeDtypeStruct((NC, n, 2 * DH), jnp.float32),
        ],
    )(x, w, a1, a2)


def _make_sc_edge_kernel(n, e, npad):
    K = 80
    NSUB = 10
    SCH = NSUB * K
    EC = e // NS
    NSUPER = EC // SCH
    RCH = 8
    RPT = npad // NS
    assert EC * NS == e and NSUPER * SCH == EC and NSUB % 2 == 0
    assert RPT % RCH == 0 and RPT % 8 == 0 and npad >= n and n % RCH == 0

    mesh = plsc.VectorSubcoreMesh(core_axis_name="c", subcore_axis_name="s")

    @functools.partial(
        pl.kernel,
        out_type=jax.ShapeDtypeStruct((npad, NC * DH), jnp.float32),
        mesh=mesh,
        scratch_types=[
            pltpu.VMEM((2, NSUB, K), jnp.int32),
            pltpu.VMEM((2, NSUB, K), jnp.int32),
            pltpu.VMEM((2, NSUB, K), jnp.int32),
            pltpu.VMEM((2, K, DH), jnp.float32),
            pltpu.VMEM((2, K, 2 * DH), jnp.float32),
            pltpu.VMEM((K, 2 * DH), jnp.float32),
            pltpu.VMEM_SHARED((npad, 2 * DH), jnp.float32),
            pltpu.VMEM((DH,), jnp.float32),
            pltpu.SemaphoreType.DMA,
            pltpu.SemaphoreType.DMA,
            pltpu.SemaphoreType.DMA,
            pltpu.SemaphoreType.DMA,
            pltpu.SemaphoreType.DMA,
            pltpu.SemaphoreType.DMA,
        ],
        compiler_params=pltpu.CompilerParams(use_tc_tiling_on_sc=False),
    )
    def sc_edge(src_hbm, dst_hbm, ai_hbm, jh_hbm, bias_hbm, out_hbm,
                srcv, srcg, dstg, abuf, jhbuf, vpbuf, numden,
                biasv, sema0, sema1, semj0, semj1, semi, semv):
        c = lax.axis_index("c")
        s = lax.axis_index("s")
        cn = c * n
        sem_a = (sema0, sema1)
        sem_j = (semj0, semj1)

        ebase0 = s * EC
        for i0 in range(NSUB):
            pltpu.async_copy(src_hbm.at[pl.ds(ebase0 + i0 * K, K)],
                             srcv.at[0, i0], semi)
            pltpu.async_copy(dst_hbm.at[pl.ds(ebase0 + i0 * K, K)],
                             dstg.at[0, i0], semi)

        zero = jnp.zeros((L,), jnp.float32)
        zsrc = jhbuf.at[0, pl.ds(0, RCH)]

        def zrow(r, _):
            for g in range(2 * DH // L):
                jhbuf[0, r, pl.ds(g * L, L)] = zero
            return 0

        lax.fori_loop(0, RCH, zrow, 0)

        def zfire(jr, _):
            pltpu.async_copy(zsrc, numden.at[pl.ds(s * RPT + jr * RCH, RCH)],
                             semv)
            return 0

        lax.fori_loop(0, RPT // RCH, zfire, 0)

        def zwait(jr, _):
            pltpu.make_async_copy(
                zsrc, numden.at[pl.ds(s * RPT + jr * RCH, RCH)], semv).wait()
            return 0

        lax.fori_loop(0, RPT // RCH, zwait, 0)
        plsc.subcore_barrier()

        ebase = s * EC

        def fire_idx(sc_i, ib):
            base = ebase + sc_i * SCH
            for i in range(NSUB):
                pltpu.async_copy(src_hbm.at[pl.ds(base + i * K, K)],
                                 srcv.at[ib, i], semi)
                pltpu.async_copy(dst_hbm.at[pl.ds(base + i * K, K)],
                                 dstg.at[ib, i], semi)

        def wait_idx(sc_i, ib):
            base = ebase + sc_i * SCH
            for i in range(NSUB):
                pltpu.make_async_copy(src_hbm.at[pl.ds(base + i * K, K)],
                                      srcv.at[ib, i], semi).wait()
                pltpu.make_async_copy(dst_hbm.at[pl.ds(base + i * K, K)],
                                      dstg.at[ib, i], semi).wait()

        H = K // 2

        def fire(ib, k, buf):
            for q in range(2):
                pltpu.async_copy(ai_hbm.at[srcg.at[ib, k, pl.ds(q * H, H)]],
                                 abuf.at[buf, pl.ds(q * H, H)], sem_a[buf])
                pltpu.async_copy(jh_hbm.at[dstg.at[ib, k, pl.ds(q * H, H)]],
                                 jhbuf.at[buf, pl.ds(q * H, H)], sem_j[buf])

        def wait_gathers(ib, k, buf):
            for q in range(2):
                pltpu.make_async_copy(
                    ai_hbm.at[srcg.at[ib, k, pl.ds(q * H, H)]],
                    abuf.at[buf, pl.ds(q * H, H)], sem_a[buf]).wait()
                pltpu.make_async_copy(
                    jh_hbm.at[dstg.at[ib, k, pl.ds(q * H, H)]],
                    jhbuf.at[buf, pl.ds(q * H, H)], sem_j[buf]).wait()

        def wait_scatter():
            pltpu.make_async_copy(vpbuf, numden.at[srcv.at[0, 0]],
                                  semv).wait()

        def compute(buf):
            @plsc.parallel_loop(0, K, 1, unroll=8)
            def edge(ei):
                for g in range(DH // L):
                    a = abuf[buf, ei, pl.ds(g * L, L)]
                    b = jhbuf[buf, ei, pl.ds(g * L, L)]
                    hh = jhbuf[buf, ei, pl.ds(DH + g * L, L)]
                    lg = a + b
                    lg = jnp.maximum(lg, 0.2 * lg)
                    p = jnp.exp(lg)
                    vpbuf[ei, pl.ds(g * L, L)] = p * hh
                    vpbuf[ei, pl.ds(DH + g * L, L)] = p

        def fire_scatter(ib, k):
            pltpu.async_copy(vpbuf, numden.at[srcv.at[ib, k]], semv, add=True)

        def addcn(ib):
            def body(i, _):
                for q in range(K // L):
                    sl = pl.ds(q * L, L)
                    srcg[ib, i, sl] = srcv[ib, i, sl] + cn
                    dstg[ib, i, sl] = dstg[ib, i, sl] + cn
                return 0

            lax.fori_loop(0, NSUB, body, 0)

        def superchunk(sc_i, _):
            ib = lax.rem(sc_i, 2)
            wait_idx(sc_i, ib)
            addcn(ib)

            @pl.when(sc_i + 1 < NSUPER)
            def _():
                fire_idx(sc_i + 1, 1 - ib)

            fire(ib, 0, 0)

            def pipe(k2, _):
                k = 2 * k2
                fire(ib, k + 1, 1)
                wait_gathers(ib, k, 0)

                @pl.when((k2 > 0) | (sc_i > 0))
                def _():
                    wait_scatter()

                compute(0)
                fire_scatter(ib, k)

                @pl.when(k + 2 < NSUB)
                def _():
                    fire(ib, k + 2, 0)

                wait_gathers(ib, k + 1, 1)
                wait_scatter()
                compute(1)
                fire_scatter(ib, k + 1)
                return 0

            lax.fori_loop(0, NSUB // 2, pipe, 0)
            return 0

        lax.fori_loop(0, NSUPER, superchunk, 0)
        wait_scatter()
        plsc.subcore_barrier()

        pltpu.sync_copy(bias_hbm.at[pl.ds(c * DH, DH)], biasv)
        NCHE = RPT // RCH

        def nd_dst(b):
            return jhbuf.at[b, pl.ds(0, RCH)]

        def o_src(b):
            return abuf.at[b, pl.ds(0, RCH)]

        def fire_nd(jr, b):
            pltpu.async_copy(numden.at[pl.ds(s * RPT + jr * RCH, RCH)],
                             nd_dst(b), sem_a[b])

        def wait_nd(jr, b):
            pltpu.make_async_copy(numden.at[pl.ds(s * RPT + jr * RCH, RCH)],
                                  nd_dst(b), sem_a[b]).wait()

        def fire_out(jr, b):
            pltpu.async_copy(o_src(b),
                             out_hbm.at[pl.ds(s * RPT + jr * RCH, RCH),
                                        pl.ds(c * DH, DH)], sem_j[b])

        def wait_out(jr, b):
            pltpu.make_async_copy(o_src(b),
                                  out_hbm.at[pl.ds(s * RPT + jr * RCH, RCH),
                                             pl.ds(c * DH, DH)],
                                  sem_j[b]).wait()

        def ecompute(b):
            @plsc.parallel_loop(0, RCH, 1, unroll=4)
            def row(r):
                for g in range(DH // L):
                    nm = jhbuf[b, r, pl.ds(g * L, L)]
                    dn = jhbuf[b, r, pl.ds(DH + g * L, L)]
                    bv = biasv[pl.ds(g * L, L)]
                    abuf[b, r, pl.ds(g * L, L)] = nm / (dn + 1e-16) + bv

        fire_nd(0, 0)

        def echunk(jr2, _):
            jr = 2 * jr2

            @pl.when(jr + 1 < NCHE)
            def _():
                fire_nd(jr + 1, 1)

            wait_nd(jr, 0)

            @pl.when(jr2 > 0)
            def _():
                wait_out(jr, 0)

            ecompute(0)
            fire_out(jr, 0)

            @pl.when(jr + 1 < NCHE)
            def _():
                @pl.when(jr + 2 < NCHE)
                def _():
                    fire_nd(jr + 2, 0)

                wait_nd(jr + 1, 1)

                @pl.when(jr2 > 0)
                def _():
                    wait_out(jr + 1, 1)

                ecompute(1)
                fire_out(jr + 1, 1)

            return 0

        lax.fori_loop(0, (NCHE + 1) // 2, echunk, 0)
        wait_out(0, 0)

        @pl.when(NCHE > 1)
        def _():
            wait_out(0, 1)

    return sc_edge


def kernel(nodes_ft, adj_list, weight, bias, att_layer_1, att_layer_2):
    n, d = nodes_ft.shape
    e = adj_list.shape[1]
    npad = ((n + 127) // 128) * 128
    ai2, jh = _tc_tables(nodes_ft, weight, att_layer_1, att_layer_2)
    sc_edge = _make_sc_edge_kernel(n, e, npad)
    out = sc_edge(
        adj_list[0],
        adj_list[1],
        ai2.reshape(NC * n, DH),
        jh.reshape(NC * n, 2 * DH),
        bias,
    )
    return out[:n]

# --- scband reference (transcript-rebuilt; emitter-appended) ---
"""Pipeline reference for scband-bit-gat-conv-48524540510800 (READ-ONLY COPY).

The authoritative reference and input builder live on the scoring server;
editing this copy changes nothing except your own understanding.
"""

import jax, jax.numpy as jnp
import numpy as np

N = 10000
E = 320000
D = 128  # heads * out_channels = 1 * 128


def setup_inputs(seed: int = 0) -> dict:
    key = jax.random.key(seed)
    ks = jax.random.split(key, 6)
    nodes_ft = jax.random.normal(ks[0], (N, D), dtype=jnp.float32)
    adj_list = jax.random.randint(ks[1], (2, E), 0, N, dtype=jnp.int32)
    # parameters (xavier-ish scale ~ sqrt(2/(D+D)) ~= 0.088)
    weight = jax.random.normal(ks[2], (D, D), dtype=jnp.float32) * 0.09
    bias = jnp.zeros((D,), dtype=jnp.float32)
    att_layer_1 = jax.random.normal(ks[3], (D, D), dtype=jnp.float32) * 0.09
    att_layer_2 = jax.random.normal(ks[4], (D, D), dtype=jnp.float32) * 0.09
    return {
        "nodes_ft": nodes_ft,
        "adj_list": adj_list,
        "weight": weight,
        "bias": bias,
        "att_layer_1": att_layer_1,
        "att_layer_2": att_layer_2,
    }


def reference(nodes_ft, adj_list, weight, bias, att_layer_1, att_layer_2):
    negative_slope = 0.2
    n = nodes_ft.shape[0]
    # node_hidden_state = nodes_ft @ weight  -> [N, heads*out_channels]
    h = jnp.dot(nodes_ft, weight)
    att_i = jnp.dot(h, att_layer_1)
    att_j = jnp.dot(h, att_layer_2)
    src = adj_list[0]
    dst = adj_list[1]
    logits_i = jnp.take(att_i, src, axis=0)
    logits_j = jnp.take(att_j, dst, axis=0)
    logits = jax.nn.leaky_relu(logits_i + logits_j, negative_slope=negative_slope)
    # segment softmax over destination index src (per feature channel)
    seg_max = jax.ops.segment_max(logits, src, num_segments=n)
    exp_l = jnp.exp(logits - jnp.take(seg_max, src, axis=0))
    seg_sum = jax.ops.segment_sum(exp_l, src, num_segments=n)
    alpha = exp_l / (jnp.take(seg_sum, src, axis=0) + 1e-16)
    # eval mode: no dropout
    vals = jnp.take(h, dst, axis=0) * alpha
    out = jax.ops.segment_sum(vals, src, num_segments=n)
    out = out + bias
    return out

if __name__ == "__main__":
    import jax
    _d = setup_inputs()
    print(jax.jit(kernel)(*tuple(_d.values())))

</pallas_src>

<mosaic_0001>
#map = affine_map<(d0, d1) -> (0)>
#map1 = affine_map<(d0, d1) -> (0, 0)>
module attributes {stable_mosaic.version = 14 : i64} {
  func.func @sc_edge(%arg0: i32, %arg1: i32, %arg2: memref<320000xi32, #tpu.memory_space<hbm>>, %arg3: memref<320000xi32, #tpu.memory_space<hbm>>, %arg4: memref<20000x64xf32, #tpu.memory_space<hbm>>, %arg5: memref<20000x128xf32, #tpu.memory_space<hbm>>, %arg6: memref<128xf32, #tpu.memory_space<hbm>>, %arg7: memref<10112x128xf32, #tpu.memory_space<hbm>>, %arg8: memref<2x10x80xi32, #tpu.memory_space<vmem>>, %arg9: memref<2x10x80xi32, #tpu.memory_space<vmem>>, %arg10: memref<2x10x80xi32, #tpu.memory_space<vmem>>, %arg11: memref<2x80x64xf32, #tpu.memory_space<vmem>>, %arg12: memref<2x80x128xf32, #tpu.memory_space<vmem>>, %arg13: memref<80x128xf32, #tpu.memory_space<vmem>>, %arg14: memref<10112x128xf32, #tpu.memory_space<vmem_shared>>, %arg15: memref<64xf32, #tpu.memory_space<vmem>>, %arg16: memref<!tpu.dma_semaphore, #tpu.memory_space<semaphore_mem>>, %arg17: memref<!tpu.dma_semaphore, #tpu.memory_space<semaphore_mem>>, %arg18: memref<!tpu.dma_semaphore, #tpu.memory_space<semaphore_mem>>, %arg19: memref<!tpu.dma_semaphore, #tpu.memory_space<semaphore_mem>>, %arg20: memref<!tpu.dma_semaphore, #tpu.memory_space<semaphore_mem>>, %arg21: memref<!tpu.dma_semaphore, #tpu.memory_space<semaphore_mem>>) attributes {dimension_semantics = [#tpu.dimension_semantics<core_parallel>, #tpu.dimension_semantics<subcore_parallel>], iteration_bounds = array<i64: 2, 16>, scalar_prefetch = 0 : i64, scratch_operands = 14 : i64, tpu.core_type = #tpu.core_type<sc_vector_subcore>, window_params = [{transform_indices = #map}, {transform_indices = #map}, {transform_indices = #map1}, {transform_indices = #map1}, {transform_indices = #map}, {transform_indices = #map1}]} {
    %mul3A = arith.constant 10000 : i32
    %mul3A_0 = arith.muli %arg0, %mul3A : i32
    %mul3A_1 = arith.constant 20000 : i32
    %mul3A_2 = arith.muli %arg1, %mul3A_1 : i32
    %add3A = arith.constant 0 : i32
    %add3A_3 = arith.addi %mul3A_2, %add3A : i32
    %dma_start3A = arith.constant 0 : i32
    %dma_start3A_4 = arith.constant 0 : i32
    %dma_start3A_5 = arith.constant 0 : i32
    %dma_start3A_6 = tpu.memref_slice %arg8[%dma_start3A, %dma_start3A_4, %dma_start3A_5] : memref<2x10x80xi32, #tpu.memory_space<vmem>> -> memref<1x1x80xi32, #tpu.memory_space<vmem>>
    %dma_start3A_7 = tpu.memref_squeeze %dma_start3A_6 : memref<1x1x80xi32, #tpu.memory_space<vmem>> -> memref<80xi32, #tpu.memory_space<vmem>>
    %dma_start3A_8 = tpu.memref_slice %arg2[%add3A_3] : memref<320000xi32, #tpu.memory_space<hbm>> -> memref<80xi32, #tpu.memory_space<hbm>>
    %dma_start3A_9 = arith.constant 0 : i32
    %dma_start3A_10 = tpu.memref_slice %arg8[%dma_start3A, %dma_start3A_4, %dma_start3A_9] : memref<2x10x80xi32, #tpu.memory_space<vmem>> -> memref<1x1x80xi32, #tpu.memory_space<vmem>>
    %dma_start3A_11 = tpu.memref_squeeze %dma_start3A_10 : memref<1x1x80xi32, #tpu.memory_space<vmem>> -> memref<80xi32, #tpu.memory_space<vmem>>
    %dma_start3A_12 = tpu.memref_slice %arg2[%add3A_3] : memref<320000xi32, #tpu.memory_space<hbm>> -> memref<80xi32, #tpu.memory_space<hbm>>
    tpu.enqueue_dma source(%dma_start3A_12 : memref<80xi32, #tpu.memory_space<hbm>>) target(%dma_start3A_11 : memref<80xi32, #tpu.memory_space<vmem>>) target_semaphore(%arg20 : memref<!tpu.dma_semaphore, #tpu.memory_space<semaphore_mem>>)
    %add3A_13 = arith.constant 0 : i32
    %add3A_14 = arith.addi %mul3A_2, %add3A_13 : i32
    %dma_start3A_15 = arith.constant 0 : i32
    %dma_start3A_16 = arith.constant 0 : i32
    %dma_start3A_17 = arith.constant 0 : i32
    %dma_start3A_18 = tpu.memref_slice %arg10[%dma_start3A_15, %dma_start3A_16, %dma_start3A_17] : memref<2x10x80xi32, #tpu.memory_space<vmem>> -> memref<1x1x80xi32, #tpu.memory_space<vmem>>
    %dma_start3A_19 = tpu.memref_squeeze %dma_start3A_18 : memref<1x1x80xi32, #tpu.memory_space<vmem>> -> memref<80xi32, #tpu.memory_space<vmem>>
    %dma_start3A_20 = tpu.memref_slice %arg3[%add3A_14] : memref<320000xi32, #tpu.memory_space<hbm>> -> memref<80xi32, #tpu.memory_space<hbm>>
    %dma_start3A_21 = arith.constant 0 : i32
    %dma_start3A_22 = tpu.memref_slice %arg10[%dma_start3A_15, %dma_start3A_16, %dma_start3A_21] : memref<2x10x80xi32, #tpu.memory_space<vmem>> -> memref<1x1x80xi32, #tpu.memory_space<vmem>>
    %dma_start3A_23 = tpu.memref_squeeze %dma_start3A_22 : memref<1x1x80xi32, #tpu.memory_space<vmem>> -> memref<80xi32, #tpu.memory_space<vmem>>
    %dma_start3A_24 = tpu.memref_slice %arg3[%add3A_14] : memref<320000xi32, #tpu.memory_space<hbm>> -> memref<80xi32, #tpu.memory_space<hbm>>
    tpu.enqueue_dma source(%dma_start3A_24 : memref<80xi32, #tpu.memory_space<hbm>>) target(%dma_start3A_23 : memref<80xi32, #tpu.memory_space<vmem>>) target_semaphore(%arg20 : memref<!tpu.dma_semaphore, #tpu.memory_space<semaphore_mem>>)
    %add3A_25 = arith.constant 80 : i32
    %add3A_26 = arith.addi %mul3A_2, %add3A_25 : i32
    %dma_start3A_27 = arith.constant 0 : i32
    %dma_start3A_28 = arith.constant 1 : i32
    %dma_start3A_29 = arith.constant 0 : i32
    %dma_start3A_30 = tpu.memref_slice %arg8[%dma_start3A_27, %dma_start3A_28, %dma_start3A_29] : memref<2x10x80xi32, #tpu.memory_space<vmem>> -> memref<1x1x80xi32, #tpu.memory_space<vmem>>
    %dma_start3A_31 = tpu.memref_squeeze %dma_start3A_30 : memref<1x1x80xi32, #tpu.memory_space<vmem>> -> memref<80xi32, #tpu.memory_space<vmem>>
    %dma_start3A_32 = tpu.memref_slice %arg2[%add3A_26] : memref<320000xi32, #tpu.memory_space<hbm>> -> memref<80xi32, #tpu.memory_space<hbm>>
    %dma_start3A_33 = arith.constant 0 : i32
    %dma_start3A_34 = tpu.memref_slice %arg8[%dma_start3A_27, %dma_start3A_28, %dma_start3A_33] : memref<2x10x80xi32, #tpu.memory_space<vmem>> -> memref<1x1x80xi32, #tpu.memory_space<vmem>>
    %dma_start3A_35 = tpu.memref_squeeze %dma_start3A_34 : memref<1x1x80xi32, #tpu.memory_space<vmem>> -> memref<80xi32, #tpu.memory_space<vmem>>
    %dma_start3A_36 = tpu.memref_slice %arg2[%add3A_26] : memref<320000xi32, #tpu.memory_space<hbm>> -> memref<80xi32, #tpu.memory_space<hbm>>
    tpu.enqueue_dma source(%dma_start3A_36 : memref<80xi32, #tpu.memory_space<hbm>>) target(%dma_start3A_35 : memref<80xi32, #tpu.memory_space<vmem>>) target_semaphore(%arg20 : memref<!tpu.dma_semaphore, #tpu.memory_space<semaphore_mem>>)
    %add3A_37 = arith.constant 80 : i32
    %add3A_38 = arith.addi %mul3A_2, %add3A_37 : i32
    %dma_start3A_39 = arith.constant 0 : i32
    %dma_start3A_40 = arith.constant 1 : i32
    %dma_start3A_41 = arith.constant 0 : i32
    %dma_start3A_42 = tpu.memref_slice %arg10[%dma_start3A_39, %dma_start3A_40, %dma_start3A_41] : memref<2x10x80xi32, #tpu.memory_space<vmem>> -> memref<1x1x80xi32, #tpu.memory_space<vmem>>
    %dma_start3A_43 = tpu.memref_squeeze %dma_start3A_42 : memref<1x1x80xi32, #tpu.memory_space<vmem>> -> memref<80xi32, #tpu.memory_space<vmem>>
    %dma_start3A_44 = tpu.memref_slice %arg3[%add3A_38] : memref<320000xi32, #tpu.memory_space<hbm>> -> memref<80xi32, #tpu.memory_space<hbm>>
    %dma_start3A_45 = arith.constant 0 : i32
    %dma_start3A_46 = tpu.memref_slice %arg10[%dma_start3A_39, %dma_start3A_40, %dma_start3A_45] : memref<2x10x80xi32, #tpu.memory_space<vmem>> -> memref<1x1x80xi32, #tpu.memory_space<vmem>>
    %dma_start3A_47 = tpu.memref_squeeze %dma_start3A_46 : memref<1x1x80xi32, #tpu.memory_space<vmem>> -> memref<80xi32, #tpu.memory_space<vmem>>
    %dma_start3A_48 = tpu.memref_slice %arg3[%add3A_38] : memref<320000xi32, #tpu.memory_space<hbm>> -> memref<80xi32, #tpu.memory_space<hbm>>
    tpu.enqueue_dma source(%dma_start3A_48 : memref<80xi32, #tpu.memory_space<hbm>>) target(%dma_start3A_47 : memref<80xi32, #tpu.memory_space<vmem>>) target_semaphore(%arg20 : memref<!tpu.dma_semaphore, #tpu.memory_space<semaphore_mem>>)
    %add3A_49 = arith.constant 160 : i32
    %add3A_50 = arith.addi %mul3A_2, %add3A_49 : i32
    %dma_start3A_51 = arith.constant 0 : i32
    %dma_start3A_52 = arith.constant 2 : i32
    %dma_start3A_53 = arith.constant 0 : i32
    %dma_start3A_54 = tpu.memref_slice %arg8[%dma_start3A_51, %dma_start3A_52, %dma_start3A_53] : memref<2x10x80xi32, #tpu.memory_space<vmem>> -> memref<1x1x80xi32, #tpu.memory_space<vmem>>
    %dma_start3A_55 = tpu.memref_squeeze %dma_start3A_54 : memref<1x1x80xi32, #tpu.memory_space<vmem>> -> memref<80xi32, #tpu.memory_space<vmem>>
    %dma_start3A_56 = tpu.memref_slice %arg2[%add3A_50] : memref<320000xi32, #tpu.memory_space<hbm>> -> memref<80xi32, #tpu.memory_space<hbm>>
    %dma_start3A_57 = arith.constant 0 : i32
    %dma_start3A_58 = tpu.memref_slice %arg8[%dma_start3A_51, %dma_start3A_52, %dma_start3A_57] : memref<2x10x80xi32, #tpu.memory_space<vmem>> -> memref<1x1x80xi32, #tpu.memory_space<vmem>>
    %dma_start3A_59 = tpu.memref_squeeze %dma_start3A_58 : memref<1x1x80xi32, #tpu.memory_space<vmem>> -> memref<80xi32, #tpu.memory_space<vmem>>
    %dma_start3A_60 = tpu.memref_slice %arg2[%add3A_50] : memref<320000xi32, #tpu.memory_space<hbm>> -> memref<80xi32, #tpu.memory_space<hbm>>
    tpu.enqueue_dma source(%dma_start3A_60 : memref<80xi32, #tpu.memory_space<hbm>>) target(%dma_start3A_59 : memref<80xi32, #tpu.memory_space<vmem>>) target_semaphore(%arg20 : memref<!tpu.dma_semaphore, #tpu.memory_space<semaphore_mem>>)
    %add3A_61 = arith.constant 160 : i32
    %add3A_62 = arith.addi %mul3A_2, %add3A_61 : i32
    %dma_start3A_63 = arith.constant 0 : i32
    %dma_start3A_64 = arith.constant 2 : i32
    %dma_start3A_65 = arith.constant 0 : i32
    %dma_start3A_66 = tpu.memref_slice %arg10[%dma_start3A_63, %dma_start3A_64, %dma_start3A_65] : memref<2x10x80xi32, #tpu.memory_space<vmem>> -> memref<1x1x80xi32, #tpu.memory_space<vmem>>
    %dma_start3A_67 = tpu.memref_squeeze %dma_start3A_66 : memref<1x1x80xi32, #tpu.memory_space<vmem>> -> memref<80xi32, #tpu.memory_space<vmem>>
    %dma_start3A_68 = tpu.memref_slice %arg3[%add3A_62] : memref<320000xi32, #tpu.memory_space<hbm>> -> memref<80xi32, #tpu.memory_space<hbm>>
    %dma_start3A_69 = arith.constant 0 : i32
    %dma_start3A_70 = tpu.memref_slice %arg10[%dma_start3A_63, %dma_start3A_64, %dma_start3A_69] : memref<2x10x80xi32, #tpu.memory_space<vmem>> -> memref<1x1x80xi32, #tpu.memory_space<vmem>>
    %dma_start3A_71 = tpu.memref_squeeze %dma_start3A_70 : memref<1x1x80xi32, #tpu.memory_space<vmem>> -> memref<80xi32, #tpu.memory_space<vmem>>
    %dma_start3A_72 = tpu.memref_slice %arg3[%add3A_62] : memref<320000xi32, #tpu.memory_space<hbm>> -> memref<80xi32, #tpu.memory_space<hbm>>
    tpu.enqueue_dma source(%dma_start3A_72 : memref<80xi32, #tpu.memory_space<hbm>>) target(%dma_start3A_71 : memref<80xi32, #tpu.memory_space<vmem>>) target_semaphore(%arg20 : memref<!tpu.dma_semaphore, #tpu.memory_space<semaphore_mem>>)
    %add3A_73 = arith.constant 240 : i32
    %add3A_74 = arith.addi %mul3A_2, %add3A_73 : i32
    %dma_start3A_75 = arith.constant 0 : i32
    %dma_start3A_76 = arith.constant 3 : i32
    %dma_start3A_77 = arith.constant 0 : i32
    %dma_start3A_78 = tpu.memref_slice %arg8[%dma_start3A_75, %dma_start3A_76, %dma_start3A_77] : memref<2x10x80xi32, #tpu.memory_space<vmem>> -> memref<1x1x80xi32, #tpu.memory_space<vmem>>
    %dma_start3A_79 = tpu.memref_squeeze %dma_start3A_78 : memref<1x1x80xi32, #tpu.memory_space<vmem>> -> memref<80xi32, #tpu.memory_space<vmem>>
    %dma_start3A_80 = tpu.memref_slice %arg2[%add3A_74] : memref<320000xi32, #tpu.memory_space<hbm>> -> memref<80xi32, #tpu.memory_space<hbm>>
    %dma_start3A_81 = arith.constant 0 : i32
    %dma_start3A_82 = tpu.memref_slice %arg8[%dma_start3A_75, %dma_start3A_76, %dma_start3A_81] : memref<2x10x80xi32, #tpu.memory_space<vmem>> -> memref<1x1x80xi32, #tpu.memory_space<vmem>>
    %dma_start3A_83 = tpu.memref_squeeze %dma_start3A_82 : memref<1x1x80xi32, #tpu.memory_space<vmem>> -> memref<80xi32, #tpu.memory_space<vmem>>
    %dma_start3A_84 = tpu.memref_slice %arg2[%add3A_74] : memref<320000xi32, #tpu.memory_space<hbm>> -> memref<80xi32, #tpu.memory_space<hbm>>
    tpu.enqueue_dma source(%dma_start3A_84 : memref<80xi32, #tpu.memory_space<hbm>>) target(%dma_start3A_83 : memref<80xi32, #tpu.memory_space<vmem>>) target_semaphore(%arg20 : memref<!tpu.dma_semaphore, #tpu.memory_space<semaphore_mem>>)
    %add3A_85 = arith.constant 240 : i32
    %add3A_86 = arith.addi %mul3A_2, %add3A_85 : i32
    %dma_start3A_87 = arith.constant 0 : i32
    %dma_start3A_88 = arith.constant 3 : i32
    %dma_start3A_89 = arith.constant 0 : i32
    %dma_start3A_90 = tpu.memref_slice %arg10[%dma_start3A_87, %dma_start3A_88, %dma_start3A_89] : memref<2x10x80xi32, #tpu.memory_space<vmem>> -> memref<1x1x80xi32, #tpu.memory_space<vmem>>
    %dma_start3A_91 = tpu.memref_squeeze %dma_start3A_90 : memref<1x1x80xi32, #tpu.memory_space<vmem>> -> memref<80xi32, #tpu.memory_space<vmem>>
    %dma_start3A_92 = tpu.memref_slice %arg3[%add3A_86] : memref<320000xi32, #tpu.memory_space<hbm>> -> memref<80xi32, #tpu.memory_space<hbm>>
    %dma_start3A_93 = arith.constant 0 : i32
    %dma_start3A_94 = tpu.memref_slice %arg10[%dma_start3A_87, %dma_start3A_88, %dma_start3A_93] : memref<2x10x80xi32, #tpu.memory_space<vmem>> -> memref<1x1x80xi32, #tpu.memory_space<vmem>>
    %dma_start3A_95 = tpu.memref_squeeze %dma_start3A_94 : memref<1x1x80xi32, #tpu.memory_space<vmem>> -> memref<80xi32, #tpu.memory_space<vmem>>
    %dma_start3A_96 = tpu.memref_slice %arg3[%add3A_86] : memref<320000xi32, #tpu.memory_space<hbm>> -> memref<80xi32, #tpu.memory_space<hbm>>
    tpu.enqueue_dma source(%dma_start3A_96 : memref<80xi32, #tpu.memory_space<hbm>>) target(%dma_start3A_95 : memref<80xi32, #tpu.memory_space<vmem>>) target_semaphore(%arg20 : memref<!tpu.dma_semaphore, #tpu.memory_space<semaphore_mem>>)
    %add3A_97 = arith.constant 320 : i32
    %add3A_98 = arith.addi %mul3A_2, %add3A_97 : i32
    %dma_start3A_99 = arith.constant 0 : i32
    %dma_start3A_100 = arith.constant 4 : i32
    %dma_start3A_101 = arith.constant 0 : i32
    %dma_start3A_102 = tpu.memref_slice %arg8[%dma_start3A_99, %dma_start3A_100, %dma_start3A_101] : memref<2x10x80xi32, #tpu.memory_space<vmem>> -> memref<1x1x80xi32, #tpu.memory_space<vmem>>
    %dma_start3A_103 = tpu.memref_squeeze %dma_start3A_102 : memref<1x1x80xi32, #tpu.memory_space<vmem>> -> memref<80xi32, #tpu.memory_space<vmem>>
    %dma_start3A_104 = tpu.memref_slice %arg2[%add3A_98] : memref<320000xi32, #tpu.memory_space<hbm>> -> memref<80xi32, #tpu.memory_space<hbm>>
    %dma_start3A_105 = arith.constant 0 : i32
    %dma_start3A_106 = tpu.memref_slice %arg8[%dma_start3A_99, %dma_start3A_100, %dma_start3A_105] : memref<2x10x80xi32, #tpu.memory_space<vmem>> -> memref<1x1x80xi32, #tpu.memory_space<vmem>>
    %dma_start3A_107 = tpu.memref_squeeze %dma_start3A_106 : memref<1x1x80xi32, #tpu.memory_space<vmem>> -> memref<80xi32, #tpu.memory_space<vmem>>
    %dma_start3A_108 = tpu.memref_slice %arg2[%add3A_98] : memref<320000xi32, #tpu.memory_space<hbm>> -> memref<80xi32, #tpu.memory_space<hbm>>
    tpu.enqueue_dma source(%dma_start3A_108 : memref<80xi32, #tpu.memory_space<hbm>>) target(%dma_start3A_107 : memref<80xi32, #tpu.memory_space<vmem>>) target_semaphore(%arg20 : memref<!tpu.dma_semaphore, #tpu.memory_space<semaphore_mem>>)
    %add3A_109 = arith.constant 320 : i32
    %add3A_110 = arith.addi %mul3A_2, %add3A_109 : i32
    %dma_start3A_111 = arith.constant 0 : i32
    %dma_start3A_112 = arith.constant 4 : i32
    %dma_start3A_113 = arith.constant 0 : i32
    %dma_start3A_114 = tpu.memref_slice %arg10[%dma_start3A_111, %dma_start3A_112, %dma_start3A_113] : memref<2x10x80xi32, #tpu.memory_space<vmem>> -> memref<1x1x80xi32, #tpu.memory_space<vmem>>
    %dma_start3A_115 = tpu.memref_squeeze %dma_start3A_114 : memref<1x1x80xi32, #tpu.memory_space<vmem>> -> memref<80xi32, #tpu.memory_space<vmem>>
    %dma_start3A_116 = tpu.memref_slice %arg3[%add3A_110] : memref<320000xi32, #tpu.memory_space<hbm>> -> memref<80xi32, #tpu.memory_space<hbm>>
    %dma_start3A_117 = arith.constant 0 : i32
    %dma_start3A_118 = tpu.memref_slice %arg10[%dma_start3A_111, %dma_start3A_112, %dma_start3A_117] : memref<2x10x80xi32, #tpu.memory_space<vmem>> -> memref<1x1x80xi32, #tpu.memory_space<vmem>>
    %dma_start3A_119 = tpu.memref_squeeze %dma_start3A_118 : memref<1x1x80xi32, #tpu.memory_space<vmem>> -> memref<80xi32, #tpu.memory_space<vmem>>
    %dma_start3A_120 = tpu.memref_slice %arg3[%add3A_110] : memref<320000xi32, #tpu.memory_space<hbm>> -> memref<80xi32, #tpu.memory_space<hbm>>
    tpu.enqueue_dma source(%dma_start3A_120 : memref<80xi32, #tpu.memory_space<hbm>>) target(%dma_start3A_119 : memref<80xi32, #tpu.memory_space<vmem>>) target_semaphore(%arg20 : memref<!tpu.dma_semaphore, #tpu.memory_space<semaphore_mem>>)
    %add3A_121 = arith.constant 400 : i32
    %add3A_122 = arith.addi %mul3A_2, %add3A_121 : i32
    %dma_start3A_123 = arith.constant 0 : i32
    %dma_start3A_124 = arith.constant 5 : i32
    %dma_start3A_125 = arith.constant 0 : i32
    %dma_start3A_126 = tpu.memref_slice %arg8[%dma_start3A_123, %dma_start3A_124, %dma_start3A_125] : memref<2x10x80xi32, #tpu.memory_space<vmem>> -> memref<1x1x80xi32, #tpu.memory_space<vmem>>
    %dma_start3A_127 = tpu.memref_squeeze %dma_start3A_126 : memref<1x1x80xi32, #tpu.memory_space<vmem>> -> memref<80xi32, #tpu.memory_space<vmem>>
    %dma_start3A_128 = tpu.memref_slice %arg2[%add3A_122] : memref<320000xi32, #tpu.memory_space<hbm>> -> memref<80xi32, #tpu.memory_space<hbm>>
    %dma_start3A_129 = arith.constant 0 : i32
    %dma_start3A_130 = tpu.memref_slice %arg8[%dma_start3A_123, %dma_start3A_124, %dma_start3A_129] : memref<2x10x80xi32, #tpu.memory_space<vmem>> -> memref<1x1x80xi32, #tpu.memory_space<vmem>>
    %dma_start3A_131 = tpu.memref_squeeze %dma_start3A_130 : memref<1x1x80xi32, #tpu.memory_space<vmem>> -> memref<80xi32, #tpu.memory_space<vmem>>
    %dma_start3A_132 = tpu.memref_slice %arg2[%add3A_122] : memref<320000xi32, #tpu.memory_space<hbm>> -> memref<80xi32, #tpu.memory_space<hbm>>
    tpu.enqueue_dma source(%dma_start3A_132 : memref<80xi32, #tpu.memory_space<hbm>>) target(%dma_start3A_131 : memref<80xi32, #tpu.memory_space<vmem>>) target_semaphore(%arg20 : memref<!tpu.dma_semaphore, #tpu.memory_space<semaphore_mem>>)
    %add3A_133 = arith.constant 400 : i32
    %add3A_134 = arith.addi %mul3A_2, %add3A_133 : i32
    %dma_start3A_135 = arith.constant 0 : i32
    %dma_start3A_136 = arith.constant 5 : i32
    %dma_start3A_137 = arith.constant 0 : i32
    %dma_start3A_138 = tpu.memref_slice %arg10[%dma_start3A_135, %dma_start3A_136, %dma_start3A_137] : memref<2x10x80xi32, #tpu.memory_space<vmem>> -> memref<1x1x80xi32, #tpu.memory_space<vmem>>
    %dma_start3A_139 = tpu.memref_squeeze %dma_start3A_138 : memref<1x1x80xi32, #tpu.memory_space<vmem>> -> memref<80xi32, #tpu.memory_space<vmem>>
    %dma_start3A_140 = tpu.memref_slice %arg3[%add3A_134] : memref<320000xi32, #tpu.memory_space<hbm>> -> memref<80xi32, #tpu.memory_space<hbm>>
    %dma_start3A_141 = arith.constant 0 : i32
    %dma_start3A_142 = tpu.memref_slice %arg10[%dma_start3A_135, %dma_start3A_136, %dma_start3A_141] : memref<2x10x80xi32, #tpu.memory_space<vmem>> -> memref<1x1x80xi32, #tpu.memory_space<vmem>>
    %dma_start3A_143 = tpu.memref_squeeze %dma_start3A_142 : memref<1x1x80xi32, #tpu.memory_space<vmem>> -> memref<80xi32, #tpu.memory_space<vmem>>
    %dma_start3A_144 = tpu.memref_slice %arg3[%add3A_134] : memref<320000xi32, #tpu.memory_space<hbm>> -> memref<80xi32, #tpu.memory_space<hbm>>
    tpu.enqueue_dma source(%dma_start3A_144 : memref<80xi32, #tpu.memory_space<hbm>>) target(%dma_start3A_143 : memref<80xi32, #tpu.memory_space<vmem>>) target_semaphore(%arg20 : memref<!tpu.dma_semaphore, #tpu.memory_space<semaphore_mem>>)
    %add3A_145 = arith.constant 480 : i32
    %add3A_146 = arith.addi %mul3A_2, %add3A_145 : i32
    %dma_start3A_147 = arith.constant 0 : i32
    %dma_start3A_148 = arith.constant 6 : i32
    %dma_start3A_149 = arith.constant 0 : i32
    %dma_start3A_150 = tpu.memref_slice %arg8[%dma_start3A_147, %dma_start3A_148, %dma_start3A_149] : memref<2x10x80xi32, #tpu.memory_space<vmem>> -> memref<1x1x80xi32, #tpu.memory_space<vmem>>
    %dma_start3A_151 = tpu.memref_squeeze %dma_start3A_150 : memref<1x1x80xi32, #tpu.memory_space<vmem>> -> memref<80xi32, #tpu.memory_space<vmem>>
    %dma_start3A_152 = tpu.memref_slice %arg2[%add3A_146] : memref<320000xi32, #tpu.memory_space<hbm>> -> memref<80xi32, #tpu.memory_space<hbm>>
    %dma_start3A_153 = arith.constant 0 : i32
    %dma_start3A_154 = tpu.memref_slice %arg8[%dma_start3A_147, %dma_start3A_148, %dma_start3A_153] : memref<2x10x80xi32, #tpu.memory_space<vmem>> -> memref<1x1x80xi32, #tpu.memory_space<vmem>>
    %dma_start3A_155 = tpu.memref_squeeze %dma_start3A_154 : memref<1x1x80xi32, #tpu.memory_space<vmem>> -> memref<80xi32, #tpu.memory_space<vmem>>
    %dma_start3A_156 = tpu.memref_slice %arg2[%add3A_146] : memref<320000xi32, #tpu.memory_space<hbm>> -> memref<80xi32, #tpu.memory_space<hbm>>
    tpu.enqueue_dma source(%dma_start3A_156 : memref<80xi32, #tpu.memory_space<hbm>>) target(%dma_start3A_155 : memref<80xi32, #tpu.memory_space<vmem>>) target_semaphore(%arg20 : memref<!tpu.dma_semaphore, #tpu.memory_space<semaphore_mem>>)
    %add3A_157 = arith.constant 480 : i32
    %add3A_158 = arith.addi %mul3A_2, %add3A_157 : i32
    %dma_start3A_159 = arith.constant 0 : i32
    %dma_start3A_160 = arith.constant 6 : i32
    %dma_start3A_161 = arith.constant 0 : i32
    %dma_start3A_162 = tpu.memref_slice %arg10[%dma_start3A_159, %dma_start3A_160, %dma_start3A_161] : memref<2x10x80xi32, #tpu.memory_space<vmem>> -> memref<1x1x80xi32, #tpu.memory_space<vmem>>
    %dma_start3A_163 = tpu.memref_squeeze %dma_start3A_162 : memref<1x1x80xi32, #tpu.memory_space<vmem>> -> memref<80xi32, #tpu.memory_space<vmem>>
    %dma_start3A_164 = tpu.memref_slice %arg3[%add3A_158] : memref<320000xi32, #tpu.memory_space<hbm>> -> memref<80xi32, #tpu.memory_space<hbm>>
    %dma_start3A_165 = arith.constant 0 : i32
    %dma_start3A_166 = tpu.memref_slice %arg10[%dma_start3A_159, %dma_start3A_160, %dma_start3A_165] : memref<2x10x80xi32, #tpu.memory_space<vmem>> -> memref<1x1x80xi32, #tpu.memory_space<vmem>>
    %dma_start3A_167 = tpu.memref_squeeze %dma_start3A_166 : memref<1x1x80xi32, #tpu.memory_space<vmem>> -> memref<80xi32, #tpu.memory_space<vmem>>
    %dma_start3A_168 = tpu.memref_slice %arg3[%add3A_158] : memref<320000xi32, #tpu.memory_space<hbm>> -> memref<80xi32, #tpu.memory_space<hbm>>
    tpu.enqueue_dma source(%dma_start3A_168 : memref<80xi32, #tpu.memory_space<hbm>>) target(%dma_start3A_167 : memref<80xi32, #tpu.memory_space<vmem>>) target_semaphore(%arg20 : memref<!tpu.dma_semaphore, #tpu.memory_space<semaphore_mem>>)
    %add3A_169 = arith.constant 560 : i32
    %add3A_170 = arith.addi %mul3A_2, %add3A_169 : i32
    %dma_start3A_171 = arith.constant 0 : i32
    %dma_start3A_172 = arith.constant 7 : i32
    %dma_start3A_173 = arith.constant 0 : i32
    %dma_start3A_174 = tpu.memref_slice %arg8[%dma_start3A_171, %dma_start3A_172, %dma_start3A_173] : memref<2x10x80xi32, #tpu.memory_space<vmem>> -> memref<1x1x80xi32, #tpu.memory_space<vmem>>
    %dma_start3A_175 = tpu.memref_squeeze %dma_start3A_174 : memref<1x1x80xi32, #tpu.memory_space<vmem>> -> memref<80xi32, #tpu.memory_space<vmem>>
    %dma_start3A_176 = tpu.memref_slice %arg2[%add3A_170] : memref<320000xi32, #tpu.memory_space<hbm>> -> memref<80xi32, #tpu.memory_space<hbm>>
    %dma_start3A_177 = arith.constant 0 : i32
    %dma_start3A_178 = tpu.memref_slice %arg8[%dma_start3A_171, %dma_start3A_172, %dma_start3A_177] : memref<2x10x80xi32, #tpu.memory_space<vmem>> -> memref<1x1x80xi32, #tpu.memory_space<vmem>>
    %dma_start3A_179 = tpu.memref_squeeze %dma_start3A_178 : memref<1x1x80xi32, #tpu.memory_space<vmem>> -> memref<80xi32, #tpu.memory_space<vmem>>
    %dma_start3A_180 = tpu.memref_slice %arg2[%add3A_170] : memref<320000xi32, #tpu.memory_space<hbm>> -> memref<80xi32, #tpu.memory_space<hbm>>
    tpu.enqueue_dma source(%dma_start3A_180 : memref<80xi32, #tpu.memory_space<hbm>>) target(%dma_start3A_179 : memref<80xi32, #tpu.memory_space<vmem>>) target_semaphore(%arg20 : memref<!tpu.dma_semaphore, #tpu.memory_space<semaphore_mem>>)
    %add3A_181 = arith.constant 560 : i32
    %add3A_182 = arith.addi %mul3A_2, %add3A_181 : i32
    %dma_start3A_183 = arith.constant 0 : i32
    %dma_start3A_184 = arith.constant 7 : i32
    %dma_start3A_185 = arith.constant 0 : i32
    %dma_start3A_186 = tpu.memref_slice %arg10[%dma_start3A_183, %dma_start3A_184, %dma_start3A_185] : memref<2x10x80xi32, #tpu.memory_space<vmem>> -> memref<1x1x80xi32, #tpu.memory_space<vmem>>
    %dma_start3A_187 = tpu.memref_squeeze %dma_start3A_186 : memref<1x1x80xi32, #tpu.memory_space<vmem>> -> memref<80xi32, #tpu.memory_space<vmem>>
    %dma_start3A_188 = tpu.memref_slice %arg3[%add3A_182] : memref<320000xi32, #tpu.memory_space<hbm>> -> memref<80xi32, #tpu.memory_space<hbm>>
    %dma_start3A_189 = arith.constant 0 : i32
    %dma_start3A_190 = tpu.memref_slice %arg10[%dma_start3A_183, %dma_start3A_184, %dma_start3A_189] : memref<2x10x80xi32, #tpu.memory_space<vmem>> -> memref<1x1x80xi32, #tpu.memory_space<vmem>>
    %dma_start3A_191 = tpu.memref_squeeze %dma_start3A_190 : memref<1x1x80xi32, #tpu.memory_space<vmem>> -> memref<80xi32, #tpu.memory_space<vmem>>
    %dma_start3A_192 = tpu.memref_slice %arg3[%add3A_182] : memref<320000xi32, #tpu.memory_space<hbm>> -> memref<80xi32, #tpu.memory_space<hbm>>
    tpu.enqueue_dma source(%dma_start3A_192 : memref<80xi32, #tpu.memory_space<hbm>>) target(%dma_start3A_191 : memref<80xi32, #tpu.memory_space<vmem>>) target_semaphore(%arg20 : memref<!tpu.dma_semaphore, #tpu.memory_space<semaphore_mem>>)
    %add3A_193 = arith.constant 640 : i32
    %add3A_194 = arith.addi %mul3A_2, %add3A_193 : i32
    %dma_start3A_195 = arith.constant 0 : i32
    %dma_start3A_196 = arith.constant 8 : i32
    %dma_start3A_197 = arith.constant 0 : i32
    %dma_start3A_198 = tpu.memref_slice %arg8[%dma_start3A_195, %dma_start3A_196, %dma_start3A_197] : memref<2x10x80xi32, #tpu.memory_space<vmem>> -> memref<1x1x80xi32, #tpu.memory_space<vmem>>
    %dma_start3A_199 = tpu.memref_squeeze %dma_start3A_198 : memref<1x1x80xi32, #tpu.memory_space<vmem>> -> memref<80xi32, #tpu.memory_space<vmem>>
    %dma_start3A_200 = tpu.memref_slice %arg2[%add3A_194] : memref<320000xi32, #tpu.memory_space<hbm>> -> memref<80xi32, #tpu.memory_space<hbm>>
    %dma_start3A_201 = arith.constant 0 : i32
    %dma_start3A_202 = tpu.memref_slice %arg8[%dma_start3A_195, %dma_start3A_196, %dma_start3A_201] : memref<2x10x80xi32, #tpu.memory_space<vmem>> -> memref<1x1x80xi32, #tpu.memory_space<vmem>>
    %dma_start3A_203 = tpu.memref_squeeze %dma_start3A_202 : memref<1x1x80xi32, #tpu.memory_space<vmem>> -> memref<80xi32, #tpu.memory_space<vmem>>
    %dma_start3A_204 = tpu.memref_slice %arg2[%add3A_194] : memref<320000xi32, #tpu.memory_space<hbm>> -> memref<80xi32, #tpu.memory_space<hbm>>
    tpu.enqueue_dma source(%dma_start3A_204 : memref<80xi32, #tpu.memory_space<hbm>>) target(%dma_start3A_203 : memref<80xi32, #tpu.memory_space<vmem>>) target_semaphore(%arg20 : memref<!tpu.dma_semaphore, #tpu.memory_space<semaphore_mem>>)
    %add3A_205 = arith.constant 640 : i32
    %add3A_206 = arith.addi %mul3A_2, %add3A_205 : i32
    %dma_start3A_207 = arith.constant 0 : i32
    %dma_start3A_208 = arith.constant 8 : i32
    %dma_start3A_209 = arith.constant 0 : i32
    %dma_start3A_210 = tpu.memref_slice %arg10[%dma_start3A_207, %dma_start3A_208, %dma_start3A_209] : memref<2x10x80xi32, #tpu.memory_space<vmem>> -> memref<1x1x80xi32, #tpu.memory_space<vmem>>
    %dma_start3A_211 = tpu.memref_squeeze %dma_start3A_210 : memref<1x1x80xi32, #tpu.memory_space<vmem>> -> memref<80xi32, #tpu.memory_space<vmem>>
    %dma_start3A_212 = tpu.memref_slice %arg3[%add3A_206] : memref<320000xi32, #tpu.memory_space<hbm>> -> memref<80xi32, #tpu.memory_space<hbm>>
    %dma_start3A_213 = arith.constant 0 : i32
    %dma_start3A_214 = tpu.memref_slice %arg10[%dma_start3A_207, %dma_start3A_208, %dma_start3A_213] : memref<2x10x80xi32, #tpu.memory_space<vmem>> -> memref<1x1x80xi32, #tpu.memory_space<vmem>>
    %dma_start3A_215 = tpu.memref_squeeze %dma_start3A_214 : memref<1x1x80xi32, #tpu.memory_space<vmem>> -> memref<80xi32, #tpu.memory_space<vmem>>
    %dma_start3A_216 = tpu.memref_slice %arg3[%add3A_206] : memref<320000xi32, #tpu.memory_space<hbm>> -> memref<80xi32, #tpu.memory_space<hbm>>
    tpu.enqueue_dma source(%dma_start3A_216 : memref<80xi32, #tpu.memory_space<hbm>>) target(%dma_start3A_215 : memref<80xi32, #tpu.memory_space<vmem>>) target_semaphore(%arg20 : memref<!tpu.dma_semaphore, #tpu.memory_space<semaphore_mem>>)
    %add3A_217 = arith.constant 720 : i32
    %add3A_218 = arith.addi %mul3A_2, %add3A_217 : i32
    %dma_start3A_219 = arith.constant 0 : i32
    %dma_start3A_220 = arith.constant 9 : i32
    %dma_start3A_221 = arith.constant 0 : i32
    %dma_start3A_222 = tpu.memref_slice %arg8[%dma_start3A_219, %dma_start3A_220, %dma_start3A_221] : memref<2x10x80xi32, #tpu.memory_space<vmem>> -> memref<1x1x80xi32, #tpu.memory_space<vmem>>
    %dma_start3A_223 = tpu.memref_squeeze %dma_start3A_222 : memref<1x1x80xi32, #tpu.memory_space<vmem>> -> memref<80xi32, #tpu.memory_space<vmem>>
    %dma_start3A_224 = tpu.memref_slice %arg2[%add3A_218] : memref<320000xi32, #tpu.memory_space<hbm>> -> memref<80xi32, #tpu.memory_space<hbm>>
    %dma_start3A_225 = arith.constant 0 : i32
    %dma_start3A_226 = tpu.memref_slice %arg8[%dma_start3A_219, %dma_start3A_220, %dma_start3A_225] : memref<2x10x80xi32, #tpu.memory_space<vmem>> -> memref<1x1x80xi32, #tpu.memory_space<vmem>>
    %dma_start3A_227 = tpu.memref_squeeze %dma_start3A_226 : memref<1x1x80xi32, #tpu.memory_space<vmem>> -> memref<80xi32, #tpu.memory_space<vmem>>
    %dma_start3A_228 = tpu.memref_slice %arg2[%add3A_218] : memref<320000xi32, #tpu.memory_space<hbm>> -> memref<80xi32, #tpu.memory_space<hbm>>
    tpu.enqueue_dma source(%dma_start3A_228 : memref<80xi32, #tpu.memory_space<hbm>>) target(%dma_start3A_227 : memref<80xi32, #tpu.memory_space<vmem>>) target_semaphore(%arg20 : memref<!tpu.dma_semaphore, #tpu.memory_space<semaphore_mem>>)
    %add3A_229 = arith.constant 720 : i32
    %add3A_230 = arith.addi %mul3A_2, %add3A_229 : i32
    %dma_start3A_231 = arith.constant 0 : i32
    %dma_start3A_232 = arith.constant 9 : i32
    %dma_start3A_233 = arith.constant 0 : i32
    %dma_start3A_234 = tpu.memref_slice %arg10[%dma_start3A_231, %dma_start3A_232, %dma_start3A_233] : memref<2x10x80xi32, #tpu.memory_space<vmem>> -> memref<1x1x80xi32, #tpu.memory_space<vmem>>
    %dma_start3A_235 = tpu.memref_squeeze %dma_start3A_234 : memref<1x1x80xi32, #tpu.memory_space<vmem>> -> memref<80xi32, #tpu.memory_space<vmem>>
    %dma_start3A_236 = tpu.memref_slice %arg3[%add3A_230] : memref<320000xi32, #tpu.memory_space<hbm>> -> memref<80xi32, #tpu.memory_space<hbm>>
    %dma_start3A_237 = arith.constant 0 : i32
    %dma_start3A_238 = tpu.memref_slice %arg10[%dma_start3A_231, %dma_start3A_232, %dma_start3A_237] : memref<2x10x80xi32, #tpu.memory_space<vmem>> -> memref<1x1x80xi32, #tpu.memory_space<vmem>>
    %dma_start3A_239 = tpu.memref_squeeze %dma_start3A_238 : memref<1x1x80xi32, #tpu.memory_space<vmem>> -> memref<80xi32, #tpu.memory_space<vmem>>
    %dma_start3A_240 = tpu.memref_slice %arg3[%add3A_230] : memref<320000xi32, #tpu.memory_space<hbm>> -> memref<80xi32, #tpu.memory_space<hbm>>
    tpu.enqueue_dma source(%dma_start3A_240 : memref<80xi32, #tpu.memory_space<hbm>>) target(%dma_start3A_239 : memref<80xi32, #tpu.memory_space<vmem>>) target_semaphore(%arg20 : memref<!tpu.dma_semaphore, #tpu.memory_space<semaphore_mem>>)
    %broadcast_in_dim3A = arith.constant 0.000000e+00 : f32
    %broadcast_in_dim3A_241 = vector.broadcast %broadcast_in_dim3A : f32 to vector<16xf32>
    %scan3A = arith.constant 0 : i32
    %scan3A_242 = arith.constant 0 : i32
    %scan3A_243 = arith.constant 8 : i32
    %scan3A_244 = arith.addi %scan3A_242, %scan3A_243 : i32
    %scan3A_245 = arith.constant 1 : i32
    %scan3A_246 = scf.for %scan3A_341 = %scan3A_242 to %scan3A_244 step %scan3A_245 iter_args(%scan3A_342 = %scan3A) -> (i32)  : i32 {
      %swap3A = arith.constant 0 : i32
      %swap3A_343 = arith.index_cast %swap3A : i32 to index
      %swap3A_344 = arith.index_cast %scan3A_341 : i32 to index
      %swap3A_345 = arith.constant 0 : index
      %swap3A_346 = tpu.vector_load %arg12[%swap3A_343, %swap3A_344, %swap3A_345] {strides = array<i32>} : memref<2x80x128xf32, #tpu.memory_space<vmem>>, vector<1x1x16xf32>,
      %swap3A_347 = vector.shape_cast %swap3A_346 : vector<1x1x16xf32> to vector<16xf32>
      %swap3A_348 = vector.shape_cast %broadcast_in_dim3A_241 : vector<16xf32> to vector<1x1x16xf32>
      tpu.vector_store %arg12[%swap3A_343, %swap3A_344, %swap3A_345], %swap3A_348 {strides = array<i32>} : memref<2x80x128xf32, #tpu.memory_space<vmem>>, vector<1x1x16xf32>,
      %swap3A_349 = arith.constant 0 : i32
      %swap3A_350 = arith.index_cast %swap3A_349 : i32 to index
      %swap3A_351 = arith.index_cast %scan3A_341 : i32 to index
      %swap3A_352 = arith.constant 16 : index
      %swap3A_353 = tpu.vector_load %arg12[%swap3A_350, %swap3A_351, %swap3A_352] {strides = array<i32>} : memref<2x80x128xf32, #tpu.memory_space<vmem>>, vector<1x1x16xf32>,
      %swap3A_354 = vector.shape_cast %swap3A_353 : vector<1x1x16xf32> to vector<16xf32>
      %swap3A_355 = vector.shape_cast %broadcast_in_dim3A_241 : vector<16xf32> to vector<1x1x16xf32>
      tpu.vector_store %arg12[%swap3A_350, %swap3A_351, %swap3A_352], %swap3A_355 {strides = array<i32>} : memref<2x80x128xf32, #tpu.memory_space<vmem>>, vector<1x1x16xf32>,
      %swap3A_356 = arith.constant 0 : i32
      %swap3A_357 = arith.index_cast %swap3A_356 : i32 to index
      %swap3A_358 = arith.index_cast %scan3A_341 : i32 to index
      %swap3A_359 = arith.constant 32 : index
      %swap3A_360 = tpu.vector_load %arg12[%swap3A_357, %swap3A_358, %swap3A_359] {strides = array<i32>} : memref<2x80x128xf32, #tpu.memory_space<vmem>>, vector<1x1x16xf32>,
      %swap3A_361 = vector.shape_cast %swap3A_360 : vector<1x1x16xf32> to vector<16xf32>
      %swap3A_362 = vector.shape_cast %broadcast_in_dim3A_241 : vector<16xf32> to vector<1x1x16xf32>
      tpu.vector_store %arg12[%swap3A_357, %swap3A_358, %swap3A_359], %swap3A_362 {strides = array<i32>} : memref<2x80x128xf32, #tpu.memory_space<vmem>>, vector<1x1x16xf32>,
      %swap3A_363 = arith.constant 0 : i32
      %swap3A_364 = arith.index_cast %swap3A_363 : i32 to index
      %swap3A_365 = arith.index_cast %scan3A_341 : i32 to index
      %swap3A_366 = arith.constant 48 : index
      %swap3A_367 = tpu.vector_load %arg12[%swap3A_364, %swap3A_365, %swap3A_366] {strides = array<i32>} : memref<2x80x128xf32, #tpu.memory_space<vmem>>, vector<1x1x16xf32>,
      %swap3A_368 = vector.shape_cast %swap3A_367 : vector<1x1x16xf32> to vector<16xf32>
      %swap3A_369 = vector.shape_cast %broadcast_in_dim3A_241 : vector<16xf32> to vector<1x1x16xf32>
      tpu.vector_store %arg12[%swap3A_364, %swap3A_365, %swap3A_366], %swap3A_369 {strides = array<i32>} : memref<2x80x128xf32, #tpu.memory_space<vmem>>, vector<1x1x16xf32>,
      %swap3A_370 = arith.constant 0 : i32
      %swap3A_371 = arith.index_cast %swap3A_370 : i32 to index
      %swap3A_372 = arith.index_cast %scan3A_341 : i32 to index
      %swap3A_373 = arith.constant 64 : index
      %swap3A_374 = tpu.vector_load %arg12[%swap3A_371, %swap3A_372, %swap3A_373] {strides = array<i32>} : memref<2x80x128xf32, #tpu.memory_space<vmem>>, vector<1x1x16xf32>,
      %swap3A_375 = vector.shape_cast %swap3A_374 : vector<1x1x16xf32> to vector<16xf32>
      %swap3A_376 = vector.shape_cast %broadcast_in_dim3A_241 : vector<16xf32> to vector<1x1x16xf32>
      tpu.vector_store %arg12[%swap3A_371, %swap3A_372, %swap3A_373], %swap3A_376 {strides = array<i32>} : memref<2x80x128xf32, #tpu.memory_space<vmem>>, vector<1x1x16xf32>,
      %swap3A_377 = arith.constant 0 : i32
      %swap3A_378 = arith.index_cast %swap3A_377 : i32 to index
      %swap3A_379 = arith.index_cast %scan3A_341 : i32 to index
      %swap3A_380 = arith.constant 80 : index
      %swap3A_381 = tpu.vector_load %arg12[%swap3A_378, %swap3A_379, %swap3A_380] {strides = array<i32>} : memref<2x80x128xf32, #tpu.memory_space<vmem>>, vector<1x1x16xf32>,
      %swap3A_382 = vector.shape_cast %swap3A_381 : vector<1x1x16xf32> to vector<16xf32>
      %swap3A_383 = vector.shape_cast %broadcast_in_dim3A_241 : vector<16xf32> to vector<1x1x16xf32>
      tpu.vector_store %arg12[%swap3A_378, %swap3A_379, %swap3A_380], %swap3A_383 {strides = array<i32>} : memref<2x80x128xf32, #tpu.memory_space<vmem>>, vector<1x1x16xf32>,
      %swap3A_384 = arith.constant 0 : i32
      %swap3A_385 = arith.index_cast %swap3A_384 : i32 to index
      %swap3A_386 = arith.index_cast %scan3A_341 : i32 to index
      %swap3A_387 = arith.constant 96 : index
      %swap3A_388 = tpu.vector_load %arg12[%swap3A_385, %swap3A_386, %swap3A_387] {strides = array<i32>} : memref<2x80x128xf32, #tpu.memory_space<vmem>>, vector<1x1x16xf32>,
      %swap3A_389 = vector.shape_cast %swap3A_388 : vector<1x1x16xf32> to vector<16xf32>
      %swap3A_390 = vector.shape_cast %broadcast_in_dim3A_241 : vector<16xf32> to vector<1x1x16xf32>
      tpu.vector_store %arg12[%swap3A_385, %swap3A_386, %swap3A_387], %swap3A_390 {strides = array<i32>} : memref<2x80x128xf32, #tpu.memory_space<vmem>>, vector<1x1x16xf32>,
      %swap3A_391 = arith.constant 0 : i32
      %swap3A_392 = arith.index_cast %swap3A_391 : i32 to index
      %swap3A_393 = arith.index_cast %scan3A_341 : i32 to index
      %swap3A_394 = arith.constant 112 : index
      %swap3A_395 = tpu.vector_load %arg12[%swap3A_392, %swap3A_393, %swap3A_394] {strides = array<i32>} : memref<2x80x128xf32, #tpu.memory_space<vmem>>, vector<1x1x16xf32>,
      %swap3A_396 = vector.shape_cast %swap3A_395 : vector<1x1x16xf32> to vector<16xf32>
      %swap3A_397 = vector.shape_cast %broadcast_in_dim3A_241 : vector<16xf32> to vector<1x1x16xf32>
      tpu.vector_store %arg12[%swap3A_392, %swap3A_393, %swap3A_394], %swap3A_397 {strides = array<i32>} : memref<2x80x128xf32, #tpu.memory_space<vmem>>, vector<1x1x16xf32>,
      %scan3A_398 = arith.constant 0 : i32
      scf.yield %scan3A_398 : i32
    }
    %scan3A_247 = arith.constant 8 : i32
    %scan3A_248 = arith.constant 0 : i32
    %scan3A_249 = arith.constant 0 : i32
    %scan3A_250 = arith.constant 0 : i32
    %scan3A_251 = arith.constant 79 : i32
    %scan3A_252 = arith.addi %scan3A_250, %scan3A_251 : i32
    %scan3A_253 = arith.constant 1 : i32
    %scan3A_254 = scf.for %scan3A_341 = %scan3A_250 to %scan3A_252 step %scan3A_253 iter_args(%scan3A_342 = %scan3A_249) -> (i32)  : i32 {
      %mul3A_343 = arith.constant 632 : i32
      %mul3A_344 = arith.muli %arg1, %mul3A_343 : i32
      %mul3A_345 = arith.constant 8 : i32
      %mul3A_346 = arith.muli %scan3A_341, %mul3A_345 : i32
      %add3A_347 = arith.addi %mul3A_344, %mul3A_346 : i32
      %dma_start3A_348 = arith.constant 0 : i32
      %dma_start3A_349 = arith.constant 0 : i32
      %dma_start3A_350 = tpu.memref_slice %arg12[%scan3A_248, %dma_start3A_348, %dma_start3A_349] : memref<2x80x128xf32, #tpu.memory_space<vmem>> -> memref<1x8x128xf32, #tpu.memory_space<vmem>>
      %dma_start3A_351 = tpu.memref_squeeze %dma_start3A_350 : memref<1x8x128xf32, #tpu.memory_space<vmem>> -> memref<8x128xf32, #tpu.memory_space<vmem>>
      %dma_start3A_352 = arith.constant 0 : i32
      %dma_start3A_353 = tpu.memref_slice %arg14[%add3A_347, %dma_start3A_352] : memref<10112x128xf32, #tpu.memory_space<vmem_shared>> -> memref<8x128xf32, #tpu.memory_space<vmem_shared>>
      %dma_start3A_354 = arith.constant 0 : i32
      %dma_start3A_355 = tpu.memref_slice %arg14[%add3A_347, %dma_start3A_354] : memref<10112x128xf32, #tpu.memory_space<vmem_shared>> -> memref<8x128xf32, #tpu.memory_space<vmem_shared>>
      %dma_start3A_356 = arith.constant 0 : i32
      %dma_start3A_357 = arith.constant 0 : i32
      %dma_start3A_358 = tpu.memref_slice %arg12[%scan3A_248, %dma_start3A_356, %dma_start3A_357] : memref<2x80x128xf32, #tpu.memory_space<vmem>> -> memref<1x8x128xf32, #tpu.memory_space<vmem>>
      %dma_start3A_359 = tpu.memref_squeeze %dma_start3A_358 : memref<1x8x128xf32, #tpu.memory_space<vmem>> -> memref<8x128xf32, #tpu.memory_space<vmem>>
      tpu.enqueue_dma source(%dma_start3A_359 : memref<8x128xf32, #tpu.memory_space<vmem>>) target(%dma_start3A_355 : memref<8x128xf32, #tpu.memory_space<vmem_shared>>) target_semaphore(%arg21 : memref<!tpu.dma_semaphore, #tpu.memory_space<semaphore_mem>>)
      %scan3A_360 = arith.constant 0 : i32
      scf.yield %scan3A_360 : i32
    }
    %scan3A_255 = arith.constant 79 : i32
    %scan3A_256 = arith.constant 0 : i32
    %scan3A_257 = arith.constant 0 : i32
    %scan3A_258 = arith.constant 0 : i32
    %scan3A_259 = arith.constant 79 : i32
    %scan3A_260 = arith.addi %scan3A_258, %scan3A_259 : i32
    %scan3A_261 = arith.constant 1 : i32
    %scan3A_262 = scf.for %scan3A_341 = %scan3A_258 to %scan3A_260 step %scan3A_261 iter_args(%scan3A_342 = %scan3A_257) -> (i32)  : i32 {
      %mul3A_343 = arith.constant 632 : i32
      %mul3A_344 = arith.muli %arg1, %mul3A_343 : i32
      %mul3A_345 = arith.constant 8 : i32
      %mul3A_346 = arith.muli %scan3A_341, %mul3A_345 : i32
      %add3A_347 = arith.addi %mul3A_344, %mul3A_346 : i32
      %dma_wait3A_348 = arith.constant 0 : i32
      %dma_wait3A_349 = arith.constant 0 : i32
      %dma_wait3A_350 = tpu.memref_slice %arg12[%scan3A_256, %dma_wait3A_348, %dma_wait3A_349] : memref<2x80x128xf32, #tpu.memory_space<vmem>> -> memref<1x8x128xf32, #tpu.memory_space<vmem>>
      %dma_wait3A_351 = tpu.memref_squeeze %dma_wait3A_350 : memref<1x8x128xf32, #tpu.memory_space<vmem>> -> memref<8x128xf32, #tpu.memory_space<vmem>>
      %dma_wait3A_352 = arith.constant 0 : i32
      %dma_wait3A_353 = tpu.memref_slice %arg14[%add3A_347, %dma_wait3A_352] : memref<10112x128xf32, #tpu.memory_space<vmem_shared>> -> memref<8x128xf32, #tpu.memory_space<vmem_shared>>
      %dma_wait3A_354 = arith.constant 0 : i32
      %dma_wait3A_355 = tpu.memref_slice %arg14[%add3A_347, %dma_wait3A_354] : memref<10112x128xf32, #tpu.memory_space<vmem_shared>> -> memref<8x128xf32, #tpu.memory_space<vmem_shared>>
      %dma_wait3A_356 = arith.constant 0 : i32
      %dma_wait3A_357 = arith.constant 0 : i32
      %dma_wait3A_358 = tpu.memref_slice %arg12[%scan3A_256, %dma_wait3A_356, %dma_wait3A_357] : memref<2x80x128xf32, #tpu.memory_space<vmem>> -> memref<1x8x128xf32, #tpu.memory_space<vmem>>
      %dma_wait3A_359 = tpu.memref_squeeze %dma_wait3A_358 : memref<1x8x128xf32, #tpu.memory_space<vmem>> -> memref<8x128xf32, #tpu.memory_space<vmem>>
      tpu.wait_dma2 semaphore(%arg21 : memref<!tpu.dma_semaphore, #tpu.memory_space<semaphore_mem>>) src(%dma_wait3A_359 : memref<8x128xf32, #tpu.memory_space<vmem>>) dst(%dma_wait3A_355 : memref<8x128xf32, #tpu.memory_space<vmem_shared>>)
      %scan3A_360 = arith.constant 0 : i32
      scf.yield %scan3A_360 : i32
    }
    %scan3A_263 = arith.constant 79 : i32
    %barrier3A = arith.constant 0 : index
    tpu.barrier barrier_id(%barrier3A)
    %mul3A_264 = arith.constant 20000 : i32
    %mul3A_265 = arith.muli %arg1, %mul3A_264 : i32
    %scan3A_266 = arith.constant 0 : i32
    %scan3A_267 = arith.constant 0 : i32
    %scan3A_268 = arith.constant 25 : i32
    %scan3A_269 = arith.addi %scan3A_267, %scan3A_268 : i32
    %scan3A_270 = arith.constant 1 : i32
    %scan3A_271 = scf.for %scan3A_341 = %scan3A_267 to %scan3A_269 step %scan3A_270 iter_args(%scan3A_342 = %scan3A_266) -> (i32)  : i32 {
      %rem3A = arith.constant 2 : i32
      %rem3A_343 = arith.remsi %scan3A_341, %rem3A : i32
      %mul3A_344 = arith.constant 800 : i32
      %mul3A_345 = arith.muli %scan3A_341, %mul3A_344 : i32
      %add3A_346 = arith.addi %mul3A_265, %mul3A_345 : i32
      %add3A_347 = arith.constant 0 : i32
      %add3A_348 = arith.addi %add3A_346, %add3A_347 : i32
      %dma_wait3A_349 = arith.constant 0 : i32
      %dma_wait3A_350 = arith.constant 0 : i32
      %dma_wait3A_351 = tpu.memref_slice %arg8[%rem3A_343, %dma_wait3A_349, %dma_wait3A_350] : memref<2x10x80xi32, #tpu.memory_space<vmem>> -> memref<1x1x80xi32, #tpu.memory_space<vmem>>
      %dma_wait3A_352 = tpu.memref_squeeze %dma_wait3A_351 : memref<1x1x80xi32, #tpu.memory_space<vmem>> -> memref<80xi32, #tpu.memory_space<vmem>>
      %dma_wait3A_353 = tpu.memref_slice %arg2[%add3A_348] : memref<320000xi32, #tpu.memory_space<hbm>> -> memref<80xi32, #tpu.memory_space<hbm>>
      %dma_wait3A_354 = arith.constant 0 : i32
      %dma_wait3A_355 = tpu.memref_slice %arg8[%rem3A_343, %dma_wait3A_349, %dma_wait3A_354] : memref<2x10x80xi32, #tpu.memory_space<vmem>> -> memref<1x1x80xi32, #tpu.memory_space<vmem>>
      %dma_wait3A_356 = tpu.memref_squeeze %dma_wait3A_355 : memref<1x1x80xi32, #tpu.memory_space<vmem>> -> memref<80xi32, #tpu.memory_space<vmem>>
      %dma_wait3A_357 = tpu.memref_slice %arg2[%add3A_348] : memref<320000xi32, #tpu.memory_space<hbm>> -> memref<80xi32, #tpu.memory_space<hbm>>
      tpu.wait_dma2 semaphore(%arg20 : memref<!tpu.dma_semaphore, #tpu.memory_space<semaphore_mem>>) src(%dma_wait3A_357 : memref<80xi32, #tpu.memory_space<hbm>>) dst(%dma_wait3A_356 : memref<80xi32, #tpu.memory_space<vmem>>)
      %add3A_358 = arith.constant 0 : i32
      %add3A_359 = arith.addi %add3A_346, %add3A_358 : i32
      %dma_wait3A_360 = arith.constant 0 : i32
      %dma_wait3A_361 = arith.constant 0 : i32
      %dma_wait3A_362 = tpu.memref_slice %arg10[%rem3A_343, %dma_wait3A_360, %dma_wait3A_361] : memref<2x10x80xi32, #tpu.memory_space<vmem>> -> memref<1x1x80xi32, #tpu.memory_space<vmem>>
      %dma_wait3A_363 = tpu.memref_squeeze %dma_wait3A_362 : memref<1x1x80xi32, #tpu.memory_space<vmem>> -> memref<80xi32, #tpu.memory_space<vmem>>
      %dma_wait3A_364 = tpu.memref_slice %arg3[%add3A_359] : memref<320000xi32, #tpu.memory_space<hbm>> -> memref<80xi32, #tpu.memory_space<hbm>>
      %dma_wait3A_365 = arith.constant 0 : i32
      %dma_wait3A_366 = tpu.memref_slice %arg10[%rem3A_343, %dma_wait3A_360, %dma_wait3A_365] : memref<2x10x80xi32, #tpu.memory_space<vmem>> -> memref<1x1x80xi32, #tpu.memory_space<vmem>>
      %dma_wait3A_367 = tpu.memref_squeeze %dma_wait3A_366 : memref<1x1x80xi32, #tpu.memory_space<vmem>> -> memref<80xi32, #tpu.memory_space<vmem>>
      %dma_wait3A_368 = tpu.memref_slice %arg3[%add3A_359] : memref<320000xi32, #tpu.memory_space<hbm>> -> memref<80xi32, #tpu.memory_space<hbm>>
      tpu.wait_dma2 semaphore(%arg20 : memref<!tpu.dma_semaphore, #tpu.memory_space<semaphore_mem>>) src(%dma_wait3A_368 : memref<80xi32, #tpu.memory_space<hbm>>) dst(%dma_wait3A_367 : memref<80xi32, #tpu.memory_space<vmem>>)
      %add3A_369 = arith.constant 80 : i32
      %add3A_370 = arith.addi %add3A_346, %add3A_369 : i32
      %dma_wait3A_371 = arith.constant 1 : i32
      %dma_wait3A_372 = arith.constant 0 : i32
      %dma_wait3A_373 = tpu.memref_slice %arg8[%rem3A_343, %dma_wait3A_371, %dma_wait3A_372] : memref<2x10x80xi32, #tpu.memory_space<vmem>> -> memref<1x1x80xi32, #tpu.memory_space<vmem>>
      %dma_wait3A_374 = tpu.memref_squeeze %dma_wait3A_373 : memref<1x1x80xi32, #tpu.memory_space<vmem>> -> memref<80xi32, #tpu.memory_space<vmem>>
      %dma_wait3A_375 = tpu.memref_slice %arg2[%add3A_370] : memref<320000xi32, #tpu.memory_space<hbm>> -> memref<80xi32, #tpu.memory_space<hbm>>
      %dma_wait3A_376 = arith.constant 0 : i32
      %dma_wait3A_377 = tpu.memref_slice %arg8[%rem3A_343, %dma_wait3A_371, %dma_wait3A_376] : memref<2x10x80xi32, #tpu.memory_space<vmem>> -> memref<1x1x80xi32, #tpu.memory_space<vmem>>
      %dma_wait3A_378 = tpu.memref_squeeze %dma_wait3A_377 : memref<1x1x80xi32, #tpu.memory_space<vmem>> -> memref<80xi32, #tpu.memory_space<vmem>>
      %dma_wait3A_379 = tpu.memref_slice %arg2[%add3A_370] : memref<320000xi32, #tpu.memory_space<hbm>> -> memref<80xi32, #tpu.memory_space<hbm>>
      tpu.wait_dma2 semaphore(%arg20 : memref<!tpu.dma_semaphore, #tpu.memory_space<semaphore_mem>>) src(%dma_wait3A_379 : memref<80xi32, #tpu.memory_space<hbm>>) dst(%dma_wait3A_378 : memref<80xi32, #tpu.memory_space<vmem>>)
      %add3A_380 = arith.constant 80 : i32
      %add3A_381 = arith.addi %add3A_346, %add3A_380 : i32
      %dma_wait3A_382 = arith.constant 1 : i32
      %dma_wait3A_383 = arith.constant 0 : i32
      %dma_wait3A_384 = tpu.memref_slice %arg10[%rem3A_343, %dma_wait3A_382, %dma_wait3A_383] : memref<2x10x80xi32, #tpu.memory_space<vmem>> -> memref<1x1x80xi32, #tpu.memory_space<vmem>>
      %dma_wait3A_385 = tpu.memref_squeeze %dma_wait3A_384 : memref<1x1x80xi32, #tpu.memory_space<vmem>> -> memref<80xi32, #tpu.memory_space<vmem>>
      %dma_wait3A_386 = tpu.memref_slice %arg3[%add3A_381] : memref<320000xi32, #tpu.memory_space<hbm>> -> memref<80xi32, #tpu.memory_space<hbm>>
      %dma_wait3A_387 = arith.constant 0 : i32
      %dma_wait3A_388 = tpu.memref_slice %arg10[%rem3A_343, %dma_wait3A_382, %dma_wait3A_387] : memref<2x10x80xi32, #tpu.memory_space<vmem>> -> memref<1x1x80xi32, #tpu.memory_space<vmem>>
      %dma_wait3A_389 = tpu.memref_squeeze %dma_wait3A_388 : memref<1x1x80xi32, #tpu.memory_space<vmem>> -> memref<80xi32, #tpu.memory_space<vmem>>
      %dma_wait3A_390 = tpu.memref_slice %arg3[%add3A_381] : memref<320000xi32, #tpu.memory_space<hbm>> -> memref<80xi32, #tpu.memory_space<hbm>>
      tpu.wait_dma2 semaphore(%arg20 : memref<!tpu.dma_semaphore, #tpu.memory_space<semaphore_mem>>) src(%dma_wait3A_390 : memref<80xi32, #tpu.memory_space<hbm>>) dst(%dma_wait3A_389 : memref<80xi32, #tpu.memory_space<vmem>>)
      %add3A_391 = arith.constant 160 : i32
      %add3A_392 = arith.addi %add3A_346, %add3A_391 : i32
      %dma_wait3A_393 = arith.constant 2 : i32
      %dma_wait3A_394 = arith.constant 0 : i32
      %dma_wait3A_395 = tpu.memref_slice %arg8[%rem3A_343, %dma_wait3A_393, %dma_wait3A_394] : memref<2x10x80xi32, #tpu.memory_space<vmem>> -> memref<1x1x80xi32, #tpu.memory_space<vmem>>
      %dma_wait3A_396 = tpu.memref_squeeze %dma_wait3A_395 : memref<1x1x80xi32, #tpu.memory_space<vmem>> -> memref<80xi32, #tpu.memory_space<vmem>>
      %dma_wait3A_397 = tpu.memref_slice %arg2[%add3A_392] : memref<320000xi32, #tpu.memory_space<hbm>> -> memref<80xi32, #tpu.memory_space<hbm>>
      %dma_wait3A_398 = arith.constant 0 : i32
      %dma_wait3A_399 = tpu.memref_slice %arg8[%rem3A_343, %dma_wait3A_393, %dma_wait3A_398] : memref<2x10x80xi32, #tpu.memory_space<vmem>> -> memref<1x1x80xi32, #tpu.memory_space<vmem>>
      %dma_wait3A_400 = tpu.memref_squeeze %dma_wait3A_399 : memref<1x1x80xi32, #tpu.memory_space<vmem>> -> memref<80xi32, #tpu.memory_space<vmem>>
      %dma_wait3A_401 = tpu.memref_slice %arg2[%add3A_392] : memref<320000xi32, #tpu.memory_space<hbm>> -> memref<80xi32, #tpu.memory_space<hbm>>
      tpu.wait_dma2 semaphore(%arg20 : memref<!tpu.dma_semaphore, #tpu.memory_space<semaphore_mem>>) src(%dma_wait3A_401 : memref<80xi32, #tpu.memory_space<hbm>>) dst(%dma_wait3A_400 : memref<80xi32, #tpu.memory_space<vmem>>)
      %add3A_402 = arith.constant 160 : i32
      %add3A_403 = arith.addi %add3A_346, %add3A_402 : i32
      %dma_wait3A_404 = arith.constant 2 : i32
      %dma_wait3A_405 = arith.constant 0 : i32
      %dma_wait3A_406 = tpu.memref_slice %arg10[%rem3A_343, %dma_wait3A_404, %dma_wait3A_405] : memref<2x10x80xi32, #tpu.memory_space<vmem>> -> memref<1x1x80xi32, #tpu.memory_space<vmem>>
      %dma_wait3A_407 = tpu.memref_squeeze %dma_wait3A_406 : memref<1x1x80xi32, #tpu.memory_space<vmem>> -> memref<80xi32, #tpu.memory_space<vmem>>
      %dma_wait3A_408 = tpu.memref_slice %arg3[%add3A_403] : memref<320000xi32, #tpu.memory_space<hbm>> -> memref<80xi32, #tpu.memory_space<hbm>>
      %dma_wait3A_409 = arith.constant 0 : i32
      %dma_wait3A_410 = tpu.memref_slice %arg10[%rem3A_343, %dma_wait3A_404, %dma_wait3A_409] : memref<2x10x80xi32, #tpu.memory_space<vmem>> -> memref<1x1x80xi32, #tpu.memory_space<vmem>>
      %dma_wait3A_411 = tpu.memref_squeeze %dma_wait3A_410 : memref<1x1x80xi32, #tpu.memory_space<vmem>> -> memref<80xi32, #tpu.memory_space<vmem>>
      %dma_wait3A_412 = tpu.memref_slice %arg3[%add3A_403] : memref<320000xi32, #tpu.memory_space<hbm>> -> memref<80xi32, #tpu.memory_space<hbm>>
      tpu.wait_dma2 semaphore(%arg20 : memref<!tpu.dma_semaphore, #tpu.memory_space<semaphore_mem>>) src(%dma_wait3A_412 : memref<80xi32, #tpu.memory_space<hbm>>) dst(%dma_wait3A_411 : memref<80xi32, #tpu.memory_space<vmem>>)
      %add3A_413 = arith.constant 240 : i32
      %add3A_414 = arith.addi %add3A_346, %add3A_413 : i32
      %dma_wait3A_415 = arith.constant 3 : i32
      %dma_wait3A_416 = arith.constant 0 : i32
      %dma_wait3A_417 = tpu.memref_slice %arg8[%rem3A_343, %dma_wait3A_415, %dma_wait3A_416] : memref<2x10x80xi32, #tpu.memory_space<vmem>> -> memref<1x1x80xi32, #tpu.memory_space<vmem>>
      %dma_wait3A_418 = tpu.memref_squeeze %dma_wait3A_417 : memref<1x1x80xi32, #tpu.memory_space<vmem>> -> memref<80xi32, #tpu.memory_space<vmem>>
      %dma_wait3A_419 = tpu.memref_slice %arg2[%add3A_414] : memref<320000xi32, #tpu.memory_space<hbm>> -> memref<80xi32, #tpu.memory_space<hbm>>
      %dma_wait3A_420 = arith.constant 0 : i32
      %dma_wait3A_421 = tpu.memref_slice %arg8[%rem3A_343, %dma_wait3A_415, %dma_wait3A_420] : memref<2x10x80xi32, #tpu.memory_space<vmem>> -> memref<1x1x80xi32, #tpu.memory_space<vmem>>
      %dma_wait3A_422 = tpu.memref_squeeze %dma_wait3A_421 : memref<1x1x80xi32, #tpu.memory_space<vmem>> -> memref<80xi32, #tpu.memory_space<vmem>>
      %dma_wait3A_423 = tpu.memref_slice %arg2[%add3A_414] : memref<320000xi32, #tpu.memory_space<hbm>> -> memref<80xi32, #tpu.memory_space<hbm>>
      tpu.wait_dma2 semaphore(%arg20 : memref<!tpu.dma_semaphore, #tpu.memory_space<semaphore_mem>>) src(%dma_wait3A_423 : memref<80xi32, #tpu.memory_space<hbm>>) dst(%dma_wait3A_422 : memref<80xi32, #tpu.memory_space<vmem>>)
      %add3A_424 = arith.constant 240 : i32
      %add3A_425 = arith.addi %add3A_346, %add3A_424 : i32
      %dma_wait3A_426 = arith.constant 3 : i32
      %dma_wait3A_427 = arith.constant 0 : i32
      %dma_wait3A_428 = tpu.memref_slice %arg10[%rem3A_343, %dma_wait3A_426, %dma_wait3A_427] : memref<2x10x80xi32, #tpu.memory_space<vmem>> -> memref<1x1x80xi32, #tpu.memory_space<vmem>>
      %dma_wait3A_429 = tpu.memref_squeeze %dma_wait3A_428 : memref<1x1x80xi32, #tpu.memory_space<vmem>> -> memref<80xi32, #tpu.memory_space<vmem>>
      %dma_wait3A_430 = tpu.memref_slice %arg3[%add3A_425] : memref<320000xi32, #tpu.memory_space<hbm>> -> memref<80xi32, #tpu.memory_space<hbm>>
      %dma_wait3A_431 = arith.constant 0 : i32
      %dma_wait3A_432 = tpu.memref_slice %arg10[%rem3A_343, %dma_wait3A_426, %dma_wait3A_431] : memref<2x10x80xi32, #tpu.memory_space<vmem>> -> memref<1x1x80xi32, #tpu.memory_space<vmem>>
      %dma_wait3A_433 = tpu.memref_squeeze %dma_wait3A_432 : memref<1x1x80xi32, #tpu.memory_space<vmem>> -> memref<80xi32, #tpu.memory_space<vmem>>
      %dma_wait3A_434 = tpu.memref_slice %arg3[%add3A_425] : memref<320000xi32, #tpu.memory_space<hbm>> -> memref<80xi32, #tpu.memory_space<hbm>>
      tpu.wait_dma2 semaphore(%arg20 : memref<!tpu.dma_semaphore, #tpu.memory_space<semaphore_mem>>) src(%dma_wait3A_434 : memref<80xi32, #tpu.memory_space<hbm>>) dst(%dma_wait3A_433 : memref<80xi32, #tpu.memory_space<vmem>>)
      %add3A_435 = arith.constant 320 : i32
      %add3A_436 = arith.addi %add3A_346, %add3A_435 : i32
      %dma_wait3A_437 = arith.constant 4 : i32
      %dma_wait3A_438 = arith.constant 0 : i32
      %dma_wait3A_439 = tpu.memref_slice %arg8[%rem3A_343, %dma_wait3A_437, %dma_wait3A_438] : memref<2x10x80xi32, #tpu.memory_space<vmem>> -> memref<1x1x80xi32, #tpu.memory_space<vmem>>
      %dma_wait3A_440 = tpu.memref_squeeze %dma_wait3A_439 : memref<1x1x80xi32, #tpu.memory_space<vmem>> -> memref<80xi32, #tpu.memory_space<vmem>>
      %dma_wait3A_441 = tpu.memref_slice %arg2[%add3A_436] : memref<320000xi32, #tpu.memory_space<hbm>> -> memref<80xi32, #tpu.memory_space<hbm>>
      %dma_wait3A_442 = arith.constant 0 : i32
      %dma_wait3A_443 = tpu.memref_slice %arg8[%rem3A_343, %dma_wait3A_437, %dma_wait3A_442] : memref<2x10x80xi32, #tpu.memory_space<vmem>> -> memref<1x1x80xi32, #tpu.memory_space<vmem>>
      %dma_wait3A_444 = tpu.memref_squeeze %dma_wait3A_443 : memref<1x1x80xi32, #tpu.memory_space<vmem>> -> memref<80xi32, #tpu.memory_space<vmem>>
      %dma_wait3A_445 = tpu.memref_slice %arg2[%add3A_436] : memref<320000xi32, #tpu.memory_space<hbm>> -> memref<80xi32, #tpu.memory_space<hbm>>
      tpu.wait_dma2 semaphore(%arg20 : memref<!tpu.dma_semaphore, #tpu.memory_space<semaphore_mem>>) src(%dma_wait3A_445 : memref<80xi32, #tpu.memory_space<hbm>>) dst(%dma_wait3A_444 : memref<80xi32, #tpu.memory_space<vmem>>)
      %add3A_446 = arith.constant 320 : i32
      %add3A_447 = arith.addi %add3A_346, %add3A_446 : i32
      %dma_wait3A_448 = arith.constant 4 : i32
      %dma_wait3A_449 = arith.constant 0 : i32
      %dma_wait3A_450 = tpu.memref_slice %arg10[%rem3A_343, %dma_wait3A_448, %dma_wait3A_449] : memref<2x10x80xi32, #tpu.memory_space<vmem>> -> memref<1x1x80xi32, #tpu.memory_space<vmem>>
      %dma_wait3A_451 = tpu.memref_squeeze %dma_wait3A_450 : memref<1x1x80xi32, #tpu.memory_space<vmem>> -> memref<80xi32, #tpu.memory_space<vmem>>
      %dma_wait3A_452 = tpu.memref_slice %arg3[%add3A_447] : memref<320000xi32, #tpu.memory_space<hbm>> -> memref<80xi32, #tpu.memory_space<hbm>>
      %dma_wait3A_453 = arith.constant 0 : i32
      %dma_wait3A_454 = tpu.memref_slice %arg10[%rem3A_343, %dma_wait3A_448, %dma_wait3A_453] : memref<2x10x80xi32, #tpu.memory_space<vmem>> -> memref<1x1x80xi32, #tpu.memory_space<vmem>>
      %dma_wait3A_455 = tpu.memref_squeeze %dma_wait3A_454 : memref<1x1x80xi32, #tpu.memory_space<vmem>> -> memref<80xi32, #tpu.memory_space<vmem>>
      %dma_wait3A_456 = tpu.memref_slice %arg3[%add3A_447] : memref<320000xi32, #tpu.memory_space<hbm>> -> memref<80xi32, #tpu.memory_space<hbm>>
      tpu.wait_dma2 semaphore(%arg20 : memref<!tpu.dma_semaphore, #tpu.memory_space<semaphore_mem>>) src(%dma_wait3A_456 : memref<80xi32, #tpu.memory_space<hbm>>) dst(%dma_wait3A_455 : memref<80xi32, #tpu.memory_space<vmem>>)
      %add3A_457 = arith.constant 400 : i32
      %add3A_458 = arith.addi %add3A_346, %add3A_457 : i32
      %dma_wait3A_459 = arith.constant 5 : i32
      %dma_wait3A_460 = arith.constant 0 : i32
      %dma_wait3A_461 = tpu.memref_slice %arg8[%rem3A_343, %dma_wait3A_459, %dma_wait3A_460] : memref<2x10x80xi32, #tpu.memory_space<vmem>> -> memref<1x1x80xi32, #tpu.memory_space<vmem>>
      %dma_wait3A_462 = tpu.memref_squeeze %dma_wait3A_461 : memref<1x1x80xi32, #tpu.memory_space<vmem>> -> memref<80xi32, #tpu.memory_space<vmem>>
      %dma_wait3A_463 = tpu.memref_slice %arg2[%add3A_458] : memref<320000xi32, #tpu.memory_space<hbm>> -> memref<80xi32, #tpu.memory_space<hbm>>
      %dma_wait3A_464 = arith.constant 0 : i32
      %dma_wait3A_465 = tpu.memref_slice %arg8[%rem3A_343, %dma_wait3A_459, %dma_wait3A_464] : memref<2x10x80xi32, #tpu.memory_space<vmem>> -> memref<1x1x80xi32, #tpu.memory_space<vmem>>
      %dma_wait3A_466 = tpu.memref_squeeze %dma_wait3A_465 : memref<1x1x80xi32, #tpu.memory_space<vmem>> -> memref<80xi32, #tpu.memory_space<vmem>>
      %dma_wait3A_467 = tpu.memref_slice %arg2[%add3A_458] : memref<320000xi32, #tpu.memory_space<hbm>> -> memref<80xi32, #tpu.memory_space<hbm>>
      tpu.wait_dma2 semaphore(%arg20 : memref<!tpu.dma_semaphore, #tpu.memory_space<semaphore_mem>>) src(%dma_wait3A_467 : memref<80xi32, #tpu.memory_space<hbm>>) dst(%dma_wait3A_466 : memref<80xi32, #tpu.memory_space<vmem>>)
      %add3A_468 = arith.constant 400 : i32
      %add3A_469 = arith.addi %add3A_346, %add3A_468 : i32
      %dma_wait3A_470 = arith.constant 5 : i32
      %dma_wait3A_471 = arith.constant 0 : i32
      %dma_wait3A_472 = tpu.memref_slice %arg10[%rem3A_343, %dma_wait3A_470, %dma_wait3A_471] : memref<2x10x80xi32, #tpu.memory_space<vmem>> -> memref<1x1x80xi32, #tpu.memory_space<vmem>>
      %dma_wait3A_473 = tpu.memref_squeeze %dma_wait3A_472 : memref<1x1x80xi32, #tpu.memory_space<vmem>> -> memref<80xi32, #tpu.memory_space<vmem>>
      %dma_wait3A_474 = tpu.memref_slice %arg3[%add3A_469] : memref<320000xi32, #tpu.memory_space<hbm>> -> memref<80xi32, #tpu.memory_space<hbm>>
      %dma_wait3A_475 = arith.constant 0 : i32
      %dma_wait3A_476 = tpu.memref_slice %arg10[%rem3A_343, %dma_wait3A_470, %dma_wait3A_475] : memref<2x10x80xi32, #tpu.memory_space<vmem>> -> memref<1x1x80xi32, #tpu.memory_space<vmem>>
      %dma_wait3A_477 = tpu.memref_squeeze %dma_wait3A_476 : memref<1x1x80xi32, #tpu.memory_space<vmem>> -> memref<80xi32, #tpu.memory_space<vmem>>
      %dma_wait3A_478 = tpu.memref_slice %arg3[%add3A_469] : memref<320000xi32, #tpu.memory_space<hbm>> -> memref<80xi32, #tpu.memory_space<hbm>>
      tpu.wait_dma2 semaphore(%arg20 : memref<!tpu.dma_semaphore, #tpu.memory_space<semaphore_mem>>) src(%dma_wait3A_478 : memref<80xi32, #tpu.memory_space<hbm>>) dst(%dma_wait3A_477 : memref<80xi32, #tpu.memory_space<vmem>>)
      %add3A_479 = arith.constant 480 : i32
      %add3A_480 = arith.addi %add3A_346, %add3A_479 : i32
      %dma_wait3A_481 = arith.constant 6 : i32
      %dma_wait3A_482 = arith.constant 0 : i32
      %dma_wait3A_483 = tpu.memref_slice %arg8[%rem3A_343, %dma_wait3A_481, %dma_wait3A_482] : memref<2x10x80xi32, #tpu.memory_space<vmem>> -> memref<1x1x80xi32, #tpu.memory_space<vmem>>
      %dma_wait3A_484 = tpu.memref_squeeze %dma_wait3A_483 : memref<1x1x80xi32, #tpu.memory_space<vmem>> -> memref<80xi32, #tpu.memory_space<vmem>>
      %dma_wait3A_485 = tpu.memref_slice %arg2[%add3A_480] : memref<320000xi32, #tpu.memory_space<hbm>> -> memref<80xi32, #tpu.memory_space<hbm>>
      %dma_wait3A_486 = arith.constant 0 : i32
      %dma_wait3A_487 = tpu.memref_slice %arg8[%rem3A_343, %dma_wait3A_481, %dma_wait3A_486] : memref<2x10x80xi32, #tpu.memory_space<vmem>> -> memref<1x1x80xi32, #tpu.memory_space<vmem>>
      %dma_wait3A_488 = tpu.memref_squeeze %dma_wait3A_487 : memref<1x1x80xi32, #tpu.memory_space<vmem>> -> memref<80xi32, #tpu.memory_space<vmem>>
      %dma_wait3A_489 = tpu.memref_slice %arg2[%add3A_480] : memref<320000xi32, #tpu.memory_space<hbm>> -> memref<80xi32, #tpu.memory_space<hbm>>
      tpu.wait_dma2 semaphore(%arg20 : memref<!tpu.dma_semaphore, #tpu.memory_space<semaphore_mem>>) src(%dma_wait3A_489 : memref<80xi32, #tpu.memory_space<hbm>>) dst(%dma_wait3A_488 : memref<80xi32, #tpu.memory_space<vmem>>)
      %add3A_490 = arith.constant 480 : i32
      %add3A_491 = arith.addi %add3A_346, %add3A_490 : i32
      %dma_wait3A_492 = arith.constant 6 : i32
      %dma_wait3A_493 = arith.constant 0 : i32
      %dma_wait3A_494 = tpu.memref_slice %arg10[%rem3A_343, %dma_wait3A_492, %dma_wait3A_493] : memref<2x10x80xi32, #tpu.memory_space<vmem>> -> memref<1x1x80xi32, #tpu.memory_space<vmem>>
      %dma_wait3A_495 = tpu.memref_squeeze %dma_wait3A_494 : memref<1x1x80xi32, #tpu.memory_space<vmem>> -> memref<80xi32, #tpu.memory_space<vmem>>
      %dma_wait3A_496 = tpu.memref_slice %arg3[%add3A_491] : memref<320000xi32, #tpu.memory_space<hbm>> -> memref<80xi32, #tpu.memory_space<hbm>>
      %dma_wait3A_497 = arith.constant 0 : i32
      %dma_wait3A_498 = tpu.memref_slice %arg10[%rem3A_343, %dma_wait3A_492, %dma_wait3A_497] : memref<2x10x80xi32, #tpu.memory_space<vmem>> -> memref<1x1x80xi32, #tpu.memory_space<vmem>>
      %dma_wait3A_499 = tpu.memref_squeeze %dma_wait3A_498 : memref<1x1x80xi32, #tpu.memory_space<vmem>> -> memref<80xi32, #tpu.memory_space<vmem>>
      %dma_wait3A_500 = tpu.memref_slice %arg3[%add3A_491] : memref<320000xi32, #tpu.memory_space<hbm>> -> memref<80xi32, #tpu.memory_space<hbm>>
      tpu.wait_dma2 semaphore(%arg20 : memref<!tpu.dma_semaphore, #tpu.memory_space<semaphore_mem>>) src(%dma_wait3A_500 : memref<80xi32, #tpu.memory_space<hbm>>) dst(%dma_wait3A_499 : memref<80xi32, #tpu.memory_space<vmem>>)
      %add3A_501 = arith.constant 560 : i32
      %add3A_502 = arith.addi %add3A_346, %add3A_501 : i32
      %dma_wait3A_503 = arith.constant 7 : i32
      %dma_wait3A_504 = arith.constant 0 : i32
      %dma_wait3A_505 = tpu.memref_slice %arg8[%rem3A_343, %dma_wait3A_503, %dma_wait3A_504] : memref<2x10x80xi32, #tpu.memory_space<vmem>> -> memref<1x1x80xi32, #tpu.memory_space<vmem>>
      %dma_wait3A_506 = tpu.memref_squeeze %dma_wait3A_505 : memref<1x1x80xi32, #tpu.memory_space<vmem>> -> memref<80xi32, #tpu.memory_space<vmem>>
      %dma_wait3A_507 = tpu.memref_slice %arg2[%add3A_502] : memref<320000xi32, #tpu.memory_space<hbm>> -> memref<80xi32, #tpu.memory_space<hbm>>
      %dma_wait3A_508 = arith.constant 0 : i32
      %dma_wait3A_509 = tpu.memref_slice %arg8[%rem3A_343, %dma_wait3A_503, %dma_wait3A_508] : memref<2x10x80xi32, #tpu.memory_space<vmem>> -> memref<1x1x80xi32, #tpu.memory_space<vmem>>
      %dma_wait3A_510 = tpu.memref_squeeze %dma_wait3A_509 : memref<1x1x80xi32, #tpu.memory_space<vmem>> -> memref<80xi32, #tpu.memory_space<vmem>>
      %dma_wait3A_511 = tpu.memref_slice %arg2[%add3A_502] : memref<320000xi32, #tpu.memory_space<hbm>> -> memref<80xi32, #tpu.memory_space<hbm>>
      tpu.wait_dma2 semaphore(%arg20 : memref<!tpu.dma_semaphore, #tpu.memory_space<semaphore_mem>>) src(%dma_wait3A_511 : memref<80xi32, #tpu.memory_space<hbm>>) dst(%dma_wait3A_510 : memref<80xi32, #tpu.memory_space<vmem>>)
      %add3A_512 = arith.constant 560 : i32
      %add3A_513 = arith.addi %add3A_346, %add3A_512 : i32
      %dma_wait3A_514 = arith.constant 7 : i32
      %dma_wait3A_515 = arith.constant 0 : i32
      %dma_wait3A_516 = tpu.memref_slice %arg10[%rem3A_343, %dma_wait3A_514, %dma_wait3A_515] : memref<2x10x80xi32, #tpu.memory_space<vmem>> -> memref<1x1x80xi32, #tpu.memory_space<vmem>>
      %dma_wait3A_517 = tpu.memref_squeeze %dma_wait3A_516 : memref<1x1x80xi32, #tpu.memory_space<vmem>> -> memref<80xi32, #tpu.memory_space<vmem>>
      %dma_wait3A_518 = tpu.memref_slice %arg3[%add3A_513] : memref<320000xi32, #tpu.memory_space<hbm>> -> memref<80xi32, #tpu.memory_space<hbm>>
      %dma_wait3A_519 = arith.constant 0 : i32
      %dma_wait3A_520 = tpu.memref_slice %arg10[%rem3A_343, %dma_wait3A_514, %dma_wait3A_519] : memref<2x10x80xi32, #tpu.memory_space<vmem>> -> memref<1x1x80xi32, #tpu.memory_space<vmem>>
      %dma_wait3A_521 = tpu.memref_squeeze %dma_wait3A_520 : memref<1x1x80xi32, #tpu.memory_space<vmem>> -> memref<80xi32, #tpu.memory_space<vmem>>
      %dma_wait3A_522 = tpu.memref_slice %arg3[%add3A_513] : memref<320000xi32, #tpu.memory_space<hbm>> -> memref<80xi32, #tpu.memory_space<hbm>>
      tpu.wait_dma2 semaphore(%arg20 : memref<!tpu.dma_semaphore, #tpu.memory_space<semaphore_mem>>) src(%dma_wait3A_522 : memref<80xi32, #tpu.memory_space<hbm>>) dst(%dma_wait3A_521 : memref<80xi32, #tpu.memory_space<vmem>>)
      %add3A_523 = arith.constant 640 : i32
      %add3A_524 = arith.addi %add3A_346, %add3A_523 : i32
      %dma_wait3A_525 = arith.constant 8 : i32
      %dma_wait3A_526 = arith.constant 0 : i32
      %dma_wait3A_527 = tpu.memref_slice %arg8[%rem3A_343, %dma_wait3A_525, %dma_wait3A_526] : memref<2x10x80xi32, #tpu.memory_space<vmem>> -> memref<1x1x80xi32, #tpu.memory_space<vmem>>
      %dma_wait3A_528 = tpu.memref_squeeze %dma_wait3A_527 : memref<1x1x80xi32, #tpu.memory_space<vmem>> -> memref<80xi32, #tpu.memory_space<vmem>>
      %dma_wait3A_529 = tpu.memref_slice %arg2[%add3A_524] : memref<320000xi32, #tpu.memory_space<hbm>> -> memref<80xi32, #tpu.memory_space<hbm>>
      %dma_wait3A_530 = arith.constant 0 : i32
      %dma_wait3A_531 = tpu.memref_slice %arg8[%rem3A_343, %dma_wait3A_525, %dma_wait3A_530] : memref<2x10x80xi32, #tpu.memory_space<vmem>> -> memref<1x1x80xi32, #tpu.memory_space<vmem>>
      %dma_wait3A_532 = tpu.memref_squeeze %dma_wait3A_531 : memref<1x1x80xi32, #tpu.memory_space<vmem>> -> memref<80xi32, #tpu.memory_space<vmem>>
      %dma_wait3A_533 = tpu.memref_slice %arg2[%add3A_524] : memref<320000xi32, #tpu.memory_space<hbm>> -> memref<80xi32, #tpu.memory_space<hbm>>
      tpu.wait_dma2 semaphore(%arg20 : memref<!tpu.dma_semaphore, #tpu.memory_space<semaphore_mem>>) src(%dma_wait3A_533 : memref<80xi32, #tpu.memory_space<hbm>>) dst(%dma_wait3A_532 : memref<80xi32, #tpu.memory_space<vmem>>)
      %add3A_534 = arith.constant 640 : i32
      %add3A_535 = arith.addi %add3A_346, %add3A_534 : i32
      %dma_wait3A_536 = arith.constant 8 : i32
      %dma_wait3A_537 = arith.constant 0 : i32
      %dma_wait3A_538 = tpu.memref_slice %arg10[%rem3A_343, %dma_wait3A_536, %dma_wait3A_537] : memref<2x10x80xi32, #tpu.memory_space<vmem>> -> memref<1x1x80xi32, #tpu.memory_space<vmem>>
      %dma_wait3A_539 = tpu.memref_squeeze %dma_wait3A_538 : memref<1x1x80xi32, #tpu.memory_space<vmem>> -> memref<80xi32, #tpu.memory_space<vmem>>
      %dma_wait3A_540 = tpu.memref_slice %arg3[%add3A_535] : memref<320000xi32, #tpu.memory_space<hbm>> -> memref<80xi32, #tpu.memory_space<hbm>>
      %dma_wait3A_541 = arith.constant 0 : i32
      %dma_wait3A_542 = tpu.memref_slice %arg10[%rem3A_343, %dma_wait3A_536, %dma_wait3A_541] : memref<2x10x80xi32, #tpu.memory_space<vmem>> -> memref<1x1x80xi32, #tpu.memory_space<vmem>>
      %dma_wait3A_543 = tpu.memref_squeeze %dma_wait3A_542 : memref<1x1x80xi32, #tpu.memory_space<vmem>> -> memref<80xi32, #tpu.memory_space<vmem>>
      %dma_wait3A_544 = tpu.memref_slice %arg3[%add3A_535] : memref<320000xi32, #tpu.memory_space<hbm>> -> memref<80xi32, #tpu.memory_space<hbm>>
      tpu.wait_dma2 semaphore(%arg20 : memref<!tpu.dma_semaphore, #tpu.memory_space<semaphore_mem>>) src(%dma_wait3A_544 : memref<80xi32, #tpu.memory_space<hbm>>) dst(%dma_wait3A_543 : memref<80xi32, #tpu.memory_space<vmem>>)
      %add3A_545 = arith.constant 720 : i32
      %add3A_546 = arith.addi %add3A_346, %add3A_545 : i32
      %dma_wait3A_547 = arith.constant 9 : i32
      %dma_wait3A_548 = arith.constant 0 : i32
      %dma_wait3A_549 = tpu.memref_slice %arg8[%rem3A_343, %dma_wait3A_547, %dma_wait3A_548] : memref<2x10x80xi32, #tpu.memory_space<vmem>> -> memref<1x1x80xi32, #tpu.memory_space<vmem>>
      %dma_wait3A_550 = tpu.memref_squeeze %dma_wait3A_549 : memref<1x1x80xi32, #tpu.memory_space<vmem>> -> memref<80xi32, #tpu.memory_space<vmem>>
      %dma_wait3A_551 = tpu.memref_slice %arg2[%add3A_546] : memref<320000xi32, #tpu.memory_space<hbm>> -> memref<80xi32, #tpu.memory_space<hbm>>
      %dma_wait3A_552 = arith.constant 0 : i32
      %dma_wait3A_553 = tpu.memref_slice %arg8[%rem3A_343, %dma_wait3A_547, %dma_wait3A_552] : memref<2x10x80xi32, #tpu.memory_space<vmem>> -> memref<1x1x80xi32, #tpu.memory_space<vmem>>
      %dma_wait3A_554 = tpu.memref_squeeze %dma_wait3A_553 : memref<1x1x80xi32, #tpu.memory_space<vmem>> -> memref<80xi32, #tpu.memory_space<vmem>>
      %dma_wait3A_555 = tpu.memref_slice %arg2[%add3A_546] : memref<320000xi32, #tpu.memory_space<hbm>> -> memref<80xi32, #tpu.memory_space<hbm>>
      tpu.wait_dma2 semaphore(%arg20 : memref<!tpu.dma_semaphore, #tpu.memory_space<semaphore_mem>>) src(%dma_wait3A_555 : memref<80xi32, #tpu.memory_space<hbm>>) dst(%dma_wait3A_554 : memref<80xi32, #tpu.memory_space<vmem>>)
      %add3A_556 = arith.constant 720 : i32
      %add3A_557 = arith.addi %add3A_346, %add3A_556 : i32
      %dma_wait3A_558 = arith.constant 9 : i32
      %dma_wait3A_559 = arith.constant 0 : i32
      %dma_wait3A_560 = tpu.memref_slice %arg10[%rem3A_343, %dma_wait3A_558, %dma_wait3A_559] : memref<2x10x80xi32, #tpu.memory_space<vmem>> -> memref<1x1x80xi32, #tpu.memory_space<vmem>>
      %dma_wait3A_561 = tpu.memref_squeeze %dma_wait3A_560 : memref<1x1x80xi32, #tpu.memory_space<vmem>> -> memref<80xi32, #tpu.memory_space<vmem>>
      %dma_wait3A_562 = tpu.memref_slice %arg3[%add3A_557] : memref<320000xi32, #tpu.memory_space<hbm>> -> memref<80xi32, #tpu.memory_space<hbm>>
      %dma_wait3A_563 = arith.constant 0 : i32
      %dma_wait3A_564 = tpu.memref_slice %arg10[%rem3A_343, %dma_wait3A_558, %dma_wait3A_563] : memref<2x10x80xi32, #tpu.memory_space<vmem>> -> memref<1x1x80xi32, #tpu.memory_space<vmem>>
      %dma_wait3A_565 = tpu.memref_squeeze %dma_wait3A_564 : memref<1x1x80xi32, #tpu.memory_space<vmem>> -> memref<80xi32, #tpu.memory_space<vmem>>
      %dma_wait3A_566 = tpu.memref_slice %arg3[%add3A_557] : memref<320000xi32, #tpu.memory_space<hbm>> -> memref<80xi32, #tpu.memory_space<hbm>>
      tpu.wait_dma2 semaphore(%arg20 : memref<!tpu.dma_semaphore, #tpu.memory_space<semaphore_mem>>) src(%dma_wait3A_566 : memref<80xi32, #tpu.memory_space<hbm>>) dst(%dma_wait3A_565 : memref<80xi32, #tpu.memory_space<vmem>>)
      %scan3A_567 = arith.constant 0 : i32
      %scan3A_568 = arith.constant 0 : i32
      %scan3A_569 = arith.constant 10 : i32
      %scan3A_570 = arith.addi %scan3A_568, %scan3A_569 : i32
      %scan3A_571 = arith.constant 1 : i32
      %scan3A_572 = scf.for %scan3A_634 = %scan3A_568 to %scan3A_570 step %scan3A_571 iter_args(%scan3A_635 = %scan3A_567) -> (i32)  : i32 {
        %get3A = arith.index_cast %rem3A_343 : i32 to index
        %get3A_636 = arith.index_cast %scan3A_634 : i32 to index
        %get3A_637 = arith.constant 0 : index
        %get3A_638 = tpu.vector_load %arg8[%get3A, %get3A_636, %get3A_637] {strides = array<i32>} : memref<2x10x80xi32, #tpu.memory_space<vmem>>, vector<1x1x16xi32>,
        %get3A_639 = vector.shape_cast %get3A_638 : vector<1x1x16xi32> to vector<16xi32>
        %add3A_640 = vector.broadcast %mul3A_0 : i32 to vector<16xi32>
        %add3A_641 = arith.addi %get3A_639, %add3A_640 : vector<16xi32>
        %swap3A = arith.index_cast %rem3A_343 : i32 to index
        %swap3A_642 = arith.index_cast %scan3A_634 : i32 to index
        %swap3A_643 = arith.constant 0 : index
        %swap3A_644 = tpu.vector_load %arg9[%swap3A, %swap3A_642, %swap3A_643] {strides = array<i32>} : memref<2x10x80xi32, #tpu.memory_space<vmem>>, vector<1x1x16xi32>,
        %swap3A_645 = vector.shape_cast %swap3A_644 : vector<1x1x16xi32> to vector<16xi32>
        %swap3A_646 = vector.shape_cast %add3A_641 : vector<16xi32> to vector<1x1x16xi32>
        tpu.vector_store %arg9[%swap3A, %swap3A_642, %swap3A_643], %swap3A_646 {strides = array<i32>} : memref<2x10x80xi32, #tpu.memory_space<vmem>>, vector<1x1x16xi32>,
        %get3A_647 = arith.index_cast %rem3A_343 : i32 to index
        %get3A_648 = arith.index_cast %scan3A_634 : i32 to index
        %get3A_649 = arith.constant 0 : index
        %get3A_650 = tpu.vector_load %arg10[%get3A_647, %get3A_648, %get3A_649] {strides = array<i32>} : memref<2x10x80xi32, #tpu.memory_space<vmem>>, vector<1x1x16xi32>,
        %get3A_651 = vector.shape_cast %get3A_650 : vector<1x1x16xi32> to vector<16xi32>
        %add3A_652 = vector.broadcast %mul3A_0 : i32 to vector<16xi32>
        %add3A_653 = arith.addi %get3A_651, %add3A_652 : vector<16xi32>
        %swap3A_654 = arith.index_cast %rem3A_343 : i32 to index
        %swap3A_655 = arith.index_cast %scan3A_634 : i32 to index
        %swap3A_656 = arith.constant 0 : index
        %swap3A_657 = tpu.vector_load %arg10[%swap3A_654, %swap3A_655, %swap3A_656] {strides = array<i32>} : memref<2x10x80xi32, #tpu.memory_space<vmem>>, vector<1x1x16xi32>,
        %swap3A_658 = vector.shape_cast %swap3A_657 : vector<1x1x16xi32> to vector<16xi32>
        %swap3A_659 = vector.shape_cast %add3A_653 : vector<16xi32> to vector<1x1x16xi32>
        tpu.vector_store %arg10[%swap3A_654, %swap3A_655, %swap3A_656], %swap3A_659 {strides = array<i32>} : memref<2x10x80xi32, #tpu.memory_space<vmem>>, vector<1x1x16xi32>,
        %get3A_660 = arith.index_cast %rem3A_343 : i32 to index
        %get3A_661 = arith.index_cast %scan3A_634 : i32 to index
        %get3A_662 = arith.constant 16 : index
        %get3A_663 = tpu.vector_load %arg8[%get3A_660, %get3A_661, %get3A_662] {strides = array<i32>} : memref<2x10x80xi32, #tpu.memory_space<vmem>>, vector<1x1x16xi32>,
        %get3A_664 = vector.shape_cast %get3A_663 : vector<1x1x16xi32> to vector<16xi32>
        %add3A_665 = vector.broadcast %mul3A_0 : i32 to vector<16xi32>
        %add3A_666 = arith.addi %get3A_664, %add3A_665 : vector<16xi32>
        %swap3A_667 = arith.index_cast %rem3A_343 : i32 to index
        %swap3A_668 = arith.index_cast %scan3A_634 : i32 to index
        %swap3A_669 = arith.constant 16 : index
        %swap3A_670 = tpu.vector_load %arg9[%swap3A_667, %swap3A_668, %swap3A_669] {strides = array<i32>} : memref<2x10x80xi32, #tpu.memory_space<vmem>>, vector<1x1x16xi32>,
        %swap3A_671 = vector.shape_cast %swap3A_670 : vector<1x1x16xi32> to vector<16xi32>
        %swap3A_672 = vector.shape_cast %add3A_666 : vector<16xi32> to vector<1x1x16xi32>
        tpu.vector_store %arg9[%swap3A_667, %swap3A_668, %swap3A_669], %swap3A_672 {strides = array<i32>} : memref<2x10x80xi32, #tpu.memory_space<vmem>>, vector<1x1x16xi32>,
        %get3A_673 = arith.index_cast %rem3A_343 : i32 to index
        %get3A_674 = arith.index_cast %scan3A_634 : i32 to index
        %get3A_675 = arith.constant 16 : index
        %get3A_676 = tpu.vector_load %arg10[%get3A_673, %get3A_674, %get3A_675] {strides = array<i32>} : memref<2x10x80xi32, #tpu.memory_space<vmem>>, vector<1x1x16xi32>,
        %get3A_677 = vector.shape_cast %get3A_676 : vector<1x1x16xi32> to vector<16xi32>
        %add3A_678 = vector.broadcast %mul3A_0 : i32 to vector<16xi32>
        %add3A_679 = arith.addi %get3A_677, %add3A_678 : vector<16xi32>
        %swap3A_680 = arith.index_cast %rem3A_343 : i32 to index
        %swap3A_681 = arith.index_cast %scan3A_634 : i32 to index
        %swap3A_682 = arith.constant 16 : index
        %swap3A_683 = tpu.vector_load %arg10[%swap3A_680, %swap3A_681, %swap3A_682] {strides = array<i32>} : memref<2x10x80xi32, #tpu.memory_space<vmem>>, vector<1x1x16xi32>,
        %swap3A_684 = vector.shape_cast %swap3A_683 : vector<1x1x16xi32> to vector<16xi32>
        %swap3A_685 = vector.shape_cast %add3A_679 : vector<16xi32> to vector<1x1x16xi32>
        tpu.vector_store %arg10[%swap3A_680, %swap3A_681, %swap3A_682], %swap3A_685 {strides = array<i32>} : memref<2x10x80xi32, #tpu.memory_space<vmem>>, vector<1x1x16xi32>,
        %get3A_686 = arith.index_cast %rem3A_343 : i32 to index
        %get3A_687 = arith.index_cast %scan3A_634 : i32 to index
        %get3A_688 = arith.constant 32 : index
        %get3A_689 = tpu.vector_load %arg8[%get3A_686, %get3A_687, %get3A_688] {strides = array<i32>} : memref<2x10x80xi32, #tpu.memory_space<vmem>>, vector<1x1x16xi32>,
        %get3A_690 = vector.shape_cast %get3A_689 : vector<1x1x16xi32> to vector<16xi32>
        %add3A_691 = vector.broadcast %mul3A_0 : i32 to vector<16xi32>
        %add3A_692 = arith.addi %get3A_690, %add3A_691 : vector<16xi32>
        %swap3A_693 = arith.index_cast %rem3A_343 : i32 to index
        %swap3A_694 = arith.index_cast %scan3A_634 : i32 to index
        %swap3A_695 = arith.constant 32 : index
        %swap3A_696 = tpu.vector_load %arg9[%swap3A_693, %swap3A_694, %swap3A_695] {strides = array<i32>} : memref<2x10x80xi32, #tpu.memory_space<vmem>>, vector<1x1x16xi32>,
        %swap3A_697 = vector.shape_cast %swap3A_696 : vector<1x1x16xi32> to vector<16xi32>
        %swap3A_698 = vector.shape_cast %add3A_692 : vector<16xi32> to vector<1x1x16xi32>
        tpu.vector_store %arg9[%swap3A_693, %swap3A_694, %swap3A_695], %swap3A_698 {strides = array<i32>} : memref<2x10x80xi32, #tpu.memory_space<vmem>>, vector<1x1x16xi32>,
        %get3A_699 = arith.index_cast %rem3A_343 : i32 to index
        %get3A_700 = arith.index_cast %scan3A_634 : i32 to index
        %get3A_701 = arith.constant 32 : index
        %get3A_702 = tpu.vector_load %arg10[%get3A_699, %get3A_700, %get3A_701] {strides = array<i32>} : memref<2x10x80xi32, #tpu.memory_space<vmem>>, vector<1x1x16xi32>,
        %get3A_703 = vector.shape_cast %get3A_702 : vector<1x1x16xi32> to vector<16xi32>
        %add3A_704 = vector.broadcast %mul3A_0 : i32 to vector<16xi32>
        %add3A_705 = arith.addi %get3A_703, %add3A_704 : vector<16xi32>
        %swap3A_706 = arith.index_cast %rem3A_343 : i32 to index
        %swap3A_707 = arith.index_cast %scan3A_634 : i32 to index
        %swap3A_708 = arith.constant 32 : index
        %swap3A_709 = tpu.vector_load %arg10[%swap3A_706, %swap3A_707, %swap3A_708] {strides = array<i32>} : memref<2x10x80xi32, #tpu.memory_space<vmem>>, vector<1x1x16xi32>,
        %swap3A_710 = vector.shape_cast %swap3A_709 : vector<1x1x16xi32> to vector<16xi32>
        %swap3A_711 = vector.shape_cast %add3A_705 : vector<16xi32> to vector<1x1x16xi32>
        tpu.vector_store %arg10[%swap3A_706, %swap3A_707, %swap3A_708], %swap3A_711 {strides = array<i32>} : memref<2x10x80xi32, #tpu.memory_space<vmem>>, vector<1x1x16xi32>,
        %get3A_712 = arith.index_cast %rem3A_343 : i32 to index
        %get3A_713 = arith.index_cast %scan3A_634 : i32 to index
        %get3A_714 = arith.constant 48 : index
        %get3A_715 = tpu.vector_load %arg8[%get3A_712, %get3A_713, %get3A_714] {strides = array<i32>} : memref<2x10x80xi32, #tpu.memory_space<vmem>>, vector<1x1x16xi32>,
        %get3A_716 = vector.shape_cast %get3A_715 : vector<1x1x16xi32> to vector<16xi32>
        %add3A_717 = vector.broadcast %mul3A_0 : i32 to vector<16xi32>
        %add3A_718 = arith.addi %get3A_716, %add3A_717 : vector<16xi32>
        %swap3A_719 = arith.index_cast %rem3A_343 : i32 to index
        %swap3A_720 = arith.index_cast %scan3A_634 : i32 to index
        %swap3A_721 = arith.constant 48 : index
        %swap3A_722 = tpu.vector_load %arg9[%swap3A_719, %swap3A_720, %swap3A_721] {strides = array<i32>} : memref<2x10x80xi32, #tpu.memory_space<vmem>>, vector<1x1x16xi32>,
        %swap3A_723 = vector.shape_cast %swap3A_722 : vector<1x1x16xi32> to vector<16xi32>
        %swap3A_724 = vector.shape_cast %add3A_718 : vector<16xi32> to vector<1x1x16xi32>
        tpu.vector_store %arg9[%swap3A_719, %swap3A_720, %swap3A_721], %swap3A_724 {strides = array<i32>} : memref<2x10x80xi32, #tpu.memory_space<vmem>>, vector<1x1x16xi32>,
        %get3A_725 = arith.index_cast %rem3A_343 : i32 to index
        %get3A_726 = arith.index_cast %scan3A_634 : i32 to index
        %get3A_727 = arith.constant 48 : index
        %get3A_728 = tpu.vector_load %arg10[%get3A_725, %get3A_726, %get3A_727] {strides = array<i32>} : memref<2x10x80xi32, #tpu.memory_space<vmem>>, vector<1x1x16xi32>,
        %get3A_729 = vector.shape_cast %get3A_728 : vector<1x1x16xi32> to vector<16xi32>
        %add3A_730 = vector.broadcast %mul3A_0 : i32 to vector<16xi32>
        %add3A_731 = arith.addi %get3A_729, %add3A_730 : vector<16xi32>
        %swap3A_732 = arith.index_cast %rem3A_343 : i32 to index
        %swap3A_733 = arith.index_cast %scan3A_634 : i32 to index
        %swap3A_734 = arith.constant 48 : index
        %swap3A_735 = tpu.vector_load %arg10[%swap3A_732, %swap3A_733, %swap3A_734] {strides = array<i32>} : memref<2x10x80xi32, #tpu.memory_space<vmem>>, vector<1x1x16xi32>,
        %swap3A_736 = vector.shape_cast %swap3A_735 : vector<1x1x16xi32> to vector<16xi32>
        %swap3A_737 = vector.shape_cast %add3A_731 : vector<16xi32> to vector<1x1x16xi32>
        tpu.vector_store %arg10[%swap3A_732, %swap3A_733, %swap3A_734], %swap3A_737 {strides = array<i32>} : memref<2x10x80xi32, #tpu.memory_space<vmem>>, vector<1x1x16xi32>,
        %get3A_738 = arith.index_cast %rem3A_343 : i32 to index
        %get3A_739 = arith.index_cast %scan3A_634 : i32 to index
        %get3A_740 = arith.constant 64 : index
        %get3A_741 = tpu.vector_load %arg8[%get3A_738, %get3A_739, %get3A_740] {strides = array<i32>} : memref<2x10x80xi32, #tpu.memory_space<vmem>>, vector<1x1x16xi32>,
        %get3A_742 = vector.shape_cast %get3A_741 : vector<1x1x16xi32> to vector<16xi32>
        %add3A_743 = vector.broadcast %mul3A_0 : i32 to vector<16xi32>
        %add3A_744 = arith.addi %get3A_742, %add3A_743 : vector<16xi32>
        %swap3A_745 = arith.index_cast %rem3A_343 : i32 to index
        %swap3A_746 = arith.index_cast %scan3A_634 : i32 to index
        %swap3A_747 = arith.constant 64 : index
        %swap3A_748 = tpu.vector_load %arg9[%swap3A_745, %swap3A_746, %swap3A_747] {strides = array<i32>} : memref<2x10x80xi32, #tpu.memory_space<vmem>>, vector<1x1x16xi32>,
        %swap3A_749 = vector.shape_cast %swap3A_748 : vector<1x1x16xi32> to vector<16xi32>
        %swap3A_750 = vector.shape_cast %add3A_744 : vector<16xi32> to vector<1x1x16xi32>
        tpu.vector_store %arg9[%swap3A_745, %swap3A_746, %swap3A_747], %swap3A_750 {strides = array<i32>} : memref<2x10x80xi32, #tpu.memory_space<vmem>>, vector<1x1x16xi32>,
        %get3A_751 = arith.index_cast %rem3A_343 : i32 to index
        %get3A_752 = arith.index_cast %scan3A_634 : i32 to index
        %get3A_753 = arith.constant 64 : index
        %get3A_754 = tpu.vector_load %arg10[%get3A_751, %get3A_752, %get3A_753] {strides = array<i32>} : memref<2x10x80xi32, #tpu.memory_space<vmem>>, vector<1x1x16xi32>,
        %get3A_755 = vector.shape_cast %get3A_754 : vector<1x1x16xi32> to vector<16xi32>
        %add3A_756 = vector.broadcast %mul3A_0 : i32 to vector<16xi32>
        %add3A_757 = arith.addi %get3A_755, %add3A_756 : vector<16xi32>
        %swap3A_758 = arith.index_cast %rem3A_343 : i32 to index
        %swap3A_759 = arith.index_cast %scan3A_634 : i32 to index
        %swap3A_760 = arith.constant 64 : index
        %swap3A_761 = tpu.vector_load %arg10[%swap3A_758, %swap3A_759, %swap3A_760] {strides = array<i32>} : memref<2x10x80xi32, #tpu.memory_space<vmem>>, vector<1x1x16xi32>,
        %swap3A_762 = vector.shape_cast %swap3A_761 : vector<1x1x16xi32> to vector<16xi32>
        %swap3A_763 = vector.shape_cast %add3A_757 : vector<16xi32> to vector<1x1x16xi32>
        tpu.vector_store %arg10[%swap3A_758, %swap3A_759, %swap3A_760], %swap3A_763 {strides = array<i32>} : memref<2x10x80xi32, #tpu.memory_space<vmem>>, vector<1x1x16xi32>,
        %scan3A_764 = arith.constant 0 : i32
        scf.yield %scan3A_764 : i32
      }
      %scan3A_573 = arith.constant 10 : i32
      %add3A_574 = arith.constant 1 : i32
      %add3A_575 = arith.addi %scan3A_341, %add3A_574 : i32
      %lt3A = arith.constant 25 : i32
      %lt3A_576 = arith.cmpi slt, %add3A_575, %lt3A : i32
      %convert_element_type3A = arith.extui %lt3A_576 : i1 to i32
      %cond3A = arith.constant 0 : i32
      %cond3A_577 = arith.cmpi ne, %convert_element_type3A, %cond3A : i32
      scf.if %cond3A_577 {
        %add3A_634 = arith.constant 1 : i32
        %add3A_635 = arith.addi %scan3A_341, %add3A_634 : i32
        %sub3A = arith.constant 1 : i32
        %sub3A_636 = arith.subi %sub3A, %rem3A_343 : i32
        %mul3A_637 = arith.constant 800 : i32
        %mul3A_638 = arith.muli %add3A_635, %mul3A_637 : i32
        %add3A_639 = arith.addi %mul3A_265, %mul3A_638 : i32
        %add3A_640 = arith.constant 0 : i32
        %add3A_641 = arith.addi %add3A_639, %add3A_640 : i32
        %dma_start3A_642 = arith.constant 0 : i32
        %dma_start3A_643 = arith.constant 0 : i32
        %dma_start3A_644 = tpu.memref_slice %arg8[%sub3A_636, %dma_start3A_642, %dma_start3A_643] : memref<2x10x80xi32, #tpu.memory_space<vmem>> -> memref<1x1x80xi32, #tpu.memory_space<vmem>>
        %dma_start3A_645 = tpu.memref_squeeze %dma_start3A_644 : memref<1x1x80xi32, #tpu.memory_space<vmem>> -> memref<80xi32, #tpu.memory_space<vmem>>
        %dma_start3A_646 = tpu.memref_slice %arg2[%add3A_641] : memref<320000xi32, #tpu.memory_space<hbm>> -> memref<80xi32, #tpu.memory_space<hbm>>
        %dma_start3A_647 = arith.constant 0 : i32
        %dma_start3A_648 = tpu.memref_slice %arg8[%sub3A_636, %dma_start3A_642, %dma_start3A_647] : memref<2x10x80xi32, #tpu.memory_space<vmem>> -> memref<1x1x80xi32, #tpu.memory_space<vmem>>
        %dma_start3A_649 = tpu.memref_squeeze %dma_start3A_648 : memref<1x1x80xi32, #tpu.memory_space<vmem>> -> memref<80xi32, #tpu.memory_space<vmem>>
        %dma_start3A_650 = tpu.memref_slice %arg2[%add3A_641] : memref<320000xi32, #tpu.memory_space<hbm>> -> memref<80xi32, #tpu.memory_space<hbm>>
        tpu.enqueue_dma source(%dma_start3A_650 : memref<80xi32, #tpu.memory_space<hbm>>) target(%dma_start3A_649 : memref<80xi32, #tpu.memory_space<vmem>>) target_semaphore(%arg20 : memref<!tpu.dma_semaphore, #tpu.memory_space<semaphore_mem>>)
        %add3A_651 = arith.constant 0 : i32
        %add3A_652 = arith.addi %add3A_639, %add3A_651 : i32
        %dma_start3A_653 = arith.constant 0 : i32
        %dma_start3A_654 = arith.constant 0 : i32
        %dma_start3A_655 = tpu.memref_slice %arg10[%sub3A_636, %dma_start3A_653, %dma_start3A_654] : memref<2x10x80xi32, #tpu.memory_space<vmem>> -> memref<1x1x80xi32, #tpu.memory_space<vmem>>
        %dma_start3A_656 = tpu.memref_squeeze %dma_start3A_655 : memref<1x1x80xi32, #tpu.memory_space<vmem>> -> memref<80xi32, #tpu.memory_space<vmem>>
        %dma_start3A_657 = tpu.memref_slice %arg3[%add3A_652] : memref<320000xi32, #tpu.memory_space<hbm>> -> memref<80xi32, #tpu.memory_space<hbm>>
        %dma_start3A_658 = arith.constant 0 : i32
        %dma_start3A_659 = tpu.memref_slice %arg10[%sub3A_636, %dma_start3A_653, %dma_start3A_658] : memref<2x10x80xi32, #tpu.memory_space<vmem>> -> memref<1x1x80xi32, #tpu.memory_space<vmem>>
        %dma_start3A_660 = tpu.memref_squeeze %dma_start3A_659 : memref<1x1x80xi32, #tpu.memory_space<vmem>> -> memref<80xi32, #tpu.memory_space<vmem>>
        %dma_start3A_661 = tpu.memref_slice %arg3[%add3A_652] : memref<320000xi32, #tpu.memory_space<hbm>> -> memref<80xi32, #tpu.memory_space<hbm>>
        tpu.enqueue_dma source(%dma_start3A_661 : memref<80xi32, #tpu.memory_space<hbm>>) target(%dma_start3A_660 : memref<80xi32, #tpu.memory_space<vmem>>) target_semaphore(%arg20 : memref<!tpu.dma_semaphore, #tpu.memory_space<semaphore_mem>>)
        %add3A_662 = arith.constant 80 : i32
        %add3A_663 = arith.addi %add3A_639, %add3A_662 : i32
        %dma_start3A_664 = arith.constant 1 : i32
        %dma_start3A_665 = arith.constant 0 : i32
        %dma_start3A_666 = tpu.memref_slice %arg8[%sub3A_636, %dma_start3A_664, %dma_start3A_665] : memref<2x10x80xi32, #tpu.memory_space<vmem>> -> memref<1x1x80xi32, #tpu.memory_space<vmem>>
        %dma_start3A_667 = tpu.memref_squeeze %dma_start3A_666 : memref<1x1x80xi32, #tpu.memory_space<vmem>> -> memref<80xi32, #tpu.memory_space<vmem>>
        %dma_start3A_668 = tpu.memref_slice %arg2[%add3A_663] : memref<320000xi32, #tpu.memory_space<hbm>> -> memref<80xi32, #tpu.memory_space<hbm>>
        %dma_start3A_669 = arith.constant 0 : i32
        %dma_start3A_670 = tpu.memref_slice %arg8[%sub3A_636, %dma_start3A_664, %dma_start3A_669] : memref<2x10x80xi32, #tpu.memory_space<vmem>> -> memref<1x1x80xi32, #tpu.memory_space<vmem>>
        %dma_start3A_671 = tpu.memref_squeeze %dma_start3A_670 : memref<1x1x80xi32, #tpu.memory_space<vmem>> -> memref<80xi32, #tpu.memory_space<vmem>>
        %dma_start3A_672 = tpu.memref_slice %arg2[%add3A_663] : memref<320000xi32, #tpu.memory_space<hbm>> -> memref<80xi32, #tpu.memory_space<hbm>>
        tpu.enqueue_dma source(%dma_start3A_672 : memref<80xi32, #tpu.memory_space<hbm>>) target(%dma_start3A_671 : memref<80xi32, #tpu.memory_space<vmem>>) target_semaphore(%arg20 : memref<!tpu.dma_semaphore, #tpu.memory_space<semaphore_mem>>)
        %add3A_673 = arith.constant 80 : i32
        %add3A_674 = arith.addi %add3A_639, %add3A_673 : i32
        %dma_start3A_675 = arith.constant 1 : i32
        %dma_start3A_676 = arith.constant 0 : i32
        %dma_start3A_677 = tpu.memref_slice %arg10[%sub3A_636, %dma_start3A_675, %dma_start3A_676] : memref<2x10x80xi32, #tpu.memory_space<vmem>> -> memref<1x1x80xi32, #tpu.memory_space<vmem>>
        %dma_start3A_678 = tpu.memref_squeeze %dma_start3A_677 : memref<1x1x80xi32, #tpu.memory_space<vmem>> -> memref<80xi32, #tpu.memory_space<vmem>>
        %dma_start3A_679 = tpu.memref_slice %arg3[%add3A_674] : memref<320000xi32, #tpu.memory_space<hbm>> -> memref<80xi32, #tpu.memory_space<hbm>>
        %dma_start3A_680 = arith.constant 0 : i32
        %dma_start3A_681 = tpu.memref_slice %arg10[%sub3A_636, %dma_start3A_675, %dma_start3A_680] : memref<2x10x80xi32, #tpu.memory_space<vmem>> -> memref<1x1x80xi32, #tpu.memory_space<vmem>>
        %dma_start3A_682 = tpu.memref_squeeze %dma_start3A_681 : memref<1x1x80xi32, #tpu.memory_space<vmem>> -> memref<80xi32, #tpu.memory_space<vmem>>
        %dma_start3A_683 = tpu.memref_slice %arg3[%add3A_674] : memref<320000xi32, #tpu.memory_space<hbm>> -> memref<80xi32, #tpu.memory_space<hbm>>
        tpu.enqueue_dma source(%dma_start3A_683 : memref<80xi32, #tpu.memory_space<hbm>>) target(%dma_start3A_682 : memref<80xi32, #tpu.memory_space<vmem>>) target_semaphore(%arg20 : memref<!tpu.dma_semaphore, #tpu.memory_space<semaphore_mem>>)
        %add3A_684 = arith.constant 160 : i32
        %add3A_685 = arith.addi %add3A_639, %add3A_684 : i32
        %dma_start3A_686 = arith.constant 2 : i32
        %dma_start3A_687 = arith.constant 0 : i32
        %dma_start3A_688 = tpu.memref_slice %arg8[%sub3A_636, %dma_start3A_686, %dma_start3A_687] : memref<2x10x80xi32, #tpu.memory_space<vmem>> -> memref<1x1x80xi32, #tpu.memory_space<vmem>>
        %dma_start3A_689 = tpu.memref_squeeze %dma_start3A_688 : memref<1x1x80xi32, #tpu.memory_space<vmem>> -> memref<80xi32, #tpu.memory_space<vmem>>
        %dma_start3A_690 = tpu.memref_slice %arg2[%add3A_685] : memref<320000xi32, #tpu.memory_space<hbm>> -> memref<80xi32, #tpu.memory_space<hbm>>
        %dma_start3A_691 = arith.constant 0 : i32
        %dma_start3A_692 = tpu.memref_slice %arg8[%sub3A_636, %dma_start3A_686, %dma_start3A_691] : memref<2x10x80xi32, #tpu.memory_space<vmem>> -> memref<1x1x80xi32, #tpu.memory_space<vmem>>
        %dma_start3A_693 = tpu.memref_squeeze %dma_start3A_692 : memref<1x1x80xi32, #tpu.memory_space<vmem>> -> memref<80xi32, #tpu.memory_space<vmem>>
        %dma_start3A_694 = tpu.memref_slice %arg2[%add3A_685] : memref<320000xi32, #tpu.memory_space<hbm>> -> memref<80xi32, #tpu.memory_space<hbm>>
        tpu.enqueue_dma source(%dma_start3A_694 : memref<80xi32, #tpu.memory_space<hbm>>) target(%dma_start3A_693 : memref<80xi32, #tpu.memory_space<vmem>>) target_semaphore(%arg20 : memref<!tpu.dma_semaphore, #tpu.memory_space<semaphore_mem>>)
        %add3A_695 = arith.constant 160 : i32
        %add3A_696 = arith.addi %add3A_639, %add3A_695 : i32
        %dma_start3A_697 = arith.constant 2 : i32
        %dma_start3A_698 = arith.constant 0 : i32
        %dma_start3A_699 = tpu.memref_slice %arg10[%sub3A_636, %dma_start3A_697, %dma_start3A_698] : memref<2x10x80xi32, #tpu.memory_space<vmem>> -> memref<1x1x80xi32, #tpu.memory_space<vmem>>
        %dma_start3A_700 = tpu.memref_squeeze %dma_start3A_699 : memref<1x1x80xi32, #tpu.memory_space<vmem>> -> memref<80xi32, #tpu.memory_space<vmem>>
        %dma_start3A_701 = tpu.memref_slice %arg3[%add3A_696] : memref<320000xi32, #tpu.memory_space<hbm>> -> memref<80xi32, #tpu.memory_space<hbm>>
        %dma_start3A_702 = arith.constant 0 : i32
        %dma_start3A_703 = tpu.memref_slice %arg10[%sub3A_636, %dma_start3A_697, %dma_start3A_702] : memref<2x10x80xi32, #tpu.memory_space<vmem>> -> memref<1x1x80xi32, #tpu.memory_space<vmem>>
        %dma_start3A_704 = tpu.memref_squeeze %dma_start3A_703 : memref<1x1x80xi32, #tpu.memory_space<vmem>> -> memref<80xi32, #tpu.memory_space<vmem>>
        %dma_start3A_705 = tpu.memref_slice %arg3[%add3A_696] : memref<320000xi32, #tpu.memory_space<hbm>> -> memref<80xi32, #tpu.memory_space<hbm>>
        tpu.enqueue_dma source(%dma_start3A_705 : memref<80xi32, #tpu.memory_space<hbm>>) target(%dma_start3A_704 : memref<80xi32, #tpu.memory_space<vmem>>) target_semaphore(%arg20 : memref<!tpu.dma_semaphore, #tpu.memory_space<semaphore_mem>>)
        %add3A_706 = arith.constant 240 : i32
        %add3A_707 = arith.addi %add3A_639, %add3A_706 : i32
        %dma_start3A_708 = arith.constant 3 : i32
        %dma_start3A_709 = arith.constant 0 : i32
        %dma_start3A_710 = tpu.memref_slice %arg8[%sub3A_636, %dma_start3A_708, %dma_start3A_709] : memref<2x10x80xi32, #tpu.memory_space<vmem>> -> memref<1x1x80xi32, #tpu.memory_space<vmem>>
        %dma_start3A_711 = tpu.memref_squeeze %dma_start3A_710 : memref<1x1x80xi32, #tpu.memory_space<vmem>> -> memref<80xi32, #tpu.memory_space<vmem>>
        %dma_start3A_712 = tpu.memref_slice %arg2[%add3A_707] : memref<320000xi32, #tpu.memory_space<hbm>> -> memref<80xi32, #tpu.memory_space<hbm>>
        %dma_start3A_713 = arith.constant 0 : i32
        %dma_start3A_714 = tpu.memref_slice %arg8[%sub3A_636, %dma_start3A_708, %dma_start3A_713] : memref<2x10x80xi32, #tpu.memory_space<vmem>> -> memref<1x1x80xi32, #tpu.memory_space<vmem>>
        %dma_start3A_715 = tpu.memref_squeeze %dma_start3A_714 : memref<1x1x80xi32, #tpu.memory_space<vmem>> -> memref<80xi32, #tpu.memory_space<vmem>>
        %dma_start3A_716 = tpu.memref_slice %arg2[%add3A_707] : memref<320000xi32, #tpu.memory_space<hbm>> -> memref<80xi32, #tpu.memory_space<hbm>>
        tpu.enqueue_dma source(%dma_start3A_716 : memref<80xi32, #tpu.memory_space<hbm>>) target(%dma_start3A_715 : memref<80xi32, #tpu.memory_space<vmem>>) target_semaphore(%arg20 : memref<!tpu.dma_semaphore, #tpu.memory_space<semaphore_mem>>)
        %add3A_717 = arith.constant 240 : i32
        %add3A_718 = arith.addi %add3A_639, %add3A_717 : i32
        %dma_start3A_719 = arith.constant 3 : i32
        %dma_start3A_720 = arith.constant 0 : i32
        %dma_start3A_721 = tpu.memref_slice %arg10[%sub3A_636, %dma_start3A_719, %dma_start3A_720] : memref<2x10x80xi32, #tpu.memory_space<vmem>> -> memref<1x1x80xi32, #tpu.memory_space<vmem>>
        %dma_start3A_722 = tpu.memref_squeeze %dma_start3A_721 : memref<1x1x80xi32, #tpu.memory_space<vmem>> -> memref<80xi32, #tpu.memory_space<vmem>>
        %dma_start3A_723 = tpu.memref_slice %arg3[%add3A_718] : memref<320000xi32, #tpu.memory_space<hbm>> -> memref<80xi32, #tpu.memory_space<hbm>>
        %dma_start3A_724 = arith.constant 0 : i32
        %dma_start3A_725 = tpu.memref_slice %arg10[%sub3A_636, %dma_start3A_719, %dma_start3A_724] : memref<2x10x80xi32, #tpu.memory_space<vmem>> -> memref<1x1x80xi32, #tpu.memory_space<vmem>>
        %dma_start3A_726 = tpu.memref_squeeze %dma_start3A_725 : memref<1x1x80xi32, #tpu.memory_space<vmem>> -> memref<80xi32, #tpu.memory_space<vmem>>
        %dma_start3A_727 = tpu.memref_slice %arg3[%add3A_718] : memref<320000xi32, #tpu.memory_space<hbm>> -> memref<80xi32, #tpu.memory_space<hbm>>
        tpu.enqueue_dma source(%dma_start3A_727 : memref<80xi32, #tpu.memory_space<hbm>>) target(%dma_start3A_726 : memref<80xi32, #tpu.memory_space<vmem>>) target_semaphore(%arg20 : memref<!tpu.dma_semaphore, #tpu.memory_space<semaphore_mem>>)
        %add3A_728 = arith.constant 320 : i32
        %add3A_729 = arith.addi %add3A_639, %add3A_728 : i32
        %dma_start3A_730 = arith.constant 4 : i32
        %dma_start3A_731 = arith.constant 0 : i32
        %dma_start3A_732 = tpu.memref_slice %arg8[%sub3A_636, %dma_start3A_730, %dma_start3A_731] : memref<2x10x80xi32, #tpu.memory_space<vmem>> -> memref<1x1x80xi32, #tpu.memory_space<vmem>>
        %dma_start3A_733 = tpu.memref_squeeze %dma_start3A_732 : memref<1x1x80xi32, #tpu.memory_space<vmem>> -> memref<80xi32, #tpu.memory_space<vmem>>
        %dma_start3A_734 = tpu.memref_slice %arg2[%add3A_729] : memref<320000xi32, #tpu.memory_space<hbm>> -> memref<80xi32, #tpu.memory_space<hbm>>
        %dma_start3A_735 = arith.constant 0 : i32
        %dma_start3A_736 = tpu.memref_slice %arg8[%sub3A_636, %dma_start3A_730, %dma_start3A_735] : memref<2x10x80xi32, #tpu.memory_space<vmem>> -> memref<1x1x80xi32, #tpu.memory_space<vmem>>
        %dma_start3A_737 = tpu.memref_squeeze %dma_start3A_736 : memref<1x1x80xi32, #tpu.memory_space<vmem>> -> memref<80xi32, #tpu.memory_space<vmem>>
        %dma_start3A_738 = tpu.memref_slice %arg2[%add3A_729] : memref<320000xi32, #tpu.memory_space<hbm>> -> memref<80xi32, #tpu.memory_space<hbm>>
        tpu.enqueue_dma source(%dma_start3A_738 : memref<80xi32, #tpu.memory_space<hbm>>) target(%dma_start3A_737 : memref<80xi32, #tpu.memory_space<vmem>>) target_semaphore(%arg20 : memref<!tpu.dma_semaphore, #tpu.memory_space<semaphore_mem>>)
        %add3A_739 = arith.constant 320 : i32
        %add3A_740 = arith.addi %add3A_639, %add3A_739 : i32
        %dma_start3A_741 = arith.constant 4 : i32
        %dma_start3A_742 = arith.constant 0 : i32
        %dma_start3A_743 = tpu.memref_slice %arg10[%sub3A_636, %dma_start3A_741, %dma_start3A_742] : memref<2x10x80xi32, #tpu.memory_space<vmem>> -> memref<1x1x80xi32, #tpu.memory_space<vmem>>
        %dma_start3A_744 = tpu.memref_squeeze %dma_start3A_743 : memref<1x1x80xi32, #tpu.memory_space<vmem>> -> memref<80xi32, #tpu.memory_space<vmem>>
        %dma_start3A_745 = tpu.memref_slice %arg3[%add3A_740] : memref<320000xi32, #tpu.memory_space<hbm>> -> memref<80xi32, #tpu.memory_space<hbm>>
        %dma_start3A_746 = arith.constant 0 : i32
        %dma_start3A_747 = tpu.memref_slice %arg10[%sub3A_636, %dma_start3A_741, %dma_start3A_746] : memref<2x10x80xi32, #tpu.memory_space<vmem>> -> memref<1x1x80xi32, #tpu.memory_space<vmem>>
        %dma_start3A_748 = tpu.memref_squeeze %dma_start3A_747 : memref<1x1x80xi32, #tpu.memory_space<vmem>> -> memref<80xi32, #tpu.memory_space<vmem>>
        %dma_start3A_749 = tpu.memref_slice %arg3[%add3A_740] : memref<320000xi32, #tpu.memory_space<hbm>> -> memref<80xi32, #tpu.memory_space<hbm>>
        tpu.enqueue_dma source(%dma_start3A_749 : memref<80xi32, #tpu.memory_space<hbm>>) target(%dma_start3A_748 : memref<80xi32, #tpu.memory_space<vmem>>) target_semaphore(%arg20 : memref<!tpu.dma_semaphore, #tpu.memory_space<semaphore_mem>>)
        %add3A_750 = arith.constant 400 : i32
        %add3A_751 = arith.addi %add3A_639, %add3A_750 : i32
        %dma_start3A_752 = arith.constant 5 : i32
        %dma_start3A_753 = arith.constant 0 : i32
        %dma_start3A_754 = tpu.memref_slice %arg8[%sub3A_636, %dma_start3A_752, %dma_start3A_753] : memref<2x10x80xi32, #tpu.memory_space<vmem>> -> memref<1x1x80xi32, #tpu.memory_space<vmem>>
        %dma_start3A_755 = tpu.memref_squeeze %dma_start3A_754 : memref<1x1x80xi32, #tpu.memory_space<vmem>> -> memref<80xi32, #tpu.memory_space<vmem>>
        %dma_start3A_756 = tpu.memref_slice %arg2[%add3A_751] : memref<320000xi32, #tpu.memory_space<hbm>> -> memref<80xi32, #tpu.memory_space<hbm>>
        %dma_start3A_757 = arith.constant 0 : i32
        %dma_start3A_758 = tpu.memref_slice %arg8[%sub3A_636, %dma_start3A_752, %dma_start3A_757] : memref<2x10x80xi32, #tpu.memory_space<vmem>> -> memref<1x1x80xi32, #tpu.memory_space<vmem>>
        %dma_start3A_759 = tpu.memref_squeeze %dma_start3A_758 : memref<1x1x80xi32, #tpu.memory_space<vmem>> -> memref<80xi32, #tpu.memory_space<vmem>>
        %dma_start3A_760 = tpu.memref_slice %arg2[%add3A_751] : memref<320000xi32, #tpu.memory_space<hbm>> -> memref<80xi32, #tpu.memory_space<hbm>>
        tpu.enqueue_dma source(%dma_start3A_760 : memref<80xi32, #tpu.memory_space<hbm>>) target(%dma_start3A_759 : memref<80xi32, #tpu.memory_space<vmem>>) target_semaphore(%arg20 : memref<!tpu.dma_semaphore, #tpu.memory_space<semaphore_mem>>)
        %add3A_761 = arith.constant 400 : i32
        %add3A_762 = arith.addi %add3A_639, %add3A_761 : i32
        %dma_start3A_763 = arith.constant 5 : i32
        %dma_start3A_764 = arith.constant 0 : i32
        %dma_start3A_765 = tpu.memref_slice %arg10[%sub3A_636, %dma_start3A_763, %dma_start3A_764] : memref<2x10x80xi32, #tpu.memory_space<vmem>> -> memref<1x1x80xi32, #tpu.memory_space<vmem>>
        %dma_start3A_766 = tpu.memref_squeeze %dma_start3A_765 : memref<1x1x80xi32, #tpu.memory_space<vmem>> -> memref<80xi32, #tpu.memory_space<vmem>>
        %dma_start3A_767 = tpu.memref_slice %arg3[%add3A_762] : memref<320000xi32, #tpu.memory_space<hbm>> -> memref<80xi32, #tpu.memory_space<hbm>>
        %dma_start3A_768 = arith.constant 0 : i32
        %dma_start3A_769 = tpu.memref_slice %arg10[%sub3A_636, %dma_start3A_763, %dma_start3A_768] : memref<2x10x80xi32, #tpu.memory_space<vmem>> -> memref<1x1x80xi32, #tpu.memory_space<vmem>>
        %dma_start3A_770 = tpu.memref_squeeze %dma_start3A_769 : memref<1x1x80xi32, #tpu.memory_space<vmem>> -> memref<80xi32, #tpu.memory_space<vmem>>
        %dma_start3A_771 = tpu.memref_slice %arg3[%add3A_762] : memref<320000xi32, #tpu.memory_space<hbm>> -> memref<80xi32, #tpu.memory_space<hbm>>
        tpu.enqueue_dma source(%dma_start3A_771 : memref<80xi32, #tpu.memory_space<hbm>>) target(%dma_start3A_770 : memref<80xi32, #tpu.memory_space<vmem>>) target_semaphore(%arg20 : memref<!tpu.dma_semaphore, #tpu.memory_space<semaphore_mem>>)
        %add3A_772 = arith.constant 480 : i32
        %add3A_773 = arith.addi %add3A_639, %add3A_772 : i32
        %dma_start3A_774 = arith.constant 6 : i32
        %dma_start3A_775 = arith.constant 0 : i32
        %dma_start3A_776 = tpu.memref_slice %arg8[%sub3A_636, %dma_start3A_774, %dma_start3A_775] : memref<2x10x80xi32, #tpu.memory_space<vmem>> -> memref<1x1x80xi32, #tpu.memory_space<vmem>>
        %dma_start3A_777 = tpu.memref_squeeze %dma_start3A_776 : memref<1x1x80xi32, #tpu.memory_space<vmem>> -> memref<80xi32, #tpu.memory_space<vmem>>
        %dma_start3A_778 = tpu.memref_slice %arg2[%add3A_773] : memref<320000xi32, #tpu.memory_space<hbm>> -> memref<80xi32, #tpu.memory_space<hbm>>
        %dma_start3A_779 = arith.constant 0 : i32
        %dma_start3A_780 = tpu.memref_slice %arg8[%sub3A_636, %dma_start3A_774, %dma_start3A_779] : memref<2x10x80xi32, #tpu.memory_space<vmem>> -> memref<1x1x80xi32, #tpu.memory_space<vmem>>
        %dma_start3A_781 = tpu.memref_squeeze %dma_start3A_780 : memref<1x1x80xi32, #tpu.memory_space<vmem>> -> memref<80xi32, #tpu.memory_space<vmem>>
        %dma_start3A_782 = tpu.memref_slice %arg2[%add3A_773] : memref<320000xi32, #tpu.memory_space<hbm>> -> memref<80xi32, #tpu.memory_space<hbm>>
        tpu.enqueue_dma source(%dma_start3A_782 : memref<80xi32, #tpu.memory_space<hbm>>) target(%dma_start3A_781 : memref<80xi32, #tpu.memory_space<vmem>>) target_semaphore(%arg20 : memref<!tpu.dma_semaphore, #tpu.memory_space<semaphore_mem>>)
        %add3A_783 = arith.constant 480 : i32
        %add3A_784 = arith.addi %add3A_639, %add3A_783 : i32
        %dma_start3A_785 = arith.constant 6 : i32
        %dma_start3A_786 = arith.constant 0 : i32
        %dma_start3A_787 = tpu.memref_slice %arg10[%sub3A_636, %dma_start3A_785, %dma_start3A_786] : memref<2x10x80xi32, #tpu.memory_space<vmem>> -> memref<1x1x80xi32, #tpu.memory_space<vmem>>
        %dma_start3A_788 = tpu.memref_squeeze %dma_start3A_787 : memref<1x1x80xi32, #tpu.memory_space<vmem>> -> memref<80xi32, #tpu.memory_space<vmem>>
        %dma_start3A_789 = tpu.memref_slice %arg3[%add3A_784] : memref<320000xi32, #tpu.memory_space<hbm>> -> memref<80xi32, #tpu.memory_space<hbm>>
        %dma_start3A_790 = arith.constant 0 : i32
        %dma_start3A_791 = tpu.memref_slice %arg10[%sub3A_636, %dma_start3A_785, %dma_start3A_790] : memref<2x10x80xi32, #tpu.memory_space<vmem>> -> memref<1x1x80xi32, #tpu.memory_space<vmem>>
        %dma_start3A_792 = tpu.memref_squeeze %dma_start3A_791 : memref<1x1x80xi32, #tpu.memory_space<vmem>> -> memref<80xi32, #tpu.memory_space<vmem>>
        %dma_start3A_793 = tpu.memref_slice %arg3[%add3A_784] : memref<320000xi32, #tpu.memory_space<hbm>> -> memref<80xi32, #tpu.memory_space<hbm>>
        tpu.enqueue_dma source(%dma_start3A_793 : memref<80xi32, #tpu.memory_space<hbm>>) target(%dma_start3A_792 : memref<80xi32, #tpu.memory_space<vmem>>) target_semaphore(%arg20 : memref<!tpu.dma_semaphore, #tpu.memory_space<semaphore_mem>>)
        %add3A_794 = arith.constant 560 : i32
        %add3A_795 = arith.addi %add3A_639, %add3A_794 : i32
        %dma_start3A_796 = arith.constant 7 : i32
        %dma_start3A_797 = arith.constant 0 : i32
        %dma_start3A_798 = tpu.memref_slice %arg8[%sub3A_636, %dma_start3A_796, %dma_start3A_797] : memref<2x10x80xi32, #tpu.memory_space<vmem>> -> memref<1x1x80xi32, #tpu.memory_space<vmem>>
        %dma_start3A_799 = tpu.memref_squeeze %dma_start3A_798 : memref<1x1x80xi32, #tpu.memory_space<vmem>> -> memref<80xi32, #tpu.memory_space<vmem>>
        %dma_start3A_800 = tpu.memref_slice %arg2[%add3A_795] : memref<320000xi32, #tpu.memory_space<hbm>> -> memref<80xi32, #tpu.memory_space<hbm>>
        %dma_start3A_801 = arith.constant 0 : i32
        %dma_start3A_802 = tpu.memref_slice %arg8[%sub3A_636, %dma_start3A_796, %dma_start3A_801] : memref<2x10x80xi32, #tpu.memory_space<vmem>> -> memref<1x1x80xi32, #tpu.memory_space<vmem>>
        %dma_start3A_803 = tpu.memref_squeeze %dma_start3A_802 : memref<1x1x80xi32, #tpu.memory_space<vmem>> -> memref<80xi32, #tpu.memory_space<vmem>>
        %dma_start3A_804 = tpu.memref_slice %arg2[%add3A_795] : memref<320000xi32, #tpu.memory_space<hbm>> -> memref<80xi32, #tpu.memory_space<hbm>>
        tpu.enqueue_dma source(%dma_start3A_804 : memref<80xi32, #tpu.memory_space<hbm>>) target(%dma_start3A_803 : memref<80xi32, #tpu.memory_space<vmem>>) target_semaphore(%arg20 : memref<!tpu.dma_semaphore, #tpu.memory_space<semaphore_mem>>)
        %add3A_805 = arith.constant 560 : i32
        %add3A_806 = arith.addi %add3A_639, %add3A_805 : i32
        %dma_start3A_807 = arith.constant 7 : i32
        %dma_start3A_808 = arith.constant 0 : i32
        %dma_start3A_809 = tpu.memref_slice %arg10[%sub3A_636, %dma_start3A_807, %dma_start3A_808] : memref<2x10x80xi32, #tpu.memory_space<vmem>> -> memref<1x1x80xi32, #tpu.memory_space<vmem>>
        %dma_start3A_810 = tpu.memref_squeeze %dma_start3A_809 : memref<1x1x80xi32, #tpu.memory_space<vmem>> -> memref<80xi32, #tpu.memory_space<vmem>>
        %dma_start3A_811 = tpu.memref_slice %arg3[%add3A_806] : memref<320000xi32, #tpu.memory_space<hbm>> -> memref<80xi32, #tpu.memory_space<hbm>>
        %dma_start3A_812 = arith.constant 0 : i32
        %dma_start3A_813 = tpu.memref_slice %arg10[%sub3A_636, %dma_start3A_807, %dma_start3A_812] : memref<2x10x80xi32, #tpu.memory_space<vmem>> -> memref<1x1x80xi32, #tpu.memory_space<vmem>>
        %dma_start3A_814 = tpu.memref_squeeze %dma_start3A_813 : memref<1x1x80xi32, #tpu.memory_space<vmem>> -> memref<80xi32, #tpu.memory_space<vmem>>
        %dma_start3A_815 = tpu.memref_slice %arg3[%add3A_806] : memref<320000xi32, #tpu.memory_space<hbm>> -> memref<80xi32, #tpu.memory_space<hbm>>
        tpu.enqueue_dma source(%dma_start3A_815 : memref<80xi32, #tpu.memory_space<hbm>>) target(%dma_start3A_814 : memref<80xi32, #tpu.memory_space<vmem>>) target_semaphore(%arg20 : memref<!tpu.dma_semaphore, #tpu.memory_space<semaphore_mem>>)
        %add3A_816 = arith.constant 640 : i32
        %add3A_817 = arith.addi %add3A_639, %add3A_816 : i32
        %dma_start3A_818 = arith.constant 8 : i32
        %dma_start3A_819 = arith.constant 0 : i32
        %dma_start3A_820 = tpu.memref_slice %arg8[%sub3A_636, %dma_start3A_818, %dma_start3A_819] : memref<2x10x80xi32, #tpu.memory_space<vmem>> -> memref<1x1x80xi32, #tpu.memory_space<vmem>>
        %dma_start3A_821 = tpu.memref_squeeze %dma_start3A_820 : memref<1x1x80xi32, #tpu.memory_space<vmem>> -> memref<80xi32, #tpu.memory_space<vmem>>
        %dma_start3A_822 = tpu.memref_slice %arg2[%add3A_817] : memref<320000xi32, #tpu.memory_space<hbm>> -> memref<80xi32, #tpu.memory_space<hbm>>
        %dma_start3A_823 = arith.constant 0 : i32
        %dma_start3A_824 = tpu.memref_slice %arg8[%sub3A_636, %dma_start3A_818, %dma_start3A_823] : memref<2x10x80xi32, #tpu.memory_space<vmem>> -> memref<1x1x80xi32, #tpu.memory_space<vmem>>
        %dma_start3A_825 = tpu.memref_squeeze %dma_start3A_824 : memref<1x1x80xi32, #tpu.memory_space<vmem>> -> memref<80xi32, #tpu.memory_space<vmem>>
        %dma_start3A_826 = tpu.memref_slice %arg2[%add3A_817] : memref<320000xi32, #tpu.memory_space<hbm>> -> memref<80xi32, #tpu.memory_space<hbm>>
        tpu.enqueue_dma source(%dma_start3A_826 : memref<80xi32, #tpu.memory_space<hbm>>) target(%dma_start3A_825 : memref<80xi32, #tpu.memory_space<vmem>>) target_semaphore(%arg20 : memref<!tpu.dma_semaphore, #tpu.memory_space<semaphore_mem>>)
        %add3A_827 = arith.constant 640 : i32
        %add3A_828 = arith.addi %add3A_639, %add3A_827 : i32
        %dma_start3A_829 = arith.constant 8 : i32
        %dma_start3A_830 = arith.constant 0 : i32
        %dma_start3A_831 = tpu.memref_slice %arg10[%sub3A_636, %dma_start3A_829, %dma_start3A_830] : memref<2x10x80xi32, #tpu.memory_space<vmem>> -> memref<1x1x80xi32, #tpu.memory_space<vmem>>
        %dma_start3A_832 = tpu.memref_squeeze %dma_start3A_831 : memref<1x1x80xi32, #tpu.memory_space<vmem>> -> memref<80xi32, #tpu.memory_space<vmem>>
        %dma_start3A_833 = tpu.memref_slice %arg3[%add3A_828] : memref<320000xi32, #tpu.memory_space<hbm>> -> memref<80xi32, #tpu.memory_space<hbm>>
        %dma_start3A_834 = arith.constant 0 : i32
        %dma_start3A_835 = tpu.memref_slice %arg10[%sub3A_636, %dma_start3A_829, %dma_start3A_834] : memref<2x10x80xi32, #tpu.memory_space<vmem>> -> memref<1x1x80xi32, #tpu.memory_space<vmem>>
        %dma_start3A_836 = tpu.memref_squeeze %dma_start3A_835 : memref<1x1x80xi32, #tpu.memory_space<vmem>> -> memref<80xi32, #tpu.memory_space<vmem>>
        %dma_start3A_837 = tpu.memref_slice %arg3[%add3A_828] : memref<320000xi32, #tpu.memory_space<hbm>> -> memref<80xi32, #tpu.memory_space<hbm>>
        tpu.enqueue_dma source(%dma_start3A_837 : memref<80xi32, #tpu.memory_space<hbm>>) target(%dma_start3A_836 : memref<80xi32, #tpu.memory_space<vmem>>) target_semaphore(%arg20 : memref<!tpu.dma_semaphore, #tpu.memory_space<semaphore_mem>>)
        %add3A_838 = arith.constant 720 : i32
        %add3A_839 = arith.addi %add3A_639, %add3A_838 : i32
        %dma_start3A_840 = arith.constant 9 : i32
        %dma_start3A_841 = arith.constant 0 : i32
        %dma_start3A_842 = tpu.memref_slice %arg8[%sub3A_636, %dma_start3A_840, %dma_start3A_841] : memref<2x10x80xi32, #tpu.memory_space<vmem>> -> memref<1x1x80xi32, #tpu.memory_space<vmem>>
        %dma_start3A_843 = tpu.memref_squeeze %dma_start3A_842 : memref<1x1x80xi32, #tpu.memory_space<vmem>> -> memref<80xi32, #tpu.memory_space<vmem>>
        %dma_start3A_844 = tpu.memref_slice %arg2[%add3A_839] : memref<320000xi32, #tpu.memory_space<hbm>> -> memref<80xi32, #tpu.memory_space<hbm>>
        %dma_start3A_845 = arith.constant 0 : i32
        %dma_start3A_846 = tpu.memref_slice %arg8[%sub3A_636, %dma_start3A_840, %dma_start3A_845] : memref<2x10x80xi32, #tpu.memory_space<vmem>> -> memref<1x1x80xi32, #tpu.memory_space<vmem>>
        %dma_start3A_847 = tpu.memref_squeeze %dma_start3A_846 : memref<1x1x80xi32, #tpu.memory_space<vmem>> -> memref<80xi32, #tpu.memory_space<vmem>>
        %dma_start3A_848 = tpu.memref_slice %arg2[%add3A_839] : memref<320000xi32, #tpu.memory_space<hbm>> -> memref<80xi32, #tpu.memory_space<hbm>>
        tpu.enqueue_dma source(%dma_start3A_848 : memref<80xi32, #tpu.memory_space<hbm>>) target(%dma_start3A_847 : memref<80xi32, #tpu.memory_space<vmem>>) target_semaphore(%arg20 : memref<!tpu.dma_semaphore, #tpu.memory_space<semaphore_mem>>)
        %add3A_849 = arith.constant 720 : i32
        %add3A_850 = arith.addi %add3A_639, %add3A_849 : i32
        %dma_start3A_851 = arith.constant 9 : i32
        %dma_start3A_852 = arith.constant 0 : i32
        %dma_start3A_853 = tpu.memref_slice %arg10[%sub3A_636, %dma_start3A_851, %dma_start3A_852] : memref<2x10x80xi32, #tpu.memory_space<vmem>> -> memref<1x1x80xi32, #tpu.memory_space<vmem>>
        %dma_start3A_854 = tpu.memref_squeeze %dma_start3A_853 : memref<1x1x80xi32, #tpu.memory_space<vmem>> -> memref<80xi32, #tpu.memory_space<vmem>>
        %dma_start3A_855 = tpu.memref_slice %arg3[%add3A_850] : memref<320000xi32, #tpu.memory_space<hbm>> -> memref<80xi32, #tpu.memory_space<hbm>>
        %dma_start3A_856 = arith.constant 0 : i32
        %dma_start3A_857 = tpu.memref_slice %arg10[%sub3A_636, %dma_start3A_851, %dma_start3A_856] : memref<2x10x80xi32, #tpu.memory_space<vmem>> -> memref<1x1x80xi32, #tpu.memory_space<vmem>>
        %dma_start3A_858 = tpu.memref_squeeze %dma_start3A_857 : memref<1x1x80xi32, #tpu.memory_space<vmem>> -> memref<80xi32, #tpu.memory_space<vmem>>
        %dma_start3A_859 = tpu.memref_slice %arg3[%add3A_850] : memref<320000xi32, #tpu.memory_space<hbm>> -> memref<80xi32, #tpu.memory_space<hbm>>
        tpu.enqueue_dma source(%dma_start3A_859 : memref<80xi32, #tpu.memory_space<hbm>>) target(%dma_start3A_858 : memref<80xi32, #tpu.memory_space<vmem>>) target_semaphore(%arg20 : memref<!tpu.dma_semaphore, #tpu.memory_space<semaphore_mem>>)
      } else {
      }
      %dma_start3A_578 = arith.constant 0 : i32
      %dma_start3A_579 = arith.constant 0 : i32
      %dma_start3A_580 = arith.constant 0 : i32
      %dma_start3A_581 = arith.constant 0 : i32
      %dma_start3A_582 = tpu.memref_slice %arg11[%dma_start3A_579, %dma_start3A_580, %dma_start3A_581] : memref<2x80x64xf32, #tpu.memory_space<vmem>> -> memref<1x40x64xf32, #tpu.memory_space<vmem>>
      %dma_start3A_583 = tpu.memref_squeeze %dma_start3A_582 : memref<1x40x64xf32, #tpu.memory_space<vmem>> -> memref<40x64xf32, #tpu.memory_space<vmem>>
      %dma_start3A_584 = arith.constant 0 : i32
      %dma_start3A_585 = tpu.memref_slice %arg9[%rem3A_343, %dma_start3A_578, %dma_start3A_584] : memref<2x10x80xi32, #tpu.memory_space<vmem>> -> memref<1x1x40xi32, #tpu.memory_space<vmem>>
      %dma_start3A_586 = tpu.memref_squeeze %dma_start3A_585 : memref<1x1x40xi32, #tpu.memory_space<vmem>> -> memref<40xi32, #tpu.memory_space<vmem>>
      %dma_start3A_587 = arith.constant 0 : i32
      %dma_start3A_588 = arith.constant 0 : i32
      %dma_start3A_589 = tpu.memref_slice %arg4[%dma_start3A_587, %dma_start3A_588] : memref<20000x64xf32, #tpu.memory_space<hbm>> -> memref<20000x64xf32, #tpu.memory_space<hbm>>
      tpu.enqueue_indirect_dma source(%dma_start3A_589 : memref<20000x64xf32, #tpu.memory_space<hbm>>) target(%dma_start3A_583 : memref<40x64xf32, #tpu.memory_space<vmem>>) offsets(%dma_start3A_586 : memref<40xi32, #tpu.memory_space<vmem>>) semaphore(%arg16 : memref<!tpu.dma_semaphore, #tpu.memory_space<semaphore_mem>>)
      %dma_start3A_590 = arith.constant 0 : i32
      %dma_start3A_591 = arith.constant 0 : i32
      %dma_start3A_592 = arith.constant 0 : i32
      %dma_start3A_593 = arith.constant 0 : i32
      %dma_start3A_594 = tpu.memref_slice %arg12[%dma_start3A_591, %dma_start3A_592, %dma_start3A_593] : memref<2x80x128xf32, #tpu.memory_space<vmem>> -> memref<1x40x128xf32, #tpu.memory_space<vmem>>
      %dma_start3A_595 = tpu.memref_squeeze %dma_start3A_594 : memref<1x40x128xf32, #tpu.memory_space<vmem>> -> memref<40x128xf32, #tpu.memory_space<vmem>>
      %dma_start3A_596 = arith.constant 0 : i32
      %dma_start3A_597 = tpu.memref_slice %arg10[%rem3A_343, %dma_start3A_590, %dma_start3A_596] : memref<2x10x80xi32, #tpu.memory_space<vmem>> -> memref<1x1x40xi32, #tpu.memory_space<vmem>>
      %dma_start3A_598 = tpu.memref_squeeze %dma_start3A_597 : memref<1x1x40xi32, #tpu.memory_space<vmem>> -> memref<40xi32, #tpu.memory_space<vmem>>
      %dma_start3A_599 = arith.constant 0 : i32
      %dma_start3A_600 = arith.constant 0 : i32
      %dma_start3A_601 = tpu.memref_slice %arg5[%dma_start3A_599, %dma_start3A_600] : memref<20000x128xf32, #tpu.memory_space<hbm>> -> memref<20000x128xf32, #tpu.memory_space<hbm>>
      tpu.enqueue_indirect_dma source(%dma_start3A_601 : memref<20000x128xf32, #tpu.memory_space<hbm>>) target(%dma_start3A_595 : memref<40x128xf32, #tpu.memory_space<vmem>>) offsets(%dma_start3A_598 : memref<40xi32, #tpu.memory_space<vmem>>) semaphore(%arg18 : memref<!tpu.dma_semaphore, #tpu.memory_space<semaphore_mem>>)
      %dma_start3A_602 = arith.constant 0 : i32
      %dma_start3A_603 = arith.constant 0 : i32
      %dma_start3A_604 = arith.constant 40 : i32
      %dma_start3A_605 = arith.constant 0 : i32
      %dma_start3A_606 = tpu.memref_slice %arg11[%dma_start3A_603, %dma_start3A_604, %dma_start3A_605] : memref<2x80x64xf32, #tpu.memory_space<vmem>> -> memref<1x40x64xf32, #tpu.memory_space<vmem>>
      %dma_start3A_607 = tpu.memref_squeeze %dma_start3A_606 : memref<1x40x64xf32, #tpu.memory_space<vmem>> -> memref<40x64xf32, #tpu.memory_space<vmem>>
      %dma_start3A_608 = arith.constant 40 : i32
      %dma_start3A_609 = tpu.memref_slice %arg9[%rem3A_343, %dma_start3A_602, %dma_start3A_608] : memref<2x10x80xi32, #tpu.memory_space<vmem>> -> memref<1x1x40xi32, #tpu.memory_space<vmem>>
      %dma_start3A_610 = tpu.memref_squeeze %dma_start3A_609 : memref<1x1x40xi32, #tpu.memory_space<vmem>> -> memref<40xi32, #tpu.memory_space<vmem>>
      %dma_start3A_611 = arith.constant 0 : i32
      %dma_start3A_612 = arith.constant 0 : i32
      %dma_start3A_613 = tpu.memref_slice %arg4[%dma_start3A_611, %dma_start3A_612] : memref<20000x64xf32, #tpu.memory_space<hbm>> -> memref<20000x64xf32, #tpu.memory_space<hbm>>
      tpu.enqueue_indirect_dma source(%dma_start3A_613 : memref<20000x64xf32, #tpu.memory_space<hbm>>) target(%dma_start3A_607 : memref<40x64xf32, #tpu.memory_space<vmem>>) offsets(%dma_start3A_610 : memref<40xi32, #tpu.memory_space<vmem>>) semaphore(%arg16 : memref<!tpu.dma_semaphore, #tpu.memory_space<semaphore_mem>>)
      %dma_start3A_614 = arith.constant 0 : i32
      %dma_start3A_615 = arith.constant 0 : i32
      %dma_start3A_616 = arith.constant 40 : i32
      %dma_start3A_617 = arith.constant 0 : i32
      %dma_start3A_618 = tpu.memref_slice %arg12[%dma_start3A_615, %dma_start3A_616, %dma_start3A_617] : memref<2x80x128xf32, #tpu.memory_space<vmem>> -> memref<1x40x128xf32, #tpu.memory_space<vmem>>
      %dma_start3A_619 = tpu.memref_squeeze %dma_start3A_618 : memref<1x40x128xf32, #tpu.memory_space<vmem>> -> memref<40x128xf32, #tpu.memory_space<vmem>>
      %dma_start3A_620 = arith.constant 40 : i32
      %dma_start3A_621 = tpu.memref_slice %arg10[%rem3A_343, %dma_start3A_614, %dma_start3A_620] : memref<2x10x80xi32, #tpu.memory_space<vmem>> -> memref<1x1x40xi32, #tpu.memory_space<vmem>>
      %dma_start3A_622 = tpu.memref_squeeze %dma_start3A_621 : memref<1x1x40xi32, #tpu.memory_space<vmem>> -> memref<40xi32, #tpu.memory_space<vmem>>
      %dma_start3A_623 = arith.constant 0 : i32
      %dma_start3A_624 = arith.constant 0 : i32
      %dma_start3A_625 = tpu.memref_slice %arg5[%dma_start3A_623, %dma_start3A_624] : memref<20000x128xf32, #tpu.memory_space<hbm>> -> memref<20000x128xf32, #tpu.memory_space<hbm>>
      tpu.enqueue_indirect_dma source(%dma_start3A_625 : memref<20000x128xf32, #tpu.memory_space<hbm>>) target(%dma_start3A_619 : memref<40x128xf32, #tpu.memory_space<vmem>>) offsets(%dma_start3A_622 : memref<40xi32, #tpu.memory_space<vmem>>) semaphore(%arg18 : memref<!tpu.dma_semaphore, #tpu.memory_space<semaphore_mem>>)
      %scan3A_626 = arith.constant 0 : i32
      %scan3A_627 = arith.constant 0 : i32
      %scan3A_628 = arith.constant 5 : i32
      %scan3A_629 = arith.addi %scan3A_627, %scan3A_628 : i32
      %scan3A_630 = arith.constant 1 : i32
      %scan3A_631 = scf.for %scan3A_634 = %scan3A_627 to %scan3A_629 step %scan3A_630 iter_args(%scan3A_635 = %scan3A_626) -> (i32)  : i32 {
        %mul3A_636 = arith.constant 2 : i32
        %mul3A_637 = arith.muli %mul3A_636, %scan3A_634 : i32
        %add3A_638 = arith.constant 1 : i32
        %add3A_639 = arith.addi %mul3A_637, %add3A_638 : i32
        %dma_start3A_640 = arith.constant 1 : i32
        %dma_start3A_641 = arith.constant 0 : i32
        %dma_start3A_642 = arith.constant 0 : i32
        %dma_start3A_643 = tpu.memref_slice %arg11[%dma_start3A_640, %dma_start3A_641, %dma_start3A_642] : memref<2x80x64xf32, #tpu.memory_space<vmem>> -> memref<1x40x64xf32, #tpu.memory_space<vmem>>
        %dma_start3A_644 = tpu.memref_squeeze %dma_start3A_643 : memref<1x40x64xf32, #tpu.memory_space<vmem>> -> memref<40x64xf32, #tpu.memory_space<vmem>>
        %dma_start3A_645 = arith.constant 0 : i32
        %dma_start3A_646 = tpu.memref_slice %arg9[%rem3A_343, %add3A_639, %dma_start3A_645] : memref<2x10x80xi32, #tpu.memory_space<vmem>> -> memref<1x1x40xi32, #tpu.memory_space<vmem>>
        %dma_start3A_647 = tpu.memref_squeeze %dma_start3A_646 : memref<1x1x40xi32, #tpu.memory_space<vmem>> -> memref<40xi32, #tpu.memory_space<vmem>>
        %dma_start3A_648 = arith.constant 0 : i32
        %dma_start3A_649 = arith.constant 0 : i32
        %dma_start3A_650 = tpu.memref_slice %arg4[%dma_start3A_648, %dma_start3A_649] : memref<20000x64xf32, #tpu.memory_space<hbm>> -> memref<20000x64xf32, #tpu.memory_space<hbm>>
        tpu.enqueue_indirect_dma source(%dma_start3A_650 : memref<20000x64xf32, #tpu.memory_space<hbm>>) target(%dma_start3A_644 : memref<40x64xf32, #tpu.memory_space<vmem>>) offsets(%dma_start3A_647 : memref<40xi32, #tpu.memory_space<vmem>>) semaphore(%arg17 : memref<!tpu.dma_semaphore, #tpu.memory_space<semaphore_mem>>)
        %dma_start3A_651 = arith.constant 1 : i32
        %dma_start3A_652 = arith.constant 0 : i32
        %dma_start3A_653 = arith.constant 0 : i32
        %dma_start3A_654 = tpu.memref_slice %arg12[%dma_start3A_651, %dma_start3A_652, %dma_start3A_653] : memref<2x80x128xf32, #tpu.memory_space<vmem>> -> memref<1x40x128xf32, #tpu.memory_space<vmem>>
        %dma_start3A_655 = tpu.memref_squeeze %dma_start3A_654 : memref<1x40x128xf32, #tpu.memory_space<vmem>> -> memref<40x128xf32, #tpu.memory_space<vmem>>
        %dma_start3A_656 = arith.constant 0 : i32
        %dma_start3A_657 = tpu.memref_slice %arg10[%rem3A_343, %add3A_639, %dma_start3A_656] : memref<2x10x80xi32, #tpu.memory_space<vmem>> -> memref<1x1x40xi32, #tpu.memory_space<vmem>>
        %dma_start3A_658 = tpu.memref_squeeze %dma_start3A_657 : memref<1x1x40xi32, #tpu.memory_space<vmem>> -> memref<40xi32, #tpu.memory_space<vmem>>
        %dma_start3A_659 = arith.constant 0 : i32
        %dma_start3A_660 = arith.constant 0 : i32
        %dma_start3A_661 = tpu.memref_slice %arg5[%dma_start3A_659, %dma_start3A_660] : memref<20000x128xf32, #tpu.memory_space<hbm>> -> memref<20000x128xf32, #tpu.memory_space<hbm>>
        tpu.enqueue_indirect_dma source(%dma_start3A_661 : memref<20000x128xf32, #tpu.memory_space<hbm>>) target(%dma_start3A_655 : memref<40x128xf32, #tpu.memory_space<vmem>>) offsets(%dma_start3A_658 : memref<40xi32, #tpu.memory_space<vmem>>) semaphore(%arg19 : memref<!tpu.dma_semaphore, #tpu.memory_space<semaphore_mem>>)
        %dma_start3A_662 = arith.constant 1 : i32
        %dma_start3A_663 = arith.constant 40 : i32
        %dma_start3A_664 = arith.constant 0 : i32
        %dma_start3A_665 = tpu.memref_slice %arg11[%dma_start3A_662, %dma_start3A_663, %dma_start3A_664] : memref<2x80x64xf32, #tpu.memory_space<vmem>> -> memref<1x40x64xf32, #tpu.memory_space<vmem>>
        %dma_start3A_666 = tpu.memref_squeeze %dma_start3A_665 : memref<1x40x64xf32, #tpu.memory_space<vmem>> -> memref<40x64xf32, #tpu.memory_space<vmem>>
        %dma_start3A_667 = arith.constant 40 : i32
        %dma_start3A_668 = tpu.memref_slice %arg9[%rem3A_343, %add3A_639, %dma_start3A_667] : memref<2x10x80xi32, #tpu.memory_space<vmem>> -> memref<1x1x40xi32, #tpu.memory_space<vmem>>
        %dma_start3A_669 = tpu.memref_squeeze %dma_start3A_668 : memref<1x1x40xi32, #tpu.memory_space<vmem>> -> memref<40xi32, #tpu.memory_space<vmem>>
        %dma_start3A_670 = arith.constant 0 : i32
        %dma_start3A_671 = arith.constant 0 : i32
        %dma_start3A_672 = tpu.memref_slice %arg4[%dma_start3A_670, %dma_start3A_671] : memref<20000x64xf32, #tpu.memory_space<hbm>> -> memref<20000x64xf32, #tpu.memory_space<hbm>>
        tpu.enqueue_indirect_dma source(%dma_start3A_672 : memref<20000x64xf32, #tpu.memory_space<hbm>>) target(%dma_start3A_666 : memref<40x64xf32, #tpu.memory_space<vmem>>) offsets(%dma_start3A_669 : memref<40xi32, #tpu.memory_space<vmem>>) semaphore(%arg17 : memref<!tpu.dma_semaphore, #tpu.memory_space<semaphore_mem>>)
        %dma_start3A_673 = arith.constant 1 : i32
        %dma_start3A_674 = arith.constant 40 : i32
        %dma_start3A_675 = arith.constant 0 : i32
        %dma_start3A_676 = tpu.memref_slice %arg12[%dma_start3A_673, %dma_start3A_674, %dma_start3A_675] : memref<2x80x128xf32, #tpu.memory_space<vmem>> -> memref<1x40x128xf32, #tpu.memory_space<vmem>>
        %dma_start3A_677 = tpu.memref_squeeze %dma_start3A_676 : memref<1x40x128xf32, #tpu.memory_space<vmem>> -> memref<40x128xf32, #tpu.memory_space<vmem>>
        %dma_start3A_678 = arith.constant 40 : i32
        %dma_start3A_679 = tpu.memref_slice %arg10[%rem3A_343, %add3A_639, %dma_start3A_678] : memref<2x10x80xi32, #tpu.memory_space<vmem>> -> memref<1x1x40xi32, #tpu.memory_space<vmem>>
        %dma_start3A_680 = tpu.memref_squeeze %dma_start3A_679 : memref<1x1x40xi32, #tpu.memory_space<vmem>> -> memref<40xi32, #tpu.memory_space<vmem>>
        %dma_start3A_681 = arith.constant 0 : i32
        %dma_start3A_682 = arith.constant 0 : i32
        %dma_start3A_683 = tpu.memref_slice %arg5[%dma_start3A_681, %dma_start3A_682] : memref<20000x128xf32, #tpu.memory_space<hbm>> -> memref<20000x128xf32, #tpu.memory_space<hbm>>
        tpu.enqueue_indirect_dma source(%dma_start3A_683 : memref<20000x128xf32, #tpu.memory_space<hbm>>) target(%dma_start3A_677 : memref<40x128xf32, #tpu.memory_space<vmem>>) offsets(%dma_start3A_680 : memref<40xi32, #tpu.memory_space<vmem>>) semaphore(%arg19 : memref<!tpu.dma_semaphore, #tpu.memory_space<semaphore_mem>>)
        %dma_wait3A_684 = arith.constant 0 : i32
        %dma_wait3A_685 = arith.constant 0 : i32
        %dma_wait3A_686 = arith.constant 0 : i32
        %dma_wait3A_687 = tpu.memref_slice %arg11[%dma_wait3A_684, %dma_wait3A_685, %dma_wait3A_686] : memref<2x80x64xf32, #tpu.memory_space<vmem>> -> memref<1x40x64xf32, #tpu.memory_space<vmem>>
        %dma_wait3A_688 = tpu.memref_squeeze %dma_wait3A_687 : memref<1x40x64xf32, #tpu.memory_space<vmem>> -> memref<40x64xf32, #tpu.memory_space<vmem>>
        %dma_wait3A_689 = arith.constant 0 : i32
        %dma_wait3A_690 = tpu.memref_slice %arg9[%rem3A_343, %mul3A_637, %dma_wait3A_689] : memref<2x10x80xi32, #tpu.memory_space<vmem>> -> memref<1x1x40xi32, #tpu.memory_space<vmem>>
        %dma_wait3A_691 = tpu.memref_squeeze %dma_wait3A_690 : memref<1x1x40xi32, #tpu.memory_space<vmem>> -> memref<40xi32, #tpu.memory_space<vmem>>
        %dma_wait3A_692 = arith.constant 0 : i32
        %dma_wait3A_693 = arith.constant 0 : i32
        %dma_wait3A_694 = tpu.memref_slice %arg4[%dma_wait3A_692, %dma_wait3A_693] : memref<20000x64xf32, #tpu.memory_space<hbm>> -> memref<20000x64xf32, #tpu.memory_space<hbm>>
        tpu.wait_indirect_dma semaphore(%arg16 : memref<!tpu.dma_semaphore, #tpu.memory_space<semaphore_mem>>) src(%dma_wait3A_694 : memref<20000x64xf32, #tpu.memory_space<hbm>>) dst(%dma_wait3A_688 : memref<40x64xf32, #tpu.memory_space<vmem>>)
        %dma_wait3A_695 = arith.constant 0 : i32
        %dma_wait3A_696 = arith.constant 0 : i32
        %dma_wait3A_697 = arith.constant 0 : i32
        %dma_wait3A_698 = tpu.memref_slice %arg12[%dma_wait3A_695, %dma_wait3A_696, %dma_wait3A_697] : memref<2x80x128xf32, #tpu.memory_space<vmem>> -> memref<1x40x128xf32, #tpu.memory_space<vmem>>
        %dma_wait3A_699 = tpu.memref_squeeze %dma_wait3A_698 : memref<1x40x128xf32, #tpu.memory_space<vmem>> -> memref<40x128xf32, #tpu.memory_space<vmem>>
        %dma_wait3A_700 = arith.constant 0 : i32
        %dma_wait3A_701 = tpu.memref_slice %arg10[%rem3A_343, %mul3A_637, %dma_wait3A_700] : memref<2x10x80xi32, #tpu.memory_space<vmem>> -> memref<1x1x40xi32, #tpu.memory_space<vmem>>
        %dma_wait3A_702 = tpu.memref_squeeze %dma_wait3A_701 : memref<1x1x40xi32, #tpu.memory_space<vmem>> -> memref<40xi32, #tpu.memory_space<vmem>>
        %dma_wait3A_703 = arith.constant 0 : i32
        %dma_wait3A_704 = arith.constant 0 : i32
        %dma_wait3A_705 = tpu.memref_slice %arg5[%dma_wait3A_703, %dma_wait3A_704] : memref<20000x128xf32, #tpu.memory_space<hbm>> -> memref<20000x128xf32, #tpu.memory_space<hbm>>
        tpu.wait_indirect_dma semaphore(%arg18 : memref<!tpu.dma_semaphore, #tpu.memory_space<semaphore_mem>>) src(%dma_wait3A_705 : memref<20000x128xf32, #tpu.memory_space<hbm>>) dst(%dma_wait3A_699 : memref<40x128xf32, #tpu.memory_space<vmem>>)
        %dma_wait3A_706 = arith.constant 0 : i32
        %dma_wait3A_707 = arith.constant 40 : i32
        %dma_wait3A_708 = arith.constant 0 : i32
        %dma_wait3A_709 = tpu.memref_slice %arg11[%dma_wait3A_706, %dma_wait3A_707, %dma_wait3A_708] : memref<2x80x64xf32, #tpu.memory_space<vmem>> -> memref<1x40x64xf32, #tpu.memory_space<vmem>>
        %dma_wait3A_710 = tpu.memref_squeeze %dma_wait3A_709 : memref<1x40x64xf32, #tpu.memory_space<vmem>> -> memref<40x64xf32, #tpu.memory_space<vmem>>
        %dma_wait3A_711 = arith.constant 40 : i32
        %dma_wait3A_712 = tpu.memref_slice %arg9[%rem3A_343, %mul3A_637, %dma_wait3A_711] : memref<2x10x80xi32, #tpu.memory_space<vmem>> -> memref<1x1x40xi32, #tpu.memory_space<vmem>>
        %dma_wait3A_713 = tpu.memref_squeeze %dma_wait3A_712 : memref<1x1x40xi32, #tpu.memory_space<vmem>> -> memref<40xi32, #tpu.memory_space<vmem>>
        %dma_wait3A_714 = arith.constant 0 : i32
        %dma_wait3A_715 = arith.constant 0 : i32
        %dma_wait3A_716 = tpu.memref_slice %arg4[%dma_wait3A_714, %dma_wait3A_715] : memref<20000x64xf32, #tpu.memory_space<hbm>> -> memref<20000x64xf32, #tpu.memory_space<hbm>>
        tpu.wait_indirect_dma semaphore(%arg16 : memref<!tpu.dma_semaphore, #tpu.memory_space<semaphore_mem>>) src(%dma_wait3A_716 : memref<20000x64xf32, #tpu.memory_space<hbm>>) dst(%dma_wait3A_710 : memref<40x64xf32, #tpu.memory_space<vmem>>)
        %dma_wait3A_717 = arith.constant 0 : i32
        %dma_wait3A_718 = arith.constant 40 : i32
        %dma_wait3A_719 = arith.constant 0 : i32
        %dma_wait3A_720 = tpu.memref_slice %arg12[%dma_wait3A_717, %dma_wait3A_718, %dma_wait3A_719] : memref<2x80x128xf32, #tpu.memory_space<vmem>> -> memref<1x40x128xf32, #tpu.memory_space<vmem>>
        %dma_wait3A_721 = tpu.memref_squeeze %dma_wait3A_720 : memref<1x40x128xf32, #tpu.memory_space<vmem>> -> memref<40x128xf32, #tpu.memory_space<vmem>>
        %dma_wait3A_722 = arith.constant 40 : i32
        %dma_wait3A_723 = tpu.memref_slice %arg10[%rem3A_343, %mul3A_637, %dma_wait3A_722] : memref<2x10x80xi32, #tpu.memory_space<vmem>> -> memref<1x1x40xi32, #tpu.memory_space<vmem>>
        %dma_wait3A_724 = tpu.memref_squeeze %dma_wait3A_723 : memref<1x1x40xi32, #tpu.memory_space<vmem>> -> memref<40xi32, #tpu.memory_space<vmem>>
        %dma_wait3A_725 = arith.constant 0 : i32
        %dma_wait3A_726 = arith.constant 0 : i32
        %dma_wait3A_727 = tpu.memref_slice %arg5[%dma_wait3A_725, %dma_wait3A_726] : memref<20000x128xf32, #tpu.memory_space<hbm>> -> memref<20000x128xf32, #tpu.memory_space<hbm>>
        tpu.wait_indirect_dma semaphore(%arg18 : memref<!tpu.dma_semaphore, #tpu.memory_space<semaphore_mem>>) src(%dma_wait3A_727 : memref<20000x128xf32, #tpu.memory_space<hbm>>) dst(%dma_wait3A_721 : memref<40x128xf32, #tpu.memory_space<vmem>>)
        %gt3A = arith.constant 0 : i32
        %gt3A_728 = arith.cmpi sgt, %scan3A_634, %gt3A : i32
        %gt3A_729 = arith.constant 0 : i32
        %gt3A_730 = arith.cmpi sgt, %scan3A_341, %gt3A_729 : i32
        %or3A = arith.ori %gt3A_728, %gt3A_730 : i1
        %convert_element_type3A_731 = arith.extui %or3A : i1 to i32
        %cond3A_732 = arith.constant 0 : i32
        %cond3A_733 = arith.cmpi ne, %convert_element_type3A_731, %cond3A_732 : i32
        scf.if %cond3A_733 {
          %dma_wait3A_815 = arith.constant 0 : i32
          %dma_wait3A_816 = arith.constant 0 : i32
          %dma_wait3A_817 = arith.constant 0 : i32
          %dma_wait3A_818 = tpu.memref_slice %arg8[%dma_wait3A_815, %dma_wait3A_816, %dma_wait3A_817] : memref<2x10x80xi32, #tpu.memory_space<vmem>> -> memref<1x1x80xi32, #tpu.memory_space<vmem>>
          %dma_wait3A_819 = tpu.memref_squeeze %dma_wait3A_818 : memref<1x1x80xi32, #tpu.memory_space<vmem>> -> memref<80xi32, #tpu.memory_space<vmem>>
          %dma_wait3A_820 = arith.constant 0 : i32
          %dma_wait3A_821 = arith.constant 0 : i32
          %dma_wait3A_822 = tpu.memref_slice %arg14[%dma_wait3A_820, %dma_wait3A_821] : memref<10112x128xf32, #tpu.memory_space<vmem_shared>> -> memref<10112x128xf32, #tpu.memory_space<vmem_shared>>
          tpu.wait_indirect_dma semaphore(%arg21 : memref<!tpu.dma_semaphore, #tpu.memory_space<semaphore_mem>>) src(%arg13 : memref<80x128xf32, #tpu.memory_space<vmem>>) dst(%dma_wait3A_822 : memref<10112x128xf32, #tpu.memory_space<vmem_shared>>)
        } else {
        }
        %parallel_loop3A = arith.constant 0 : i32
        %parallel_loop3A_734 = arith.constant 80 : i32
        %parallel_loop3A_735 = arith.constant 1 : i32
        scf.for %parallel_loop3A_815 = %parallel_loop3A to %parallel_loop3A_734 step %parallel_loop3A_735  : i32 {
          %parallel_loop3A_816 = arith.constant 0 : i32
          %parallel_loop3A_817 = arith.index_cast %parallel_loop3A_816 : i32 to index
          %parallel_loop3A_818 = arith.index_cast %parallel_loop3A_815 : i32 to index
          %parallel_loop3A_819 = arith.constant 0 : index
          %parallel_loop3A_820 = tpu.vector_load %arg11[%parallel_loop3A_817, %parallel_loop3A_818, %parallel_loop3A_819] {strides = array<i32>} : memref<2x80x64xf32, #tpu.memory_space<vmem>>, vector<1x1x16xf32>,
          %parallel_loop3A_821 = vector.shape_cast %parallel_loop3A_820 : vector<1x1x16xf32> to vector<16xf32>
          %parallel_loop3A_822 = arith.constant 0 : i32
          %parallel_loop3A_823 = arith.index_cast %parallel_loop3A_822 : i32 to index
          %parallel_loop3A_824 = arith.index_cast %parallel_loop3A_815 : i32 to index
          %parallel_loop3A_825 = arith.constant 0 : index
          %parallel_loop3A_826 = tpu.vector_load %arg12[%parallel_loop3A_823, %parallel_loop3A_824, %parallel_loop3A_825] {strides = array<i32>} : memref<2x80x128xf32, #tpu.memory_space<vmem>>, vector<1x1x16xf32>,
          %parallel_loop3A_827 = vector.shape_cast %parallel_loop3A_826 : vector<1x1x16xf32> to vector<16xf32>
          %parallel_loop3A_828 = arith.constant 0 : i32
          %parallel_loop3A_829 = arith.index_cast %parallel_loop3A_828 : i32 to index
          %parallel_loop3A_830 = arith.index_cast %parallel_loop3A_815 : i32 to index
          %parallel_loop3A_831 = arith.constant 64 : index
          %parallel_loop3A_832 = tpu.vector_load %arg12[%parallel_loop3A_829, %parallel_loop3A_830, %parallel_loop3A_831] {strides = array<i32>} : memref<2x80x128xf32, #tpu.memory_space<vmem>>, vector<1x1x16xf32>,
          %parallel_loop3A_833 = vector.shape_cast %parallel_loop3A_832 : vector<1x1x16xf32> to vector<16xf32>
          %parallel_loop3A_834 = arith.addf %parallel_loop3A_821, %parallel_loop3A_827 : vector<16xf32>
          %parallel_loop3A_835 = arith.constant 2.000000e-01 : f32
          %parallel_loop3A_836 = vector.broadcast %parallel_loop3A_835 : f32 to vector<16xf32>
          %parallel_loop3A_837 = arith.mulf %parallel_loop3A_836, %parallel_loop3A_834 : vector<16xf32>
          %parallel_loop3A_838 = arith.maximumf %parallel_loop3A_834, %parallel_loop3A_837 : vector<16xf32>
          %parallel_loop3A_839 = math.exp %parallel_loop3A_838 : vector<16xf32>
          %parallel_loop3A_840 = arith.mulf %parallel_loop3A_839, %parallel_loop3A_833 : vector<16xf32>
          %parallel_loop3A_841 = arith.index_cast %parallel_loop3A_815 : i32 to index
          %parallel_loop3A_842 = arith.constant 0 : index
          %parallel_loop3A_843 = tpu.vector_load %arg13[%parallel_loop3A_841, %parallel_loop3A_842] {strides = array<i32>} : memref<80x128xf32, #tpu.memory_space<vmem>>, vector<1x16xf32>,
          %parallel_loop3A_844 = vector.shape_cast %parallel_loop3A_843 : vector<1x16xf32> to vector<16xf32>
          %parallel_loop3A_845 = vector.shape_cast %parallel_loop3A_840 : vector<16xf32> to vector<1x16xf32>
          tpu.vector_store %arg13[%parallel_loop3A_841, %parallel_loop3A_842], %parallel_loop3A_845 {strides = array<i32>} : memref<80x128xf32, #tpu.memory_space<vmem>>, vector<1x16xf32>,
          %parallel_loop3A_846 = arith.index_cast %parallel_loop3A_815 : i32 to index
          %parallel_loop3A_847 = arith.constant 64 : index
          %parallel_loop3A_848 = tpu.vector_load %arg13[%parallel_loop3A_846, %parallel_loop3A_847] {strides = array<i32>} : memref<80x128xf32, #tpu.memory_space<vmem>>, vector<1x16xf32>,
          %parallel_loop3A_849 = vector.shape_cast %parallel_loop3A_848 : vector<1x16xf32> to vector<16xf32>
          %parallel_loop3A_850 = vector.shape_cast %parallel_loop3A_839 : vector<16xf32> to vector<1x16xf32>
          tpu.vector_store %arg13[%parallel_loop3A_846, %parallel_loop3A_847], %parallel_loop3A_850 {strides = array<i32>} : memref<80x128xf32, #tpu.memory_space<vmem>>, vector<1x16xf32>,
          %parallel_loop3A_851 = arith.constant 0 : i32
          %parallel_loop3A_852 = arith.index_cast %parallel_loop3A_851 : i32 to index
          %parallel_loop3A_853 = arith.index_cast %parallel_loop3A_815 : i32 to index
          %parallel_loop3A_854 = arith.constant 16 : index
          %parallel_loop3A_855 = tpu.vector_load %arg11[%parallel_loop3A_852, %parallel_loop3A_853, %parallel_loop3A_854] {strides = array<i32>} : memref<2x80x64xf32, #tpu.memory_space<vmem>>, vector<1x1x16xf32>,
          %parallel_loop3A_856 = vector.shape_cast %parallel_loop3A_855 : vector<1x1x16xf32> to vector<16xf32>
          %parallel_loop3A_857 = arith.constant 0 : i32
          %parallel_loop3A_858 = arith.index_cast %parallel_loop3A_857 : i32 to index
          %parallel_loop3A_859 = arith.index_cast %parallel_loop3A_815 : i32 to index
          %parallel_loop3A_860 = arith.constant 16 : index
          %parallel_loop3A_861 = tpu.vector_load %arg12[%parallel_loop3A_858, %parallel_loop3A_859, %parallel_loop3A_860] {strides = array<i32>} : memref<2x80x128xf32, #tpu.memory_space<vmem>>, vector<1x1x16xf32>,
          %parallel_loop3A_862 = vector.shape_cast %parallel_loop3A_861 : vector<1x1x16xf32> to vector<16xf32>
          %parallel_loop3A_863 = arith.constant 0 : i32
          %parallel_loop3A_864 = arith.index_cast %parallel_loop3A_863 : i32 to index
          %parallel_loop3A_865 = arith.index_cast %parallel_loop3A_815 : i32 to index
          %parallel_loop3A_866 = arith.constant 80 : index
          %parallel_loop3A_867 = tpu.vector_load %arg12[%parallel_loop3A_864, %parallel_loop3A_865, %parallel_loop3A_866] {strides = array<i32>} : memref<2x80x128xf32, #tpu.memory_space<vmem>>, vector<1x1x16xf32>,
          %parallel_loop3A_868 = vector.shape_cast %parallel_loop3A_867 : vector<1x1x16xf32> to vector<16xf32>
          %parallel_loop3A_869 = arith.addf %parallel_loop3A_856, %parallel_loop3A_862 : vector<16xf32>
          %parallel_loop3A_870 = arith.constant 2.000000e-01 : f32
          %parallel_loop3A_871 = vector.broadcast %parallel_loop3A_870 : f32 to vector<16xf32>
          %parallel_loop3A_872 = arith.mulf %parallel_loop3A_871, %parallel_loop3A_869 : vector<16xf32>
          %parallel_loop3A_873 = arith.maximumf %parallel_loop3A_869, %parallel_loop3A_872 : vector<16xf32>
          %parallel_loop3A_874 = math.exp %parallel_loop3A_873 : vector<16xf32>
          %parallel_loop3A_875 = arith.mulf %parallel_loop3A_874, %parallel_loop3A_868 : vector<16xf32>
          %parallel_loop3A_876 = arith.index_cast %parallel_loop3A_815 : i32 to index
          %parallel_loop3A_877 = arith.constant 16 : index
          %parallel_loop3A_878 = tpu.vector_load %arg13[%parallel_loop3A_876, %parallel_loop3A_877] {strides = array<i32>} : memref<80x128xf32, #tpu.memory_space<vmem>>, vector<1x16xf32>,
          %parallel_loop3A_879 = vector.shape_cast %parallel_loop3A_878 : vector<1x16xf32> to vector<16xf32>
          %parallel_loop3A_880 = vector.shape_cast %parallel_loop3A_875 : vector<16xf32> to vector<1x16xf32>
          tpu.vector_store %arg13[%parallel_loop3A_876, %parallel_loop3A_877], %parallel_loop3A_880 {strides = array<i32>} : memref<80x128xf32, #tpu.memory_space<vmem>>, vector<1x16xf32>,
          %parallel_loop3A_881 = arith.index_cast %parallel_loop3A_815 : i32 to index
          %parallel_loop3A_882 = arith.constant 80 : index
          %parallel_loop3A_883 = tpu.vector_load %arg13[%parallel_loop3A_881, %parallel_loop3A_882] {strides = array<i32>} : memref<80x128xf32, #tpu.memory_space<vmem>>, vector<1x16xf32>,
          %parallel_loop3A_884 = vector.shape_cast %parallel_loop3A_883 : vector<1x16xf32> to vector<16xf32>
          %parallel_loop3A_885 = vector.shape_cast %parallel_loop3A_874 : vector<16xf32> to vector<1x16xf32>
          tpu.vector_store %arg13[%parallel_loop3A_881, %parallel_loop3A_882], %parallel_loop3A_885 {strides = array<i32>} : memref<80x128xf32, #tpu.memory_space<vmem>>, vector<1x16xf32>,
          %parallel_loop3A_886 = arith.constant 0 : i32
          %parallel_loop3A_887 = arith.index_cast %parallel_loop3A_886 : i32 to index
          %parallel_loop3A_888 = arith.index_cast %parallel_loop3A_815 : i32 to index
          %parallel_loop3A_889 = arith.constant 32 : index
          %parallel_loop3A_890 = tpu.vector_load %arg11[%parallel_loop3A_887, %parallel_loop3A_888, %parallel_loop3A_889] {strides = array<i32>} : memref<2x80x64xf32, #tpu.memory_space<vmem>>, vector<1x1x16xf32>,
          %parallel_loop3A_891 = vector.shape_cast %parallel_loop3A_890 : vector<1x1x16xf32> to vector<16xf32>
          %parallel_loop3A_892 = arith.constant 0 : i32
          %parallel_loop3A_893 = arith.index_cast %parallel_loop3A_892 : i32 to index
          %parallel_loop3A_894 = arith.index_cast %parallel_loop3A_815 : i32 to index
          %parallel_loop3A_895 = arith.constant 32 : index
          %parallel_loop3A_896 = tpu.vector_load %arg12[%parallel_loop3A_893, %parallel_loop3A_894, %parallel_loop3A_895] {strides = array<i32>} : memref<2x80x128xf32, #tpu.memory_space<vmem>>, vector<1x1x16xf32>,
          %parallel_loop3A_897 = vector.shape_cast %parallel_loop3A_896 : vector<1x1x16xf32> to vector<16xf32>
          %parallel_loop3A_898 = arith.constant 0 : i32
          %parallel_loop3A_899 = arith.index_cast %parallel_loop3A_898 : i32 to index
          %parallel_loop3A_900 = arith.index_cast %parallel_loop3A_815 : i32 to index
          %parallel_loop3A_901 = arith.constant 96 : index
          %parallel_loop3A_902 = tpu.vector_load %arg12[%parallel_loop3A_899, %parallel_loop3A_900, %parallel_loop3A_901] {strides = array<i32>} : memref<2x80x128xf32, #tpu.memory_space<vmem>>, vector<1x1x16xf32>,
          %parallel_loop3A_903 = vector.shape_cast %parallel_loop3A_902 : vector<1x1x16xf32> to vector<16xf32>
          %parallel_loop3A_904 = arith.addf %parallel_loop3A_891, %parallel_loop3A_897 : vector<16xf32>
          %parallel_loop3A_905 = arith.constant 2.000000e-01 : f32
          %parallel_loop3A_906 = vector.broadcast %parallel_loop3A_905 : f32 to vector<16xf32>
          %parallel_loop3A_907 = arith.mulf %parallel_loop3A_906, %parallel_loop3A_904 : vector<16xf32>
          %parallel_loop3A_908 = arith.maximumf %parallel_loop3A_904, %parallel_loop3A_907 : vector<16xf32>
          %parallel_loop3A_909 = math.exp %parallel_loop3A_908 : vector<16xf32>
          %parallel_loop3A_910 = arith.mulf %parallel_loop3A_909, %parallel_loop3A_903 : vector<16xf32>
          %parallel_loop3A_911 = arith.index_cast %parallel_loop3A_815 : i32 to index
          %parallel_loop3A_912 = arith.constant 32 : index
          %parallel_loop3A_913 = tpu.vector_load %arg13[%parallel_loop3A_911, %parallel_loop3A_912] {strides = array<i32>} : memref<80x128xf32, #tpu.memory_space<vmem>>, vector<1x16xf32>,
          %parallel_loop3A_914 = vector.shape_cast %parallel_loop3A_913 : vector<1x16xf32> to vector<16xf32>
          %parallel_loop3A_915 = vector.shape_cast %parallel_loop3A_910 : vector<16xf32> to vector<1x16xf32>
          tpu.vector_store %arg13[%parallel_loop3A_911, %parallel_loop3A_912], %parallel_loop3A_915 {strides = array<i32>} : memref<80x128xf32, #tpu.memory_space<vmem>>, vector<1x16xf32>,
          %parallel_loop3A_916 = arith.index_cast %parallel_loop3A_815 : i32 to index
          %parallel_loop3A_917 = arith.constant 96 : index
          %parallel_loop3A_918 = tpu.vector_load %arg13[%parallel_loop3A_916, %parallel_loop3A_917] {strides = array<i32>} : memref<80x128xf32, #tpu.memory_space<vmem>>, vector<1x16xf32>,
          %parallel_loop3A_919 = vector.shape_cast %parallel_loop3A_918 : vector<1x16xf32> to vector<16xf32>
          %parallel_loop3A_920 = vector.shape_cast %parallel_loop3A_909 : vector<16xf32> to vector<1x16xf32>
          tpu.vector_store %arg13[%parallel_loop3A_916, %parallel_loop3A_917], %parallel_loop3A_920 {strides = array<i32>} : memref<80x128xf32, #tpu.memory_space<vmem>>, vector<1x16xf32>,
          %parallel_loop3A_921 = arith.constant 0 : i32
          %parallel_loop3A_922 = arith.index_cast %parallel_loop3A_921 : i32 to index
          %parallel_loop3A_923 = arith.index_cast %parallel_loop3A_815 : i32 to index
          %parallel_loop3A_924 = arith.constant 48 : index
          %parallel_loop3A_925 = tpu.vector_load %arg11[%parallel_loop3A_922, %parallel_loop3A_923, %parallel_loop3A_924] {strides = array<i32>} : memref<2x80x64xf32, #tpu.memory_space<vmem>>, vector<1x1x16xf32>,
          %parallel_loop3A_926 = vector.shape_cast %parallel_loop3A_925 : vector<1x1x16xf32> to vector<16xf32>
          %parallel_loop3A_927 = arith.constant 0 : i32
          %parallel_loop3A_928 = arith.index_cast %parallel_loop3A_927 : i32 to index
          %parallel_loop3A_929 = arith.index_cast %parallel_loop3A_815 : i32 to index
          %parallel_loop3A_930 = arith.constant 48 : index
          %parallel_loop3A_931 = tpu.vector_load %arg12[%parallel_loop3A_928, %parallel_loop3A_929, %parallel_loop3A_930] {strides = array<i32>} : memref<2x80x128xf32, #tpu.memory_space<vmem>>, vector<1x1x16xf32>,
          %parallel_loop3A_932 = vector.shape_cast %parallel_loop3A_931 : vector<1x1x16xf32> to vector<16xf32>
          %parallel_loop3A_933 = arith.constant 0 : i32
          %parallel_loop3A_934 = arith.index_cast %parallel_loop3A_933 : i32 to index
          %parallel_loop3A_935 = arith.index_cast %parallel_loop3A_815 : i32 to index
          %parallel_loop3A_936 = arith.constant 112 : index
          %parallel_loop3A_937 = tpu.vector_load %arg12[%parallel_loop3A_934, %parallel_loop3A_935, %parallel_loop3A_936] {strides = array<i32>} : memref<2x80x128xf32, #tpu.memory_space<vmem>>, vector<1x1x16xf32>,
          %parallel_loop3A_938 = vector.shape_cast %parallel_loop3A_937 : vector<1x1x16xf32> to vector<16xf32>
          %parallel_loop3A_939 = arith.addf %parallel_loop3A_926, %parallel_loop3A_932 : vector<16xf32>
          %parallel_loop3A_940 = arith.constant 2.000000e-01 : f32
          %parallel_loop3A_941 = vector.broadcast %parallel_loop3A_940 : f32 to vector<16xf32>
          %parallel_loop3A_942 = arith.mulf %parallel_loop3A_941, %parallel_loop3A_939 : vector<16xf32>
          %parallel_loop3A_943 = arith.maximumf %parallel_loop3A_939, %parallel_loop3A_942 : vector<16xf32>
          %parallel_loop3A_944 = math.exp %parallel_loop3A_943 : vector<16xf32>
          %parallel_loop3A_945 = arith.mulf %parallel_loop3A_944, %parallel_loop3A_938 : vector<16xf32>
          %parallel_loop3A_946 = arith.index_cast %parallel_loop3A_815 : i32 to index
          %parallel_loop3A_947 = arith.constant 48 : index
          %parallel_loop3A_948 = tpu.vector_load %arg13[%parallel_loop3A_946, %parallel_loop3A_947] {strides = array<i32>} : memref<80x128xf32, #tpu.memory_space<vmem>>, vector<1x16xf32>,
          %parallel_loop3A_949 = vector.shape_cast %parallel_loop3A_948 : vector<1x16xf32> to vector<16xf32>
          %parallel_loop3A_950 = vector.shape_cast %parallel_loop3A_945 : vector<16xf32> to vector<1x16xf32>
          tpu.vector_store %arg13[%parallel_loop3A_946, %parallel_loop3A_947], %parallel_loop3A_950 {strides = array<i32>} : memref<80x128xf32, #tpu.memory_space<vmem>>, vector<1x16xf32>,
          %parallel_loop3A_951 = arith.index_cast %parallel_loop3A_815 : i32 to index
          %parallel_loop3A_952 = arith.constant 112 : index
          %parallel_loop3A_953 = tpu.vector_load %arg13[%parallel_loop3A_951, %parallel_loop3A_952] {strides = array<i32>} : memref<80x128xf32, #tpu.memory_space<vmem>>, vector<1x16xf32>,
          %parallel_loop3A_954 = vector.shape_cast %parallel_loop3A_953 : vector<1x16xf32> to vector<16xf32>
          %parallel_loop3A_955 = vector.shape_cast %parallel_loop3A_944 : vector<16xf32> to vector<1x16xf32>
          tpu.vector_store %arg13[%parallel_loop3A_951, %parallel_loop3A_952], %parallel_loop3A_955 {strides = array<i32>} : memref<80x128xf32, #tpu.memory_space<vmem>>, vector<1x16xf32>,
        } {sc.loop_unroll_factor = 8 : i64, sc.parallel_access}
        %dma_start3A_736 = arith.constant 0 : i32
        %dma_start3A_737 = tpu.memref_slice %arg8[%rem3A_343, %mul3A_637, %dma_start3A_736] : memref<2x10x80xi32, #tpu.memory_space<vmem>> -> memref<1x1x80xi32, #tpu.memory_space<vmem>>
        %dma_start3A_738 = tpu.memref_squeeze %dma_start3A_737 : memref<1x1x80xi32, #tpu.memory_space<vmem>> -> memref<80xi32, #tpu.memory_space<vmem>>
        %dma_start3A_739 = arith.constant 0 : i32
        %dma_start3A_740 = arith.constant 0 : i32
        %dma_start3A_741 = tpu.memref_slice %arg14[%dma_start3A_739, %dma_start3A_740] : memref<10112x128xf32, #tpu.memory_space<vmem_shared>> -> memref<10112x128xf32, #tpu.memory_space<vmem_shared>>
        tpu.enqueue_indirect_dma source(%arg13 : memref<80x128xf32, #tpu.memory_space<vmem>>) target(%dma_start3A_741 : memref<10112x128xf32, #tpu.memory_space<vmem_shared>>) offsets(%dma_start3A_738 : memref<80xi32, #tpu.memory_space<vmem>>) semaphore(%arg21 : memref<!tpu.dma_semaphore, #tpu.memory_space<semaphore_mem>>) {add = true}
        %add3A_742 = arith.constant 2 : i32
        %add3A_743 = arith.addi %mul3A_637, %add3A_742 : i32
        %lt3A_744 = arith.constant 10 : i32
        %lt3A_745 = arith.cmpi slt, %add3A_743, %lt3A_744 : i32
        %convert_element_type3A_746 = arith.extui %lt3A_745 : i1 to i32
        %cond3A_747 = arith.constant 0 : i32
        %cond3A_748 = arith.cmpi ne, %convert_element_type3A_746, %cond3A_747 : i32
        scf.if %cond3A_748 {
          %add3A_815 = arith.constant 2 : i32
          %add3A_816 = arith.addi %mul3A_637, %add3A_815 : i32
          %dma_start3A_817 = arith.constant 0 : i32
          %dma_start3A_818 = arith.constant 0 : i32
          %dma_start3A_819 = arith.constant 0 : i32
          %dma_start3A_820 = tpu.memref_slice %arg11[%dma_start3A_817, %dma_start3A_818, %dma_start3A_819] : memref<2x80x64xf32, #tpu.memory_space<vmem>> -> memref<1x40x64xf32, #tpu.memory_space<vmem>>
          %dma_start3A_821 = tpu.memref_squeeze %dma_start3A_820 : memref<1x40x64xf32, #tpu.memory_space<vmem>> -> memref<40x64xf32, #tpu.memory_space<vmem>>
          %dma_start3A_822 = arith.constant 0 : i32
          %dma_start3A_823 = tpu.memref_slice %arg9[%rem3A_343, %add3A_816, %dma_start3A_822] : memref<2x10x80xi32, #tpu.memory_space<vmem>> -> memref<1x1x40xi32, #tpu.memory_space<vmem>>
          %dma_start3A_824 = tpu.memref_squeeze %dma_start3A_823 : memref<1x1x40xi32, #tpu.memory_space<vmem>> -> memref<40xi32, #tpu.memory_space<vmem>>
          %dma_start3A_825 = arith.constant 0 : i32
          %dma_start3A_826 = arith.constant 0 : i32
          %dma_start3A_827 = tpu.memref_slice %arg4[%dma_start3A_825, %dma_start3A_826] : memref<20000x64xf32, #tpu.memory_space<hbm>> -> memref<20000x64xf32, #tpu.memory_space<hbm>>
          tpu.enqueue_indirect_dma source(%dma_start3A_827 : memref<20000x64xf32, #tpu.memory_space<hbm>>) target(%dma_start3A_821 : memref<40x64xf32, #tpu.memory_space<vmem>>) offsets(%dma_start3A_824 : memref<40xi32, #tpu.memory_space<vmem>>) semaphore(%arg16 : memref<!tpu.dma_semaphore, #tpu.memory_space<semaphore_mem>>)
          %dma_start3A_828 = arith.constant 0 : i32
          %dma_start3A_829 = arith.constant 0 : i32
          %dma_start3A_830 = arith.constant 0 : i32
          %dma_start3A_831 = tpu.memref_slice %arg12[%dma_start3A_828, %dma_start3A_829, %dma_start3A_830] : memref<2x80x128xf32, #tpu.memory_space<vmem>> -> memref<1x40x128xf32, #tpu.memory_space<vmem>>
          %dma_start3A_832 = tpu.memref_squeeze %dma_start3A_831 : memref<1x40x128xf32, #tpu.memory_space<vmem>> -> memref<40x128xf32, #tpu.memory_space<vmem>>
          %dma_start3A_833 = arith.constant 0 : i32
          %dma_start3A_834 = tpu.memref_slice %arg10[%rem3A_343, %add3A_816, %dma_start3A_833] : memref<2x10x80xi32, #tpu.memory_space<vmem>> -> memref<1x1x40xi32, #tpu.memory_space<vmem>>
          %dma_start3A_835 = tpu.memref_squeeze %dma_start3A_834 : memref<1x1x40xi32, #tpu.memory_space<vmem>> -> memref<40xi32, #tpu.memory_space<vmem>>
          %dma_start3A_836 = arith.constant 0 : i32
          %dma_start3A_837 = arith.constant 0 : i32
          %dma_start3A_838 = tpu.memref_slice %arg5[%dma_start3A_836, %dma_start3A_837] : memref<20000x128xf32, #tpu.memory_space<hbm>> -> memref<20000x128xf32, #tpu.memory_space<hbm>>
          tpu.enqueue_indirect_dma source(%dma_start3A_838 : memref<20000x128xf32, #tpu.memory_space<hbm>>) target(%dma_start3A_832 : memref<40x128xf32, #tpu.memory_space<vmem>>) offsets(%dma_start3A_835 : memref<40xi32, #tpu.memory_space<vmem>>) semaphore(%arg18 : memref<!tpu.dma_semaphore, #tpu.memory_space<semaphore_mem>>)
          %dma_start3A_839 = arith.constant 0 : i32
          %dma_start3A_840 = arith.constant 40 : i32
          %dma_start3A_841 = arith.constant 0 : i32
          %dma_start3A_842 = tpu.memref_slice %arg11[%dma_start3A_839, %dma_start3A_840, %dma_start3A_841] : memref<2x80x64xf32, #tpu.memory_space<vmem>> -> memref<1x40x64xf32, #tpu.memory_space<vmem>>
          %dma_start3A_843 = tpu.memref_squeeze %dma_start3A_842 : memref<1x40x64xf32, #tpu.memory_space<vmem>> -> memref<40x64xf32, #tpu.memory_space<vmem>>
          %dma_start3A_844 = arith.constant 40 : i32
          %dma_start3A_845 = tpu.memref_slice %arg9[%rem3A_343, %add3A_816, %dma_start3A_844] : memref<2x10x80xi32, #tpu.memory_space<vmem>> -> memref<1x1x40xi32, #tpu.memory_space<vmem>>
          %dma_start3A_846 = tpu.memref_squeeze %dma_start3A_845 : memref<1x1x40xi32, #tpu.memory_space<vmem>> -> memref<40xi32, #tpu.memory_space<vmem>>
          %dma_start3A_847 = arith.constant 0 : i32
          %dma_start3A_848 = arith.constant 0 : i32
          %dma_start3A_849 = tpu.memref_slice %arg4[%dma_start3A_847, %dma_start3A_848] : memref<20000x64xf32, #tpu.memory_space<hbm>> -> memref<20000x64xf32, #tpu.memory_space<hbm>>
          tpu.enqueue_indirect_dma source(%dma_start3A_849 : memref<20000x64xf32, #tpu.memory_space<hbm>>) target(%dma_start3A_843 : memref<40x64xf32, #tpu.memory_space<vmem>>) offsets(%dma_start3A_846 : memref<40xi32, #tpu.memory_space<vmem>>) semaphore(%arg16 : memref<!tpu.dma_semaphore, #tpu.memory_space<semaphore_mem>>)
          %dma_start3A_850 = arith.constant 0 : i32
          %dma_start3A_851 = arith.constant 40 : i32
          %dma_start3A_852 = arith.constant 0 : i32
          %dma_start3A_853 = tpu.memref_slice %arg12[%dma_start3A_850, %dma_start3A_851, %dma_start3A_852] : memref<2x80x128xf32, #tpu.memory_space<vmem>> -> memref<1x40x128xf32, #tpu.memory_space<vmem>>
          %dma_start3A_854 = tpu.memref_squeeze %dma_start3A_853 : memref<1x40x128xf32, #tpu.memory_space<vmem>> -> memref<40x128xf32, #tpu.memory_space<vmem>>
          %dma_start3A_855 = arith.constant 40 : i32
          %dma_start3A_856 = tpu.memref_slice %arg10[%rem3A_343, %add3A_816, %dma_start3A_855] : memref<2x10x80xi32, #tpu.memory_space<vmem>> -> memref<1x1x40xi32, #tpu.memory_space<vmem>>
          %dma_start3A_857 = tpu.memref_squeeze %dma_start3A_856 : memref<1x1x40xi32, #tpu.memory_space<vmem>> -> memref<40xi32, #tpu.memory_space<vmem>>
          %dma_start3A_858 = arith.constant 0 : i32
          %dma_start3A_859 = arith.constant 0 : i32
          %dma_start3A_860 = tpu.memref_slice %arg5[%dma_start3A_858, %dma_start3A_859] : memref<20000x128xf32, #tpu.memory_space<hbm>> -> memref<20000x128xf32, #tpu.memory_space<hbm>>
          tpu.enqueue_indirect_dma source(%dma_start3A_860 : memref<20000x128xf32, #tpu.memory_space<hbm>>) target(%dma_start3A_854 : memref<40x128xf32, #tpu.memory_space<vmem>>) offsets(%dma_start3A_857 : memref<40xi32, #tpu.memory_space<vmem>>) semaphore(%arg18 : memref<!tpu.dma_semaphore, #tpu.memory_space<semaphore_mem>>)
        } else {
        }
        %add3A_749 = arith.constant 1 : i32
        %add3A_750 = arith.addi %mul3A_637, %add3A_749 : i32
        %dma_wait3A_751 = arith.constant 1 : i32
        %dma_wait3A_752 = arith.constant 0 : i32
        %dma_wait3A_753 = arith.constant 0 : i32
        %dma_wait3A_754 = tpu.memref_slice %arg11[%dma_wait3A_751, %dma_wait3A_752, %dma_wait3A_753] : memref<2x80x64xf32, #tpu.memory_space<vmem>> -> memref<1x40x64xf32, #tpu.memory_space<vmem>>
        %dma_wait3A_755 = tpu.memref_squeeze %dma_wait3A_754 : memref<1x40x64xf32, #tpu.memory_space<vmem>> -> memref<40x64xf32, #tpu.memory_space<vmem>>
        %dma_wait3A_756 = arith.constant 0 : i32
        %dma_wait3A_757 = tpu.memref_slice %arg9[%rem3A_343, %add3A_750, %dma_wait3A_756] : memref<2x10x80xi32, #tpu.memory_space<vmem>> -> memref<1x1x40xi32, #tpu.memory_space<vmem>>
        %dma_wait3A_758 = tpu.memref_squeeze %dma_wait3A_757 : memref<1x1x40xi32, #tpu.memory_space<vmem>> -> memref<40xi32, #tpu.memory_space<vmem>>
        %dma_wait3A_759 = arith.constant 0 : i32
        %dma_wait3A_760 = arith.constant 0 : i32
        %dma_wait3A_761 = tpu.memref_slice %arg4[%dma_wait3A_759, %dma_wait3A_760] : memref<20000x64xf32, #tpu.memory_space<hbm>> -> memref<20000x64xf32, #tpu.memory_space<hbm>>
        tpu.wait_indirect_dma semaphore(%arg17 : memref<!tpu.dma_semaphore, #tpu.memory_space<semaphore_mem>>) src(%dma_wait3A_761 : memref<20000x64xf32, #tpu.memory_space<hbm>>) dst(%dma_wait3A_755 : memref<40x64xf32, #tpu.memory_space<vmem>>)
        %dma_wait3A_762 = arith.constant 1 : i32
        %dma_wait3A_763 = arith.constant 0 : i32
        %dma_wait3A_764 = arith.constant 0 : i32
        %dma_wait3A_765 = tpu.memref_slice %arg12[%dma_wait3A_762, %dma_wait3A_763, %dma_wait3A_764] : memref<2x80x128xf32, #tpu.memory_space<vmem>> -> memref<1x40x128xf32, #tpu.memory_space<vmem>>
        %dma_wait3A_766 = tpu.memref_squeeze %dma_wait3A_765 : memref<1x40x128xf32, #tpu.memory_space<vmem>> -> memref<40x128xf32, #tpu.memory_space<vmem>>
        %dma_wait3A_767 = arith.constant 0 : i32
        %dma_wait3A_768 = tpu.memref_slice %arg10[%rem3A_343, %add3A_750, %dma_wait3A_767] : memref<2x10x80xi32, #tpu.memory_space<vmem>> -> memref<1x1x40xi32, #tpu.memory_space<vmem>>
        %dma_wait3A_769 = tpu.memref_squeeze %dma_wait3A_768 : memref<1x1x40xi32, #tpu.memory_space<vmem>> -> memref<40xi32, #tpu.memory_space<vmem>>
        %dma_wait3A_770 = arith.constant 0 : i32
        %dma_wait3A_771 = arith.constant 0 : i32
        %dma_wait3A_772 = tpu.memref_slice %arg5[%dma_wait3A_770, %dma_wait3A_771] : memref<20000x128xf32, #tpu.memory_space<hbm>> -> memref<20000x128xf32, #tpu.memory_space<hbm>>
        tpu.wait_indirect_dma semaphore(%arg19 : memref<!tpu.dma_semaphore, #tpu.memory_space<semaphore_mem>>) src(%dma_wait3A_772 : memref<20000x128xf32, #tpu.memory_space<hbm>>) dst(%dma_wait3A_766 : memref<40x128xf32, #tpu.memory_space<vmem>>)
        %dma_wait3A_773 = arith.constant 1 : i32
        %dma_wait3A_774 = arith.constant 40 : i32
        %dma_wait3A_775 = arith.constant 0 : i32
        %dma_wait3A_776 = tpu.memref_slice %arg11[%dma_wait3A_773, %dma_wait3A_774, %dma_wait3A_775] : memref<2x80x64xf32, #tpu.memory_space<vmem>> -> memref<1x40x64xf32, #tpu.memory_space<vmem>>
        %dma_wait3A_777 = tpu.memref_squeeze %dma_wait3A_776 : memref<1x40x64xf32, #tpu.memory_space<vmem>> -> memref<40x64xf32, #tpu.memory_space<vmem>>
        %dma_wait3A_778 = arith.constant 40 : i32
        %dma_wait3A_779 = tpu.memref_slice %arg9[%rem3A_343, %add3A_750, %dma_wait3A_778] : memref<2x10x80xi32, #tpu.memory_space<vmem>> -> memref<1x1x40xi32, #tpu.memory_space<vmem>>
        %dma_wait3A_780 = tpu.memref_squeeze %dma_wait3A_779 : memref<1x1x40xi32, #tpu.memory_space<vmem>> -> memref<40xi32, #tpu.memory_space<vmem>>
        %dma_wait3A_781 = arith.constant 0 : i32
        %dma_wait3A_782 = arith.constant 0 : i32
        %dma_wait3A_783 = tpu.memref_slice %arg4[%dma_wait3A_781, %dma_wait3A_782] : memref<20000x64xf32, #tpu.memory_space<hbm>> -> memref<20000x64xf32, #tpu.memory_space<hbm>>
        tpu.wait_indirect_dma semaphore(%arg17 : memref<!tpu.dma_semaphore, #tpu.memory_space<semaphore_mem>>) src(%dma_wait3A_783 : memref<20000x64xf32, #tpu.memory_space<hbm>>) dst(%dma_wait3A_777 : memref<40x64xf32, #tpu.memory_space<vmem>>)
        %dma_wait3A_784 = arith.constant 1 : i32
        %dma_wait3A_785 = arith.constant 40 : i32
        %dma_wait3A_786 = arith.constant 0 : i32
        %dma_wait3A_787 = tpu.memref_slice %arg12[%dma_wait3A_784, %dma_wait3A_785, %dma_wait3A_786] : memref<2x80x128xf32, #tpu.memory_space<vmem>> -> memref<1x40x128xf32, #tpu.memory_space<vmem>>
        %dma_wait3A_788 = tpu.memref_squeeze %dma_wait3A_787 : memref<1x40x128xf32, #tpu.memory_space<vmem>> -> memref<40x128xf32, #tpu.memory_space<vmem>>
        %dma_wait3A_789 = arith.constant 40 : i32
        %dma_wait3A_790 = tpu.memref_slice %arg10[%rem3A_343, %add3A_750, %dma_wait3A_789] : memref<2x10x80xi32, #tpu.memory_space<vmem>> -> memref<1x1x40xi32, #tpu.memory_space<vmem>>
        %dma_wait3A_791 = tpu.memref_squeeze %dma_wait3A_790 : memref<1x1x40xi32, #tpu.memory_space<vmem>> -> memref<40xi32, #tpu.memory_space<vmem>>
        %dma_wait3A_792 = arith.constant 0 : i32
        %dma_wait3A_793 = arith.constant 0 : i32
        %dma_wait3A_794 = tpu.memref_slice %arg5[%dma_wait3A_792, %dma_wait3A_793] : memref<20000x128xf32, #tpu.memory_space<hbm>> -> memref<20000x128xf32, #tpu.memory_space<hbm>>
        tpu.wait_indirect_dma semaphore(%arg19 : memref<!tpu.dma_semaphore, #tpu.memory_space<semaphore_mem>>) src(%dma_wait3A_794 : memref<20000x128xf32, #tpu.memory_space<hbm>>) dst(%dma_wait3A_788 : memref<40x128xf32, #tpu.memory_space<vmem>>)
        %dma_wait3A_795 = arith.constant 0 : i32
        %dma_wait3A_796 = arith.constant 0 : i32
        %dma_wait3A_797 = arith.constant 0 : i32
        %dma_wait3A_798 = tpu.memref_slice %arg8[%dma_wait3A_795, %dma_wait3A_796, %dma_wait3A_797] : memref<2x10x80xi32, #tpu.memory_space<vmem>> -> memref<1x1x80xi32, #tpu.memory_space<vmem>>
        %dma_wait3A_799 = tpu.memref_squeeze %dma_wait3A_798 : memref<1x1x80xi32, #tpu.memory_space<vmem>> -> memref<80xi32, #tpu.memory_space<vmem>>
        %dma_wait3A_800 = arith.constant 0 : i32
        %dma_wait3A_801 = arith.constant 0 : i32
        %dma_wait3A_802 = tpu.memref_slice %arg14[%dma_wait3A_800, %dma_wait3A_801] : memref<10112x128xf32, #tpu.memory_space<vmem_shared>> -> memref<10112x128xf32, #tpu.memory_space<vmem_shared>>
        tpu.wait_indirect_dma semaphore(%arg21 : memref<!tpu.dma_semaphore, #tpu.memory_space<semaphore_mem>>) src(%arg13 : memref<80x128xf32, #tpu.memory_space<vmem>>) dst(%dma_wait3A_802 : memref<10112x128xf32, #tpu.memory_space<vmem_shared>>)
        %parallel_loop3A_803 = arith.constant 0 : i32
        %parallel_loop3A_804 = arith.constant 80 : i32
        %parallel_loop3A_805 = arith.constant 1 : i32
        scf.for %parallel_loop3A_815 = %parallel_loop3A_803 to %parallel_loop3A_804 step %parallel_loop3A_805  : i32 {
          %parallel_loop3A_816 = arith.constant 1 : i32
          %parallel_loop3A_817 = arith.index_cast %parallel_loop3A_816 : i32 to index
          %parallel_loop3A_818 = arith.index_cast %parallel_loop3A_815 : i32 to index
          %parallel_loop3A_819 = arith.constant 0 : index
          %parallel_loop3A_820 = tpu.vector_load %arg11[%parallel_loop3A_817, %parallel_loop3A_818, %parallel_loop3A_819] {strides = array<i32>} : memref<2x80x64xf32, #tpu.memory_space<vmem>>, vector<1x1x16xf32>,
          %parallel_loop3A_821 = vector.shape_cast %parallel_loop3A_820 : vector<1x1x16xf32> to vector<16xf32>
          %parallel_loop3A_822 = arith.constant 1 : i32
          %parallel_loop3A_823 = arith.index_cast %parallel_loop3A_822 : i32 to index
          %parallel_loop3A_824 = arith.index_cast %parallel_loop3A_815 : i32 to index
          %parallel_loop3A_825 = arith.constant 0 : index
          %parallel_loop3A_826 = tpu.vector_load %arg12[%parallel_loop3A_823, %parallel_loop3A_824, %parallel_loop3A_825] {strides = array<i32>} : memref<2x80x128xf32, #tpu.memory_space<vmem>>, vector<1x1x16xf32>,
          %parallel_loop3A_827 = vector.shape_cast %parallel_loop3A_826 : vector<1x1x16xf32> to vector<16xf32>
          %parallel_loop3A_828 = arith.constant 1 : i32
          %parallel_loop3A_829 = arith.index_cast %parallel_loop3A_828 : i32 to index
          %parallel_loop3A_830 = arith.index_cast %parallel_loop3A_815 : i32 to index
          %parallel_loop3A_831 = arith.constant 64 : index
          %parallel_loop3A_832 = tpu.vector_load %arg12[%parallel_loop3A_829, %parallel_loop3A_830, %parallel_loop3A_831] {strides = array<i32>} : memref<2x80x128xf32, #tpu.memory_space<vmem>>, vector<1x1x16xf32>,
          %parallel_loop3A_833 = vector.shape_cast %parallel_loop3A_832 : vector<1x1x16xf32> to vector<16xf32>
          %parallel_loop3A_834 = arith.addf %parallel_loop3A_821, %parallel_loop3A_827 : vector<16xf32>
          %parallel_loop3A_835 = arith.constant 2.000000e-01 : f32
          %parallel_loop3A_836 = vector.broadcast %parallel_loop3A_835 : f32 to vector<16xf32>
          %parallel_loop3A_837 = arith.mulf %parallel_loop3A_836, %parallel_loop3A_834 : vector<16xf32>
          %parallel_loop3A_838 = arith.maximumf %parallel_loop3A_834, %parallel_loop3A_837 : vector<16xf32>
          %parallel_loop3A_839 = math.exp %parallel_loop3A_838 : vector<16xf32>
          %parallel_loop3A_840 = arith.mulf %parallel_loop3A_839, %parallel_loop3A_833 : vector<16xf32>
          %parallel_loop3A_841 = arith.index_cast %parallel_loop3A_815 : i32 to index
          %parallel_loop3A_842 = arith.constant 0 : index
          %parallel_loop3A_843 = tpu.vector_load %arg13[%parallel_loop3A_841, %parallel_loop3A_842] {strides = array<i32>} : memref<80x128xf32, #tpu.memory_space<vmem>>, vector<1x16xf32>,
          %parallel_loop3A_844 = vector.shape_cast %parallel_loop3A_843 : vector<1x16xf32> to vector<16xf32>
          %parallel_loop3A_845 = vector.shape_cast %parallel_loop3A_840 : vector<16xf32> to vector<1x16xf32>
          tpu.vector_store %arg13[%parallel_loop3A_841, %parallel_loop3A_842], %parallel_loop3A_845 {strides = array<i32>} : memref<80x128xf32, #tpu.memory_space<vmem>>, vector<1x16xf32>,
          %parallel_loop3A_846 = arith.index_cast %parallel_loop3A_815 : i32 to index
          %parallel_loop3A_847 = arith.constant 64 : index
          %parallel_loop3A_848 = tpu.vector_load %arg13[%parallel_loop3A_846, %parallel_loop3A_847] {strides = array<i32>} : memref<80x128xf32, #tpu.memory_space<vmem>>, vector<1x16xf32>,
          %parallel_loop3A_849 = vector.shape_cast %parallel_loop3A_848 : vector<1x16xf32> to vector<16xf32>
          %parallel_loop3A_850 = vector.shape_cast %parallel_loop3A_839 : vector<16xf32> to vector<1x16xf32>
          tpu.vector_store %arg13[%parallel_loop3A_846, %parallel_loop3A_847], %parallel_loop3A_850 {strides = array<i32>} : memref<80x128xf32, #tpu.memory_space<vmem>>, vector<1x16xf32>,
          %parallel_loop3A_851 = arith.constant 1 : i32
          %parallel_loop3A_852 = arith.index_cast %parallel_loop3A_851 : i32 to index
          %parallel_loop3A_853 = arith.index_cast %parallel_loop3A_815 : i32 to index
          %parallel_loop3A_854 = arith.constant 16 : index
          %parallel_loop3A_855 = tpu.vector_load %arg11[%parallel_loop3A_852, %parallel_loop3A_853, %parallel_loop3A_854] {strides = array<i32>} : memref<2x80x64xf32, #tpu.memory_space<vmem>>, vector<1x1x16xf32>,
          %parallel_loop3A_856 = vector.shape_cast %parallel_loop3A_855 : vector<1x1x16xf32> to vector<16xf32>
          %parallel_loop3A_857 = arith.constant 1 : i32
          %parallel_loop3A_858 = arith.index_cast %parallel_loop3A_857 : i32 to index
          %parallel_loop3A_859 = arith.index_cast %parallel_loop3A_815 : i32 to index
          %parallel_loop3A_860 = arith.constant 16 : index
          %parallel_loop3A_861 = tpu.vector_load %arg12[%parallel_loop3A_858, %parallel_loop3A_859, %parallel_loop3A_860] {strides = array<i32>} : memref<2x80x128xf32, #tpu.memory_space<vmem>>, vector<1x1x16xf32>,
          %parallel_loop3A_862 = vector.shape_cast %parallel_loop3A_861 : vector<1x1x16xf32> to vector<16xf32>
          %parallel_loop3A_863 = arith.constant 1 : i32
          %parallel_loop3A_864 = arith.index_cast %parallel_loop3A_863 : i32 to index
          %parallel_loop3A_865 = arith.index_cast %parallel_loop3A_815 : i32 to index
          %parallel_loop3A_866 = arith.constant 80 : index
          %parallel_loop3A_867 = tpu.vector_load %arg12[%parallel_loop3A_864, %parallel_loop3A_865, %parallel_loop3A_866] {strides = array<i32>} : memref<2x80x128xf32, #tpu.memory_space<vmem>>, vector<1x1x16xf32>,
          %parallel_loop3A_868 = vector.shape_cast %parallel_loop3A_867 : vector<1x1x16xf32> to vector<16xf32>
          %parallel_loop3A_869 = arith.addf %parallel_loop3A_856, %parallel_loop3A_862 : vector<16xf32>
          %parallel_loop3A_870 = arith.constant 2.000000e-01 : f32
          %parallel_loop3A_871 = vector.broadcast %parallel_loop3A_870 : f32 to vector<16xf32>
          %parallel_loop3A_872 = arith.mulf %parallel_loop3A_871, %parallel_loop3A_869 : vector<16xf32>
          %parallel_loop3A_873 = arith.maximumf %parallel_loop3A_869, %parallel_loop3A_872 : vector<16xf32>
          %parallel_loop3A_874 = math.exp %parallel_loop3A_873 : vector<16xf32>
          %parallel_loop3A_875 = arith.mulf %parallel_loop3A_874, %parallel_loop3A_868 : vector<16xf32>
          %parallel_loop3A_876 = arith.index_cast %parallel_loop3A_815 : i32 to index
          %parallel_loop3A_877 = arith.constant 16 : index
          %parallel_loop3A_878 = tpu.vector_load %arg13[%parallel_loop3A_876, %parallel_loop3A_877] {strides = array<i32>} : memref<80x128xf32, #tpu.memory_space<vmem>>, vector<1x16xf32>,
          %parallel_loop3A_879 = vector.shape_cast %parallel_loop3A_878 : vector<1x16xf32> to vector<16xf32>
          %parallel_loop3A_880 = vector.shape_cast %parallel_loop3A_875 : vector<16xf32> to vector<1x16xf32>
          tpu.vector_store %arg13[%parallel_loop3A_876, %parallel_loop3A_877], %parallel_loop3A_880 {strides = array<i32>} : memref<80x128xf32, #tpu.memory_space<vmem>>, vector<1x16xf32>,
          %parallel_loop3A_881 = arith.index_cast %parallel_loop3A_815 : i32 to index
          %parallel_loop3A_882 = arith.constant 80 : index
          %parallel_loop3A_883 = tpu.vector_load %arg13[%parallel_loop3A_881, %parallel_loop3A_882] {strides = array<i32>} : memref<80x128xf32, #tpu.memory_space<vmem>>, vector<1x16xf32>,
          %parallel_loop3A_884 = vector.shape_cast %parallel_loop3A_883 : vector<1x16xf32> to vector<16xf32>
          %parallel_loop3A_885 = vector.shape_cast %parallel_loop3A_874 : vector<16xf32> to vector<1x16xf32>
          tpu.vector_store %arg13[%parallel_loop3A_881, %parallel_loop3A_882], %parallel_loop3A_885 {strides = array<i32>} : memref<80x128xf32, #tpu.memory_space<vmem>>, vector<1x16xf32>,
          %parallel_loop3A_886 = arith.constant 1 : i32
          %parallel_loop3A_887 = arith.index_cast %parallel_loop3A_886 : i32 to index
          %parallel_loop3A_888 = arith.index_cast %parallel_loop3A_815 : i32 to index
          %parallel_loop3A_889 = arith.constant 32 : index
          %parallel_loop3A_890 = tpu.vector_load %arg11[%parallel_loop3A_887, %parallel_loop3A_888, %parallel_loop3A_889] {strides = array<i32>} : memref<2x80x64xf32, #tpu.memory_space<vmem>>, vector<1x1x16xf32>,
          %parallel_loop3A_891 = vector.shape_cast %parallel_loop3A_890 : vector<1x1x16xf32> to vector<16xf32>
          %parallel_loop3A_892 = arith.constant 1 : i32
          %parallel_loop3A_893 = arith.index_cast %parallel_loop3A_892 : i32 to index
          %parallel_loop3A_894 = arith.index_cast %parallel_loop3A_815 : i32 to index
          %parallel_loop3A_895 = arith.constant 32 : index
          %parallel_loop3A_896 = tpu.vector_load %arg12[%parallel_loop3A_893, %parallel_loop3A_894, %parallel_loop3A_895] {strides = array<i32>} : memref<2x80x128xf32, #tpu.memory_space<vmem>>, vector<1x1x16xf32>,
          %parallel_loop3A_897 = vector.shape_cast %parallel_loop3A_896 : vector<1x1x16xf32> to vector<16xf32>
          %parallel_loop3A_898 = arith.constant 1 : i32
          %parallel_loop3A_899 = arith.index_cast %parallel_loop3A_898 : i32 to index
          %parallel_loop3A_900 = arith.index_cast %parallel_loop3A_815 : i32 to index
          %parallel_loop3A_901 = arith.constant 96 : index
          %parallel_loop3A_902 = tpu.vector_load %arg12[%parallel_loop3A_899, %parallel_loop3A_900, %parallel_loop3A_901] {strides = array<i32>} : memref<2x80x128xf32, #tpu.memory_space<vmem>>, vector<1x1x16xf32>,
          %parallel_loop3A_903 = vector.shape_cast %parallel_loop3A_902 : vector<1x1x16xf32> to vector<16xf32>
          %parallel_loop3A_904 = arith.addf %parallel_loop3A_891, %parallel_loop3A_897 : vector<16xf32>
          %parallel_loop3A_905 = arith.constant 2.000000e-01 : f32
          %parallel_loop3A_906 = vector.broadcast %parallel_loop3A_905 : f32 to vector<16xf32>
          %parallel_loop3A_907 = arith.mulf %parallel_loop3A_906, %parallel_loop3A_904 : vector<16xf32>
          %parallel_loop3A_908 = arith.maximumf %parallel_loop3A_904, %parallel_loop3A_907 : vector<16xf32>
          %parallel_loop3A_909 = math.exp %parallel_loop3A_908 : vector<16xf32>
          %parallel_loop3A_910 = arith.mulf %parallel_loop3A_909, %parallel_loop3A_903 : vector<16xf32>
          %parallel_loop3A_911 = arith.index_cast %parallel_loop3A_815 : i32 to index
          %parallel_loop3A_912 = arith.constant 32 : index
          %parallel_loop3A_913 = tpu.vector_load %arg13[%parallel_loop3A_911, %parallel_loop3A_912] {strides = array<i32>} : memref<80x128xf32, #tpu.memory_space<vmem>>, vector<1x16xf32>,
          %parallel_loop3A_914 = vector.shape_cast %parallel_loop3A_913 : vector<1x16xf32> to vector<16xf32>
          %parallel_loop3A_915 = vector.shape_cast %parallel_loop3A_910 : vector<16xf32> to vector<1x16xf32>
          tpu.vector_store %arg13[%parallel_loop3A_911, %parallel_loop3A_912], %parallel_loop3A_915 {strides = array<i32>} : memref<80x128xf32, #tpu.memory_space<vmem>>, vector<1x16xf32>,
          %parallel_loop3A_916 = arith.index_cast %parallel_loop3A_815 : i32 to index
          %parallel_loop3A_917 = arith.constant 96 : index
          %parallel_loop3A_918 = tpu.vector_load %arg13[%parallel_loop3A_916, %parallel_loop3A_917] {strides = array<i32>} : memref<80x128xf32, #tpu.memory_space<vmem>>, vector<1x16xf32>,
          %parallel_loop3A_919 = vector.shape_cast %parallel_loop3A_918 : vector<1x16xf32> to vector<16xf32>
          %parallel_loop3A_920 = vector.shape_cast %parallel_loop3A_909 : vector<16xf32> to vector<1x16xf32>
          tpu.vector_store %arg13[%parallel_loop3A_916, %parallel_loop3A_917], %parallel_loop3A_920 {strides = array<i32>} : memref<80x128xf32, #tpu.memory_space<vmem>>, vector<1x16xf32>,
          %parallel_loop3A_921 = arith.constant 1 : i32
          %parallel_loop3A_922 = arith.index_cast %parallel_loop3A_921 : i32 to index
          %parallel_loop3A_923 = arith.index_cast %parallel_loop3A_815 : i32 to index
          %parallel_loop3A_924 = arith.constant 48 : index
          %parallel_loop3A_925 = tpu.vector_load %arg11[%parallel_loop3A_922, %parallel_loop3A_923, %parallel_loop3A_924] {strides = array<i32>} : memref<2x80x64xf32, #tpu.memory_space<vmem>>, vector<1x1x16xf32>,
          %parallel_loop3A_926 = vector.shape_cast %parallel_loop3A_925 : vector<1x1x16xf32> to vector<16xf32>
          %parallel_loop3A_927 = arith.constant 1 : i32
          %parallel_loop3A_928 = arith.index_cast %parallel_loop3A_927 : i32 to index
          %parallel_loop3A_929 = arith.index_cast %parallel_loop3A_815 : i32 to index
          %parallel_loop3A_930 = arith.constant 48 : index
          %parallel_loop3A_931 = tpu.vector_load %arg12[%parallel_loop3A_928, %parallel_loop3A_929, %parallel_loop3A_930] {strides = array<i32>} : memref<2x80x128xf32, #tpu.memory_space<vmem>>, vector<1x1x16xf32>,
          %parallel_loop3A_932 = vector.shape_cast %parallel_loop3A_931 : vector<1x1x16xf32> to vector<16xf32>
          %parallel_loop3A_933 = arith.constant 1 : i32
          %parallel_loop3A_934 = arith.index_cast %parallel_loop3A_933 : i32 to index
          %parallel_loop3A_935 = arith.index_cast %parallel_loop3A_815 : i32 to index
          %parallel_loop3A_936 = arith.constant 112 : index
          %parallel_loop3A_937 = tpu.vector_load %arg12[%parallel_loop3A_934, %parallel_loop3A_935, %parallel_loop3A_936] {strides = array<i32>} : memref<2x80x128xf32, #tpu.memory_space<vmem>>, vector<1x1x16xf32>,
          %parallel_loop3A_938 = vector.shape_cast %parallel_loop3A_937 : vector<1x1x16xf32> to vector<16xf32>
          %parallel_loop3A_939 = arith.addf %parallel_loop3A_926, %parallel_loop3A_932 : vector<16xf32>
          %parallel_loop3A_940 = arith.constant 2.000000e-01 : f32
          %parallel_loop3A_941 = vector.broadcast %parallel_loop3A_940 : f32 to vector<16xf32>
          %parallel_loop3A_942 = arith.mulf %parallel_loop3A_941, %parallel_loop3A_939 : vector<16xf32>
          %parallel_loop3A_943 = arith.maximumf %parallel_loop3A_939, %parallel_loop3A_942 : vector<16xf32>
          %parallel_loop3A_944 = math.exp %parallel_loop3A_943 : vector<16xf32>
          %parallel_loop3A_945 = arith.mulf %parallel_loop3A_944, %parallel_loop3A_938 : vector<16xf32>
          %parallel_loop3A_946 = arith.index_cast %parallel_loop3A_815 : i32 to index
          %parallel_loop3A_947 = arith.constant 48 : index
          %parallel_loop3A_948 = tpu.vector_load %arg13[%parallel_loop3A_946, %parallel_loop3A_947] {strides = array<i32>} : memref<80x128xf32, #tpu.memory_space<vmem>>, vector<1x16xf32>,
          %parallel_loop3A_949 = vector.shape_cast %parallel_loop3A_948 : vector<1x16xf32> to vector<16xf32>
          %parallel_loop3A_950 = vector.shape_cast %parallel_loop3A_945 : vector<16xf32> to vector<1x16xf32>
          tpu.vector_store %arg13[%parallel_loop3A_946, %parallel_loop3A_947], %parallel_loop3A_950 {strides = array<i32>} : memref<80x128xf32, #tpu.memory_space<vmem>>, vector<1x16xf32>,
          %parallel_loop3A_951 = arith.index_cast %parallel_loop3A_815 : i32 to index
          %parallel_loop3A_952 = arith.constant 112 : index
          %parallel_loop3A_953 = tpu.vector_load %arg13[%parallel_loop3A_951, %parallel_loop3A_952] {strides = array<i32>} : memref<80x128xf32, #tpu.memory_space<vmem>>, vector<1x16xf32>,
          %parallel_loop3A_954 = vector.shape_cast %parallel_loop3A_953 : vector<1x16xf32> to vector<16xf32>
          %parallel_loop3A_955 = vector.shape_cast %parallel_loop3A_944 : vector<16xf32> to vector<1x16xf32>
          tpu.vector_store %arg13[%parallel_loop3A_951, %parallel_loop3A_952], %parallel_loop3A_955 {strides = array<i32>} : memref<80x128xf32, #tpu.memory_space<vmem>>, vector<1x16xf32>,
        } {sc.loop_unroll_factor = 8 : i64, sc.parallel_access}
        %add3A_806 = arith.constant 1 : i32
        %add3A_807 = arith.addi %mul3A_637, %add3A_806 : i32
        %dma_start3A_808 = arith.constant 0 : i32
        %dma_start3A_809 = tpu.memref_slice %arg8[%rem3A_343, %add3A_807, %dma_start3A_808] : memref<2x10x80xi32, #tpu.memory_space<vmem>> -> memref<1x1x80xi32, #tpu.memory_space<vmem>>
        %dma_start3A_810 = tpu.memref_squeeze %dma_start3A_809 : memref<1x1x80xi32, #tpu.memory_space<vmem>> -> memref<80xi32, #tpu.memory_space<vmem>>
        %dma_start3A_811 = arith.constant 0 : i32
        %dma_start3A_812 = arith.constant 0 : i32
        %dma_start3A_813 = tpu.memref_slice %arg14[%dma_start3A_811, %dma_start3A_812] : memref<10112x128xf32, #tpu.memory_space<vmem_shared>> -> memref<10112x128xf32, #tpu.memory_space<vmem_shared>>
        tpu.enqueue_indirect_dma source(%arg13 : memref<80x128xf32, #tpu.memory_space<vmem>>) target(%dma_start3A_813 : memref<10112x128xf32, #tpu.memory_space<vmem_shared>>) offsets(%dma_start3A_810 : memref<80xi32, #tpu.memory_space<vmem>>) semaphore(%arg21 : memref<!tpu.dma_semaphore, #tpu.memory_space<semaphore_mem>>) {add = true}
        %scan3A_814 = arith.constant 0 : i32
        scf.yield %scan3A_814 : i32
      }
      %scan3A_632 = arith.constant 5 : i32
      %scan3A_633 = arith.constant 0 : i32
      scf.yield %scan3A_633 : i32
    }
    %scan3A_272 = arith.constant 25 : i32
    %dma_wait3A = arith.constant 0 : i32
    %dma_wait3A_273 = arith.constant 0 : i32
    %dma_wait3A_274 = arith.constant 0 : i32
    %dma_wait3A_275 = tpu.memref_slice %arg8[%dma_wait3A, %dma_wait3A_273, %dma_wait3A_274] : memref<2x10x80xi32, #tpu.memory_space<vmem>> -> memref<1x1x80xi32, #tpu.memory_space<vmem>>
    %dma_wait3A_276 = tpu.memref_squeeze %dma_wait3A_275 : memref<1x1x80xi32, #tpu.memory_space<vmem>> -> memref<80xi32, #tpu.memory_space<vmem>>
    %dma_wait3A_277 = arith.constant 0 : i32
    %dma_wait3A_278 = arith.constant 0 : i32
    %dma_wait3A_279 = tpu.memref_slice %arg14[%dma_wait3A_277, %dma_wait3A_278] : memref<10112x128xf32, #tpu.memory_space<vmem_shared>> -> memref<10112x128xf32, #tpu.memory_space<vmem_shared>>
    tpu.wait_indirect_dma semaphore(%arg21 : memref<!tpu.dma_semaphore, #tpu.memory_space<semaphore_mem>>) src(%arg13 : memref<80x128xf32, #tpu.memory_space<vmem>>) dst(%dma_wait3A_279 : memref<10112x128xf32, #tpu.memory_space<vmem_shared>>)
    %barrier3A_280 = arith.constant 0 : index
    tpu.barrier barrier_id(%barrier3A_280)
    %mul3A_281 = arith.constant 64 : i32
    %mul3A_282 = arith.muli %arg0, %mul3A_281 : i32
    "tpu.region"() ({
      %run_scoped3A = tpu.sem_alloc : memref<!tpu.dma_semaphore, #tpu.memory_space<semaphore_mem>>
      %dma_start3A_341 = tpu.memref_slice %arg6[%mul3A_282] : memref<128xf32, #tpu.memory_space<hbm>> -> memref<64xf32, #tpu.memory_space<hbm>>
      %dma_start3A_342 = tpu.memref_slice %arg6[%mul3A_282] : memref<128xf32, #tpu.memory_space<hbm>> -> memref<64xf32, #tpu.memory_space<hbm>>
      tpu.enqueue_dma source(%dma_start3A_342 : memref<64xf32, #tpu.memory_space<hbm>>) target(%arg15 : memref<64xf32, #tpu.memory_space<vmem>>) target_semaphore(%run_scoped3A : memref<!tpu.dma_semaphore, #tpu.memory_space<semaphore_mem>>)
      %dma_wait3A_343 = tpu.memref_slice %arg6[%mul3A_282] : memref<128xf32, #tpu.memory_space<hbm>> -> memref<64xf32, #tpu.memory_space<hbm>>
      %dma_wait3A_344 = tpu.memref_slice %arg6[%mul3A_282] : memref<128xf32, #tpu.memory_space<hbm>> -> memref<64xf32, #tpu.memory_space<hbm>>
      tpu.wait_dma2 semaphore(%run_scoped3A : memref<!tpu.dma_semaphore, #tpu.memory_space<semaphore_mem>>) src(%dma_wait3A_344 : memref<64xf32, #tpu.memory_space<hbm>>) dst(%arg15 : memref<64xf32, #tpu.memory_space<vmem>>)
      tpu.yield
    }) : () -> ()
    %mul3A_283 = arith.constant 632 : i32
    %mul3A_284 = arith.muli %arg1, %mul3A_283 : i32
    %add3A_285 = arith.constant 0 : i32
    %add3A_286 = arith.addi %mul3A_284, %add3A_285 : i32
    %dma_start3A_287 = arith.constant 0 : i32
    %dma_start3A_288 = arith.constant 0 : i32
    %dma_start3A_289 = arith.constant 0 : i32
    %dma_start3A_290 = tpu.memref_slice %arg12[%dma_start3A_287, %dma_start3A_288, %dma_start3A_289] : memref<2x80x128xf32, #tpu.memory_space<vmem>> -> memref<1x8x128xf32, #tpu.memory_space<vmem>>
    %dma_start3A_291 = tpu.memref_squeeze %dma_start3A_290 : memref<1x8x128xf32, #tpu.memory_space<vmem>> -> memref<8x128xf32, #tpu.memory_space<vmem>>
    %dma_start3A_292 = arith.constant 0 : i32
    %dma_start3A_293 = tpu.memref_slice %arg14[%add3A_286, %dma_start3A_292] : memref<10112x128xf32, #tpu.memory_space<vmem_shared>> -> memref<8x128xf32, #tpu.memory_space<vmem_shared>>
    %dma_start3A_294 = arith.constant 0 : i32
    %dma_start3A_295 = arith.constant 0 : i32
    %dma_start3A_296 = tpu.memref_slice %arg12[%dma_start3A_287, %dma_start3A_294, %dma_start3A_295] : memref<2x80x128xf32, #tpu.memory_space<vmem>> -> memref<1x8x128xf32, #tpu.memory_space<vmem>>
    %dma_start3A_297 = tpu.memref_squeeze %dma_start3A_296 : memref<1x8x128xf32, #tpu.memory_space<vmem>> -> memref<8x128xf32, #tpu.memory_space<vmem>>
    %dma_start3A_298 = arith.constant 0 : i32
    %dma_start3A_299 = tpu.memref_slice %arg14[%add3A_286, %dma_start3A_298] : memref<10112x128xf32, #tpu.memory_space<vmem_shared>> -> memref<8x128xf32, #tpu.memory_space<vmem_shared>>
    tpu.enqueue_dma source(%dma_start3A_299 : memref<8x128xf32, #tpu.memory_space<vmem_shared>>) target(%dma_start3A_297 : memref<8x128xf32, #tpu.memory_space<vmem>>) target_semaphore(%arg16 : memref<!tpu.dma_semaphore, #tpu.memory_space<semaphore_mem>>)
    %scan3A_300 = arith.constant 0 : i32
    %scan3A_301 = arith.constant 0 : i32
    %scan3A_302 = arith.constant 40 : i32
    %scan3A_303 = arith.addi %scan3A_301, %scan3A_302 : i32
    %scan3A_304 = arith.constant 1 : i32
    %scan3A_305 = scf.for %scan3A_341 = %scan3A_301 to %scan3A_303 step %scan3A_304 iter_args(%scan3A_342 = %scan3A_300) -> (i32)  : i32 {
      %mul3A_343 = arith.constant 2 : i32
      %mul3A_344 = arith.muli %mul3A_343, %scan3A_341 : i32
      %add3A_345 = arith.constant 1 : i32
      %add3A_346 = arith.addi %mul3A_344, %add3A_345 : i32
      %lt3A = arith.constant 79 : i32
      %lt3A_347 = arith.cmpi slt, %add3A_346, %lt3A : i32
      %convert_element_type3A = arith.extui %lt3A_347 : i1 to i32
      %cond3A = arith.constant 0 : i32
      %cond3A_348 = arith.cmpi ne, %convert_element_type3A, %cond3A : i32
      scf.if %cond3A_348 {
        %add3A_399 = arith.constant 1 : i32
        %add3A_400 = arith.addi %mul3A_344, %add3A_399 : i32
        %mul3A_401 = arith.constant 632 : i32
        %mul3A_402 = arith.muli %arg1, %mul3A_401 : i32
        %mul3A_403 = arith.constant 8 : i32
        %mul3A_404 = arith.muli %add3A_400, %mul3A_403 : i32
        %add3A_405 = arith.addi %mul3A_402, %mul3A_404 : i32
        %dma_start3A_406 = arith.constant 1 : i32
        %dma_start3A_407 = arith.constant 0 : i32
        %dma_start3A_408 = arith.constant 0 : i32
        %dma_start3A_409 = tpu.memref_slice %arg12[%dma_start3A_406, %dma_start3A_407, %dma_start3A_408] : memref<2x80x128xf32, #tpu.memory_space<vmem>> -> memref<1x8x128xf32, #tpu.memory_space<vmem>>
        %dma_start3A_410 = tpu.memref_squeeze %dma_start3A_409 : memref<1x8x128xf32, #tpu.memory_space<vmem>> -> memref<8x128xf32, #tpu.memory_space<vmem>>
        %dma_start3A_411 = arith.constant 0 : i32
        %dma_start3A_412 = tpu.memref_slice %arg14[%add3A_405, %dma_start3A_411] : memref<10112x128xf32, #tpu.memory_space<vmem_shared>> -> memref<8x128xf32, #tpu.memory_space<vmem_shared>>
        %dma_start3A_413 = arith.constant 0 : i32
        %dma_start3A_414 = arith.constant 0 : i32
        %dma_start3A_415 = tpu.memref_slice %arg12[%dma_start3A_406, %dma_start3A_413, %dma_start3A_414] : memref<2x80x128xf32, #tpu.memory_space<vmem>> -> memref<1x8x128xf32, #tpu.memory_space<vmem>>
        %dma_start3A_416 = tpu.memref_squeeze %dma_start3A_415 : memref<1x8x128xf32, #tpu.memory_space<vmem>> -> memref<8x128xf32, #tpu.memory_space<vmem>>
        %dma_start3A_417 = arith.constant 0 : i32
        %dma_start3A_418 = tpu.memref_slice %arg14[%add3A_405, %dma_start3A_417] : memref<10112x128xf32, #tpu.memory_space<vmem_shared>> -> memref<8x128xf32, #tpu.memory_space<vmem_shared>>
        tpu.enqueue_dma source(%dma_start3A_418 : memref<8x128xf32, #tpu.memory_space<vmem_shared>>) target(%dma_start3A_416 : memref<8x128xf32, #tpu.memory_space<vmem>>) target_semaphore(%arg17 : memref<!tpu.dma_semaphore, #tpu.memory_space<semaphore_mem>>)
      } else {
      }
      %mul3A_349 = arith.constant 632 : i32
      %mul3A_350 = arith.muli %arg1, %mul3A_349 : i32
      %mul3A_351 = arith.constant 8 : i32
      %mul3A_352 = arith.muli %mul3A_344, %mul3A_351 : i32
      %add3A_353 = arith.addi %mul3A_350, %mul3A_352 : i32
      %dma_wait3A_354 = arith.constant 0 : i32
      %dma_wait3A_355 = arith.constant 0 : i32
      %dma_wait3A_356 = arith.constant 0 : i32
      %dma_wait3A_357 = tpu.memref_slice %arg12[%dma_wait3A_354, %dma_wait3A_355, %dma_wait3A_356] : memref<2x80x128xf32, #tpu.memory_space<vmem>> -> memref<1x8x128xf32, #tpu.memory_space<vmem>>
      %dma_wait3A_358 = tpu.memref_squeeze %dma_wait3A_357 : memref<1x8x128xf32, #tpu.memory_space<vmem>> -> memref<8x128xf32, #tpu.memory_space<vmem>>
      %dma_wait3A_359 = arith.constant 0 : i32
      %dma_wait3A_360 = tpu.memref_slice %arg14[%add3A_353, %dma_wait3A_359] : memref<10112x128xf32, #tpu.memory_space<vmem_shared>> -> memref<8x128xf32, #tpu.memory_space<vmem_shared>>
      %dma_wait3A_361 = arith.constant 0 : i32
      %dma_wait3A_362 = arith.constant 0 : i32
      %dma_wait3A_363 = tpu.memref_slice %arg12[%dma_wait3A_354, %dma_wait3A_361, %dma_wait3A_362] : memref<2x80x128xf32, #tpu.memory_space<vmem>> -> memref<1x8x128xf32, #tpu.memory_space<vmem>>
      %dma_wait3A_364 = tpu.memref_squeeze %dma_wait3A_363 : memref<1x8x128xf32, #tpu.memory_space<vmem>> -> memref<8x128xf32, #tpu.memory_space<vmem>>
      %dma_wait3A_365 = arith.constant 0 : i32
      %dma_wait3A_366 = tpu.memref_slice %arg14[%add3A_353, %dma_wait3A_365] : memref<10112x128xf32, #tpu.memory_space<vmem_shared>> -> memref<8x128xf32, #tpu.memory_space<vmem_shared>>
      tpu.wait_dma2 semaphore(%arg16 : memref<!tpu.dma_semaphore, #tpu.memory_space<semaphore_mem>>) src(%dma_wait3A_366 : memref<8x128xf32, #tpu.memory_space<vmem_shared>>) dst(%dma_wait3A_364 : memref<8x128xf32, #tpu.memory_space<vmem>>)
      %gt3A = arith.constant 0 : i32
      %gt3A_367 = arith.cmpi sgt, %scan3A_341, %gt3A : i32
      %convert_element_type3A_368 = arith.extui %gt3A_367 : i1 to i32
      %cond3A_369 = arith.constant 0 : i32
      %cond3A_370 = arith.cmpi ne, %convert_element_type3A_368, %cond3A_369 : i32
      scf.if %cond3A_370 {
        %mul3A_399 = arith.constant 632 : i32
        %mul3A_400 = arith.muli %arg1, %mul3A_399 : i32
        %mul3A_401 = arith.constant 8 : i32
        %mul3A_402 = arith.muli %mul3A_344, %mul3A_401 : i32
        %add3A_403 = arith.addi %mul3A_400, %mul3A_402 : i32
        %mul3A_404 = arith.constant 64 : i32
        %mul3A_405 = arith.muli %arg0, %mul3A_404 : i32
        %dma_wait3A_406 = arith.constant 0 : i32
        %dma_wait3A_407 = arith.constant 0 : i32
        %dma_wait3A_408 = arith.constant 0 : i32
        %dma_wait3A_409 = tpu.memref_slice %arg11[%dma_wait3A_406, %dma_wait3A_407, %dma_wait3A_408] : memref<2x80x64xf32, #tpu.memory_space<vmem>> -> memref<1x8x64xf32, #tpu.memory_space<vmem>>
        %dma_wait3A_410 = tpu.memref_squeeze %dma_wait3A_409 : memref<1x8x64xf32, #tpu.memory_space<vmem>> -> memref<8x64xf32, #tpu.memory_space<vmem>>
        %dma_wait3A_411 = tpu.memref_slice %arg7[%add3A_403, %mul3A_405] : memref<10112x128xf32, #tpu.memory_space<hbm>> -> memref<8x64xf32, #tpu.memory_space<hbm>>
        %dma_wait3A_412 = tpu.memref_slice %arg7[%add3A_403, %mul3A_405] : memref<10112x128xf32, #tpu.memory_space<hbm>> -> memref<8x64xf32, #tpu.memory_space<hbm>>
        %dma_wait3A_413 = arith.constant 0 : i32
        %dma_wait3A_414 = arith.constant 0 : i32
        %dma_wait3A_415 = tpu.memref_slice %arg11[%dma_wait3A_406, %dma_wait3A_413, %dma_wait3A_414] : memref<2x80x64xf32, #tpu.memory_space<vmem>> -> memref<1x8x64xf32, #tpu.memory_space<vmem>>
        %dma_wait3A_416 = tpu.memref_squeeze %dma_wait3A_415 : memref<1x8x64xf32, #tpu.memory_space<vmem>> -> memref<8x64xf32, #tpu.memory_space<vmem>>
        tpu.wait_dma2 semaphore(%arg18 : memref<!tpu.dma_semaphore, #tpu.memory_space<semaphore_mem>>) src(%dma_wait3A_416 : memref<8x64xf32, #tpu.memory_space<vmem>>) dst(%dma_wait3A_412 : memref<8x64xf32, #tpu.memory_space<hbm>>)
      } else {
      }
      %parallel_loop3A = arith.constant 0 : i32
      %parallel_loop3A_371 = arith.constant 8 : i32
      %parallel_loop3A_372 = arith.constant 1 : i32
      scf.for %parallel_loop3A_399 = %parallel_loop3A to %parallel_loop3A_371 step %parallel_loop3A_372  : i32 {
        %parallel_loop3A_400 = arith.constant 0 : i32
        %parallel_loop3A_401 = arith.index_cast %parallel_loop3A_400 : i32 to index
        %parallel_loop3A_402 = arith.index_cast %parallel_loop3A_399 : i32 to index
        %parallel_loop3A_403 = arith.constant 0 : index
        %parallel_loop3A_404 = tpu.vector_load %arg12[%parallel_loop3A_401, %parallel_loop3A_402, %parallel_loop3A_403] {strides = array<i32>} : memref<2x80x128xf32, #tpu.memory_space<vmem>>, vector<1x1x16xf32>,
        %parallel_loop3A_405 = vector.shape_cast %parallel_loop3A_404 : vector<1x1x16xf32> to vector<16xf32>
        %parallel_loop3A_406 = arith.constant 0 : i32
        %parallel_loop3A_407 = arith.index_cast %parallel_loop3A_406 : i32 to index
        %parallel_loop3A_408 = arith.index_cast %parallel_loop3A_399 : i32 to index
        %parallel_loop3A_409 = arith.constant 64 : index
        %parallel_loop3A_410 = tpu.vector_load %arg12[%parallel_loop3A_407, %parallel_loop3A_408, %parallel_loop3A_409] {strides = array<i32>} : memref<2x80x128xf32, #tpu.memory_space<vmem>>, vector<1x1x16xf32>,
        %parallel_loop3A_411 = vector.shape_cast %parallel_loop3A_410 : vector<1x1x16xf32> to vector<16xf32>
        %parallel_loop3A_412 = arith.constant 0 : index
        %parallel_loop3A_413 = tpu.vector_load %arg15[%parallel_loop3A_412] {strides = array<i32>} : memref<64xf32, #tpu.memory_space<vmem>>, vector<16xf32>,
        %parallel_loop3A_414 = vector.shape_cast %parallel_loop3A_413 : vector<16xf32> to vector<16xf32>
        %parallel_loop3A_415 = arith.constant 1.000000e-16 : f32
        %parallel_loop3A_416 = vector.broadcast %parallel_loop3A_415 : f32 to vector<16xf32>
        %parallel_loop3A_417 = arith.addf %parallel_loop3A_411, %parallel_loop3A_416 : vector<16xf32>
        %parallel_loop3A_418 = arith.divf %parallel_loop3A_405, %parallel_loop3A_417 : vector<16xf32>
        %parallel_loop3A_419 = arith.addf %parallel_loop3A_418, %parallel_loop3A_414 : vector<16xf32>
        %parallel_loop3A_420 = arith.constant 0 : i32
        %parallel_loop3A_421 = arith.index_cast %parallel_loop3A_420 : i32 to index
        %parallel_loop3A_422 = arith.index_cast %parallel_loop3A_399 : i32 to index
        %parallel_loop3A_423 = arith.constant 0 : index
        %parallel_loop3A_424 = tpu.vector_load %arg11[%parallel_loop3A_421, %parallel_loop3A_422, %parallel_loop3A_423] {strides = array<i32>} : memref<2x80x64xf32, #tpu.memory_space<vmem>>, vector<1x1x16xf32>,
        %parallel_loop3A_425 = vector.shape_cast %parallel_loop3A_424 : vector<1x1x16xf32> to vector<16xf32>
        %parallel_loop3A_426 = vector.shape_cast %parallel_loop3A_419 : vector<16xf32> to vector<1x1x16xf32>
        tpu.vector_store %arg11[%parallel_loop3A_421, %parallel_loop3A_422, %parallel_loop3A_423], %parallel_loop3A_426 {strides = array<i32>} : memref<2x80x64xf32, #tpu.memory_space<vmem>>, vector<1x1x16xf32>,
        %parallel_loop3A_427 = arith.constant 0 : i32
        %parallel_loop3A_428 = arith.index_cast %parallel_loop3A_427 : i32 to index
        %parallel_loop3A_429 = arith.index_cast %parallel_loop3A_399 : i32 to index
        %parallel_loop3A_430 = arith.constant 16 : index
        %parallel_loop3A_431 = tpu.vector_load %arg12[%parallel_loop3A_428, %parallel_loop3A_429, %parallel_loop3A_430] {strides = array<i32>} : memref<2x80x128xf32, #tpu.memory_space<vmem>>, vector<1x1x16xf32>,
        %parallel_loop3A_432 = vector.shape_cast %parallel_loop3A_431 : vector<1x1x16xf32> to vector<16xf32>
        %parallel_loop3A_433 = arith.constant 0 : i32
        %parallel_loop3A_434 = arith.index_cast %parallel_loop3A_433 : i32 to index
        %parallel_loop3A_435 = arith.index_cast %parallel_loop3A_399 : i32 to index
        %parallel_loop3A_436 = arith.constant 80 : index
        %parallel_loop3A_437 = tpu.vector_load %arg12[%parallel_loop3A_434, %parallel_loop3A_435, %parallel_loop3A_436] {strides = array<i32>} : memref<2x80x128xf32, #tpu.memory_space<vmem>>, vector<1x1x16xf32>,
        %parallel_loop3A_438 = vector.shape_cast %parallel_loop3A_437 : vector<1x1x16xf32> to vector<16xf32>
        %parallel_loop3A_439 = arith.constant 16 : index
        %parallel_loop3A_440 = tpu.vector_load %arg15[%parallel_loop3A_439] {strides = array<i32>} : memref<64xf32, #tpu.memory_space<vmem>>, vector<16xf32>,
        %parallel_loop3A_441 = vector.shape_cast %parallel_loop3A_440 : vector<16xf32> to vector<16xf32>
        %parallel_loop3A_442 = arith.constant 1.000000e-16 : f32
        %parallel_loop3A_443 = vector.broadcast %parallel_loop3A_442 : f32 to vector<16xf32>
        %parallel_loop3A_444 = arith.addf %parallel_loop3A_438, %parallel_loop3A_443 : vector<16xf32>
        %parallel_loop3A_445 = arith.divf %parallel_loop3A_432, %parallel_loop3A_444 : vector<16xf32>
        %parallel_loop3A_446 = arith.addf %parallel_loop3A_445, %parallel_loop3A_441 : vector<16xf32>
        %parallel_loop3A_447 = arith.constant 0 : i32
        %parallel_loop3A_448 = arith.index_cast %parallel_loop3A_447 : i32 to index
        %parallel_loop3A_449 = arith.index_cast %parallel_loop3A_399 : i32 to index
        %parallel_loop3A_450 = arith.constant 16 : index
        %parallel_loop3A_451 = tpu.vector_load %arg11[%parallel_loop3A_448, %parallel_loop3A_449, %parallel_loop3A_450] {strides = array<i32>} : memref<2x80x64xf32, #tpu.memory_space<vmem>>, vector<1x1x16xf32>,
        %parallel_loop3A_452 = vector.shape_cast %parallel_loop3A_451 : vector<1x1x16xf32> to vector<16xf32>
        %parallel_loop3A_453 = vector.shape_cast %parallel_loop3A_446 : vector<16xf32> to vector<1x1x16xf32>
        tpu.vector_store %arg11[%parallel_loop3A_448, %parallel_loop3A_449, %parallel_loop3A_450], %parallel_loop3A_453 {strides = array<i32>} : memref<2x80x64xf32, #tpu.memory_space<vmem>>, vector<1x1x16xf32>,
        %parallel_loop3A_454 = arith.constant 0 : i32
        %parallel_loop3A_455 = arith.index_cast %parallel_loop3A_454 : i32 to index
        %parallel_loop3A_456 = arith.index_cast %parallel_loop3A_399 : i32 to index
        %parallel_loop3A_457 = arith.constant 32 : index
        %parallel_loop3A_458 = tpu.vector_load %arg12[%parallel_loop3A_455, %parallel_loop3A_456, %parallel_loop3A_457] {strides = array<i32>} : memref<2x80x128xf32, #tpu.memory_space<vmem>>, vector<1x1x16xf32>,
        %parallel_loop3A_459 = vector.shape_cast %parallel_loop3A_458 : vector<1x1x16xf32> to vector<16xf32>
        %parallel_loop3A_460 = arith.constant 0 : i32
        %parallel_loop3A_461 = arith.index_cast %parallel_loop3A_460 : i32 to index
        %parallel_loop3A_462 = arith.index_cast %parallel_loop3A_399 : i32 to index
        %parallel_loop3A_463 = arith.constant 96 : index
        %parallel_loop3A_464 = tpu.vector_load %arg12[%parallel_loop3A_461, %parallel_loop3A_462, %parallel_loop3A_463] {strides = array<i32>} : memref<2x80x128xf32, #tpu.memory_space<vmem>>, vector<1x1x16xf32>,
        %parallel_loop3A_465 = vector.shape_cast %parallel_loop3A_464 : vector<1x1x16xf32> to vector<16xf32>
        %parallel_loop3A_466 = arith.constant 32 : index
        %parallel_loop3A_467 = tpu.vector_load %arg15[%parallel_loop3A_466] {strides = array<i32>} : memref<64xf32, #tpu.memory_space<vmem>>, vector<16xf32>,
        %parallel_loop3A_468 = vector.shape_cast %parallel_loop3A_467 : vector<16xf32> to vector<16xf32>
        %parallel_loop3A_469 = arith.constant 1.000000e-16 : f32
        %parallel_loop3A_470 = vector.broadcast %parallel_loop3A_469 : f32 to vector<16xf32>
        %parallel_loop3A_471 = arith.addf %parallel_loop3A_465, %parallel_loop3A_470 : vector<16xf32>
        %parallel_loop3A_472 = arith.divf %parallel_loop3A_459, %parallel_loop3A_471 : vector<16xf32>
        %parallel_loop3A_473 = arith.addf %parallel_loop3A_472, %parallel_loop3A_468 : vector<16xf32>
        %parallel_loop3A_474 = arith.constant 0 : i32
        %parallel_loop3A_475 = arith.index_cast %parallel_loop3A_474 : i32 to index
        %parallel_loop3A_476 = arith.index_cast %parallel_loop3A_399 : i32 to index
        %parallel_loop3A_477 = arith.constant 32 : index
        %parallel_loop3A_478 = tpu.vector_load %arg11[%parallel_loop3A_475, %parallel_loop3A_476, %parallel_loop3A_477] {strides = array<i32>} : memref<2x80x64xf32, #tpu.memory_space<vmem>>, vector<1x1x16xf32>,
        %parallel_loop3A_479 = vector.shape_cast %parallel_loop3A_478 : vector<1x1x16xf32> to vector<16xf32>
        %parallel_loop3A_480 = vector.shape_cast %parallel_loop3A_473 : vector<16xf32> to vector<1x1x16xf32>
        tpu.vector_store %arg11[%parallel_loop3A_475, %parallel_loop3A_476, %parallel_loop3A_477], %parallel_loop3A_480 {strides = array<i32>} : memref<2x80x64xf32, #tpu.memory_space<vmem>>, vector<1x1x16xf32>,
        %parallel_loop3A_481 = arith.constant 0 : i32
        %parallel_loop3A_482 = arith.index_cast %parallel_loop3A_481 : i32 to index
        %parallel_loop3A_483 = arith.index_cast %parallel_loop3A_399 : i32 to index
        %parallel_loop3A_484 = arith.constant 48 : index
        %parallel_loop3A_485 = tpu.vector_load %arg12[%parallel_loop3A_482, %parallel_loop3A_483, %parallel_loop3A_484] {strides = array<i32>} : memref<2x80x128xf32, #tpu.memory_space<vmem>>, vector<1x1x16xf32>,
        %parallel_loop3A_486 = vector.shape_cast %parallel_loop3A_485 : vector<1x1x16xf32> to vector<16xf32>
        %parallel_loop3A_487 = arith.constant 0 : i32
        %parallel_loop3A_488 = arith.index_cast %parallel_loop3A_487 : i32 to index
        %parallel_loop3A_489 = arith.index_cast %parallel_loop3A_399 : i32 to index
        %parallel_loop3A_490 = arith.constant 112 : index
        %parallel_loop3A_491 = tpu.vector_load %arg12[%parallel_loop3A_488, %parallel_loop3A_489, %parallel_loop3A_490] {strides = array<i32>} : memref<2x80x128xf32, #tpu.memory_space<vmem>>, vector<1x1x16xf32>,
        %parallel_loop3A_492 = vector.shape_cast %parallel_loop3A_491 : vector<1x1x16xf32> to vector<16xf32>
        %parallel_loop3A_493 = arith.constant 48 : index
        %parallel_loop3A_494 = tpu.vector_load %arg15[%parallel_loop3A_493] {strides = array<i32>} : memref<64xf32, #tpu.memory_space<vmem>>, vector<16xf32>,
        %parallel_loop3A_495 = vector.shape_cast %parallel_loop3A_494 : vector<16xf32> to vector<16xf32>
        %parallel_loop3A_496 = arith.constant 1.000000e-16 : f32
        %parallel_loop3A_497 = vector.broadcast %parallel_loop3A_496 : f32 to vector<16xf32>
        %parallel_loop3A_498 = arith.addf %parallel_loop3A_492, %parallel_loop3A_497 : vector<16xf32>
        %parallel_loop3A_499 = arith.divf %parallel_loop3A_486, %parallel_loop3A_498 : vector<16xf32>
        %parallel_loop3A_500 = arith.addf %parallel_loop3A_499, %parallel_loop3A_495 : vector<16xf32>
        %parallel_loop3A_501 = arith.constant 0 : i32
        %parallel_loop3A_502 = arith.index_cast %parallel_loop3A_501 : i32 to index
        %parallel_loop3A_503 = arith.index_cast %parallel_loop3A_399 : i32 to index
        %parallel_loop3A_504 = arith.constant 48 : index
        %parallel_loop3A_505 = tpu.vector_load %arg11[%parallel_loop3A_502, %parallel_loop3A_503, %parallel_loop3A_504] {strides = array<i32>} : memref<2x80x64xf32, #tpu.memory_space<vmem>>, vector<1x1x16xf32>,
        %parallel_loop3A_506 = vector.shape_cast %parallel_loop3A_505 : vector<1x1x16xf32> to vector<16xf32>
        %parallel_loop3A_507 = vector.shape_cast %parallel_loop3A_500 : vector<16xf32> to vector<1x1x16xf32>
        tpu.vector_store %arg11[%parallel_loop3A_502, %parallel_loop3A_503, %parallel_loop3A_504], %parallel_loop3A_507 {strides = array<i32>} : memref<2x80x64xf32, #tpu.memory_space<vmem>>, vector<1x1x16xf32>,
      } {sc.loop_unroll_factor = 4 : i64, sc.parallel_access}
      %mul3A_373 = arith.constant 632 : i32
      %mul3A_374 = arith.muli %arg1, %mul3A_373 : i32
      %mul3A_375 = arith.constant 8 : i32
      %mul3A_376 = arith.muli %mul3A_344, %mul3A_375 : i32
      %add3A_377 = arith.addi %mul3A_374, %mul3A_376 : i32
      %mul3A_378 = arith.constant 64 : i32
      %mul3A_379 = arith.muli %arg0, %mul3A_378 : i32
      %dma_start3A_380 = arith.constant 0 : i32
      %dma_start3A_381 = arith.constant 0 : i32
      %dma_start3A_382 = arith.constant 0 : i32
      %dma_start3A_383 = tpu.memref_slice %arg11[%dma_start3A_380, %dma_start3A_381, %dma_start3A_382] : memref<2x80x64xf32, #tpu.memory_space<vmem>> -> memref<1x8x64xf32, #tpu.memory_space<vmem>>
      %dma_start3A_384 = tpu.memref_squeeze %dma_start3A_383 : memref<1x8x64xf32, #tpu.memory_space<vmem>> -> memref<8x64xf32, #tpu.memory_space<vmem>>
      %dma_start3A_385 = tpu.memref_slice %arg7[%add3A_377, %mul3A_379] : memref<10112x128xf32, #tpu.memory_space<hbm>> -> memref<8x64xf32, #tpu.memory_space<hbm>>
      %dma_start3A_386 = tpu.memref_slice %arg7[%add3A_377, %mul3A_379] : memref<10112x128xf32, #tpu.memory_space<hbm>> -> memref<8x64xf32, #tpu.memory_space<hbm>>
      %dma_start3A_387 = arith.constant 0 : i32
      %dma_start3A_388 = arith.constant 0 : i32
      %dma_start3A_389 = tpu.memref_slice %arg11[%dma_start3A_380, %dma_start3A_387, %dma_start3A_388] : memref<2x80x64xf32, #tpu.memory_space<vmem>> -> memref<1x8x64xf32, #tpu.memory_space<vmem>>
      %dma_start3A_390 = tpu.memref_squeeze %dma_start3A_389 : memref<1x8x64xf32, #tpu.memory_space<vmem>> -> memref<8x64xf32, #tpu.memory_space<vmem>>
      tpu.enqueue_dma source(%dma_start3A_390 : memref<8x64xf32, #tpu.memory_space<vmem>>) target(%dma_start3A_386 : memref<8x64xf32, #tpu.memory_space<hbm>>) target_semaphore(%arg18 : memref<!tpu.dma_semaphore, #tpu.memory_space<semaphore_mem>>)
      %add3A_391 = arith.constant 1 : i32
      %add3A_392 = arith.addi %mul3A_344, %add3A_391 : i32
      %lt3A_393 = arith.constant 79 : i32
      %lt3A_394 = arith.cmpi slt, %add3A_392, %lt3A_393 : i32
      %convert_element_type3A_395 = arith.extui %lt3A_394 : i1 to i32
      %cond3A_396 = arith.constant 0 : i32
      %cond3A_397 = arith.cmpi ne, %convert_element_type3A_395, %cond3A_396 : i32
      scf.if %cond3A_397 {
        %add3A_399 = arith.constant 2 : i32
        %add3A_400 = arith.addi %mul3A_344, %add3A_399 : i32
        %lt3A_401 = arith.constant 79 : i32
        %lt3A_402 = arith.cmpi slt, %add3A_400, %lt3A_401 : i32
        %convert_element_type3A_403 = arith.extui %lt3A_402 : i1 to i32
        %cond3A_404 = arith.constant 0 : i32
        %cond3A_405 = arith.cmpi ne, %convert_element_type3A_403, %cond3A_404 : i32
        scf.if %cond3A_405 {
          %add3A_454 = arith.constant 2 : i32
          %add3A_455 = arith.addi %mul3A_344, %add3A_454 : i32
          %mul3A_456 = arith.constant 632 : i32
          %mul3A_457 = arith.muli %arg1, %mul3A_456 : i32
          %mul3A_458 = arith.constant 8 : i32
          %mul3A_459 = arith.muli %add3A_455, %mul3A_458 : i32
          %add3A_460 = arith.addi %mul3A_457, %mul3A_459 : i32
          %dma_start3A_461 = arith.constant 0 : i32
          %dma_start3A_462 = arith.constant 0 : i32
          %dma_start3A_463 = arith.constant 0 : i32
          %dma_start3A_464 = tpu.memref_slice %arg12[%dma_start3A_461, %dma_start3A_462, %dma_start3A_463] : memref<2x80x128xf32, #tpu.memory_space<vmem>> -> memref<1x8x128xf32, #tpu.memory_space<vmem>>
          %dma_start3A_465 = tpu.memref_squeeze %dma_start3A_464 : memref<1x8x128xf32, #tpu.memory_space<vmem>> -> memref<8x128xf32, #tpu.memory_space<vmem>>
          %dma_start3A_466 = arith.constant 0 : i32
          %dma_start3A_467 = tpu.memref_slice %arg14[%add3A_460, %dma_start3A_466] : memref<10112x128xf32, #tpu.memory_space<vmem_shared>> -> memref<8x128xf32, #tpu.memory_space<vmem_shared>>
          %dma_start3A_468 = arith.constant 0 : i32
          %dma_start3A_469 = arith.constant 0 : i32
          %dma_start3A_470 = tpu.memref_slice %arg12[%dma_start3A_461, %dma_start3A_468, %dma_start3A_469] : memref<2x80x128xf32, #tpu.memory_space<vmem>> -> memref<1x8x128xf32, #tpu.memory_space<vmem>>
          %dma_start3A_471 = tpu.memref_squeeze %dma_start3A_470 : memref<1x8x128xf32, #tpu.memory_space<vmem>> -> memref<8x128xf32, #tpu.memory_space<vmem>>
          %dma_start3A_472 = arith.constant 0 : i32
          %dma_start3A_473 = tpu.memref_slice %arg14[%add3A_460, %dma_start3A_472] : memref<10112x128xf32, #tpu.memory_space<vmem_shared>> -> memref<8x128xf32, #tpu.memory_space<vmem_shared>>
          tpu.enqueue_dma source(%dma_start3A_473 : memref<8x128xf32, #tpu.memory_space<vmem_shared>>) target(%dma_start3A_471 : memref<8x128xf32, #tpu.memory_space<vmem>>) target_semaphore(%arg16 : memref<!tpu.dma_semaphore, #tpu.memory_space<semaphore_mem>>)
        } else {
        }
        %add3A_406 = arith.constant 1 : i32
        %add3A_407 = arith.addi %mul3A_344, %add3A_406 : i32
        %mul3A_408 = arith.constant 632 : i32
        %mul3A_409 = arith.muli %arg1, %mul3A_408 : i32
        %mul3A_410 = arith.constant 8 : i32
        %mul3A_411 = arith.muli %add3A_407, %mul3A_410 : i32
        %add3A_412 = arith.addi %mul3A_409, %mul3A_411 : i32
        %dma_wait3A_413 = arith.constant 1 : i32
        %dma_wait3A_414 = arith.constant 0 : i32
        %dma_wait3A_415 = arith.constant 0 : i32
        %dma_wait3A_416 = tpu.memref_slice %arg12[%dma_wait3A_413, %dma_wait3A_414, %dma_wait3A_415] : memref<2x80x128xf32, #tpu.memory_space<vmem>> -> memref<1x8x128xf32, #tpu.memory_space<vmem>>
        %dma_wait3A_417 = tpu.memref_squeeze %dma_wait3A_416 : memref<1x8x128xf32, #tpu.memory_space<vmem>> -> memref<8x128xf32, #tpu.memory_space<vmem>>
        %dma_wait3A_418 = arith.constant 0 : i32
        %dma_wait3A_419 = tpu.memref_slice %arg14[%add3A_412, %dma_wait3A_418] : memref<10112x128xf32, #tpu.memory_space<vmem_shared>> -> memref<8x128xf32, #tpu.memory_space<vmem_shared>>
        %dma_wait3A_420 = arith.constant 0 : i32
        %dma_wait3A_421 = arith.constant 0 : i32
        %dma_wait3A_422 = tpu.memref_slice %arg12[%dma_wait3A_413, %dma_wait3A_420, %dma_wait3A_421] : memref<2x80x128xf32, #tpu.memory_space<vmem>> -> memref<1x8x128xf32, #tpu.memory_space<vmem>>
        %dma_wait3A_423 = tpu.memref_squeeze %dma_wait3A_422 : memref<1x8x128xf32, #tpu.memory_space<vmem>> -> memref<8x128xf32, #tpu.memory_space<vmem>>
        %dma_wait3A_424 = arith.constant 0 : i32
        %dma_wait3A_425 = tpu.memref_slice %arg14[%add3A_412, %dma_wait3A_424] : memref<10112x128xf32, #tpu.memory_space<vmem_shared>> -> memref<8x128xf32, #tpu.memory_space<vmem_shared>>
        tpu.wait_dma2 semaphore(%arg17 : memref<!tpu.dma_semaphore, #tpu.memory_space<semaphore_mem>>) src(%dma_wait3A_425 : memref<8x128xf32, #tpu.memory_space<vmem_shared>>) dst(%dma_wait3A_423 : memref<8x128xf32, #tpu.memory_space<vmem>>)
        %gt3A_426 = arith.constant 0 : i32
        %gt3A_427 = arith.cmpi sgt, %scan3A_341, %gt3A_426 : i32
        %convert_element_type3A_428 = arith.extui %gt3A_427 : i1 to i32
        %cond3A_429 = arith.constant 0 : i32
        %cond3A_430 = arith.cmpi ne, %convert_element_type3A_428, %cond3A_429 : i32
        scf.if %cond3A_430 {
          %add3A_454 = arith.constant 1 : i32
          %add3A_455 = arith.addi %mul3A_344, %add3A_454 : i32
          %mul3A_456 = arith.constant 632 : i32
          %mul3A_457 = arith.muli %arg1, %mul3A_456 : i32
          %mul3A_458 = arith.constant 8 : i32
          %mul3A_459 = arith.muli %add3A_455, %mul3A_458 : i32
          %add3A_460 = arith.addi %mul3A_457, %mul3A_459 : i32
          %mul3A_461 = arith.constant 64 : i32
          %mul3A_462 = arith.muli %arg0, %mul3A_461 : i32
          %dma_wait3A_463 = arith.constant 1 : i32
          %dma_wait3A_464 = arith.constant 0 : i32
          %dma_wait3A_465 = arith.constant 0 : i32
          %dma_wait3A_466 = tpu.memref_slice %arg11[%dma_wait3A_463, %dma_wait3A_464, %dma_wait3A_465] : memref<2x80x64xf32, #tpu.memory_space<vmem>> -> memref<1x8x64xf32, #tpu.memory_space<vmem>>
          %dma_wait3A_467 = tpu.memref_squeeze %dma_wait3A_466 : memref<1x8x64xf32, #tpu.memory_space<vmem>> -> memref<8x64xf32, #tpu.memory_space<vmem>>
          %dma_wait3A_468 = tpu.memref_slice %arg7[%add3A_460, %mul3A_462] : memref<10112x128xf32, #tpu.memory_space<hbm>> -> memref<8x64xf32, #tpu.memory_space<hbm>>
          %dma_wait3A_469 = tpu.memref_slice %arg7[%add3A_460, %mul3A_462] : memref<10112x128xf32, #tpu.memory_space<hbm>> -> memref<8x64xf32, #tpu.memory_space<hbm>>
          %dma_wait3A_470 = arith.constant 0 : i32
          %dma_wait3A_471 = arith.constant 0 : i32
          %dma_wait3A_472 = tpu.memref_slice %arg11[%dma_wait3A_463, %dma_wait3A_470, %dma_wait3A_471] : memref<2x80x64xf32, #tpu.memory_space<vmem>> -> memref<1x8x64xf32, #tpu.memory_space<vmem>>
          %dma_wait3A_473 = tpu.memref_squeeze %dma_wait3A_472 : memref<1x8x64xf32, #tpu.memory_space<vmem>> -> memref<8x64xf32, #tpu.memory_space<vmem>>
          tpu.wait_dma2 semaphore(%arg19 : memref<!tpu.dma_semaphore, #tpu.memory_space<semaphore_mem>>) src(%dma_wait3A_473 : memref<8x64xf32, #tpu.memory_space<vmem>>) dst(%dma_wait3A_469 : memref<8x64xf32, #tpu.memory_space<hbm>>)
        } else {
        }
        %parallel_loop3A_431 = arith.constant 0 : i32
        %parallel_loop3A_432 = arith.constant 8 : i32
        %parallel_loop3A_433 = arith.constant 1 : i32
        scf.for %parallel_loop3A_454 = %parallel_loop3A_431 to %parallel_loop3A_432 step %parallel_loop3A_433  : i32 {
          %parallel_loop3A_455 = arith.constant 1 : i32
          %parallel_loop3A_456 = arith.index_cast %parallel_loop3A_455 : i32 to index
          %parallel_loop3A_457 = arith.index_cast %parallel_loop3A_454 : i32 to index
          %parallel_loop3A_458 = arith.constant 0 : index
          %parallel_loop3A_459 = tpu.vector_load %arg12[%parallel_loop3A_456, %parallel_loop3A_457, %parallel_loop3A_458] {strides = array<i32>} : memref<2x80x128xf32, #tpu.memory_space<vmem>>, vector<1x1x16xf32>,
          %parallel_loop3A_460 = vector.shape_cast %parallel_loop3A_459 : vector<1x1x16xf32> to vector<16xf32>
          %parallel_loop3A_461 = arith.constant 1 : i32
          %parallel_loop3A_462 = arith.index_cast %parallel_loop3A_461 : i32 to index
          %parallel_loop3A_463 = arith.index_cast %parallel_loop3A_454 : i32 to index
          %parallel_loop3A_464 = arith.constant 64 : index
          %parallel_loop3A_465 = tpu.vector_load %arg12[%parallel_loop3A_462, %parallel_loop3A_463, %parallel_loop3A_464] {strides = array<i32>} : memref<2x80x128xf32, #tpu.memory_space<vmem>>, vector<1x1x16xf32>,
          %parallel_loop3A_466 = vector.shape_cast %parallel_loop3A_465 : vector<1x1x16xf32> to vector<16xf32>
          %parallel_loop3A_467 = arith.constant 0 : index
          %parallel_loop3A_468 = tpu.vector_load %arg15[%parallel_loop3A_467] {strides = array<i32>} : memref<64xf32, #tpu.memory_space<vmem>>, vector<16xf32>,
          %parallel_loop3A_469 = vector.shape_cast %parallel_loop3A_468 : vector<16xf32> to vector<16xf32>
          %parallel_loop3A_470 = arith.constant 1.000000e-16 : f32
          %parallel_loop3A_471 = vector.broadcast %parallel_loop3A_470 : f32 to vector<16xf32>
          %parallel_loop3A_472 = arith.addf %parallel_loop3A_466, %parallel_loop3A_471 : vector<16xf32>
          %parallel_loop3A_473 = arith.divf %parallel_loop3A_460, %parallel_loop3A_472 : vector<16xf32>
          %parallel_loop3A_474 = arith.addf %parallel_loop3A_473, %parallel_loop3A_469 : vector<16xf32>
          %parallel_loop3A_475 = arith.constant 1 : i32
          %parallel_loop3A_476 = arith.index_cast %parallel_loop3A_475 : i32 to index
          %parallel_loop3A_477 = arith.index_cast %parallel_loop3A_454 : i32 to index
          %parallel_loop3A_478 = arith.constant 0 : index
          %parallel_loop3A_479 = tpu.vector_load %arg11[%parallel_loop3A_476, %parallel_loop3A_477, %parallel_loop3A_478] {strides = array<i32>} : memref<2x80x64xf32, #tpu.memory_space<vmem>>, vector<1x1x16xf32>,
          %parallel_loop3A_480 = vector.shape_cast %parallel_loop3A_479 : vector<1x1x16xf32> to vector<16xf32>
          %parallel_loop3A_481 = vector.shape_cast %parallel_loop3A_474 : vector<16xf32> to vector<1x1x16xf32>
          tpu.vector_store %arg11[%parallel_loop3A_476, %parallel_loop3A_477, %parallel_loop3A_478], %parallel_loop3A_481 {strides = array<i32>} : memref<2x80x64xf32, #tpu.memory_space<vmem>>, vector<1x1x16xf32>,
          %parallel_loop3A_482 = arith.constant 1 : i32
          %parallel_loop3A_483 = arith.index_cast %parallel_loop3A_482 : i32 to index
          %parallel_loop3A_484 = arith.index_cast %parallel_loop3A_454 : i32 to index
          %parallel_loop3A_485 = arith.constant 16 : index
          %parallel_loop3A_486 = tpu.vector_load %arg12[%parallel_loop3A_483, %parallel_loop3A_484, %parallel_loop3A_485] {strides = array<i32>} : memref<2x80x128xf32, #tpu.memory_space<vmem>>, vector<1x1x16xf32>,
          %parallel_loop3A_487 = vector.shape_cast %parallel_loop3A_486 : vector<1x1x16xf32> to vector<16xf32>
          %parallel_loop3A_488 = arith.constant 1 : i32
          %parallel_loop3A_489 = arith.index_cast %parallel_loop3A_488 : i32 to index
          %parallel_loop3A_490 = arith.index_cast %parallel_loop3A_454 : i32 to index
          %parallel_loop3A_491 = arith.constant 80 : index
          %parallel_loop3A_492 = tpu.vector_load %arg12[%parallel_loop3A_489, %parallel_loop3A_490, %parallel_loop3A_491] {strides = array<i32>} : memref<2x80x128xf32, #tpu.memory_space<vmem>>, vector<1x1x16xf32>,
          %parallel_loop3A_493 = vector.shape_cast %parallel_loop3A_492 : vector<1x1x16xf32> to vector<16xf32>
          %parallel_loop3A_494 = arith.constant 16 : index
          %parallel_loop3A_495 = tpu.vector_load %arg15[%parallel_loop3A_494] {strides = array<i32>} : memref<64xf32, #tpu.memory_space<vmem>>, vector<16xf32>,
          %parallel_loop3A_496 = vector.shape_cast %parallel_loop3A_495 : vector<16xf32> to vector<16xf32>
          %parallel_loop3A_497 = arith.constant 1.000000e-16 : f32
          %parallel_loop3A_498 = vector.broadcast %parallel_loop3A_497 : f32 to vector<16xf32>
          %parallel_loop3A_499 = arith.addf %parallel_loop3A_493, %parallel_loop3A_498 : vector<16xf32>
          %parallel_loop3A_500 = arith.divf %parallel_loop3A_487, %parallel_loop3A_499 : vector<16xf32>
          %parallel_loop3A_501 = arith.addf %parallel_loop3A_500, %parallel_loop3A_496 : vector<16xf32>
          %parallel_loop3A_502 = arith.constant 1 : i32
          %parallel_loop3A_503 = arith.index_cast %parallel_loop3A_502 : i32 to index
          %parallel_loop3A_504 = arith.index_cast %parallel_loop3A_454 : i32 to index
          %parallel_loop3A_505 = arith.constant 16 : index
          %parallel_loop3A_506 = tpu.vector_load %arg11[%parallel_loop3A_503, %parallel_loop3A_504, %parallel_loop3A_505] {strides = array<i32>} : memref<2x80x64xf32, #tpu.memory_space<vmem>>, vector<1x1x16xf32>,
          %parallel_loop3A_507 = vector.shape_cast %parallel_loop3A_506 : vector<1x1x16xf32> to vector<16xf32>
          %parallel_loop3A_508 = vector.shape_cast %parallel_loop3A_501 : vector<16xf32> to vector<1x1x16xf32>
          tpu.vector_store %arg11[%parallel_loop3A_503, %parallel_loop3A_504, %parallel_loop3A_505], %parallel_loop3A_508 {strides = array<i32>} : memref<2x80x64xf32, #tpu.memory_space<vmem>>, vector<1x1x16xf32>,
          %parallel_loop3A_509 = arith.constant 1 : i32
          %parallel_loop3A_510 = arith.index_cast %parallel_loop3A_509 : i32 to index
          %parallel_loop3A_511 = arith.index_cast %parallel_loop3A_454 : i32 to index
          %parallel_loop3A_512 = arith.constant 32 : index
          %parallel_loop3A_513 = tpu.vector_load %arg12[%parallel_loop3A_510, %parallel_loop3A_511, %parallel_loop3A_512] {strides = array<i32>} : memref<2x80x128xf32, #tpu.memory_space<vmem>>, vector<1x1x16xf32>,
          %parallel_loop3A_514 = vector.shape_cast %parallel_loop3A_513 : vector<1x1x16xf32> to vector<16xf32>
          %parallel_loop3A_515 = arith.constant 1 : i32
          %parallel_loop3A_516 = arith.index_cast %parallel_loop3A_515 : i32 to index
          %parallel_loop3A_517 = arith.index_cast %parallel_loop3A_454 : i32 to index
          %parallel_loop3A_518 = arith.constant 96 : index
          %parallel_loop3A_519 = tpu.vector_load %arg12[%parallel_loop3A_516, %parallel_loop3A_517, %parallel_loop3A_518] {strides = array<i32>} : memref<2x80x128xf32, #tpu.memory_space<vmem>>, vector<1x1x16xf32>,
          %parallel_loop3A_520 = vector.shape_cast %parallel_loop3A_519 : vector<1x1x16xf32> to vector<16xf32>
          %parallel_loop3A_521 = arith.constant 32 : index
          %parallel_loop3A_522 = tpu.vector_load %arg15[%parallel_loop3A_521] {strides = array<i32>} : memref<64xf32, #tpu.memory_space<vmem>>, vector<16xf32>,
          %parallel_loop3A_523 = vector.shape_cast %parallel_loop3A_522 : vector<16xf32> to vector<16xf32>
          %parallel_loop3A_524 = arith.constant 1.000000e-16 : f32
          %parallel_loop3A_525 = vector.broadcast %parallel_loop3A_524 : f32 to vector<16xf32>
          %parallel_loop3A_526 = arith.addf %parallel_loop3A_520, %parallel_loop3A_525 : vector<16xf32>
          %parallel_loop3A_527 = arith.divf %parallel_loop3A_514, %parallel_loop3A_526 : vector<16xf32>
          %parallel_loop3A_528 = arith.addf %parallel_loop3A_527, %parallel_loop3A_523 : vector<16xf32>
          %parallel_loop3A_529 = arith.constant 1 : i32
          %parallel_loop3A_530 = arith.index_cast %parallel_loop3A_529 : i32 to index
          %parallel_loop3A_531 = arith.index_cast %parallel_loop3A_454 : i32 to index
          %parallel_loop3A_532 = arith.constant 32 : index
          %parallel_loop3A_533 = tpu.vector_load %arg11[%parallel_loop3A_530, %parallel_loop3A_531, %parallel_loop3A_532] {strides = array<i32>} : memref<2x80x64xf32, #tpu.memory_space<vmem>>, vector<1x1x16xf32>,
          %parallel_loop3A_534 = vector.shape_cast %parallel_loop3A_533 : vector<1x1x16xf32> to vector<16xf32>
          %parallel_loop3A_535 = vector.shape_cast %parallel_loop3A_528 : vector<16xf32> to vector<1x1x16xf32>
          tpu.vector_store %arg11[%parallel_loop3A_530, %parallel_loop3A_531, %parallel_loop3A_532], %parallel_loop3A_535 {strides = array<i32>} : memref<2x80x64xf32, #tpu.memory_space<vmem>>, vector<1x1x16xf32>,
          %parallel_loop3A_536 = arith.constant 1 : i32
          %parallel_loop3A_537 = arith.index_cast %parallel_loop3A_536 : i32 to index
          %parallel_loop3A_538 = arith.index_cast %parallel_loop3A_454 : i32 to index
          %parallel_loop3A_539 = arith.constant 48 : index
          %parallel_loop3A_540 = tpu.vector_load %arg12[%parallel_loop3A_537, %parallel_loop3A_538, %parallel_loop3A_539] {strides = array<i32>} : memref<2x80x128xf32, #tpu.memory_space<vmem>>, vector<1x1x16xf32>,
          %parallel_loop3A_541 = vector.shape_cast %parallel_loop3A_540 : vector<1x1x16xf32> to vector<16xf32>
          %parallel_loop3A_542 = arith.constant 1 : i32
          %parallel_loop3A_543 = arith.index_cast %parallel_loop3A_542 : i32 to index
          %parallel_loop3A_544 = arith.index_cast %parallel_loop3A_454 : i32 to index
          %parallel_loop3A_545 = arith.constant 112 : index
          %parallel_loop3A_546 = tpu.vector_load %arg12[%parallel_loop3A_543, %parallel_loop3A_544, %parallel_loop3A_545] {strides = array<i32>} : memref<2x80x128xf32, #tpu.memory_space<vmem>>, vector<1x1x16xf32>,
          %parallel_loop3A_547 = vector.shape_cast %parallel_loop3A_546 : vector<1x1x16xf32> to vector<16xf32>
          %parallel_loop3A_548 = arith.constant 48 : index
          %parallel_loop3A_549 = tpu.vector_load %arg15[%parallel_loop3A_548] {strides = array<i32>} : memref<64xf32, #tpu.memory_space<vmem>>, vector<16xf32>,
          %parallel_loop3A_550 = vector.shape_cast %parallel_loop3A_549 : vector<16xf32> to vector<16xf32>
          %parallel_loop3A_551 = arith.constant 1.000000e-16 : f32
          %parallel_loop3A_552 = vector.broadcast %parallel_loop3A_551 : f32 to vector<16xf32>
          %parallel_loop3A_553 = arith.addf %parallel_loop3A_547, %parallel_loop3A_552 : vector<16xf32>
          %parallel_loop3A_554 = arith.divf %parallel_loop3A_541, %parallel_loop3A_553 : vector<16xf32>
          %parallel_loop3A_555 = arith.addf %parallel_loop3A_554, %parallel_loop3A_550 : vector<16xf32>
          %parallel_loop3A_556 = arith.constant 1 : i32
          %parallel_loop3A_557 = arith.index_cast %parallel_loop3A_556 : i32 to index
          %parallel_loop3A_558 = arith.index_cast %parallel_loop3A_454 : i32 to index
          %parallel_loop3A_559 = arith.constant 48 : index
          %parallel_loop3A_560 = tpu.vector_load %arg11[%parallel_loop3A_557, %parallel_loop3A_558, %parallel_loop3A_559] {strides = array<i32>} : memref<2x80x64xf32, #tpu.memory_space<vmem>>, vector<1x1x16xf32>,
          %parallel_loop3A_561 = vector.shape_cast %parallel_loop3A_560 : vector<1x1x16xf32> to vector<16xf32>
          %parallel_loop3A_562 = vector.shape_cast %parallel_loop3A_555 : vector<16xf32> to vector<1x1x16xf32>
          tpu.vector_store %arg11[%parallel_loop3A_557, %parallel_loop3A_558, %parallel_loop3A_559], %parallel_loop3A_562 {strides = array<i32>} : memref<2x80x64xf32, #tpu.memory_space<vmem>>, vector<1x1x16xf32>,
        } {sc.loop_unroll_factor = 4 : i64, sc.parallel_access}
        %add3A_434 = arith.constant 1 : i32
        %add3A_435 = arith.addi %mul3A_344, %add3A_434 : i32
        %mul3A_436 = arith.constant 632 : i32
        %mul3A_437 = arith.muli %arg1, %mul3A_436 : i32
        %mul3A_438 = arith.constant 8 : i32
        %mul3A_439 = arith.muli %add3A_435, %mul3A_438 : i32
        %add3A_440 = arith.addi %mul3A_437, %mul3A_439 : i32
        %mul3A_441 = arith.constant 64 : i32
        %mul3A_442 = arith.muli %arg0, %mul3A_441 : i32
        %dma_start3A_443 = arith.constant 1 : i32
        %dma_start3A_444 = arith.constant 0 : i32
        %dma_start3A_445 = arith.constant 0 : i32
        %dma_start3A_446 = tpu.memref_slice %arg11[%dma_start3A_443, %dma_start3A_444, %dma_start3A_445] : memref<2x80x64xf32, #tpu.memory_space<vmem>> -> memref<1x8x64xf32, #tpu.memory_space<vmem>>
        %dma_start3A_447 = tpu.memref_squeeze %dma_start3A_446 : memref<1x8x64xf32, #tpu.memory_space<vmem>> -> memref<8x64xf32, #tpu.memory_space<vmem>>
        %dma_start3A_448 = tpu.memref_slice %arg7[%add3A_440, %mul3A_442] : memref<10112x128xf32, #tpu.memory_space<hbm>> -> memref<8x64xf32, #tpu.memory_space<hbm>>
        %dma_start3A_449 = tpu.memref_slice %arg7[%add3A_440, %mul3A_442] : memref<10112x128xf32, #tpu.memory_space<hbm>> -> memref<8x64xf32, #tpu.memory_space<hbm>>
        %dma_start3A_450 = arith.constant 0 : i32
        %dma_start3A_451 = arith.constant 0 : i32
        %dma_start3A_452 = tpu.memref_slice %arg11[%dma_start3A_443, %dma_start3A_450, %dma_start3A_451] : memref<2x80x64xf32, #tpu.memory_space<vmem>> -> memref<1x8x64xf32, #tpu.memory_space<vmem>>
        %dma_start3A_453 = tpu.memref_squeeze %dma_start3A_452 : memref<1x8x64xf32, #tpu.memory_space<vmem>> -> memref<8x64xf32, #tpu.memory_space<vmem>>
        tpu.enqueue_dma source(%dma_start3A_453 : memref<8x64xf32, #tpu.memory_space<vmem>>) target(%dma_start3A_449 : memref<8x64xf32, #tpu.memory_space<hbm>>) target_semaphore(%arg19 : memref<!tpu.dma_semaphore, #tpu.memory_space<semaphore_mem>>)
      } else {
      }
      %scan3A_398 = arith.constant 0 : i32
      scf.yield %scan3A_398 : i32
    }
    %scan3A_306 = arith.constant 40 : i32
    %mul3A_307 = arith.constant 632 : i32
    %mul3A_308 = arith.muli %arg1, %mul3A_307 : i32
    %add3A_309 = arith.constant 0 : i32
    %add3A_310 = arith.addi %mul3A_308, %add3A_309 : i32
    %mul3A_311 = arith.constant 64 : i32
    %mul3A_312 = arith.muli %arg0, %mul3A_311 : i32
    %dma_wait3A_313 = arith.constant 0 : i32
    %dma_wait3A_314 = arith.constant 0 : i32
    %dma_wait3A_315 = arith.constant 0 : i32
    %dma_wait3A_316 = tpu.memref_slice %arg11[%dma_wait3A_313, %dma_wait3A_314, %dma_wait3A_315] : memref<2x80x64xf32, #tpu.memory_space<vmem>> -> memref<1x8x64xf32, #tpu.memory_space<vmem>>
    %dma_wait3A_317 = tpu.memref_squeeze %dma_wait3A_316 : memref<1x8x64xf32, #tpu.memory_space<vmem>> -> memref<8x64xf32, #tpu.memory_space<vmem>>
    %dma_wait3A_318 = tpu.memref_slice %arg7[%add3A_310, %mul3A_312] : memref<10112x128xf32, #tpu.memory_space<hbm>> -> memref<8x64xf32, #tpu.memory_space<hbm>>
    %dma_wait3A_319 = tpu.memref_slice %arg7[%add3A_310, %mul3A_312] : memref<10112x128xf32, #tpu.memory_space<hbm>> -> memref<8x64xf32, #tpu.memory_space<hbm>>
    %dma_wait3A_320 = arith.constant 0 : i32
    %dma_wait3A_321 = arith.constant 0 : i32
    %dma_wait3A_322 = tpu.memref_slice %arg11[%dma_wait3A_313, %dma_wait3A_320, %dma_wait3A_321] : memref<2x80x64xf32, #tpu.memory_space<vmem>> -> memref<1x8x64xf32, #tpu.memory_space<vmem>>
    %dma_wait3A_323 = tpu.memref_squeeze %dma_wait3A_322 : memref<1x8x64xf32, #tpu.memory_space<vmem>> -> memref<8x64xf32, #tpu.memory_space<vmem>>
    tpu.wait_dma2 semaphore(%arg18 : memref<!tpu.dma_semaphore, #tpu.memory_space<semaphore_mem>>) src(%dma_wait3A_323 : memref<8x64xf32, #tpu.memory_space<vmem>>) dst(%dma_wait3A_319 : memref<8x64xf32, #tpu.memory_space<hbm>>)
    %mul3A_324 = arith.constant 632 : i32
    %mul3A_325 = arith.muli %arg1, %mul3A_324 : i32
    %add3A_326 = arith.constant 0 : i32
    %add3A_327 = arith.addi %mul3A_325, %add3A_326 : i32
    %mul3A_328 = arith.constant 64 : i32
    %mul3A_329 = arith.muli %arg0, %mul3A_328 : i32
    %dma_wait3A_330 = arith.constant 1 : i32
    %dma_wait3A_331 = arith.constant 0 : i32
    %dma_wait3A_332 = arith.constant 0 : i32
    %dma_wait3A_333 = tpu.memref_slice %arg11[%dma_wait3A_330, %dma_wait3A_331, %dma_wait3A_332] : memref<2x80x64xf32, #tpu.memory_space<vmem>> -> memref<1x8x64xf32, #tpu.memory_space<vmem>>
    %dma_wait3A_334 = tpu.memref_squeeze %dma_wait3A_333 : memref<1x8x64xf32, #tpu.memory_space<vmem>> -> memref<8x64xf32, #tpu.memory_space<vmem>>
    %dma_wait3A_335 = tpu.memref_slice %arg7[%add3A_327, %mul3A_329] : memref<10112x128xf32, #tpu.memory_space<hbm>> -> memref<8x64xf32, #tpu.memory_space<hbm>>
    %dma_wait3A_336 = tpu.memref_slice %arg7[%add3A_327, %mul3A_329] : memref<10112x128xf32, #tpu.memory_space<hbm>> -> memref<8x64xf32, #tpu.memory_space<hbm>>
    %dma_wait3A_337 = arith.constant 0 : i32
    %dma_wait3A_338 = arith.constant 0 : i32
    %dma_wait3A_339 = tpu.memref_slice %arg11[%dma_wait3A_330, %dma_wait3A_337, %dma_wait3A_338] : memref<2x80x64xf32, #tpu.memory_space<vmem>> -> memref<1x8x64xf32, #tpu.memory_space<vmem>>
    %dma_wait3A_340 = tpu.memref_squeeze %dma_wait3A_339 : memref<1x8x64xf32, #tpu.memory_space<vmem>> -> memref<8x64xf32, #tpu.memory_space<vmem>>
    tpu.wait_dma2 semaphore(%arg19 : memref<!tpu.dma_semaphore, #tpu.memory_space<semaphore_mem>>) src(%dma_wait3A_340 : memref<8x64xf32, #tpu.memory_space<vmem>>) dst(%dma_wait3A_336 : memref<8x64xf32, #tpu.memory_space<hbm>>)
    return
  }
}

module attributes {stable_mosaic.version = 14 : i64} {
  func.func @_tc_tables_body(%arg0: i32, %arg1: memref<1000x128xf32, #tpu.memory_space<vmem>>, %arg2: memref<128x128xf32, #tpu.memory_space<vmem>>, %arg3: memref<128x128xf32, #tpu.memory_space<vmem>>, %arg4: memref<128x128xf32, #tpu.memory_space<vmem>>, %arg5: memref<2x1000x64xf32, #tpu.memory_space<vmem>>, %arg6: memref<2x1000x128xf32, #tpu.memory_space<vmem>>) attributes {dimension_semantics = [#tpu.dimension_semantics<arbitrary>], iteration_bounds = array<i64: 10>, scalar_prefetch = 0 : i64, scratch_operands = 0 : i64, tpu.core_type = #tpu.core_type<tc>, window_params = [{transform_indices = @transform_0, window_bounds = array<i64: 1000, 128>}, {pipeline_mode = #tpu.pipeline_mode<synchronous>, transform_indices = @transform_1, window_bounds = array<i64: 128, 128>}, {pipeline_mode = #tpu.pipeline_mode<synchronous>, transform_indices = @transform_2, window_bounds = array<i64: 128, 128>}, {pipeline_mode = #tpu.pipeline_mode<synchronous>, transform_indices = @transform_3, window_bounds = array<i64: 128, 128>}, {transform_indices = @transform_4, window_bounds = array<i64: 2, 1000, 64>}, {transform_indices = @transform_5, window_bounds = array<i64: 2, 1000, 128>}]} {
    %get3A = arith.constant 0 : index
    %get3A_0 = arith.constant 0 : index
    %get3A_1 = vector.load %arg1[%get3A, %get3A_0] : memref<1000x128xf32, #tpu.memory_space<vmem>>, vector<1000x128xf32>
    %get3A_2 = arith.constant 0 : index
    %get3A_3 = arith.constant 0 : index
    %get3A_4 = vector.load %arg2[%get3A_2, %get3A_3] : memref<128x128xf32, #tpu.memory_space<vmem>>, vector<128x128xf32>
    %dot_general3A = arith.constant dense<0.000000e+00> : vector<1000x128xf32>
    %dot_general3A_5 = tpu.matmul %get3A_1, %get3A_4, %dot_general3A {dimension_numbers = #tpu.dot_dimension_numbers<[1], [0], [0], [1], [0, 0, 1, 1], [], []>, transpose_lhs_hint = false} : vector<1000x128xf32>, vector<128x128xf32>, vector<1000x128xf32> -> vector<1000x128xf32>
    %get3A_6 = arith.constant 0 : index
    %get3A_7 = arith.constant 0 : index
    %get3A_8 = vector.load %arg3[%get3A_6, %get3A_7] : memref<128x128xf32, #tpu.memory_space<vmem>>, vector<128x128xf32>
    %dot_general3A_9 = arith.constant dense<0.000000e+00> : vector<1000x128xf32>
    %dot_general3A_10 = tpu.matmul %dot_general3A_5, %get3A_8, %dot_general3A_9 {dimension_numbers = #tpu.dot_dimension_numbers<[1], [0], [0], [1], [0, 0, 1, 1], [], []>, transpose_lhs_hint = false} : vector<1000x128xf32>, vector<128x128xf32>, vector<1000x128xf32> -> vector<1000x128xf32>
    %get3A_11 = arith.constant 0 : index
    %get3A_12 = arith.constant 0 : index
    %get3A_13 = vector.load %arg4[%get3A_11, %get3A_12] : memref<128x128xf32, #tpu.memory_space<vmem>>, vector<128x128xf32>
    %dot_general3A_14 = arith.constant dense<0.000000e+00> : vector<1000x128xf32>
    %dot_general3A_15 = tpu.matmul %dot_general3A_5, %get3A_13, %dot_general3A_14 {dimension_numbers = #tpu.dot_dimension_numbers<[1], [0], [0], [1], [0, 0, 1, 1], [], []>, transpose_lhs_hint = false} : vector<1000x128xf32>, vector<128x128xf32>, vector<1000x128xf32> -> vector<1000x128xf32>
    %slice3A = vector.extract_strided_slice %dot_general3A_10 {offsets = [0, 0], sizes = [1000, 64], strides = [1, 1]} : vector<1000x128xf32> to vector<1000x64xf32>
    %swap3A = arith.constant 0 : index
    %swap3A_16 = arith.constant 0 : index
    %swap3A_17 = arith.constant 0 : index
    %swap3A_18 = vector.load %arg5[%swap3A, %swap3A_16, %swap3A_17] : memref<2x1000x64xf32, #tpu.memory_space<vmem>>, vector<1x1000x64xf32>
    %swap3A_19 = vector.shape_cast %swap3A_18 : vector<1x1000x64xf32> to vector<1000x64xf32>
    %swap3A_20 = vector.shape_cast %slice3A : vector<1000x64xf32> to vector<1x1000x64xf32>
    tpu.vector_store %arg5[%swap3A, %swap3A_16, %swap3A_17], %swap3A_20 {strides = array<i32>} : memref<2x1000x64xf32, #tpu.memory_space<vmem>>, vector<1x1000x64xf32>,
    %slice3A_21 = vector.extract_strided_slice %dot_general3A_10 {offsets = [0, 64], sizes = [1000, 64], strides = [1, 1]} : vector<1000x128xf32> to vector<1000x64xf32>
    %swap3A_22 = arith.constant 1 : index
    %swap3A_23 = arith.constant 0 : index
    %swap3A_24 = arith.constant 0 : index
    %swap3A_25 = vector.load %arg5[%swap3A_22, %swap3A_23, %swap3A_24] : memref<2x1000x64xf32, #tpu.memory_space<vmem>>, vector<1x1000x64xf32>
    %swap3A_26 = vector.shape_cast %swap3A_25 : vector<1x1000x64xf32> to vector<1000x64xf32>
    %swap3A_27 = vector.shape_cast %slice3A_21 : vector<1000x64xf32> to vector<1x1000x64xf32>
    tpu.vector_store %arg5[%swap3A_22, %swap3A_23, %swap3A_24], %swap3A_27 {strides = array<i32>} : memref<2x1000x64xf32, #tpu.memory_space<vmem>>, vector<1x1000x64xf32>,
    %slice3A_28 = vector.extract_strided_slice %dot_general3A_15 {offsets = [0, 0], sizes = [1000, 64], strides = [1, 1]} : vector<1000x128xf32> to vector<1000x64xf32>
    %slice3A_29 = vector.extract_strided_slice %dot_general3A_5 {offsets = [0, 0], sizes = [1000, 64], strides = [1, 1]} : vector<1000x128xf32> to vector<1000x64xf32>
    %concatenate3A = tpu.concatenate %slice3A_28, %slice3A_29 in 1 : vector<1000x64xf32>, vector<1000x64xf32> -> vector<1000x128xf32>
    %swap3A_30 = arith.constant 0 : index
    %swap3A_31 = arith.constant 0 : index
    %swap3A_32 = arith.constant 0 : index
    %swap3A_33 = vector.load %arg6[%swap3A_30, %swap3A_31, %swap3A_32] : memref<2x1000x128xf32, #tpu.memory_space<vmem>>, vector<1x1000x128xf32>
    %swap3A_34 = vector.shape_cast %swap3A_33 : vector<1x1000x128xf32> to vector<1000x128xf32>
    %swap3A_35 = vector.shape_cast %concatenate3A : vector<1000x128xf32> to vector<1x1000x128xf32>
    tpu.vector_store %arg6[%swap3A_30, %swap3A_31, %swap3A_32], %swap3A_35 {strides = array<i32>} : memref<2x1000x128xf32, #tpu.memory_space<vmem>>, vector<1x1000x128xf32>,
    %slice3A_36 = vector.extract_strided_slice %dot_general3A_15 {offsets = [0, 64], sizes = [1000, 64], strides = [1, 1]} : vector<1000x128xf32> to vector<1000x64xf32>
    %slice3A_37 = vector.extract_strided_slice %dot_general3A_5 {offsets = [0, 64], sizes = [1000, 64], strides = [1, 1]} : vector<1000x128xf32> to vector<1000x64xf32>
    %concatenate3A_38 = tpu.concatenate %slice3A_36, %slice3A_37 in 1 : vector<1000x64xf32>, vector<1000x64xf32> -> vector<1000x128xf32>
    %swap3A_39 = arith.constant 1 : index
    %swap3A_40 = arith.constant 0 : index
    %swap3A_41 = arith.constant 0 : index
    %swap3A_42 = vector.load %arg6[%swap3A_39, %swap3A_40, %swap3A_41] : memref<2x1000x128xf32, #tpu.memory_space<vmem>>, vector<1x1000x128xf32>
    %swap3A_43 = vector.shape_cast %swap3A_42 : vector<1x1000x128xf32> to vector<1000x128xf32>
    %swap3A_44 = vector.shape_cast %concatenate3A_38 : vector<1000x128xf32> to vector<1x1000x128xf32>
    tpu.vector_store %arg6[%swap3A_39, %swap3A_40, %swap3A_41], %swap3A_44 {strides = array<i32>} : memref<2x1000x128xf32, #tpu.memory_space<vmem>>, vector<1x1000x128xf32>,
    return
  }
  func.func @transform_0(%arg0: i32) -> (i32, i32) {
    %c0_i32 = arith.constant 0 : i32
    %c0_i32_0 = arith.constant 0 : i32
    return %arg0, %c0_i32 : i32, i32
  }
  func.func @transform_1(%arg0: i32) -> (i32, i32) {
    %c0_i32 = arith.constant 0 : i32
    %c0_i32_0 = arith.constant 0 : i32
    %c0_i32_1 = arith.constant 0 : i32
    return %c0_i32, %c0_i32_0 : i32, i32
  }
  func.func @transform_2(%arg0: i32) -> (i32, i32) {
    %c0_i32 = arith.constant 0 : i32
    %c0_i32_0 = arith.constant 0 : i32
    %c0_i32_1 = arith.constant 0 : i32
    return %c0_i32, %c0_i32_0 : i32, i32
  }
  func.func @transform_3(%arg0: i32) -> (i32, i32) {
    %c0_i32 = arith.constant 0 : i32
    %c0_i32_0 = arith.constant 0 : i32
    %c0_i32_1 = arith.constant 0 : i32
    return %c0_i32, %c0_i32_0 : i32, i32
  }
  func.func @transform_4(%arg0: i32) -> (i32, i32, i32) {
    %c0_i32 = arith.constant 0 : i32
    %c0_i32_0 = arith.constant 0 : i32
    %c0_i32_1 = arith.constant 0 : i32
    return %c0_i32, %arg0, %c0_i32_0 : i32, i32, i32
  }
  func.func @transform_5(%arg0: i32) -> (i32, i32, i32) {
    %c0_i32 = arith.constant 0 : i32
    %c0_i32_0 = arith.constant 0 : i32
    %c0_i32_1 = arith.constant 0 : i32
    return %c0_i32, %arg0, %c0_i32_0 : i32, i32, i32
  }
}

</mosaic_0001>

<sc_bundles>
// kernel: kernel.4.cloned.1.call-start
scs
__scs_entry_jumppad:
0x0: {  	(pc) =	sbr.rel $0x88, $3  }
0x1: {  	(tag) =	ssettag $0x0;
	lr =	simm.s32 $0x1  }
0x2: {  	[smem:$0x3F9B] =	sst lr;
	_ =	strace $0xD0000000  }
0x3: {  	_ = 	snop  }
0x4: {  	_ = 	snop  }
0x5: {  	_ = 	snop  }
0x6: {  	_ = 	snop  }
0x7: {  	_ = 	snop  }
__scs_overlays_trampoline_lowered:
0x8: {  	[smem:$0x3FAA] =	sst s0  }
0x9: {  	[smem:$0x3FAB] =	sst s1  }
0xa: {  	[smem:$0x3FAC] =	sst s2  }
0xb: {  	[smem:$0x3FAD] =	sst s3  }
0xc: {  	[smem:$0x3FAE] =	sst s4  }
0xd: {  	[smem:$0x3FAF] =	sst s5  }
0xe: {  	[smem:$0x3FB0] =	sst s6  }
0xf: {  	[smem:$0x3FB1] =	sst s7  }
0x10: {  	[smem:$0x3FB2] =	sst s8  }
0x11: {  	[smem:$0x3FB3] =	sst s9;
	s0 =	simm.s32 @!p0 $0x0  }
0x12: {  	s1 =	sld [smem:$0x3F99];
	s0 =	simm.s32 @p0 $0x1  }
0x13: {  	[smem:$0x3FB4] =	sst s0;
	s0 =	simm.s32 @!p1 $0x0  }
0x14: {  	s2 =	sld [smem:$0x3F98];
	s0 =	simm.s32 @p1 $0x1  }
0x15: {  	[smem:$0x3FB5] =	sst s0;
	s0 =	simm.s32 @!p2 $0x0  }
0x16: {  	s3 =	sld [smem:$0x3FDB];
	s0 =	simm.s32 @p2 $0x1  }
0x17: {  	s4 =	simm.s32 $0x1BF5;
	[smem:$0x3FB7] =	sst s0  }
0x18: {  	s0 =	sld [smem:$0x3F9A];
	_ =	swait.ge [sflag:s4], $0x0  }
0x19: {  	s7 =	sld [smem:$0x3F9B]  }
0x1a: {  	s8 =	sadd.s32 $0xFFFFE003, lr  }
0x1b: {  	s9 =	sadd.s32 $0xFFFFFEF7, lr;
	s5 =	simm.s32 $0xFFFFFFFF;
	p2 =	slt.u32 s8, $0xFFFFF086  }
0x1c: {  	p1 =	slt.u32 s9, $0xF7A;
	s5 =	simm.s32 @!p2 $0x0  }
0x1d: {  	s5 =	simm.s32 @p1 $0x1;
	p0 =	seq.s32 s7, s2  }
0x1e: {  	s7 =	smul.u32 @!p0 $0xF7A, s2;
	p2 =	seq.s32 @!p0 s5, $0x0  }
0x1f: {  	s9 =	smul.u32 $0xF7A, s1;
	s8 =	simm.s32 @!p0 $0x1BF5;
	p2 =	por !p2, p0  }
0x20: {  	[sflag:s8] =	ssyncset.s32 @!p0 $0xFFFFF086;
	s6 =	sadd.s32 @!p0 s3, s7;
	s7 =	simm.s32 @!p0 $0x108  }
0x21: {  	s3 =	sadd.s32 s3, s9;
	s6 =	sadd.s32 @!p0 $0x88, s6;
	s7 =	simm.s32 @p2 $0x1082  }
0x22: {  	[simem:s7], [sflag:s8] =	dma.local @!p0 [hbm:s6], $0xF7A  }
0x23: {  	s9 =	sor.u32 $0xD0000000, s2;
	s6 =	simm.s32 $0x108;
	_ =	swait.ge @!p0 [sflag:s8], $0x0  }
0x24: {  	s3 =	sadd.s32 $0x88, s3;
	s6 =	simm.s32 @!p1 $0x1082;
	[sflag:s4] =	ssyncset.s32 $0xFFFFF086  }
0x25: {  	[simem:s6], [sflag:s4] =	dma.local [hbm:s3], $0xF7A  }
0x26: {  	[smem:$0x3F9B] =	sst s1;
	(tag) =	ssettag s2;
	_ =	strace s9  }
0x27: {  	s1 =	sld [smem:$0x3FAB]  }
0x28: {  	s2 =	sld [smem:$0x3FAC]  }
0x29: {  	s4 =	sld [smem:$0x3FAE]  }
0x2a: {  	p0 =	seq.s32 s5, $0x0;
	s5 =	sld [smem:$0x3FAF]  }
0x2b: {  	s6 =	sld [smem:$0x3FB0]  }
0x2c: {  	s7 =	sld [smem:$0x3FB1]  }
0x2d: {  	s3 =	simm.s32 $0x108;
	s8 =	sld [smem:$0x3FB2]  }
0x2e: {  	s3 =	simm.s32 @!p0 $0x1082;
	s9 =	sld [smem:$0x3FB3]  }
0x2f: {  	lr =	sadd.s32 s0, s3;
	s0 =	sld [smem:$0x3FAA]  }
0x30: {  	s3 =	sld [smem:$0x3FAD]  }
0x31: {  	[smem:$0x3FB6] =	sst s10  }
0x32: {  	s10 =	sld [smem:$0x3FB4];
	_ =	sdelay $0x3  }
0x33: {  	p0 =	seq.s32 s10, $0x1;
	s10 =	sld [smem:$0x3FB6];
	_ =	sdelay $0x3  }
0x34: {  	[smem:$0x3FB6] =	sst s10  }
0x35: {  	s10 =	sld [smem:$0x3FB5];
	_ =	sdelay $0x3  }
0x36: {  	p1 =	seq.s32 s10, $0x1;
	s10 =	sld [smem:$0x3FB6];
	_ =	sdelay $0x3  }
0x37: {  	[smem:$0x3FB6] =	sst s10  }
0x38: {  	s10 =	sld [smem:$0x3FB7]  }
0x39: {  	_ = 	snop;
	(pc) =	sbr.ind lr, $3  }
0x3a: {  	_ = 	snop  }
0x3b: {  	_ = 	snop  }
0x3c: {  	p2 =	seq.s32 s10, $0x1;
	s10 =	sld [smem:$0x3FB6]  }
0x3d: {  	_ =	shalt  }
0x3e: {  	_ =	shalt  }
0x3f: {  	_ =	shalt  }
0x40: {  	_ =	shalt  }
0x41: {  	_ =	shalt  }
0x42: {  	_ =	shalt  }
0x43: {  	_ =	shalt  }
0x44: {  	_ =	shalt  }
0x45: {  	_ =	shalt  }
0x46: {  	_ =	shalt  }
0x47: {  	_ =	shalt  }
0x48: {  	_ =	shalt  }
0x49: {  	_ =	shalt  }
0x4a: {  	_ =	shalt  }
0x4b: {  	_ =	shalt  }
0x4c: {  	_ =	shalt  }
0x4d: {  	_ =	shalt  }
0x4e: {  	_ =	shalt  }
0x4f: {  	_ =	shalt  }
0x50: {  	_ =	shalt  }
0x51: {  	_ =	shalt  }
0x52: {  	_ =	shalt  }
0x53: {  	_ =	shalt  }
0x54: {  	_ =	shalt  }
0x55: {  	_ =	shalt  }
0x56: {  	_ =	shalt  }
0x57: {  	_ =	shalt  }
0x58: {  	_ =	shalt  }
0x59: {  	_ =	shalt  }
0x5a: {  	_ =	shalt  }
0x5b: {  	_ =	shalt  }
0x5c: {  	_ =	shalt  }
0x5d: {  	_ =	shalt  }
0x5e: {  	_ =	shalt  }
0x5f: {  	_ =	shalt  }
0x60: {  	_ =	shalt  }
0x61: {  	_ =	shalt  }
0x62: {  	_ =	shalt  }
0x63: {  	_ =	shalt  }
0x64: {  	_ =	shalt  }
0x65: {  	_ =	shalt  }
0x66: {  	_ =	shalt  }
0x67: {  	_ =	shalt  }
0x68: {  	_ =	shalt  }
0x69: {  	_ =	shalt  }
0x6a: {  	_ =	shalt  }
0x6b: {  	_ =	shalt  }
0x6c: {  	_ =	shalt  }
0x6d: {  	_ =	shalt  }
0x6e: {  	_ =	shalt  }
0x6f: {  	_ =	shalt  }
0x70: {  	_ =	shalt  }
0x71: {  	_ =	shalt  }
0x72: {  	_ =	shalt  }
0x73: {  	_ =	shalt  }
0x74: {  	_ =	shalt  }
0x75: {  	_ =	shalt  }
0x76: {  	_ =	shalt  }
0x77: {  	_ =	shalt  }
0x78: {  	_ =	shalt  }
0x79: {  	_ =	shalt  }
0x7a: {  	_ =	shalt  }
0x7b: {  	_ =	shalt  }
0x7c: {  	_ =	shalt  }
0x7d: {  	_ =	shalt  }
0x7e: {  	_ =	shalt  }
0x7f: {  	_ =	shalt  }
0x80: {  	_ =	shalt  }
0x81: {  	_ =	shalt  }
0x82: {  	_ =	shalt  }
0x83: {  	_ =	shalt  }
0x84: {  	_ =	shalt  }
0x85: {  	_ =	shalt  }
0x86: {  	_ =	shalt  }
0x87: {  	_ =	shalt  }
.Lfunc_end0:
.L_simem_size_0:
called_computation_lowered:
.L_overlay_start_0:
0x88: {  	s2 =	sld [smem:$0x3FD9]  }
0x89: {  	s3 =	sld [smem:$0x3FFE];
	_ =	sdelay $0x1  }
0x8a: {  	s1 =	srdreg.scid  }
0x8b: {  	s0 =	sand.u32 $0x1, s1  }
0x8c: {  	s17 =	sshll.u32 s0, $0xA;
	s2 =	sadd.s32 s3, s2  }
0x8d: {  	s2 =	sadd.s32 s2, s17  }
0x8e: {  	[smem:$0x3FC2] =	sst s2  }
0x8f: {  	_ = 	snop  }
0x90: {  	s2 =	sld [smem:$0x3FC6]  }
0x91: {  	s18 =	sld [smem:$0x3FD0];
	(tm) =	ssettm $0x1  }
0x92: {  	s4 =	sld [smem:$0x3FFB];
	_ =	sdelay $0x3  }
0x93: {  	_ =	strace s4  }
0x94: {  	s4 =	sld [smem:$0x3FFC];
	_ =	sdelay $0x3  }
0x95: {  	_ =	strace s4  }
0x96: {  	s4 =	sld [smem:$0x3FFD];
	_ =	sdelay $0x3  }
0x97: {  	_ =	strace s4  }
0x98: {  	_ =	strace $0x8FFFFFFF  }
0x99: {  	s19 =	sld [smem:$0x3FDB];
	_ =	sdelay $0x1  }
0x9a: {  	s5 =	simm.s32 $_scs_section_size  }
0x9b: {  	s6 =	simm.s32 $_size__tile_overlayer_lowered;
	s7 =	simm.s32 $_tile_overlayer_lowered  }
0x9c: {  	s22 =	simm.s32 $0x1BFF;
	s21 =	sshll.u32 s7, $0x1;
	s4 =	sadd.s32 s5, s19  }
0x9d: {  	s8 =	simm.s32 $0x0;
	s20 =	sshll.u32 s6, $0x1;
	s6 =	sadd.s32 s21, s4  }
0x9e: {  	[timem:s8], [sflag:s22] =	dma.local [hbm:s6], s20  }
0x9f: {  	_ =	swait.ge [sflag:s22], s20  }
0xa0: {  	s5 =	ssub.s32 $0x0, s20;
	[sflag:s22] =	ssyncset.done $0x0  }
0xa1: {  	[sflag:s22] =	ssyncadd.s32 s5;
	_ =	sdelay $0x1  }
0xa2: {  	s23 =	simm.s32 $0x1B8B  }
0xa3: {  	_ =	swait.ge [sflag:s23], $0x1  }
0xa4: {  	[sflag:s23] =	ssyncset.done $0x0  }
0xa5: {  	s25 =	simm.s32 $0x1B8E;
	s24 =	sld [smem:$0x3FFE];
	[sflag:s23] =	ssyncadd.s32 $0xFFFFFFFF  }
0xa6: {  	s26 =	simm.s32 $execute0_lowered;
	[smem:$0x3FD2] =	sst s25  }
0xa7: {  	s6 =	sshll.u32 s26, $0x1;
	_ =	strace $0x80000046;
	[dreg:$0x1] =	wrdreg $0xFFFFFFFF  }
0xa8: {  	s28 =	simm.s32 $_size_execute0_lowered;
	s4 =	sadd.s32 s4, s6;
	[dreg:$0x0] =	wrdreg $0x0  }
0xa9: {  	s6 =	sshll.u32 s28, $0x1;
	[dreg:$0x2] =	wrdreg s4  }
0xaa: {  	[dreg:$0x3] =	wrdreg s6  }
0xab: {  	[dreg:$0x4] =	wrdreg $0xC0  }
0xac: {  	_ =	task [dreg:s8], $0x5FFFF  }
0xad: {  	[dreg:$0x1] =	wrdreg $0xFFFFFFFF  }
0xae: {  	[dreg:$0x0] =	wrdreg $0x60  }
0xaf: {  	[dreg:$0x2] =	wrdreg s24  }
0xb0: {  	[dreg:$0x3] =	wrdreg s18  }
0xb1: {  	[dreg:$0x4] =	wrdreg s2  }
0xb2: {  	[dreg:$0x5] =	wrdreg $0xB2C00  }
0xb3: {  	[dreg:$0x6] =	wrdreg $0x9  }
0xb4: {  	_ =	task.clear_ibuf [dreg:s8], $0x7FFFF;
	_ =	strace $0x90000046  }
0xb5: {  	s29 =	simm.s32 $0x9;
	_ =	strace $0x80000048  }
0xb6: {  	_ =	swait.ge [sflag:s29], $0x1  }
0xb7: {  	[sflag:s29] =	ssyncadd.s32 $0xFFFFFFFF  }
0xb8: {  	_ =	strace $0x90000048  }
0xb9: {  	_ =	sfence  }
0xba: {  	s30 =	sld [smem:$0x0];
	_ =	sdelay $0x2  }
0xbb: {  	s31 =	sshll.u32 s1, $0xD;
	s1 =	sshrl.u32 s1, $0x2  }
0xbc: {  	s3 =	sand.u32 $0x4000, s31;
	s1 =	sadd.s32 s1, s30  }
0xbd: {  	s0 =	sor.u32 s3, s0;
	s1 =	sshll.u32 s1, $0x11  }
0xbe: {  	s0 =	sor.u32 s1, s0  }
0xbf: {  	s0 =	sadd.s32 $0x8F2B, s0  }
0xc0: {  	[sflag:s0] =	ssyncadd.remote.s32 $0x1  }
0xc1: {  	_ =	sfence.sel $0xFFFF  }
0xc2: {  	[dreg:$0x0] =	wrdreg $0xFFFFFFFF;
	(pc) =	sbr.abs _section_cstart, $3  }
0xc3: {  	[dreg:$0x1] =	wrdreg $0xFFFFFFFF  }
0xc4: {  	_ =	task.clear_ibuf [dreg:s8], $0x2FFFF;
	_ =	strace $0x9FFFFFFF  }
0xc5: {  	(tm) =	ssettm $0x7FFFFFFF  }
tec
execute0_lowered:
.L_overlay_start_1:
0x0: {  	(tag) =	ssettag $0x1  }
0x1: {  	s0 =	rddreg [dreg:$0x0]  }
0x2: {  	s1 =	rddreg [dreg:$0x1]  }
0x3: {  	s3 =	rddreg [dreg:$0x2]  }
0x4: {  	s2 =	rddreg [dreg:$0x3]  }
0x5: {  	s4 =	simm.s32 $0x0;
	s5 =	srdreg.scid;
	s12 =	stileid.u32  }
0x6: {  	s28 =	simm.s32 $0x8AC0;
	s29 =	simm.s32 $0x2;
	s30 =	simm.s32 $0x4  }
0x7: {  	[smem:$0x7FF] =	sst s4;
	s5 =	sand.u32 $0x1, s5;
	s13 =	sadd.s32 $0x58800, s0  }
0x8: {  	s14 =	sadd.s32 $0x4EA00, s0;
	_ =	strace $0x80000047;
	[dreg:$0x6] =	wrdreg s13  }
0x9: {  	s9 =	smul.u32 $0x4E20, s12;
	s19 =	sadd.s32 $0x62600, s0;
	[dreg:$0x7] =	wrdreg s14  }
0xa: {  	s8 =	sadd.s32 $0x800, s0;
	s6 =	ssub.s32 $0x2, s5;
	[dreg:$0x8] =	wrdreg s19  }
0xb: {  	s24 =	sshll.u32 s5, $0x3;
	[dreg:$0x5] =	wrdreg s9;
	s9 =	sshrl.u32 s9, $0x3  }
0xc: {  	s7 =	sshrl.u32 s6, $0x1;
	s3 =	sadd.s32 s3, s24;
	s11 =	sadd.s32 $0xA, s9  }
0xd: {  	s6 =	ssub.s32 s6, s7;
	[dreg:$0x11] =	wrdreg s3;
	s10 =	sadd.s32 s13, s11  }
0xe: {  	s15 =	sadd.s32 $0x14, s9;
	s7 =	sadd.s32 s14, s11;
	[dreg:$0x9] =	wrdreg s10  }
0xf: {  	s17 =	sadd.s32 $0x1E, s9;
	s16 =	sadd.s32 s13, s15;
	[dreg:$0xa] =	wrdreg s7  }
0x10: {  	s20 =	sadd.s32 $0x28, s9;
	s18 =	sadd.s32 s13, s17;
	[dreg:$0xb] =	wrdreg s16  }
0x11: {  	s0 =	smul.u32 $0x2710, s5;
	s21 =	sadd.s32 s13, s20;
	[dreg:$0xd] =	wrdreg s18  }
0x12: {  	s23 =	sadd.s32 $0x32, s9;
	s22 =	sadd.s32 s14, s20;
	[dreg:$0xf] =	wrdreg s21  }
0x13: {  	s24 =	sadd.s32 $0x5A, s9;
	s25 =	sadd.s32 s13, s23;
	[dreg:$0x10] =	wrdreg s22  }
0x14: {  	s26 =	sshll.u32 s5, $0x6;
	s5 =	sadd.s32 s14, s24;
	[dreg:$0x12] =	wrdreg s25  }
0x15: {  	s11 =	smul.u32 $0x13C00, s12;
	s10 =	sadd.s32 s14, s15;
	[dreg:$0x1e] =	wrdreg s5  }
0x16: {  	s7 =	sadd.s32 s14, s17;
	s15 =	sadd.s32 $0x46, s9;
	[dreg:$0xc] =	wrdreg s10  }
0x17: {  	s17 =	sadd.s32 $0x50, s9;
	s22 =	sadd.s32 s13, s9;
	[dreg:$0xe] =	wrdreg s7  }
0x18: {  	s21 =	smul.u32 $0x4F000, s12;
	s25 =	sadd.s32 s13, s24;
	[dreg:$0x1b] =	wrdreg s22  }
0x19: {  	s12 =	simm.s32 $0x50;
	s7 =	sadd.s32 s14, s23;
	[dreg:$0x1d] =	wrdreg s25  }
0x1a: {  	s24 =	simm.s32 $0x30C0;
	s16 =	sadd.s32 s13, s15;
	[dreg:$0x13] =	wrdreg s7  }
0x1b: {  	s20 =	sor.u32 s26, s11;
	s18 =	sadd.s32 s13, s17;
	[dreg:$0x17] =	wrdreg s16  }
0x1c: {  	s10 =	sadd.s32 $0x3C, s9;
	s23 =	sadd.s32 s14, s9;
	[dreg:$0x19] =	wrdreg s18  }
0x1d: {  	s26 =	smax.u32 s6, $0x1;
	s22 =	simm.s32 $0x26C0;
	[dreg:$0x1c] =	wrdreg s23  }
0x1e: {  	s25 =	simm.s32 $0x76C0;
	s11 =	sadd.s32 s13, s10;
	[smem:$0x7FC] =	sst s26  }
0x1f: {  	s3 =	sadd.s32 s14, s10;
	s21 =	sshrl.u32 s21, $0x2;
	[dreg:$0x14] =	wrdreg s20  }
0x20: {  	s13 =	simm.s32 $0x3AC0;
	s16 =	simm.s32 $0x5;
	[dreg:$0x15] =	wrdreg s11  }
.Ltmp0:
0x21: {  	s23 =	simm.s32 $0x62C0;
	[dreg:$0x16] =	wrdreg s3;
	(pc) =	sbr.rel .LBB2_1-.Ltmp0, $4  }
0x22: {  	s26 =	simm.s32 $0x3;
	s3 =	sadd.s32 s14, s15;
	[dreg:$0x1f] =	wrdreg s21  }
0x23: {  	s31 =	sadd.s32 s21, s2;
	s15 =	simm.s32 $0x1;
	[dreg:$0x18] =	wrdreg s3  }
0x24: {  	s3 =	sadd.s32 s14, s17;
	s14 =	simm.s32 $0x6;
	[smem:$0x7FD] =	sst s31  }
0x25: {  	v1 =	vimm.f32 $0.0e+00;
	v0 =	vmov s0;
	s17 =	simm.s32 $0x28;
	[dreg:$0x1a] =	wrdreg s3;
	s3 =	simm.s32 $0x0  }
.LBB2_25:
0x26: {  	_ =	swait.ge [sflag:s26], $0x200  }
0x27: {  	[sflag:s26] =	ssyncset.done $0x0  }
0x28: {  	[sflag:s26] =	ssyncadd.s32 $0xFFFFFE00  }
0x29: {  	_ =	swait.ge [sflag:s30], $0x200  }
0x2a: {  	s3 =	sld [smem:$0x7FB]  }
0x2b: {  	s0 =	sld [smem:$0x7FC];
	_ =	sdelay $0x1  }
0x2c: {  	s3 =	sadd.s32 $0x1, s3  }
0x2d: {  	p0 =	sne.s32 s3, s0  }
.Ltmp1:
0x2e: {  	_ = 	snop;
	(pc) =	sbr.rel @!p0 .LBB2_26-.Ltmp1, $3  }
0x2f: {  	_ =	sdelay $0x1  }
0x30: {  	[sflag:s30] =	ssyncset.done $0x0  }
0x31: {  	s13 =	simm.s32 $0x3AC0;
	[sflag:s30] =	ssyncadd.s32 $0xFFFFFE00  }
.LBB2_1:
0x32: {  	s0 =	rddreg [dreg:$0x1b]  }
0x33: {  	[tilespmem:s4], [sflag:$0x5] =	stream.linear.gather [hbm4b:s0+s4], $0x50, $0x38;
	[tilespmem:$0x1EF00] =	vst v63  }
0x34: {  	s9 =	rddreg [dreg:$0x1c];
	s10 =	simm.s32 $0xC80  }
0x35: {  	[tilespmem:s10], [sflag:$0x5] =	stream.linear.gather [hbm4b:s9+s4], $0x50, $0x38;
	[tilespmem:$0x1EF00] =	vst v63  }
0x36: {  	s11 =	rddreg [dreg:$0x9]  }
0x37: {  	[tilespmem:s12], [sflag:$0x5] =	stream.linear.gather [hbm4b:s11+s4], $0x50, $0x38;
	[tilespmem:$0x1EF00] =	vst v63  }
0x38: {  	s18 =	rddreg [dreg:$0xa];
	s19 =	simm.s32 $0xCD0  }
0x39: {  	[tilespmem:s19], [sflag:$0x5] =	stream.linear.gather [hbm4b:s18+s4], $0x50, $0x38;
	[tilespmem:$0x1EF00] =	vst v63  }
0x3a: {  	s20 =	rddreg [dreg:$0xb];
	s21 =	simm.s32 $0xA0  }
0x3b: {  	[tilespmem:s21], [sflag:$0x5] =	stream.linear.gather [hbm4b:s20+s4], $0x50, $0x38;
	[tilespmem:$0x1EF00] =	vst v63  }
0x3c: {  	s5 =	rddreg [dreg:$0xc];
	s6 =	simm.s32 $0xD20  }
0x3d: {  	[tilespmem:s6], [sflag:$0x5] =	stream.linear.gather [hbm4b:s5+s4], $0x50, $0x38;
	[tilespmem:$0x1EF00] =	vst v63  }
0x3e: {  	s7 =	rddreg [dreg:$0xd];
	s9 =	simm.s32 $0xF0  }
0x3f: {  	[tilespmem:s9], [sflag:$0x5] =	stream.linear.gather [hbm4b:s7+s4], $0x50, $0x38;
	[tilespmem:$0x1EF00] =	vst v63  }
0x40: {  	s10 =	rddreg [dreg:$0xe];
	s11 =	simm.s32 $0xD70  }
0x41: {  	[tilespmem:s11], [sflag:$0x5] =	stream.linear.gather [hbm4b:s10+s4], $0x50, $0x38;
	[tilespmem:$0x1EF00] =	vst v63  }
0x42: {  	s18 =	rddreg [dreg:$0xf];
	s19 =	simm.s32 $0x140  }
0x43: {  	[tilespmem:s19], [sflag:$0x5] =	stream.linear.gather [hbm4b:s18+s4], $0x50, $0x38;
	[tilespmem:$0x1EF00] =	vst v63  }
0x44: {  	s20 =	rddreg [dreg:$0x10];
	s21 =	simm.s32 $0xDC0  }
0x45: {  	[tilespmem:s21], [sflag:$0x5] =	stream.linear.gather [hbm4b:s20+s4], $0x50, $0x38;
	[tilespmem:$0x1EF00] =	vst v63  }
0x46: {  	s5 =	rddreg [dreg:$0x12];
	s6 =	simm.s32 $0x190  }
0x47: {  	[tilespmem:s6], [sflag:$0x5] =	stream.linear.gather [hbm4b:s5+s4], $0x50, $0x38;
	[tilespmem:$0x1EF00] =	vst v63  }
0x48: {  	s7 =	rddreg [dreg:$0x13];
	s9 =	simm.s32 $0xE10  }
0x49: {  	[tilespmem:s9], [sflag:$0x5] =	stream.linear.gather [hbm4b:s7+s4], $0x50, $0x38;
	[tilespmem:$0x1EF00] =	vst v63  }
0x4a: {  	s10 =	rddreg [dreg:$0x15];
	s11 =	simm.s32 $0x1E0  }
0x4b: {  	[tilespmem:s11], [sflag:$0x5] =	stream.linear.gather [hbm4b:s10+s4], $0x50, $0x38;
	[tilespmem:$0x1EF00] =	vst v63  }
0x4c: {  	s18 =	rddreg [dreg:$0x16];
	s19 =	simm.s32 $0xE60  }
0x4d: {  	[tilespmem:s19], [sflag:$0x5] =	stream.linear.gather [hbm4b:s18+s4], $0x50, $0x38;
	[tilespmem:$0x1EF00] =	vst v63  }
0x4e: {  	s20 =	rddreg [dreg:$0x17];
	s21 =	simm.s32 $0x230  }
0x4f: {  	[tilespmem:s21], [sflag:$0x5] =	stream.linear.gather [hbm4b:s20+s4], $0x50, $0x38;
	[tilespmem:$0x1EF00] =	vst v63  }
0x50: {  	s5 =	rddreg [dreg:$0x18];
	s6 =	simm.s32 $0xEB0  }
0x51: {  	[tilespmem:s6], [sflag:$0x5] =	stream.linear.gather [hbm4b:s5+s4], $0x50, $0x38;
	[tilespmem:$0x1EF00] =	vst v63  }
0x52: {  	s7 =	rddreg [dreg:$0x19];
	s9 =	simm.s32 $0x280  }
0x53: {  	[tilespmem:s9], [sflag:$0x5] =	stream.linear.gather [hbm4b:s7+s4], $0x50, $0x38;
	[tilespmem:$0x1EF00] =	vst v63  }
0x54: {  	s10 =	rddreg [dreg:$0x1a];
	s11 =	simm.s32 $0xF00  }
0x55: {  	[tilespmem:s11], [sflag:$0x5] =	stream.linear.gather [hbm4b:s10+s4], $0x50, $0x38;
	[tilespmem:$0x1EF00] =	vst v63  }
0x56: {  	s18 =	rddreg [dreg:$0x1d];
	s19 =	simm.s32 $0x2D0  }
0x57: {  	[tilespmem:s19], [sflag:$0x5] =	stream.linear.gather [hbm4b:s18+s4], $0x50, $0x38;
	[tilespmem:$0x1EF00] =	vst v63  }
0x58: {  	s20 =	rddreg [dreg:$0x1e];
	s21 =	simm.s32 $0xF50  }
0x59: {  	[tilespmem:s21], [sflag:$0x5] =	stream.linear.gather [hbm4b:s20+s4], $0x50, $0x38;
	[tilespmem:$0x1EF00] =	vst v63  }
0x5a: {  	[tilespmem:$0x3AC0] =	vst v1  }
0x5b: {  	[tilespmem:$0x3AD0] =	vst v1  }
0x5c: {  	[tilespmem:$0x3AE0] =	vst v1  }
0x5d: {  	[tilespmem:$0x3AF0] =	vst v1  }
0x5e: {  	[tilespmem:$0x3B00] =	vst v1  }
0x5f: {  	[tilespmem:$0x3B10] =	vst v1  }
0x60: {  	[tilespmem:$0x3B20] =	vst v1  }
0x61: {  	[tilespmem:$0x3B30] =	vst v1  }
0x62: {  	[tilespmem:$0x3B40] =	vst v1  }
0x63: {  	[tilespmem:$0x3B50] =	vst v1  }
0x64: {  	[tilespmem:$0x3B60] =	vst v1  }
0x65: {  	[tilespmem:$0x3B70] =	vst v1  }
0x66: {  	[tilespmem:$0x3B80] =	vst v1  }
0x67: {  	[tilespmem:$0x3B90] =	vst v1  }
0x68: {  	[tilespmem:$0x3BA0] =	vst v1  }
0x69: {  	[tilespmem:$0x3BB0] =	vst v1  }
0x6a: {  	[tilespmem:$0x3BC0] =	vst v1  }
0x6b: {  	[tilespmem:$0x3BD0] =	vst v1  }
0x6c: {  	[tilespmem:$0x3BE0] =	vst v1  }
0x6d: {  	[tilespmem:$0x3BF0] =	vst v1  }
0x6e: {  	[tilespmem:$0x3C00] =	vst v1  }
0x6f: {  	[tilespmem:$0x3C10] =	vst v1  }
0x70: {  	[tilespmem:$0x3C20] =	vst v1  }
0x71: {  	[tilespmem:$0x3C30] =	vst v1  }
0x72: {  	[tilespmem:$0x3C40] =	vst v1  }
0x73: {  	[tilespmem:$0x3C50] =	vst v1  }
0x74: {  	[tilespmem:$0x3C60] =	vst v1  }
0x75: {  	[tilespmem:$0x3C70] =	vst v1  }
0x76: {  	[tilespmem:$0x3C80] =	vst v1  }
0x77: {  	[tilespmem:$0x3C90] =	vst v1  }
0x78: {  	[tilespmem:$0x3CA0] =	vst v1  }
0x79: {  	[tilespmem:$0x3CB0] =	vst v1  }
0x7a: {  	[tilespmem:$0x3CC0] =	vst v1  }
0x7b: {  	[tilespmem:$0x3CD0] =	vst v1  }
0x7c: {  	[tilespmem:$0x3CE0] =	vst v1  }
0x7d: {  	[tilespmem:$0x3CF0] =	vst v1  }
0x7e: {  	[tilespmem:$0x3D00] =	vst v1  }
0x7f: {  	[tilespmem:$0x3D10] =	vst v1  }
0x80: {  	[tilespmem:$0x3D20] =	vst v1  }
0x81: {  	[tilespmem:$0x3D30] =	vst v1  }
0x82: {  	[tilespmem:$0x3D40] =	vst v1  }
0x83: {  	[tilespmem:$0x3D50] =	vst v1  }
0x84: {  	[tilespmem:$0x3D60] =	vst v1  }
0x85: {  	[tilespmem:$0x3D70] =	vst v1  }
0x86: {  	[tilespmem:$0x3D80] =	vst v1  }
0x87: {  	[tilespmem:$0x3D90] =	vst v1  }
0x88: {  	[tilespmem:$0x3DA0] =	vst v1  }
0x89: {  	[tilespmem:$0x3DB0] =	vst v1  }
0x8a: {  	[tilespmem:$0x3DC0] =	vst v1  }
0x8b: {  	[tilespmem:$0x3DD0] =	vst v1  }
0x8c: {  	[tilespmem:$0x3DE0] =	vst v1  }
0x8d: {  	[tilespmem:$0x3DF0] =	vst v1  }
0x8e: {  	[tilespmem:$0x3E00] =	vst v1  }
0x8f: {  	[tilespmem:$0x3E10] =	vst v1  }
0x90: {  	[tilespmem:$0x3E20] =	vst v1  }
0x91: {  	[tilespmem:$0x3E30] =	vst v1  }
0x92: {  	[tilespmem:$0x3E40] =	vst v1  }
0x93: {  	[tilespmem:$0x3E50] =	vst v1  }
0x94: {  	[tilespmem:$0x3E60] =	vst v1  }
0x95: {  	[tilespmem:$0x3E70] =	vst v1  }
0x96: {  	[tilespmem:$0x3E80] =	vst v1  }
0x97: {  	[tilespmem:$0x3E90] =	vst v1  }
0x98: {  	[tilespmem:$0x3EA0] =	vst v1  }
0x99: {  	[smem:$0x7FB] =	sst s3;
	s0 =	simm.s32 $0x0;
	[tilespmem:$0x3EB0] =	vst v1  }
.LBB2_2:
0x9a: {  	p0 =	sne.s32 s0, $0x4E000  }
.Ltmp2:
0x9b: {  	_ = 	snop;
	(pc) =	sbr.rel @p0 .LBB2_2-.Ltmp2, $4  }
0x9c: {  	_ = 	snop  }
0x9d: {  	s3 =	sshra.s32 s0, $0x2  }
0x9e: {  	s0 =	sadd.s32 $0x1000, s0;
	s3 =	sadd.s32 s3, s31  }
0x9f: {  	[spmem:s3] =	stream.linear.scatter [tilespmem:s13], [sflag:$0x6], $0x400, $0x38;
	[tilespmem:$0x1EF00] =	vst v63  }
0xa0: {  	_ =	swait.ge [sflag:s14], $0x400  }
0xa1: {  	s0 =	simm.s32 $0x4E;
	[sflag:s14] =	ssyncset.done $0x0  }
.LBB2_4:
0xa2: {  	p0 =	sne.s32 s0, $0x1;
	s0 =	sadd.s32 $0xFFFFFFFF, s0;
	[sflag:s14] =	ssyncadd.s32 $0xFFFFFC00  }
.Ltmp3:
0xa3: {  	(pc) =	sbr.rel @p0 .LBB2_4-.Ltmp3, $3  }
0xa4: {  	_ =	sdelay $0x1  }
0xa5: {  	_ =	swait.ge [sflag:s14], $0x400  }
0xa6: {  	[sflag:s14] =	ssyncset.done $0x0  }
0xa7: {  	[sflag:s14] =	ssyncadd.s32 $0xFFFFFC00  }
0xa8: {  	s31 =	simm.s32 $0x0;
	p0 =	por $0x0, $0x0;
	[bflag:$0x0] =	sbarrier.arrive $0xFFFF  }
.LBB2_7:
0xa9: {  	_ =	swait.ge [sflag:s16], $0x50  }
0xaa: {  	[sflag:s16] =	ssyncset.done $0x0  }
0xab: {  	[sflag:s16] =	ssyncadd.s32 $0xFFFFFFB0  }
0xac: {  	_ =	swait.ge [sflag:s16], $0x50  }
0xad: {  	[sflag:s16] =	ssyncset.done $0x0  }
0xae: {  	[sflag:s16] =	ssyncadd.s32 $0xFFFFFFB0  }
0xaf: {  	_ =	swait.ge [sflag:s16], $0x50  }
0xb0: {  	[sflag:s16] =	ssyncset.done $0x0  }
0xb1: {  	[sflag:s16] =	ssyncadd.s32 $0xFFFFFFB0  }
0xb2: {  	_ =	swait.ge [sflag:s16], $0x50  }
0xb3: {  	[sflag:s16] =	ssyncset.done $0x0  }
0xb4: {  	[sflag:s16] =	ssyncadd.s32 $0xFFFFFFB0  }
0xb5: {  	_ =	swait.ge [sflag:s16], $0x50  }
0xb6: {  	[sflag:s16] =	ssyncset.done $0x0  }
0xb7: {  	[sflag:s16] =	ssyncadd.s32 $0xFFFFFFB0  }
0xb8: {  	_ =	swait.ge [sflag:s16], $0x50  }
0xb9: {  	[sflag:s16] =	ssyncset.done $0x0  }
0xba: {  	[sflag:s16] =	ssyncadd.s32 $0xFFFFFFB0  }
0xbb: {  	_ =	swait.ge [sflag:s16], $0x50  }
0xbc: {  	[sflag:s16] =	ssyncset.done $0x0  }
0xbd: {  	[sflag:s16] =	ssyncadd.s32 $0xFFFFFFB0  }
0xbe: {  	_ =	swait.ge [sflag:s16], $0x50  }
0xbf: {  	[sflag:s16] =	ssyncset.done $0x0  }
0xc0: {  	[sflag:s16] =	ssyncadd.s32 $0xFFFFFFB0  }
0xc1: {  	_ =	swait.ge [sflag:s16], $0x50  }
0xc2: {  	[sflag:s16] =	ssyncset.done $0x0  }
0xc3: {  	[sflag:s16] =	ssyncadd.s32 $0xFFFFFFB0  }
0xc4: {  	_ =	swait.ge [sflag:s16], $0x50  }
0xc5: {  	[sflag:s16] =	ssyncset.done $0x0  }
0xc6: {  	[sflag:s16] =	ssyncadd.s32 $0xFFFFFFB0  }
0xc7: {  	_ =	swait.ge [sflag:s16], $0x50  }
0xc8: {  	[sflag:s16] =	ssyncset.done $0x0  }
0xc9: {  	[sflag:s16] =	ssyncadd.s32 $0xFFFFFFB0  }
0xca: {  	_ =	swait.ge [sflag:s16], $0x50  }
0xcb: {  	[sflag:s16] =	ssyncset.done $0x0  }
0xcc: {  	[sflag:s16] =	ssyncadd.s32 $0xFFFFFFB0  }
0xcd: {  	_ =	swait.ge [sflag:s16], $0x50  }
0xce: {  	[sflag:s16] =	ssyncset.done $0x0  }
0xcf: {  	[sflag:s16] =	ssyncadd.s32 $0xFFFFFFB0  }
0xd0: {  	_ =	swait.ge [sflag:s16], $0x50  }
0xd1: {  	[sflag:s16] =	ssyncset.done $0x0  }
0xd2: {  	[sflag:s16] =	ssyncadd.s32 $0xFFFFFFB0  }
0xd3: {  	_ =	swait.ge [sflag:s16], $0x50  }
0xd4: {  	[sflag:s16] =	ssyncset.done $0x0  }
0xd5: {  	[sflag:s16] =	ssyncadd.s32 $0xFFFFFFB0  }
0xd6: {  	_ =	swait.ge [sflag:s16], $0x50  }
0xd7: {  	[sflag:s16] =	ssyncset.done $0x0  }
0xd8: {  	[sflag:s16] =	ssyncadd.s32 $0xFFFFFFB0  }
0xd9: {  	_ =	swait.ge [sflag:s16], $0x50  }
0xda: {  	s0 =	simm.s32 $0x1;
	[sflag:s16] =	ssyncset.done $0x0  }
0xdb: {  	s0 =	simm.s32 @!p0 $0x0;
	[sflag:s16] =	ssyncadd.s32 $0xFFFFFFB0  }
0xdc: {  	s0 =	smul.u32 $0xC80, s0;
	_ =	swait.ge [sflag:s16], $0x50  }
0xdd: {  	[sflag:s16] =	ssyncset.done $0x0  }
0xde: {  	s0 =	sshrl.u32 s0, $0x2;
	[sflag:s16] =	ssyncadd.s32 $0xFFFFFFB0  }
0xdf: {  	s3 =	sadd.s32 $0x40, s0;
	_ =	swait.ge [sflag:s16], $0x50  }
0xe0: {  	v2 =	vmov s3;
	[sflag:s16] =	ssyncset.done $0x0  }
0xe1: {  	[sflag:s16] =	ssyncadd.s32 $0xFFFFFFB0  }
0xe2: {  	_ =	swait.ge [sflag:s16], $0x50  }
0xe3: {  	[sflag:s16] =	ssyncset.done $0x0  }
0xe4: {  	s3 =	simm.s32 $0x0;
	[sflag:s16] =	ssyncadd.s32 $0xFFFFFFB0  }
0xe5: {  	s5 =	sadd.s32 $0x680, s0;
	v5 =	vld.idx.msk [tilespmem:v2+s3+$0xFFFFFFC0 ss:$0x1], $0xffff  }
0xe6: {  	s0 =	sadd.s32 $0xCA0, s0;
	v4 =	vmov s5  }
0xe7: {  	v3 =	vmov s0;
	_ =	sdelay $0x2  }
0xe8: {  	v5 =	vadd.s32 v0, v5  }
0xe9: {  	[tilespmem:v4+s3+$0xFFFFFFC0 ss:$0x1] =	vst.idx.msk $0xffff, v5  }
0xea: {  	v5 =	vld.idx.msk [tilespmem:v3+s3+$0xFFFFFFE0 ss:$0x1], $0xffff;
	_ =	sdelay $0x4  }
0xeb: {  	v5 =	vadd.s32 v0, v5  }
0xec: {  	[tilespmem:v3+s3+$0xFFFFFFE0 ss:$0x1] =	vst.idx.msk $0xffff, v5  }
0xed: {  	v5 =	vld.idx.msk [tilespmem:v2+s3+$0xFFFFFFD0 ss:$0x1], $0xffff;
	_ =	sdelay $0x4  }
0xee: {  	v5 =	vadd.s32 v0, v5  }
0xef: {  	[tilespmem:v4+s3+$0xFFFFFFD0 ss:$0x1] =	vst.idx.msk $0xffff, v5  }
0xf0: {  	v5 =	vld.idx.msk [tilespmem:v3+s3+$0xFFFFFFF0 ss:$0x1], $0xffff;
	_ =	sdelay $0x4  }
0xf1: {  	v5 =	vadd.s32 v0, v5  }
0xf2: {  	[tilespmem:v3+s3+$0xFFFFFFF0 ss:$0x1] =	vst.idx.msk $0xffff, v5  }
0xf3: {  	v5 =	vld.idx.msk [tilespmem:v2+s3+$0xFFFFFFE0 ss:$0x1], $0xffff;
	_ =	sdelay $0x4  }
0xf4: {  	v5 =	vadd.s32 v0, v5  }
0xf5: {  	[tilespmem:v4+s3+$0xFFFFFFE0 ss:$0x1] =	vst.idx.msk $0xffff, v5  }
0xf6: {  	v5 =	vld.idx.msk [tilespmem:v3+s3+$0x0 ss:$0x1], $0xffff;
	_ =	sdelay $0x4  }
0xf7: {  	v5 =	vadd.s32 v0, v5  }
0xf8: {  	[tilespmem:v3+s3+$0x0 ss:$0x1] =	vst.idx.msk $0xffff, v5  }
0xf9: {  	v5 =	vld.idx.msk [tilespmem:v2+s3+$0xFFFFFFF0 ss:$0x1], $0xffff;
	_ =	sdelay $0x4  }
0xfa: {  	v5 =	vadd.s32 v0, v5  }
0xfb: {  	[tilespmem:v4+s3+$0xFFFFFFF0 ss:$0x1] =	vst.idx.msk $0xffff, v5  }
0xfc: {  	v5 =	vld.idx.msk [tilespmem:v3+s3+$0x10 ss:$0x1], $0xffff;
	_ =	sdelay $0x4  }
0xfd: {  	v5 =	vadd.s32 v0, v5  }
0xfe: {  	[tilespmem:v3+s3+$0x10 ss:$0x1] =	vst.idx.msk $0xffff, v5  }
0xff: {  	v5 =	vld.idx.msk [tilespmem:v2+s3+$0x0 ss:$0x1], $0xffff;
	_ =	sdelay $0x4  }
0x100: {  	v5 =	vadd.s32 v0, v5  }
0x101: {  	[tilespmem:v4+s3+$0x0 ss:$0x1] =	vst.idx.msk $0xffff, v5  }
0x102: {  	v5 =	vld.idx.msk [tilespmem:v3+s3+$0x20 ss:$0x1], $0xffff;
	_ =	sdelay $0x3  }
0x103: {  	s0 =	sand.u32 $0x1, s31  }
0x104: {  	s6 =	simm.s32 $0x140;
	s7 =	simm.s32 $0x280;
	s5 =	smul.u32 $0x320, s0;
	v5 =	vadd.s32 v0, v5  }
.LBB2_8:
0x105: {  	p1 =	sne.s32 s7, $0xB40  }
0x106: {  	[tilespmem:v3+s3+$0x20 ss:$0x1] =	vst.idx.msk $0xffff, v5;
	s3 =	sshra.s32 s6, $0x2;
	s6 =	smov.u32 s7;
	s7 =	sadd.s32 $0x140, s7  }
0x107: {  	v5 =	vld.idx.msk [tilespmem:v2+s3+$0xFFFFFFC0 ss:$0x1], $0xffff;
	_ =	sdelay $0x5  }
0x108: {  	v5 =	vadd.s32 v0, v5  }
0x109: {  	[tilespmem:v4+s3+$0xFFFFFFC0 ss:$0x1] =	vst.idx.msk $0xffff, v5  }
0x10a: {  	v5 =	vld.idx.msk [tilespmem:v3+s3+$0xFFFFFFE0 ss:$0x1], $0xffff;
	_ =	sdelay $0x5  }
0x10b: {  	v5 =	vadd.s32 v0, v5  }
0x10c: {  	[tilespmem:v3+s3+$0xFFFFFFE0 ss:$0x1] =	vst.idx.msk $0xffff, v5  }
0x10d: {  	v5 =	vld.idx.msk [tilespmem:v2+s3+$0xFFFFFFD0 ss:$0x1], $0xffff;
	_ =	sdelay $0x5  }
0x10e: {  	v5 =	vadd.s32 v0, v5  }
0x10f: {  	[tilespmem:v4+s3+$0xFFFFFFD0 ss:$0x1] =	vst.idx.msk $0xffff, v5  }
0x110: {  	v5 =	vld.idx.msk [tilespmem:v3+s3+$0xFFFFFFF0 ss:$0x1], $0xffff;
	_ =	sdelay $0x5  }
0x111: {  	v5 =	vadd.s32 v0, v5  }
0x112: {  	[tilespmem:v3+s3+$0xFFFFFFF0 ss:$0x1] =	vst.idx.msk $0xffff, v5  }
0x113: {  	v5 =	vld.idx.msk [tilespmem:v2+s3+$0xFFFFFFE0 ss:$0x1], $0xffff;
	_ =	sdelay $0x5  }
0x114: {  	v5 =	vadd.s32 v0, v5  }
0x115: {  	[tilespmem:v4+s3+$0xFFFFFFE0 ss:$0x1] =	vst.idx.msk $0xffff, v5  }
0x116: {  	v5 =	vld.idx.msk [tilespmem:v3+s3+$0x0 ss:$0x1], $0xffff;
	_ =	sdelay $0x5  }
0x117: {  	v5 =	vadd.s32 v0, v5  }
0x118: {  	[tilespmem:v3+s3+$0x0 ss:$0x1] =	vst.idx.msk $0xffff, v5  }
0x119: {  	v5 =	vld.idx.msk [tilespmem:v2+s3+$0xFFFFFFF0 ss:$0x1], $0xffff;
	_ =	sdelay $0x5  }
0x11a: {  	v5 =	vadd.s32 v0, v5  }
0x11b: {  	[tilespmem:v4+s3+$0xFFFFFFF0 ss:$0x1] =	vst.idx.msk $0xffff, v5  }
0x11c: {  	v5 =	vld.idx.msk [tilespmem:v3+s3+$0x10 ss:$0x1], $0xffff;
	_ =	sdelay $0x5  }
0x11d: {  	v5 =	vadd.s32 v0, v5  }
0x11e: {  	[tilespmem:v3+s3+$0x10 ss:$0x1] =	vst.idx.msk $0xffff, v5  }
0x11f: {  	v5 =	vld.idx.msk [tilespmem:v2+s3+$0x0 ss:$0x1], $0xffff;
	_ =	sdelay $0x5  }
0x120: {  	v5 =	vadd.s32 v0, v5  }
0x121: {  	[tilespmem:v4+s3+$0x0 ss:$0x1] =	vst.idx.msk $0xffff, v5  }
0x122: {  	v5 =	vld.idx.msk [tilespmem:v3+s3+$0x20 ss:$0x1], $0xffff;
	_ =	sdelay $0x1  }
.Ltmp4:
0x123: {  	(pc) =	sbr.rel @p1 .LBB2_8-.Ltmp4, $2  }
0x124: {  	_ =	sdelay $0x2  }
0x125: {  	v5 =	vadd.s32 v0, v5  }
0x126: {  	_ =	sdelay $0x3  }
0x127: {  	s6 =	sshra.s32 s6, $0x2;
	[tilespmem:v3+s3+$0x20 ss:$0x1] =	vst.idx.msk $0xffff, v5  }
0x128: {  	v5 =	vld.idx.msk [tilespmem:v2+s6+$0xFFFFFFC0 ss:$0x1], $0xffff;
	_ =	sdelay $0x4  }
0x129: {  	v5 =	vadd.s32 v0, v5  }
0x12a: {  	[tilespmem:v4+s6+$0xFFFFFFC0 ss:$0x1] =	vst.idx.msk $0xffff, v5  }
0x12b: {  	v5 =	vld.idx.msk [tilespmem:v3+s6+$0xFFFFFFE0 ss:$0x1], $0xffff;
	_ =	sdelay $0x4  }
0x12c: {  	v5 =	vadd.s32 v0, v5  }
0x12d: {  	[tilespmem:v3+s6+$0xFFFFFFE0 ss:$0x1] =	vst.idx.msk $0xffff, v5  }
0x12e: {  	v5 =	vld.idx.msk [tilespmem:v2+s6+$0xFFFFFFD0 ss:$0x1], $0xffff;
	_ =	sdelay $0x4  }
0x12f: {  	v5 =	vadd.s32 v0, v5  }
0x130: {  	[tilespmem:v4+s6+$0xFFFFFFD0 ss:$0x1] =	vst.idx.msk $0xffff, v5  }
0x131: {  	v5 =	vld.idx.msk [tilespmem:v3+s6+$0xFFFFFFF0 ss:$0x1], $0xffff;
	_ =	sdelay $0x4  }
0x132: {  	v5 =	vadd.s32 v0, v5  }
0x133: {  	[tilespmem:v3+s6+$0xFFFFFFF0 ss:$0x1] =	vst.idx.msk $0xffff, v5  }
0x134: {  	v5 =	vld.idx.msk [tilespmem:v2+s6+$0xFFFFFFE0 ss:$0x1], $0xffff;
	_ =	sdelay $0x4  }
0x135: {  	v5 =	vadd.s32 v0, v5  }
0x136: {  	[tilespmem:v4+s6+$0xFFFFFFE0 ss:$0x1] =	vst.idx.msk $0xffff, v5  }
0x137: {  	v5 =	vld.idx.msk [tilespmem:v3+s6+$0x0 ss:$0x1], $0xffff;
	_ =	sdelay $0x4  }
0x138: {  	v5 =	vadd.s32 v0, v5  }
0x139: {  	[tilespmem:v3+s6+$0x0 ss:$0x1] =	vst.idx.msk $0xffff, v5  }
0x13a: {  	v5 =	vld.idx.msk [tilespmem:v2+s6+$0xFFFFFFF0 ss:$0x1], $0xffff;
	_ =	sdelay $0x4  }
0x13b: {  	v5 =	vadd.s32 v0, v5  }
0x13c: {  	[tilespmem:v4+s6+$0xFFFFFFF0 ss:$0x1] =	vst.idx.msk $0xffff, v5  }
0x13d: {  	v5 =	vld.idx.msk [tilespmem:v3+s6+$0x10 ss:$0x1], $0xffff;
	_ =	sdelay $0x4  }
0x13e: {  	v5 =	vadd.s32 v0, v5  }
0x13f: {  	[tilespmem:v3+s6+$0x10 ss:$0x1] =	vst.idx.msk $0xffff, v5  }
0x140: {  	v2 =	vld.idx.msk [tilespmem:v2+s6+$0x0 ss:$0x1], $0xffff;
	_ =	sdelay $0x4  }
0x141: {  	v2 =	vadd.s32 v0, v2  }
0x142: {  	[tilespmem:v4+s6+$0x0 ss:$0x1] =	vst.idx.msk $0xffff, v2  }
0x143: {  	v2 =	vld.idx.msk [tilespmem:v3+s6+$0x20 ss:$0x1], $0xffff  }
0x144: {  	p1 =	seq.s32 s31, $0x18  }
.Ltmp5:
0x145: {  	_ = 	snop;
	(pc) =	sbr.rel @p1 .LBB2_11-.Ltmp5, $3  }
0x146: {  	_ =	sdelay $0x1  }
0x147: {  	v2 =	vadd.s32 v0, v2  }
0x148: {  	s18 =	sadd.s32 $0x1, s31;
	[tilespmem:v3+s6+$0x20 ss:$0x1] =	vst.idx.msk $0xffff, v2  }
0x149: {  	s3 =	smul.u32 $0x320, s18  }
0x14a: {  	s6 =	rddreg [dreg:$0x5]  }
0x14b: {  	s0 =	sxor.u32 $0x1, s0;
	s3 =	sadd.s32 s6, s3  }
0x14c: {  	s10 =	rddreg [dreg:$0x6];
	s0 =	smul.u32 $0x320, s0;
	s3 =	sshrl.u32 s3, $0x3  }
0x14d: {  	s11 =	sadd.s32 s10, s3  }
0x14e: {  	[tilespmem:s0], [sflag:$0x5] =	stream.linear.gather [hbm4b:s11+s4], $0x50, $0x38;
	[tilespmem:$0x1EF00] =	vst v63  }
0x14f: {  	s11 =	rddreg [dreg:$0x7]  }
0x150: {  	s19 =	sadd.s32 $0xC80, s0;
	s20 =	sadd.s32 $0xA, s3;
	s7 =	sadd.s32 s11, s3  }
0x151: {  	[tilespmem:s19], [sflag:$0x5] =	stream.linear.gather [hbm4b:s7+s4], $0x50, $0x38;
	[tilespmem:$0x1EF00] =	vst v63  }
0x152: {  	s21 =	sadd.s32 $0x50, s0;
	s9 =	sadd.s32 s10, s20  }
0x153: {  	[tilespmem:s21], [sflag:$0x5] =	stream.linear.gather [hbm4b:s9+s4], $0x50, $0x38;
	[tilespmem:$0x1EF00] =	vst v63  }
0x154: {  	s6 =	sadd.s32 s11, s20;
	s19 =	sadd.s32 $0xCD0, s0  }
0x155: {  	[tilespmem:s19], [sflag:$0x5] =	stream.linear.gather [hbm4b:s6+s4], $0x50, $0x38;
	[tilespmem:$0x1EF00] =	vst v63  }
0x156: {  	s6 =	sadd.s32 $0x14, s3  }
0x157: {  	s20 =	sadd.s32 $0xA0, s0;
	s21 =	sadd.s32 s10, s6  }
0x158: {  	[tilespmem:s20], [sflag:$0x5] =	stream.linear.gather [hbm4b:s21+s4], $0x50, $0x38;
	[tilespmem:$0x1EF00] =	vst v63  }
0x159: {  	s19 =	sadd.s32 $0xD20, s0;
	s6 =	sadd.s32 s11, s6  }
0x15a: {  	[tilespmem:s19], [sflag:$0x5] =	stream.linear.gather [hbm4b:s6+s4], $0x50, $0x38;
	[tilespmem:$0x1EF00] =	vst v63  }
0x15b: {  	s6 =	sadd.s32 $0x1E, s3  }
0x15c: {  	s20 =	sadd.s32 $0xF0, s0;
	s21 =	sadd.s32 s10, s6  }
0x15d: {  	[tilespmem:s20], [sflag:$0x5] =	stream.linear.gather [hbm4b:s21+s4], $0x50, $0x38;
	[tilespmem:$0x1EF00] =	vst v63  }
0x15e: {  	s19 =	sadd.s32 $0xD70, s0;
	s6 =	sadd.s32 s11, s6  }
0x15f: {  	[tilespmem:s19], [sflag:$0x5] =	stream.linear.gather [hbm4b:s6+s4], $0x50, $0x38;
	[tilespmem:$0x1EF00] =	vst v63  }
0x160: {  	s6 =	sadd.s32 $0x28, s3  }
0x161: {  	s20 =	sadd.s32 $0x140, s0;
	s21 =	sadd.s32 s10, s6  }
0x162: {  	[tilespmem:s20], [sflag:$0x5] =	stream.linear.gather [hbm4b:s21+s4], $0x50, $0x38;
	[tilespmem:$0x1EF00] =	vst v63  }
0x163: {  	s19 =	sadd.s32 $0xDC0, s0;
	s6 =	sadd.s32 s11, s6  }
0x164: {  	[tilespmem:s19], [sflag:$0x5] =	stream.linear.gather [hbm4b:s6+s4], $0x50, $0x38;
	[tilespmem:$0x1EF00] =	vst v63  }
0x165: {  	s6 =	sadd.s32 $0x32, s3  }
0x166: {  	s20 =	sadd.s32 $0x190, s0;
	s21 =	sadd.s32 s10, s6  }
0x167: {  	[tilespmem:s20], [sflag:$0x5] =	stream.linear.gather [hbm4b:s21+s4], $0x50, $0x38;
	[tilespmem:$0x1EF00] =	vst v63  }
0x168: {  	s19 =	sadd.s32 $0xE10, s0;
	s6 =	sadd.s32 s11, s6  }
0x169: {  	[tilespmem:s19], [sflag:$0x5] =	stream.linear.gather [hbm4b:s6+s4], $0x50, $0x38;
	[tilespmem:$0x1EF00] =	vst v63  }
0x16a: {  	s6 =	sadd.s32 $0x3C, s3  }
0x16b: {  	s20 =	sadd.s32 $0x1E0, s0;
	s21 =	sadd.s32 s10, s6  }
0x16c: {  	[tilespmem:s20], [sflag:$0x5] =	stream.linear.gather [hbm4b:s21+s4], $0x50, $0x38;
	[tilespmem:$0x1EF00] =	vst v63  }
0x16d: {  	s19 =	sadd.s32 $0xE60, s0;
	s6 =	sadd.s32 s11, s6  }
0x16e: {  	[tilespmem:s19], [sflag:$0x5] =	stream.linear.gather [hbm4b:s6+s4], $0x50, $0x38;
	[tilespmem:$0x1EF00] =	vst v63  }
0x16f: {  	s6 =	sadd.s32 $0x46, s3  }
0x170: {  	s20 =	sadd.s32 $0x230, s0;
	s21 =	sadd.s32 s10, s6  }
0x171: {  	[tilespmem:s20], [sflag:$0x5] =	stream.linear.gather [hbm4b:s21+s4], $0x50, $0x38;
	[tilespmem:$0x1EF00] =	vst v63  }
0x172: {  	s19 =	sadd.s32 $0xEB0, s0;
	s6 =	sadd.s32 s11, s6  }
0x173: {  	[tilespmem:s19], [sflag:$0x5] =	stream.linear.gather [hbm4b:s6+s4], $0x50, $0x38;
	[tilespmem:$0x1EF00] =	vst v63  }
0x174: {  	s6 =	sadd.s32 $0x50, s3  }
0x175: {  	s20 =	sadd.s32 $0x280, s0;
	s21 =	sadd.s32 s10, s6  }
0x176: {  	[tilespmem:s20], [sflag:$0x5] =	stream.linear.gather [hbm4b:s21+s4], $0x50, $0x38;
	[tilespmem:$0x1EF00] =	vst v63  }
0x177: {  	s19 =	sadd.s32 $0xF00, s0;
	s3 =	sadd.s32 $0x5A, s3;
	s6 =	sadd.s32 s11, s6  }
0x178: {  	[tilespmem:s19], [sflag:$0x5] =	stream.linear.gather [hbm4b:s6+s4], $0x50, $0x38;
	[tilespmem:$0x1EF00] =	vst v63  }
0x179: {  	s20 =	sadd.s32 $0x2D0, s0;
	s21 =	sadd.s32 s10, s3  }
0x17a: {  	[tilespmem:s20], [sflag:$0x5] =	stream.linear.gather [hbm4b:s21+s4], $0x50, $0x38;
	[tilespmem:$0x1EF00] =	vst v63  }
0x17b: {  	s0 =	sadd.s32 $0xF50, s0;
	s3 =	sadd.s32 s11, s3  }
0x17c: {  	[tilespmem:s0], [sflag:$0x5] =	stream.linear.gather [hbm4b:s3+s4], $0x50, $0x38;
	[tilespmem:$0x1EF00] =	vst v63  }
.LBB2_11:
0x17d: {  	s0 =	sadd.s32 $0x640, s5;
	s3 =	simm.s32 $0x12C0  }
0x17e: {  	[tilespmem:s3], [sflag:$0x1] =	stream.indirect.gather [hbm4b:s1+s17], $0x40, s0, s17, $0xb8;
	[tilespmem:$0x1EF00] =	vst v63  }
0x17f: {  	s11 =	sadd.s32 $0xC80, s5  }
0x180: {  	[tilespmem:s13], [sflag:$0x3] =	stream.indirect.gather [hbm4b:s8+s17], $0x80, s11, s17, $0xb8;
	[tilespmem:$0x1EF00] =	vst v63  }
0x181: {  	[smem:$0x7FA] =	sst s18;
	s18 =	sadd.s32 $0x668, s5;
	s19 =	simm.s32 $0x1CC0  }
0x182: {  	[tilespmem:s19], [sflag:$0x1] =	stream.indirect.gather [hbm4b:s1+s17], $0x40, s18, s17, $0xb8;
	[tilespmem:$0x1EF00] =	vst v63  }
0x183: {  	s20 =	sadd.s32 $0xCA8, s5;
	s21 =	simm.s32 $0x4EC0  }
0x184: {  	[tilespmem:s21], [sflag:$0x3] =	stream.indirect.gather [hbm4b:s8+s17], $0x80, s20, s17, $0xb8;
	[tilespmem:$0x1EF00] =	vst v63  }
0x185: {  	s0 =	simm.s32 $0x0;
	s19 =	sadd.s32 $0x50, s5;
	s20 =	sadd.s32 $0xA0, s5  }
.LBB2_12:
0x186: {  	s18 =	smul.u32 $0xA0, s0;
	_ =	sdelay $0x1  }
0x187: {  	s10 =	sadd.s32 s18, s19  }
0x188: {  	s3 =	sadd.s32 $0x640, s10  }
0x189: {  	[tilespmem:s22], [sflag:$0x2] =	stream.indirect.gather [hbm4b:s1+s17], $0x40, s3, s17, $0xb8;
	[tilespmem:$0x1EF00] =	vst v63  }
0x18a: {  	s11 =	sadd.s32 $0xC80, s10  }
0x18b: {  	[tilespmem:s23], [sflag:$0x4] =	stream.indirect.gather [hbm4b:s8+s17], $0x80, s11, s17, $0xb8;
	[tilespmem:$0x1EF00] =	vst v63  }
0x18c: {  	s13 =	sadd.s32 $0x668, s10  }
0x18d: {  	[tilespmem:s24], [sflag:$0x2] =	stream.indirect.gather [hbm4b:s1+s17], $0x40, s13, s17, $0xb8;
	[tilespmem:$0x1EF00] =	vst v63  }
0x18e: {  	s21 =	sadd.s32 $0xCA8, s10  }
0x18f: {  	[tilespmem:s25], [sflag:$0x4] =	stream.indirect.gather [hbm4b:s8+s17], $0x80, s21, s17, $0xb8;
	[tilespmem:$0x1EF00] =	vst v63  }
0x190: {  	_ =	swait.ge [sflag:s15], $0xA00  }
0x191: {  	[sflag:s15] =	ssyncset.done $0x0  }
0x192: {  	[sflag:s15] =	ssyncadd.s32 $0xFFFFF600  }
0x193: {  	_ =	swait.ge [sflag:s26], $0x1400  }
0x194: {  	[sflag:s26] =	ssyncset.done $0x0  }
0x195: {  	[sflag:s26] =	ssyncadd.s32 $0xFFFFEC00  }
0x196: {  	_ =	swait.ge [sflag:s15], $0xA00  }
0x197: {  	[sflag:s15] =	ssyncset.done $0x0  }
0x198: {  	[sflag:s15] =	ssyncadd.s32 $0xFFFFF600  }
0x199: {  	s6 =	sor.u32 s31, s0;
	_ =	swait.ge [sflag:s26], $0x1400  }
0x19a: {  	p1 =	seq.s32 s6, $0x0;
	[sflag:s26] =	ssyncset.done $0x0  }
0x19b: {  	s3 =	simm.s32 @!p1 $0x6;
	[sflag:s26] =	ssyncadd.s32 $0xFFFFEC00  }
0x19c: {  	_ =	swait.ge @!p1 [sflag:s3], $0x2800  }
0x19d: {  	[sflag:s3] =	ssyncset.done @!p1 $0x0  }
0x19e: {  	s6 =	simm.s32 $0x13C0;
	[sflag:s3] =	ssyncadd.s32 @!p1 $0xFFFFD800  }
0x19f: {  	s7 =	simm.s32 $0x3CC0;
	v2 =	vld [tilespmem:s6+$0xC0]  }
0x1a0: {  	v3 =	vld [tilespmem:s7+$0x180]  }
0x1a1: {  	v4 =	vld [tilespmem:s7+$0xFFFFFE00]  }
0x1a2: {  	v5 =	vld [tilespmem:s6+$0xFFFFFF40]  }
0x1a3: {  	v6 =	vld [tilespmem:s7+$0xFFFFFE80]  }
0x1a4: {  	v7 =	vld [tilespmem:s6+$0xFFFFFF80]  }
0x1a5: {  	v8 =	vld [tilespmem:s7+$0xFFFFFF00]  }
0x1a6: {  	v9 =	vld [tilespmem:s7+$0xFFFFFF80]  }
0x1a7: {  	v11 =	vld [tilespmem:s6+$0x0];
	v2 =	vadd.f32 v3, v2  }
0x1a8: {  	v3 =	vld [tilespmem:s6+$0xFFFFFFC0]  }
0x1a9: {  	v12 =	vld [tilespmem:s7+$0x0];
	v10 =	vmul.f32 $2.000000030e-01, v2  }
0x1aa: {  	v5 =	vadd.f32 v6, v5;
	v6 =	vld [tilespmem:s6+$0x40]  }
0x1ab: {  	v7 =	vadd.f32 v8, v7;
	v8 =	vld [tilespmem:s7+$0x80];
	v2 =	vmax.f32 v2, v10  }
0x1ac: {  	v13 =	vld [tilespmem:s6+$0x80];
	v10 =	vmul.f32 $2.000000030e-01, v5;
	v2 =	vmul.f32 $1.442695020e+00, v2  }
0x1ad: {  	v3 =	vadd.f32 v9, v3;
	v9 =	vld [tilespmem:s7+$0x100]  }
0x1ae: {  	v5 =	vmax.f32 v5, v10;
	v10 =	vld [tilespmem:s6+$0xFFFFFF00];
	(erf) = vpow2.f32 v2  }
0x1af: {  	v2 =	vmul.f32 $2.000000030e-01, v7;
	v5 =	vmul.f32 $1.442695020e+00, v5  }
0x1b0: {  	v11 =	vadd.f32 v12, v11;
	v6 =	vadd.f32 v8, v6  }
0x1b1: {  	v2 =	vmax.f32 v7, v2;
	v7 =	vmul.f32 $2.000000030e-01, v3;
	(erf) = vpow2.f32 v5  }
0x1b2: {  	v5 =	vmul.f32 $2.000000030e-01, v11;
	v2 =	vmul.f32 $1.442695020e+00, v2;
	v8 =	vadd.f32 v9, v13  }
0x1b3: {  	v9 =	vmul.f32 $2.000000030e-01, v6;
	v3 =	vmax.f32 v3, v7;
	v4 =	vadd.f32 v4, v10  }
0x1b4: {  	v3 =	vmul.f32 $1.442695020e+00, v3;
	(erf) = vpow2.f32 v2;
	v2 =	vmax.f32 v11, v5  }
0x1b5: {  	v2 =	vmul.f32 $1.442695020e+00, v2  }
0x1b6: {  	(erf) = vpow2.f32 v3;
	v3 =	vmax.f32 v6, v9;
	v6 =	vmul.f32 $2.000000030e-01, v4  }
0x1b7: {  	v7 =	vld [tilespmem:s7+$0x1C0];
	v5 =	vmul.f32 $2.000000030e-01, v8  }
0x1b8: {  	v9 =	vpop (erf);
	(erf) = vpow2.f32 v2;
	v2 =	vmax.f32 v4, v6  }
0x1b9: {  	v10 =	vld [tilespmem:s7+$0xFFFFFEC0];
	v5 =	vmax.f32 v8, v5;
	v3 =	vmul.f32 $1.442695020e+00, v3;
	v2 =	vmul.f32 $1.442695020e+00, v2  }
0x1ba: {  	v4 =	vmul.f32 $1.442695020e+00, v5  }
0x1bb: {  	(erf) = vpow2.f32 v3  }
0x1bc: {  	v7 =	vmul.f32 v9, v7;
	(erf) = vpow2.f32 v4  }
0x1bd: {  	s13 =	simm.s32 $0x8CC0;
	v5 =	vld [tilespmem:s7+$0xFFFFFF40];
	(erf) = vpow2.f32 v2;
	v2 =	vpop (erf)  }
0x1be: {  	v3 =	vld [tilespmem:s7+$0xFFFFFFC0];
	[tilespmem:s13+$0x180] =	vst v7;
	v7 =	vmul.f32 v2, v10  }
0x1bf: {  	[tilespmem:s13+$0x1C0] =	vst v9  }
0x1c0: {  	v4 =	vld [tilespmem:s6+$0xD0]  }
0x1c1: {  	v6 =	vld [tilespmem:s7+$0x190];
	[tilespmem:s13+$0xFFFFFEC0] =	vst v2;
	v2 =	vpop (erf)  }
0x1c2: {  	v8 =	vld [tilespmem:s7+$0xFFFFFE40];
	v5 =	vmul.f32 v2, v5;
	[tilespmem:s13+$0xFFFFFE80] =	vst v7;
	v7 =	vpop (erf)  }
0x1c3: {  	v9 =	vld [tilespmem:s7+$0x40];
	[tilespmem:s13+$0xFFFFFF40] =	vst v2;
	v2 =	vmul.f32 v7, v3  }
0x1c4: {  	v10 =	vld [tilespmem:s7+$0xC0]  }
0x1c5: {  	v11 =	vld [tilespmem:s6+$0xFFFFFF50]  }
0x1c6: {  	[tilespmem:s13+$0xFFFFFF00] =	vst v5;
	v4 =	vadd.f32 v6, v4;
	v3 =	vld [tilespmem:s7+$0xFFFFFE90];
	v5 =	vpop (erf)  }
0x1c7: {  	v6 =	vld [tilespmem:s6+$0xFFFFFF90];
	[tilespmem:s13+$0xFFFFFF80] =	vst v2;
	v2 =	vpop (erf)  }
0x1c8: {  	v12 =	vld [tilespmem:s7+$0xFFFFFF10];
	[tilespmem:s13+$0xFFFFFFC0] =	vst v7;
	v7 =	vmul.f32 $2.000000030e-01, v4;
	v14 =	vpop (erf)  }
0x1c9: {  	v13 =	vld [tilespmem:s6+$0xFFFFFFD0];
	v16 =	vpop (erf)  }
0x1ca: {  	v4 =	vmax.f32 v4, v7;
	v15 =	vld [tilespmem:s7+$0xFFFFFF90];
	v7 =	vmul.f32 v16, v8  }
0x1cb: {  	v4 =	vmul.f32 $1.442695020e+00, v4;
	v3 =	vadd.f32 v3, v11;
	[tilespmem:s13+$0xFFFFFE40] =	vst v16  }
0x1cc: {  	v9 =	vmul.f32 v5, v9;
	v8 =	vld [tilespmem:s7+$0x140];
	[tilespmem:s13+$0xFFFFFE00] =	vst v7  }
0x1cd: {  	[tilespmem:s13+$0x40] =	vst v5;
	v6 =	vadd.f32 v12, v6;
	(erf) = vpow2.f32 v4;
	v7 =	vmul.f32 $2.000000030e-01, v3;
	v4 =	vld [tilespmem:s6+$0xFFFFFF10]  }
0x1ce: {  	[tilespmem:s13+$0x0] =	vst v9;
	v10 =	vmul.f32 v2, v10;
	v5 =	vld [tilespmem:s7+$0xFFFFFE10]  }
0x1cf: {  	v11 =	vld [tilespmem:s6+$0x10];
	v9 =	vadd.f32 v15, v13;
	v3 =	vmax.f32 v3, v7;
	v7 =	vmul.f32 $2.000000030e-01, v6  }
0x1d0: {  	[tilespmem:s13+$0x80] =	vst v10;
	v10 =	vld [tilespmem:s7+$0x10];
	v3 =	vmul.f32 $1.442695020e+00, v3  }
0x1d1: {  	v8 =	vmul.f32 v14, v8;
	v6 =	vmax.f32 v6, v7;
	v7 =	vmul.f32 $2.000000030e-01, v9  }
0x1d2: {  	[tilespmem:s13+$0xC0] =	vst v2;
	v2 =	vmul.f32 $1.442695020e+00, v6;
	v6 =	vld [tilespmem:s7+$0x1D0];
	(erf) = vpow2.f32 v3  }
0x1d3: {  	[tilespmem:s13+$0x140] =	vst v14;
	v3 =	vmax.f32 v9, v7;
	v7 =	vld [tilespmem:s6+$0x50];
	v4 =	vadd.f32 v5, v4  }
0x1d4: {  	[tilespmem:s13+$0x100] =	vst v8;
	v5 =	vld [tilespmem:s7+$0x90];
	v3 =	vmul.f32 $1.442695020e+00, v3;
	(erf) = vpow2.f32 v2  }
0x1d5: {  	v9 =	vadd.f32 v10, v11;
	v10 =	vld [tilespmem:s7+$0x110];
	v8 =	vmul.f32 $2.000000030e-01, v4  }
0x1d6: {  	v2 =	vld [tilespmem:s6+$0x90];
	(erf) = vpow2.f32 v3  }
0x1d7: {  	v11 =	vpop (erf);
	v3 =	vld [tilespmem:s7+$0xFFFFFED0];
	v4 =	vmax.f32 v4, v8;
	v8 =	vmul.f32 $2.000000030e-01, v9  }
0x1d8: {  	v6 =	vmul.f32 v11, v6  }
0x1d9: {  	v12 =	vld [tilespmem:s7+$0xFFFFFF50];
	[tilespmem:s13+$0x1D0] =	vst v11;
	v4 =	vmul.f32 $1.442695020e+00, v4  }
0x1da: {  	v11 =	vld [tilespmem:s7+$0xFFFFFFD0];
	v5 =	vadd.f32 v5, v7;
	[tilespmem:s13+$0x190] =	vst v6;
	v6 =	vmax.f32 v9, v8  }
0x1db: {  	v2 =	vadd.f32 v10, v2;
	v7 =	vld [tilespmem:s6+$0xE0];
	v6 =	vmul.f32 $1.442695020e+00, v6;
	(erf) = vpow2.f32 v4;
	v8 =	vpop (erf)  }
0x1dc: {  	v4 =	vmul.f32 $2.000000030e-01, v5;
	v9 =	vld [tilespmem:s7+$0x1A0];
	v3 =	vmul.f32 v8, v3  }
0x1dd: {  	v14 =	vld [tilespmem:s7+$0x50];
	[tilespmem:s13+$0xFFFFFED0] =	vst v8;
	v8 =	vmul.f32 $2.000000030e-01, v2;
	v13 =	vpop (erf)  }
0x1de: {  	v10 =	vld [tilespmem:s7+$0xFFFFFE50];
	v4 =	vmax.f32 v5, v4;
	(erf) = vpow2.f32 v6;
	[tilespmem:s13+$0xFFFFFE90] =	vst v3;
	v3 =	vmul.f32 v13, v12  }
0x1df: {  	v4 =	vmul.f32 $1.442695020e+00, v4;
	[tilespmem:s13+$0xFFFFFF50] =	vst v13;
	v5 =	vld [tilespmem:s6+$0xFFFFFF60];
	v6 =	vpop (erf)  }
0x1e0: {  	v2 =	vmax.f32 v2, v8;
	v8 =	vld [tilespmem:s7+$0xFFFFFEA0];
	[tilespmem:s13+$0xFFFFFF10] =	vst v3;
	v3 =	vmul.f32 v6, v11  }
0x1e1: {  	v2 =	vmul.f32 $1.442695020e+00, v2;
	v7 =	vadd.f32 v9, v7;
	(erf) = vpow2.f32 v4;
	[tilespmem:s13+$0xFFFFFFD0] =	vst v6;
	v4 =	vld [tilespmem:s6+$0xFFFFFFA0]  }
0x1e2: {  	v6 =	vld [tilespmem:s7+$0xFFFFFF20];
	[tilespmem:s13+$0xFFFFFF90] =	vst v3  }
0x1e3: {  	(erf) = vpow2.f32 v2;
	v3 =	vmul.f32 $2.000000030e-01, v7;
	v2 =	vld [tilespmem:s6+$0xFFFFFFE0]  }
0x1e4: {  	v9 =	vld [tilespmem:s7+$0xFFFFFFA0];
	v11 =	vpop (erf)  }
0x1e5: {  	v3 =	vmax.f32 v7, v3;
	v5 =	vadd.f32 v8, v5;
	v7 =	vmul.f32 v11, v10  }
0x1e6: {  	v12 =	vld [tilespmem:s7+$0xD0];
	[tilespmem:s13+$0xFFFFFE50] =	vst v11;
	v3 =	vmul.f32 $1.442695020e+00, v3  }
0x1e7: {  	v11 =	vpop (erf);
	v4 =	vadd.f32 v6, v4;
	[tilespmem:s13+$0xFFFFFE10] =	vst v7;
	v6 =	vmul.f32 $2.000000030e-01, v5  }
0x1e8: {  	v7 =	vmul.f32 v11, v14;
	(erf) = vpow2.f32 v3;
	v3 =	vld [tilespmem:s6+$0xFFFFFF20]  }
0x1e9: {  	v14 =	vld [tilespmem:s7+$0xFFFFFE20];
	v13 =	vmul.f32 $2.000000030e-01, v4;
	v5 =	vmax.f32 v5, v6;
	v2 =	vadd.f32 v9, v2  }
0x1ea: {  	v8 =	vld [tilespmem:s7+$0x150];
	v9 =	vpop (erf);
	v5 =	vmul.f32 $1.442695020e+00, v5  }
0x1eb: {  	[tilespmem:s13+$0x10] =	vst v7;
	v7 =	vmul.f32 v9, v12;
	v4 =	vmax.f32 v4, v13;
	v12 =	vmul.f32 $2.000000030e-01, v2  }
0x1ec: {  	v4 =	vmul.f32 $1.442695020e+00, v4;
	(erf) = vpow2.f32 v5  }
0x1ed: {  	s9 =	simm.s32 $0x40C0;
	v2 =	vmax.f32 v2, v12  }
0x1ee: {  	v63 =	vld [tilespmem:s9+$0xFFFFFE00];
	v15 =	vpop (erf);
	v3 =	vadd.f32 v14, v3;
	v2 =	vmul.f32 $1.442695020e+00, v2;
	(erf) = vpow2.f32 v4  }
0x1ef: {  	v10 =	vld [tilespmem:s7+$0xFFFFFEE0];
	v5 =	vmul.f32 v15, v8  }
0x1f0: {  	v8 =	vld [tilespmem:s7+$0x1E0];
	v4 =	vmul.f32 $2.000000030e-01, v3;
	(erf) = vpow2.f32 v2  }
0x1f1: {  	[tilespmem:s13+$0x50] =	vst v11;
	v11 =	vld [tilespmem:s7+$0xFFFFFFE0]  }
0x1f2: {  	v6 =	vld [tilespmem:s7+$0xFFFFFF60];
	[tilespmem:s13+$0xD0] =	vst v9;
	v3 =	vmax.f32 v3, v4  }
0x1f3: {  	v13 =	vld [tilespmem:s6+$0x20];
	[tilespmem:s13+$0x90] =	vst v7;
	v3 =	vmul.f32 $1.442695020e+00, v3  }
0x1f4: {  	v7 =	vld [tilespmem:s7+$0x20];
	[tilespmem:s13+$0x110] =	vst v5;
	v5 =	vpop (erf)  }
0x1f5: {  	v9 =	vld [tilespmem:s6+$0x60];
	v8 =	vmul.f32 v5, v8;
	[tilespmem:s13+$0x1E0] =	vst v5;
	(erf) = vpow2.f32 v3;
	v5 =	vpop (erf)  }
0x1f6: {  	[tilespmem:s13+$0x150] =	vst v15;
	v14 =	vld [tilespmem:s7+$0xA0];
	v3 =	vmul.f32 v5, v10  }
0x1f7: {  	v15 =	vld [tilespmem:s7+$0x120];
	v10 =	vpop (erf)  }
0x1f8: {  	v2 =	vld [tilespmem:s6+$0xA0];
	[tilespmem:s13+$0xFFFFFEA0] =	vst v3;
	v3 =	vmul.f32 v10, v6  }
0x1f9: {  	v4 =	vld [tilespmem:s7+$0xFFFFFE60];
	[tilespmem:s13+$0x1A0] =	vst v8;
	v6 =	vpop (erf)  }
0x1fa: {  	v8 =	vld [tilespmem:s6+$0xF0];
	[tilespmem:s13+$0xFFFFFF20] =	vst v3;
	v3 =	vmul.f32 v6, v11  }
0x1fb: {  	v17 =	vld [tilespmem:s7+$0x1B0];
	[tilespmem:s13+$0xFFFFFEE0] =	vst v5  }
0x1fc: {  	[tilespmem:s13+$0xFFFFFF60] =	vst v10;
	v10 =	vld [tilespmem:s6+$0xFFFFFF70]  }
0x1fd: {  	v18 =	vld [tilespmem:s7+$0xFFFFFEB0];
	[tilespmem:s13+$0xFFFFFFE0] =	vst v6;
	v6 =	vadd.f32 v7, v13  }
0x1fe: {  	v9 =	vadd.f32 v14, v9;
	v11 =	vld [tilespmem:s6+$0xFFFFFFB0];
	[tilespmem:s13+$0xFFFFFFA0] =	vst v3;
	v3 =	vpop (erf)  }
0x1ff: {  	v14 =	vadd.f32 v15, v2;
	v19 =	vld [tilespmem:s7+$0xFFFFFF30];
	v13 =	vmul.f32 $2.000000030e-01, v6;
	v7 =	vmul.f32 v3, v4  }
0x200: {  	v8 =	vadd.f32 v17, v8;
	v20 =	vld [tilespmem:s6+$0xFFFFFFF0]  }
0x201: {  	v21 =	vld [tilespmem:s7+$0xFFFFFFB0];
	v6 =	vmax.f32 v6, v13;
	v13 =	vmul.f32 $2.000000030e-01, v14;
	[tilespmem:s13+$0xFFFFFE20] =	vst v7;
	v7 =	vmul.f32 $2.000000030e-01, v9  }
0x202: {  	s21 =	simm.s32 $0x15C0;
	v28 =	vld [tilespmem:s9+$0xFFFFFE80];
	v22 =	vmul.f32 $1.442695020e+00, v6  }
0x203: {  	v17 =	vld [tilespmem:s21+$0xC0];
	v7 =	vmax.f32 v9, v7;
	v9 =	vmax.f32 v14, v13;
	v13 =	vmul.f32 $2.000000030e-01, v8  }
0x204: {  	v10 =	vadd.f32 v18, v10;
	v11 =	vadd.f32 v19, v11;
	v14 =	vld [tilespmem:s9+$0x180];
	v7 =	vmul.f32 $1.442695020e+00, v7  }
0x205: {  	v31 =	vld [tilespmem:s21+$0xFFFFFF80];
	(erf) = vpow2.f32 v22;
	v9 =	vmul.f32 $1.442695020e+00, v9;
	v8 =	vmax.f32 v8, v13  }
0x206: {  	v23 =	vld [tilespmem:s9+$0xFFFFFF00];
	(erf) = vpow2.f32 v7;
	v7 =	vmul.f32 $1.442695020e+00, v8;
	v8 =	vadd.f32 v21, v20  }
0x207: {  	v29 =	vmul.f32 $2.000000030e-01, v10;
	v30 =	vmul.f32 $2.000000030e-01, v11;
	v13 =	vld [tilespmem:s21+$0xFFFFFF40]  }
0x208: {  	v32 =	vld [tilespmem:s21+$0x0];
	(erf) = vpow2.f32 v9;
	v9 =	vmul.f32 $2.000000030e-01, v8  }
0x209: {  	v16 =	vld [tilespmem:s7+$0x60];
	v14 =	vadd.f32 v14, v17;
	(erf) = vpow2.f32 v7;
	v7 =	vmax.f32 v10, v29  }
0x20a: {  	v10 =	vmax.f32 v11, v30;
	v11 =	vld [tilespmem:s21+$0xFFFFFFC0];
	v7 =	vmul.f32 $1.442695020e+00, v7  }
0x20b: {  	v10 =	vmul.f32 $1.442695020e+00, v10;
	v8 =	vmax.f32 v8, v9;
	v9 =	vld [tilespmem:s9+$0xFFFFFF80];
	v17 =	vmul.f32 $2.000000030e-01, v14  }
0x20c: {  	v8 =	vmul.f32 $1.442695020e+00, v8;
	(erf) = vpow2.f32 v7;
	v7 =	vadd.f32 v28, v13;
	v13 =	vld [tilespmem:s9+$0x0]  }
0x20d: {  	v33 =	vld [tilespmem:s9+$0x80];
	v14 =	vmax.f32 v14, v17;
	(erf) = vpow2.f32 v10  }
0x20e: {  	v35 =	vld [tilespmem:s21+$0x80];
	v10 =	vadd.f32 v23, v31;
	(erf) = vpow2.f32 v8;
	v8 =	vmul.f32 $2.000000030e-01, v7  }
0x20f: {  	v17 =	vld [tilespmem:s21+$0x40];
	v14 =	vmul.f32 $1.442695020e+00, v14  }
0x210: {  	v34 =	vpop (erf);
	v21 =	vmul.f32 $2.000000030e-01, v10;
	v9 =	vadd.f32 v9, v11;
	v7 =	vmax.f32 v7, v8;
	v8 =	vld [tilespmem:s9+$0x100]  }
0x211: {  	(erf) = vpow2.f32 v14;
	v14 =	vmul.f32 v34, v16;
	v16 =	vld [tilespmem:s21+$0xFFFFFF00];
	v13 =	vadd.f32 v13, v32  }
0x212: {  	v24 =	vld [tilespmem:s9+$0xFFFFFE40];
	v10 =	vmax.f32 v10, v21;
	v7 =	vmul.f32 $1.442695020e+00, v7;
	v36 =	vmul.f32 $2.000000030e-01, v9  }
0x213: {  	v26 =	vld [tilespmem:s9+$0xFFFFFEC0];
	v25 =	vmul.f32 $1.442695020e+00, v10;
	v38 =	vmul.f32 $2.000000030e-01, v13  }
0x214: {  	v27 =	vld [tilespmem:s9+$0x1C0];
	v37 =	vpop (erf);
	v17 =	vadd.f32 v33, v17;
	(erf) = vpow2.f32 v7;
	v9 =	vmax.f32 v9, v36  }
0x215: {  	v12 =	vld [tilespmem:s7+$0xE0];
	v11 =	vpop (erf);
	(erf) = vpow2.f32 v25;
	v7 =	vmax.f32 v13, v38  }
0x216: {  	v41 =	vld [tilespmem:s9+$0xFFFFFFC0];
	v10 =	vpop (erf);
	v13 =	vmul.f32 $2.000000030e-01, v17;
	v40 =	vadd.f32 v8, v35;
	v16 =	vadd.f32 v63, v16  }
0x217: {  	v43 =	vld [tilespmem:s9+$0x40];
	v39 =	vmul.f32 $1.442695020e+00, v9;
	v42 =	vmul.f32 $1.442695020e+00, v7;
	v9 =	vpop (erf)  }
0x218: {  	v45 =	vld [tilespmem:s9+$0xC0];
	[tilespmem:s13+$0xFFFFFE60] =	vst v3;
	v13 =	vmax.f32 v17, v13;
	v17 =	vmul.f32 $2.000000030e-01, v40;
	v44 =	vmul.f32 $2.000000030e-01, v16;
	v8 =	vpop (erf)  }
0x219: {  	v15 =	vld [tilespmem:s6+$0xFFFFFF30];
	[tilespmem:s13+$0x60] =	vst v34;
	(erf) = vpow2.f32 v39;
	v13 =	vmul.f32 $1.442695020e+00, v13;
	v7 =	vpop (erf)  }
0x21a: {  	v47 =	vld [tilespmem:s7+$0xFFFFFE30];
	v12 =	vmul.f32 v37, v12;
	[tilespmem:s13+$0xE0] =	vst v37;
	v16 =	vmax.f32 v16, v44;
	v29 =	vpop (erf);
	(erf) = vpow2.f32 v42  }
0x21b: {  	v28 =	vld [tilespmem:s9+$0xFFFFFF40];
	[tilespmem:s13+$0x20] =	vst v14;
	v17 =	vmax.f32 v40, v17;
	(erf) = vpow2.f32 v13;
	v13 =	vmul.f32 $1.442695020e+00, v16  }
0x21c: {  	s11 =	simm.s32 $0x90C0;
	v14 =	vld [tilespmem:s9+$0x140];
	[tilespmem:s13+$0xA0] =	vst v12;
	v17 =	vmul.f32 $1.442695020e+00, v17;
	v46 =	vmul.f32 v29, v27  }
0x21d: {  	v48 =	vld [tilespmem:s7+$0x30];
	[tilespmem:s11+$0x1C0] =	vst v29  }
0x21e: {  	v49 =	vld [tilespmem:s6+$0x70];
	(erf) = vpow2.f32 v17;
	[tilespmem:s11+$0x180] =	vst v46  }
0x21f: {  	(erf) = vpow2.f32 v13;
	v21 =	vld [tilespmem:s21+$0xD0];
	v13 =	vpop (erf)  }
0x220: {  	v17 =	vld [tilespmem:s9+$0x190];
	v12 =	vmul.f32 v13, v26  }
0x221: {  	v16 =	vld [tilespmem:s6+$0x30];
	[tilespmem:s11+$0xFFFFFEC0] =	vst v13;
	v13 =	vpop (erf)  }
0x222: {  	v15 =	vadd.f32 v47, v15;
	v51 =	vld [tilespmem:s7+$0xB0];
	[tilespmem:s11+$0xFFFFFE80] =	vst v12;
	v12 =	vmul.f32 v13, v28  }
0x223: {  	v50 =	vpop (erf);
	[tilespmem:s11+$0xFFFFFF40] =	vst v13;
	v52 =	vld [tilespmem:s21+$0xFFFFFF50]  }
0x224: {  	v53 =	vmul.f32 $2.000000030e-01, v15;
	v13 =	vmul.f32 v50, v41;
	v54 =	vld [tilespmem:s9+$0xFFFFFE90];
	[tilespmem:s11+$0xFFFFFF00] =	vst v12  }
0x225: {  	[tilespmem:s11+$0xFFFFFFC0] =	vst v50;
	v12 =	vadd.f32 v17, v21;
	v55 =	vld [tilespmem:s21+$0xFFFFFF90]  }
0x226: {  	v15 =	vmax.f32 v15, v53;
	v16 =	vadd.f32 v48, v16;
	v17 =	vpop (erf);
	[tilespmem:s11+$0xFFFFFF80] =	vst v13;
	v57 =	vld [tilespmem:s9+$0xFFFFFF10]  }
0x227: {  	v15 =	vmul.f32 $1.442695020e+00, v15;
	v23 =	vadd.f32 v51, v49;
	v56 =	vpop (erf);
	v59 =	vld [tilespmem:s21+$0xFFFFFFD0];
	v58 =	vmul.f32 $2.000000030e-01, v12  }
0x228: {  	v30 =	vmul.f32 $2.000000030e-01, v16;
	v61 =	vld [tilespmem:s9+$0xFFFFFF90];
	v60 =	vpop (erf)  }
0x229: {  	v5 =	vld [tilespmem:s7+$0x160];
	(erf) = vpow2.f32 v15;
	v15 =	vmul.f32 $2.000000030e-01, v23;
	v62 =	vpop (erf);
	v12 =	vmax.f32 v12, v58  }
0x22a: {  	v2 =	vld [tilespmem:s7+$0xFFFFFFF0];
	v24 =	vmul.f32 v62, v24;
	v27 =	vadd.f32 v54, v52;
	v12 =	vmul.f32 $1.442695020e+00, v12  }
0x22b: {  	v4 =	vld [tilespmem:s7+$0xFFFFFEF0];
	v16 =	vmax.f32 v16, v30;
	v13 =	vmul.f32 v17, v43;
	v20 =	vmul.f32 v56, v45;
	[tilespmem:s11+$0xFFFFFE40] =	vst v62  }
0x22c: {  	v3 =	vld [tilespmem:s7+$0xFFFFFF70];
	[tilespmem:s11+$0xFFFFFE00] =	vst v24;
	v19 =	vadd.f32 v57, v55;
	v33 =	vmul.f32 $2.000000030e-01, v27;
	(erf) = vpow2.f32 v12  }
0x22d: {  	[tilespmem:s11+$0x0] =	vst v13;
	v13 =	vmax.f32 v23, v15;
	v22 =	vadd.f32 v61, v59;
	v12 =	vmul.f32 v60, v14;
	v14 =	vld [tilespmem:s21+$0xFFFFFF10]  }
0x22e: {  	[tilespmem:s11+$0x40] =	vst v17;
	v15 =	vmul.f32 $1.442695020e+00, v16;
	v16 =	vld [tilespmem:s9+$0xFFFFFE10];
	v17 =	vmax.f32 v27, v33;
	v35 =	vmul.f32 $2.000000030e-01, v19  }
0x22f: {  	[tilespmem:s11+$0xC0] =	vst v56;
	v36 =	vld [tilespmem:s21+$0x10];
	v37 =	vmul.f32 $2.000000030e-01, v22;
	v17 =	vmul.f32 $1.442695020e+00, v17  }
0x230: {  	v13 =	vmul.f32 $1.442695020e+00, v13;
	[tilespmem:s11+$0x80] =	vst v20;
	(erf) = vpow2.f32 v15;
	v15 =	vld [tilespmem:s9+$0x10];
	v19 =	vmax.f32 v19, v35  }
0x231: {  	v38 =	vld [tilespmem:s9+$0x1D0];
	[tilespmem:s11+$0x100] =	vst v12;
	v12 =	vmax.f32 v22, v37;
	v19 =	vmul.f32 $1.442695020e+00, v19;
	(erf) = vpow2.f32 v17  }
0x232: {  	v17 =	vld [tilespmem:s21+$0x50];
	(erf) = vpow2.f32 v13  }
0x233: {  	[tilespmem:s11+$0x140] =	vst v60;
	v13 =	vadd.f32 v16, v14;
	v14 =	vld [tilespmem:s9+$0x90];
	(erf) = vpow2.f32 v19  }
0x234: {  	v39 =	vld [tilespmem:s21+$0x90];
	v16 =	vmul.f32 $1.442695020e+00, v12;
	v12 =	vpop (erf)  }
0x235: {  	v41 =	vld [tilespmem:s9+$0x110];
	v15 =	vadd.f32 v15, v36;
	v40 =	vmul.f32 $2.000000030e-01, v13;
	v42 =	vpop (erf)  }
0x236: {  	v63 =	vld [tilespmem:s9+$0xFFFFFED0];
	(erf) = vpow2.f32 v16;
	v21 =	vmul.f32 v42, v38  }
0x237: {  	v6 =	vld [tilespmem:s7+$0x1F0];
	v44 =	vmul.f32 $2.000000030e-01, v15;
	[tilespmem:s11+$0x1D0] =	vst v42  }
0x238: {  	v32 =	vld [tilespmem:s9+$0xFFFFFF50];
	v13 =	vmax.f32 v13, v40;
	v14 =	vadd.f32 v14, v17;
	[tilespmem:s11+$0x190] =	vst v21  }
0x239: {  	v17 =	vmul.f32 v11, v5;
	v13 =	vmul.f32 $1.442695020e+00, v13;
	v15 =	vmax.f32 v15, v44;
	v5 =	vpop (erf);
	v21 =	vld [tilespmem:s21+$0xE0]  }
0x23a: {  	[tilespmem:s13+$0x160] =	vst v11;
	v19 =	vadd.f32 v41, v39;
	v15 =	vmul.f32 $1.442695020e+00, v15;
	v46 =	vmul.f32 $2.000000030e-01, v14;
	v47 =	vld [tilespmem:s9+$0x1A0];
	v48 =	vpop (erf)  }
0x23b: {  	v34 =	vld [tilespmem:s9+$0xFFFFFFD0];
	[tilespmem:s13+$0x120] =	vst v17;
	(erf) = vpow2.f32 v13;
	v17 =	vmul.f32 v48, v63;
	v11 =	vpop (erf)  }
0x23c: {  	(erf) = vpow2.f32 v15;
	v15 =	vld [tilespmem:s6+$0xB0];
	[tilespmem:s11+$0xFFFFFED0] =	vst v48;
	v13 =	vmax.f32 v14, v46;
	v14 =	vmul.f32 $2.000000030e-01, v19;
	v50 =	vpop (erf)  }
0x23d: {  	v51 =	vld [tilespmem:s7+$0x130];
	v13 =	vmul.f32 $1.442695020e+00, v13;
	[tilespmem:s11+$0xFFFFFE90] =	vst v17;
	v17 =	vmul.f32 v50, v32  }
0x23e: {  	v6 =	vmul.f32 v10, v6;
	[tilespmem:s13+$0x1F0] =	vst v10;
	v14 =	vmax.f32 v19, v14;
	v52 =	vld [tilespmem:s21+$0xFFFFFF60]  }
0x23f: {  	v53 =	vpop (erf);
	(erf) = vpow2.f32 v13;
	v13 =	vld [tilespmem:s9+$0xFFFFFEA0];
	v14 =	vmul.f32 $1.442695020e+00, v14;
	[tilespmem:s11+$0xFFFFFF10] =	vst v17;
	v17 =	vadd.f32 v47, v21  }
0x240: {  	[tilespmem:s13+$0x1B0] =	vst v6;
	v16 =	vld [tilespmem:s9+$0xFFFFFE50]  }
0x241: {  	v43 =	vld [tilespmem:s9+$0x50];
	[tilespmem:s11+$0xFFFFFF50] =	vst v50;
	(erf) = vpow2.f32 v14;
	v14 =	vmul.f32 $2.000000030e-01, v17  }
0x242: {  	[tilespmem:s13+$0xFFFFFEF0] =	vst v9;
	v54 =	vmul.f32 v53, v34;
	v10 =	vld [tilespmem:s21+$0xFFFFFFA0]  }
0x243: {  	v4 =	vmul.f32 v9, v4;
	[tilespmem:s11+$0xFFFFFFD0] =	vst v53;
	v6 =	vadd.f32 v51, v15;
	v55 =	vld [tilespmem:s9+$0xFFFFFF20];
	v14 =	vmax.f32 v17, v14  }
0x244: {  	v45 =	vld [tilespmem:s9+$0xD0];
	[tilespmem:s11+$0xFFFFFF90] =	vst v54;
	v9 =	vadd.f32 v13, v52;
	v17 =	vpop (erf);
	v14 =	vmul.f32 $1.442695020e+00, v14  }
0x245: {  	[tilespmem:s13+$0xFFFFFEB0] =	vst v4;
	v15 =	vld [tilespmem:s21+$0xFFFFFFE0];
	v4 =	vmul.f32 $2.000000030e-01, v6;
	v16 =	vmul.f32 v17, v16  }
0x246: {  	v13 =	vld [tilespmem:s9+$0xFFFFFFA0];
	(erf) = vpow2.f32 v14;
	v14 =	vmul.f32 $2.000000030e-01, v9  }
0x247: {  	v49 =	vld [tilespmem:s9+$0x150];
	[tilespmem:s11+$0xFFFFFE50] =	vst v17;
	v17 =	vpop (erf)  }
0x248: {  	v60 =	vld [tilespmem:s9+$0x1E0];
	v4 =	vmax.f32 v6, v4;
	v10 =	vadd.f32 v55, v10;
	[tilespmem:s11+$0xFFFFFE10] =	vst v16;
	v16 =	vmul.f32 v17, v43  }
0x249: {  	v6 =	vld [tilespmem:s7+$0xFFFFFE70];
	v4 =	vmul.f32 $1.442695020e+00, v4;
	[tilespmem:s11+$0x50] =	vst v17  }
0x24a: {  	v17 =	vld [tilespmem:s21+$0xFFFFFF20];
	v9 =	vmax.f32 v9, v14;
	[tilespmem:s11+$0x10] =	vst v16;
	v16 =	vmul.f32 $2.000000030e-01, v10;
	v14 =	vpop (erf)  }
0x24b: {  	[tilespmem:s13+$0xFFFFFF70] =	vst v8;
	v13 =	vadd.f32 v13, v15;
	v15 =	vld [tilespmem:s9+$0xFFFFFE20];
	v9 =	vmul.f32 $1.442695020e+00, v9;
	v20 =	vmul.f32 v14, v45  }
0x24c: {  	(erf) = vpow2.f32 v4;
	[tilespmem:s11+$0xD0] =	vst v14;
	v14 =	vld [tilespmem:s21+$0x20]  }
0x24d: {  	v10 =	vmax.f32 v10, v16;
	v16 =	vmul.f32 $2.000000030e-01, v13;
	v4 =	vpop (erf);
	(erf) = vpow2.f32 v9;
	v9 =	vld [tilespmem:s9+$0x20];
	[tilespmem:s11+$0x90] =	vst v20  }
0x24e: {  	v3 =	vmul.f32 v8, v3;
	v59 =	vmul.f32 v4, v49;
	[tilespmem:s11+$0x150] =	vst v4;
	v4 =	vld [tilespmem:s21+$0x60]  }
0x24f: {  	[tilespmem:s13+$0xFFFFFFF0] =	vst v7;
	v2 =	vmul.f32 v7, v2;
	v10 =	vmul.f32 $1.442695020e+00, v10;
	v8 =	vmax.f32 v13, v16;
	v13 =	vld [tilespmem:s9+$0xA0]  }
0x250: {  	[tilespmem:s13+$0xFFFFFF30] =	vst v3;
	v56 =	vld [tilespmem:s9+$0xFFFFFEE0]  }
0x251: {  	[tilespmem:s13+$0xFFFFFFB0] =	vst v2;
	v57 =	vld [tilespmem:s9+$0xFFFFFF60];
	(erf) = vpow2.f32 v10;
	v10 =	vadd.f32 v15, v17;
	v16 =	vpop (erf)  }
0x252: {  	v58 =	vld [tilespmem:s9+$0xFFFFFFE0];
	v8 =	vmul.f32 $1.442695020e+00, v8;
	[tilespmem:s11+$0x110] =	vst v59;
	v7 =	vmul.f32 v16, v60  }
0x253: {  	v15 =	vld [tilespmem:s21+$0xA0];
	v17 =	vmul.f32 $2.000000030e-01, v10;
	[tilespmem:s11+$0x1E0] =	vst v16;
	v9 =	vadd.f32 v9, v14  }
0x254: {  	v6 =	vmul.f32 v12, v6;
	v3 =	vld [tilespmem:s9+$0x120];
	(erf) = vpow2.f32 v8;
	[tilespmem:s11+$0x1A0] =	vst v7;
	v4 =	vadd.f32 v13, v4  }
0x255: {  	[tilespmem:s13+$0xFFFFFE70] =	vst v12;
	v2 =	vmax.f32 v10, v17;
	v12 =	vmul.f32 $2.000000030e-01, v9;
	v10 =	vld [tilespmem:s21+$0xF0]  }
0x256: {  	[tilespmem:s13+$0xFFFFFE30] =	vst v6;
	v13 =	vld [tilespmem:s9+$0x1B0];
	v6 =	vmul.f32 $2.000000030e-01, v4  }
0x257: {  	v61 =	vld [tilespmem:s9+$0xFFFFFE60];
	v7 =	vmul.f32 $1.442695020e+00, v2;
	v9 =	vmax.f32 v9, v12  }
0x258: {  	v8 =	vld [tilespmem:s9+$0xE0];
	v2 =	vpop (erf);
	v9 =	vmul.f32 $1.442695020e+00, v9;
	v4 =	vmax.f32 v4, v6  }
0x259: {  	(erf) = vpow2.f32 v7;
	v12 =	vld [tilespmem:s7+$0x70];
	v3 =	vadd.f32 v3, v15;
	v16 =	vpop (erf);
	v4 =	vmul.f32 $1.442695020e+00, v4  }
0x25a: {  	v14 =	vld [tilespmem:s9+$0x60];
	[tilespmem:s11+$0xFFFFFEE0] =	vst v16;
	v16 =	vmul.f32 v16, v56;
	(erf) = vpow2.f32 v9  }
0x25b: {  	v17 =	vld [tilespmem:s7+$0xF0];
	[tilespmem:s13+$0x70] =	vst v5;
	v6 =	vpop (erf);
	(erf) = vpow2.f32 v4;
	v4 =	vadd.f32 v13, v10;
	v10 =	vmul.f32 $2.000000030e-01, v3  }
0x25c: {  	[tilespmem:s11+$0xFFFFFEA0] =	vst v16;
	v16 =	vld [tilespmem:s7+$0x170]  }
0x25d: {  	v7 =	vld [tilespmem:s9+$0x160];
	[tilespmem:s11+$0xFFFFFF60] =	vst v6;
	v6 =	vmul.f32 v6, v57;
	v9 =	vpop (erf);
	v3 =	vmax.f32 v3, v10  }
0x25e: {  	v15 =	vld [tilespmem:s21+$0xFFFFFF70];
	v5 =	vmul.f32 v5, v12;
	[tilespmem:s11+$0xFFFFFFE0] =	vst v9;
	v3 =	vmul.f32 $1.442695020e+00, v3  }
0x25f: {  	v13 =	vld [tilespmem:s9+$0xFFFFFEB0];
	[tilespmem:s11+$0xFFFFFF20] =	vst v6;
	v6 =	vmul.f32 v9, v58;
	v12 =	vmul.f32 $2.000000030e-01, v4  }
0x260: {  	[tilespmem:s13+$0x30] =	vst v5;
	v62 =	vld [tilespmem:s21+$0xFFFFFFB0];
	(erf) = vpow2.f32 v3  }
0x261: {  	v63 =	vld [tilespmem:s9+$0xFFFFFF30];
	v5 =	vmul.f32 v2, v16;
	[tilespmem:s11+$0xFFFFFFA0] =	vst v6;
	v4 =	vmax.f32 v4, v12  }
0x262: {  	[tilespmem:s13+$0xF0] =	vst v11;
	v6 =	vmul.f32 v11, v17;
	v11 =	vpop (erf);
	v9 =	vld [tilespmem:s21+$0xFFFFFFF0];
	v4 =	vmul.f32 $1.442695020e+00, v4  }
0x263: {  	v10 =	vld [tilespmem:s9+$0xFFFFFFB0];
	[tilespmem:s11+$0xFFFFFE60] =	vst v11  }
0x264: {  	v12 =	vmul.f32 v11, v61;
	v3 =	vld [tilespmem:s9+$0xFFFFFF70];
	[tilespmem:s13+$0x130] =	vst v5;
	(erf) = vpow2.f32 v4  }
0x265: {  	v11 =	vadd.f32 v13, v15;
	[tilespmem:s13+$0xB0] =	vst v6;
	v6 =	vld [tilespmem:s9+$0xFFFFFEF0];
	v15 =	vpop (erf)  }
0x266: {  	[tilespmem:s11+$0xFFFFFE20] =	vst v12;
	v4 =	vld [tilespmem:s9+$0xFFFFFFF0];
	v14 =	vmul.f32 v15, v14;
	v12 =	vadd.f32 v63, v62  }
0x267: {  	s3 =	simm.s32 $0x8;
	s6 =	simm.s32 $0x17C0;
	s7 =	simm.s32 $0x40C0;
	v13 =	vmul.f32 $2.000000030e-01, v11;
	[tilespmem:s11+$0x60] =	vst v15;
	v5 =	vld [tilespmem:s21+$0xFFFFFF30];
	v15 =	vpop (erf)  }
.LBB2_13:
0x268: {  	v16 =	vld [tilespmem:s6+$0xC0];
	v17 =	vmul.f32 $2.000000030e-01, v12;
	v9 =	vadd.f32 v10, v9;
	[tilespmem:s11+$0x20] =	vst v14;
	v8 =	vmul.f32 v15, v8  }
0x269: {  	v10 =	vmax.f32 v11, v13;
	s7 =	sadd.s32 $0x400, s7;
	[tilespmem:s11+$0xE0] =	vst v15;
	v11 =	vld [tilespmem:s9+$0x1F0];
	v13 =	vpop (erf)  }
0x26a: {  	v14 =	vld [tilespmem:s7+$0x180];
	v12 =	vmax.f32 v12, v17;
	v15 =	vmul.f32 $2.000000030e-01, v9;
	[tilespmem:s11+$0xA0] =	vst v8;
	v7 =	vmul.f32 v13, v7  }
0x26b: {  	v17 =	vmul.f32 $1.442695020e+00, v10;
	v8 =	vld [tilespmem:s7+$0xFFFFFE00];
	v12 =	vmul.f32 $1.442695020e+00, v12;
	[tilespmem:s11+$0x160] =	vst v13  }
0x26c: {  	v13 =	vld [tilespmem:s6+$0xFFFFFF40];
	v9 =	vmax.f32 v9, v15;
	[tilespmem:s11+$0x120] =	vst v7  }
0x26d: {  	s3 =	sadd.s32 $0x8, s3;
	v7 =	vld [tilespmem:s7+$0xFFFFFE80];
	v9 =	vmul.f32 $1.442695020e+00, v9;
	(erf) = vpow2.f32 v17;
	v10 =	vpop (erf);
	[tilespmem:s13+$0x170] =	vst v2;
	s13 =	smov.u32 s11  }
0x26e: {  	p1 =	slt.u32 s3, $0x48;
	v2 =	vld [tilespmem:s6+$0xFFFFFF80];
	v11 =	vmul.f32 v10, v11;
	[tilespmem:s11+$0x1F0] =	vst v10;
	(erf) = vpow2.f32 v12  }
0x26f: {  	v10 =	vld [tilespmem:s7+$0xFFFFFF00];
	v12 =	vadd.f32 v14, v16;
	(erf) = vpow2.f32 v9  }
0x270: {  	v9 =	vld [tilespmem:s6+$0xFFFFFFC0];
	[tilespmem:s11+$0x1B0] =	vst v11  }
0x271: {  	v11 =	vld [tilespmem:s7+$0xFFFFFF80];
	v14 =	vmul.f32 $2.000000030e-01, v12  }
0x272: {  	v7 =	vadd.f32 v7, v13;
	v13 =	vld [tilespmem:s6+$0x0]  }
0x273: {  	v15 =	vld [tilespmem:s7+$0x0];
	v12 =	vmax.f32 v12, v14  }
0x274: {  	v14 =	vmul.f32 $2.000000030e-01, v7;
	v2 =	vadd.f32 v10, v2;
	v10 =	vld [tilespmem:s6+$0x40];
	v18 =	vmul.f32 $1.442695020e+00, v12  }
0x275: {  	v16 =	vld [tilespmem:s7+$0x80]  }
0x276: {  	v17 =	vmul.f32 $2.000000030e-01, v2;
	v9 =	vadd.f32 v11, v9;
	v11 =	vld [tilespmem:s6+$0x80];
	(erf) = vpow2.f32 v18;
	v12 =	vpop (erf)  }
0x277: {  	v7 =	vmax.f32 v7, v14;
	v14 =	vld [tilespmem:s7+$0x100];
	v6 =	vmul.f32 v12, v6;
	[tilespmem:s11+$0xFFFFFEF0] =	vst v12;
	v12 =	vpop (erf)  }
0x278: {  	v18 =	vld [tilespmem:s6+$0xFFFFFF00];
	v2 =	vmax.f32 v2, v17;
	v17 =	vmul.f32 $2.000000030e-01, v9;
	v13 =	vadd.f32 v15, v13;
	[tilespmem:s11+$0xFFFFFF70] =	vst v12;
	v15 =	vpop (erf)  }
0x279: {  	v7 =	vmul.f32 $1.442695020e+00, v7;
	v19 =	vld [tilespmem:s7+$0xFFFFFE40];
	v2 =	vmul.f32 $1.442695020e+00, v2;
	[tilespmem:s11+$0xFFFFFEB0] =	vst v6  }
0x27a: {  	v6 =	vld [tilespmem:s7+$0xFFFFFEC0];
	v9 =	vmax.f32 v9, v17;
	v17 =	vmul.f32 $2.000000030e-01, v13;
	v10 =	vadd.f32 v16, v10;
	[tilespmem:s11+$0xFFFFFFF0] =	vst v15  }
0x27b: {  	v9 =	vmul.f32 $1.442695020e+00, v9;
	v16 =	vld [tilespmem:s7+$0x1C0];
	(erf) = vpow2.f32 v7  }
0x27c: {  	v7 =	vld [tilespmem:s7+$0xFFFFFF40];
	v13 =	vmax.f32 v13, v17;
	v17 =	vmul.f32 $2.000000030e-01, v10;
	v11 =	vadd.f32 v14, v11  }
0x27d: {  	v8 =	vadd.f32 v8, v18;
	v14 =	vld [tilespmem:s7+$0xFFFFFFC0];
	v13 =	vmul.f32 $1.442695020e+00, v13;
	(erf) = vpow2.f32 v2  }
0x27e: {  	v2 =	vld [tilespmem:s7+$0x40];
	v10 =	vmax.f32 v10, v17;
	v17 =	vmul.f32 $2.000000030e-01, v11;
	(erf) = vpow2.f32 v9  }
0x27f: {  	v9 =	vmul.f32 $2.000000030e-01, v8;
	v18 =	vld [tilespmem:s7+$0xC0];
	v10 =	vmul.f32 $1.442695020e+00, v10;
	v20 =	vpop (erf)  }
0x280: {  	s11 =	sadd.s32 $0x400, s11;
	v21 =	vld [tilespmem:s7+$0x140];
	v11 =	vmax.f32 v11, v17;
	v16 =	vmul.f32 v20, v16;
	(erf) = vpow2.f32 v13  }
0x281: {  	v8 =	vmax.f32 v8, v9;
	v9 =	vmul.f32 $1.442695020e+00, v11;
	[tilespmem:s11+$0x1C0] =	vst v20;
	(erf) = vpow2.f32 v10;
	v10 =	vld [tilespmem:s9+$0xFFFFFE30]  }
0x282: {  	v3 =	vmul.f32 v12, v3;
	v13 =	vmul.f32 $1.442695020e+00, v8;
	[tilespmem:s11+$0x180] =	vst v16;
	v11 =	vld [tilespmem:s21+$0x30]  }
0x283: {  	v4 =	vmul.f32 v15, v4;
	v12 =	vld [tilespmem:s6+$0xD0];
	(erf) = vpow2.f32 v9  }
0x284: {  	v9 =	vld [tilespmem:s7+$0x190];
	(erf) = vpow2.f32 v13;
	v8 =	vpop (erf);
	[tilespmem:s13+$0xFFFFFF30] =	vst v3  }
0x285: {  	v3 =	vmul.f32 v8, v6;
	[tilespmem:s11+$0xFFFFFEC0] =	vst v8;
	v6 =	vld [tilespmem:s9+$0x30]  }
0x286: {  	v8 =	vpop (erf);
	v5 =	vadd.f32 v10, v5;
	[tilespmem:s13+$0xFFFFFFB0] =	vst v4;
	v4 =	vld [tilespmem:s21+$0x70]  }
0x287: {  	[tilespmem:s11+$0xFFFFFE80] =	vst v3;
	v3 =	vmul.f32 v8, v7;
	v7 =	vpop (erf);
	v10 =	vld [tilespmem:s9+$0xB0]  }
0x288: {  	v13 =	vld [tilespmem:s6+$0xFFFFFF50];
	[tilespmem:s11+$0xFFFFFF40] =	vst v8;
	v16 =	vmul.f32 v7, v14;
	v14 =	vmul.f32 $2.000000030e-01, v5  }
0x289: {  	v15 =	vld [tilespmem:s7+$0xFFFFFE90];
	[tilespmem:s11+$0xFFFFFF00] =	vst v3;
	v3 =	vadd.f32 v9, v12;
	v9 =	vpop (erf)  }
0x28a: {  	v12 =	vld [tilespmem:s6+$0xFFFFFF90];
	[tilespmem:s11+$0xFFFFFF80] =	vst v16;
	v17 =	vmul.f32 v9, v2;
	v8 =	vpop (erf);
	v5 =	vmax.f32 v5, v14;
	v6 =	vadd.f32 v6, v11  }
0x28b: {  	v11 =	vld [tilespmem:s7+$0xFFFFFF10];
	[tilespmem:s11+$0xFFFFFFC0] =	vst v7;
	v7 =	vmul.f32 v8, v18;
	v18 =	vmul.f32 $2.000000030e-01, v3  }
0x28c: {  	v5 =	vmul.f32 $1.442695020e+00, v5;
	v16 =	vld [tilespmem:s6+$0xFFFFFFD0];
	[tilespmem:s11+$0x0] =	vst v17;
	v2 =	vpop (erf);
	v17 =	vmul.f32 $2.000000030e-01, v6;
	v4 =	vadd.f32 v10, v4  }
0x28d: {  	v10 =	vld [tilespmem:s7+$0xFFFFFF90];
	[tilespmem:s11+$0x80] =	vst v7;
	v7 =	vmul.f32 v2, v21;
	v3 =	vmax.f32 v3, v18;
	v14 =	vpop (erf)  }
0x28e: {  	v18 =	vmul.f32 v14, v19;
	[tilespmem:s11+$0xFFFFFE40] =	vst v14;
	v14 =	vld [tilespmem:s7+$0xFFFFFED0];
	v13 =	vadd.f32 v15, v13;
	v3 =	vmul.f32 $1.442695020e+00, v3  }
0x28f: {  	v6 =	vmax.f32 v6, v17;
	v15 =	vld [tilespmem:s7+$0xFFFFFF50];
	[tilespmem:s11+$0x100] =	vst v7;
	v7 =	vmul.f32 $2.000000030e-01, v4;
	(erf) = vpow2.f32 v5  }
0x290: {  	[tilespmem:s11+$0xFFFFFE00] =	vst v18;
	v5 =	vmul.f32 $2.000000030e-01, v13;
	v11 =	vadd.f32 v11, v12;
	v12 =	vld [tilespmem:s7+$0xFFFFFFD0];
	(erf) = vpow2.f32 v3  }
0x291: {  	v6 =	vmul.f32 $1.442695020e+00, v6;
	v3 =	vld [tilespmem:s6+$0xFFFFFF10];
	[tilespmem:s11+$0x40] =	vst v9;
	v4 =	vmax.f32 v4, v7  }
0x292: {  	v7 =	vld [tilespmem:s7+$0xFFFFFE10];
	v5 =	vmax.f32 v13, v5;
	v9 =	vmul.f32 $2.000000030e-01, v11;
	v10 =	vadd.f32 v10, v16;
	[tilespmem:s11+$0xC0] =	vst v8  }
0x293: {  	v5 =	vmul.f32 $1.442695020e+00, v5;
	v8 =	vld [tilespmem:s6+$0x10];
	[tilespmem:s11+$0x140] =	vst v2;
	v2 =	vmul.f32 $1.442695020e+00, v4  }
0x294: {  	v4 =	vmax.f32 v11, v9;
	v9 =	vmul.f32 $2.000000030e-01, v10;
	v11 =	vld [tilespmem:s7+$0x10];
	(erf) = vpow2.f32 v6  }
0x295: {  	v4 =	vmul.f32 $1.442695020e+00, v4;
	v6 =	vld [tilespmem:s7+$0x1D0];
	(erf) = vpow2.f32 v5  }
0x296: {  	v5 =	vmax.f32 v10, v9;
	v9 =	vld [tilespmem:s6+$0x50];
	(erf) = vpow2.f32 v2  }
0x297: {  	v3 =	vadd.f32 v7, v3;
	v13 =	vmul.f32 $1.442695020e+00, v5;
	v7 =	vld [tilespmem:s7+$0x90];
	(erf) = vpow2.f32 v4  }
0x298: {  	v4 =	vld [tilespmem:s6+$0x90];
	v2 =	vpop (erf)  }
0x299: {  	v10 =	vmul.f32 $2.000000030e-01, v3;
	v8 =	vadd.f32 v11, v8;
	v11 =	vld [tilespmem:s7+$0x110];
	(erf) = vpow2.f32 v13;
	v5 =	vpop (erf)  }
0x29a: {  	v13 =	vld [tilespmem:s7+$0xFFFFFE50];
	v6 =	vmul.f32 v5, v6  }
0x29b: {  	v18 =	vmax.f32 v3, v10;
	v10 =	vld [tilespmem:s7+$0x50];
	v16 =	vmul.f32 $2.000000030e-01, v8;
	[tilespmem:s11+$0x1D0] =	vst v5  }
0x29c: {  	v5 =	vmul.f32 $1.442695020e+00, v18;
	v17 =	vld [tilespmem:s7+$0xD0];
	v7 =	vadd.f32 v7, v9;
	[tilespmem:s11+$0x190] =	vst v6  }
0x29d: {  	v6 =	vmax.f32 v8, v16;
	v8 =	vld [tilespmem:s6+$0xE0];
	v3 =	vpop (erf)  }
0x29e: {  	v6 =	vmul.f32 $1.442695020e+00, v6;
	v19 =	vmul.f32 $2.000000030e-01, v7;
	v11 =	vadd.f32 v11, v4;
	v16 =	vld [tilespmem:s7+$0x1A0];
	v4 =	vpop (erf)  }
0x29f: {  	v14 =	vmul.f32 v4, v14;
	[tilespmem:s11+$0xFFFFFED0] =	vst v4;
	v18 =	vld [tilespmem:s7+$0x150];
	(erf) = vpow2.f32 v5;
	v4 =	vpop (erf)  }
0x2a0: {  	v5 =	vmax.f32 v7, v19;
	v7 =	vmul.f32 $2.000000030e-01, v11;
	v9 =	vpop (erf);
	(erf) = vpow2.f32 v6;
	v6 =	vld [tilespmem:s21+$0xB0];
	s21 =	smov.u32 s6  }
0x2a1: {  	[tilespmem:s11+$0xFFFFFE90] =	vst v14;
	v14 =	vmul.f32 v9, v15;
	v5 =	vmul.f32 $1.442695020e+00, v5;
	v15 =	vld [tilespmem:s9+$0x130]  }
0x2a2: {  	v19 =	vld [tilespmem:s6+$0xFFFFFF60];
	[tilespmem:s11+$0xFFFFFF50] =	vst v9;
	v7 =	vmax.f32 v11, v7;
	v9 =	vpop (erf)  }
0x2a3: {  	v11 =	vld [tilespmem:s7+$0xFFFFFEA0];
	[tilespmem:s11+$0xFFFFFF10] =	vst v14;
	v7 =	vmul.f32 $1.442695020e+00, v7;
	v8 =	vadd.f32 v16, v8;
	(erf) = vpow2.f32 v5  }
0x2a4: {  	v12 =	vmul.f32 v9, v12;
	v5 =	vld [tilespmem:s6+$0xFFFFFFA0];
	[tilespmem:s11+$0xFFFFFFD0] =	vst v9  }
0x2a5: {  	v9 =	vld [tilespmem:s7+$0xFFFFFF20];
	v20 =	vmul.f32 $2.000000030e-01, v8;
	(erf) = vpow2.f32 v7  }
0x2a6: {  	v16 =	vld [tilespmem:s7+$0xFFFFFEE0];
	[tilespmem:s11+$0xFFFFFF90] =	vst v12;
	v6 =	vadd.f32 v15, v6  }
0x2a7: {  	v7 =	vld [tilespmem:s6+$0xFFFFFFE0];
	v8 =	vmax.f32 v8, v20  }
0x2a8: {  	v11 =	vadd.f32 v11, v19;
	v12 =	vld [tilespmem:s7+$0xFFFFFFA0];
	v8 =	vmul.f32 $1.442695020e+00, v8;
	v14 =	vpop (erf);
	v15 =	vmul.f32 $2.000000030e-01, v6  }
0x2a9: {  	v13 =	vmul.f32 v14, v13;
	[tilespmem:s11+$0xFFFFFE50] =	vst v14;
	v14 =	vld [tilespmem:s7+$0xFFFFFF60];
	v19 =	vpop (erf)  }
0x2aa: {  	v5 =	vadd.f32 v9, v5;
	v9 =	vld [tilespmem:s7+$0xFFFFFFE0];
	v20 =	vmul.f32 v19, v10;
	[tilespmem:s11+$0x50] =	vst v19;
	(erf) = vpow2.f32 v8  }
0x2ab: {  	v8 =	vmul.f32 $2.000000030e-01, v11;
	v6 =	vmax.f32 v6, v15;
	[tilespmem:s11+$0xFFFFFE10] =	vst v13;
	v13 =	vld [tilespmem:s9+$0xFFFFFE70]  }
0x2ac: {  	v6 =	vmul.f32 $1.442695020e+00, v6;
	v15 =	vld [tilespmem:s6+$0xFFFFFF20];
	v19 =	vmul.f32 $2.000000030e-01, v5;
	[tilespmem:s11+$0x10] =	vst v20;
	v10 =	vpop (erf)  }
0x2ad: {  	v8 =	vmax.f32 v11, v8;
	v20 =	vld [tilespmem:s7+$0xFFFFFE20];
	v7 =	vadd.f32 v12, v7;
	v11 =	vmul.f32 v10, v17;
	[tilespmem:s11+$0xD0] =	vst v10  }
0x2ae: {  	v8 =	vmul.f32 $1.442695020e+00, v8;
	v5 =	vmax.f32 v5, v19;
	v10 =	vld [tilespmem:s6+$0x20];
	v12 =	vpop (erf);
	[tilespmem:s13+$0xFFFFFE70] =	vst v2;
	(erf) = vpow2.f32 v6  }
0x2af: {  	v6 =	vmul.f32 $2.000000030e-01, v7;
	[tilespmem:s11+$0x90] =	vst v11;
	v11 =	vmul.f32 v12, v18;
	v17 =	vld [tilespmem:s7+$0x1E0]  }
0x2b0: {  	v5 =	vmul.f32 $1.442695020e+00, v5;
	v18 =	vld [tilespmem:s7+$0x20];
	[tilespmem:s11+$0x150] =	vst v12;
	(erf) = vpow2.f32 v8  }
0x2b1: {  	v2 =	vmul.f32 v2, v13;
	v6 =	vmax.f32 v7, v6;
	v7 =	vld [tilespmem:s6+$0x60];
	[tilespmem:s11+$0x110] =	vst v11  }
0x2b2: {  	v8 =	vadd.f32 v20, v15;
	v6 =	vmul.f32 $1.442695020e+00, v6;
	v11 =	vld [tilespmem:s7+$0xA0];
	(erf) = vpow2.f32 v5  }
0x2b3: {  	v5 =	vld [tilespmem:s6+$0xA0];
	v12 =	vpop (erf);
	[tilespmem:s13+$0xFFFFFE30] =	vst v2  }
0x2b4: {  	v20 =	vmul.f32 $2.000000030e-01, v8;
	v13 =	vld [tilespmem:s7+$0x120];
	v15 =	vmul.f32 v12, v17  }
0x2b5: {  	v17 =	vld [tilespmem:s7+$0xFFFFFE60];
	v10 =	vadd.f32 v18, v10;
	[tilespmem:s11+$0x1E0] =	vst v12;
	(erf) = vpow2.f32 v6  }
0x2b6: {  	v19 =	vmax.f32 v8, v20;
	v18 =	vld [tilespmem:s7+$0x60];
	[tilespmem:s11+$0x1A0] =	vst v15  }
0x2b7: {  	v6 =	vmul.f32 $1.442695020e+00, v19;
	v8 =	vmul.f32 $2.000000030e-01, v10;
	v11 =	vadd.f32 v11, v7;
	v12 =	vld [tilespmem:s6+$0xF0];
	v2 =	vpop (erf)  }
0x2b8: {  	v15 =	vld [tilespmem:s7+$0x1B0]  }
0x2b9: {  	v7 =	vmax.f32 v10, v8;
	v8 =	vld [tilespmem:s7+$0xE0];
	v10 =	vmul.f32 $2.000000030e-01, v11;
	v5 =	vadd.f32 v13, v5;
	v13 =	vpop (erf)  }
0x2ba: {  	[tilespmem:s11+$0xFFFFFEE0] =	vst v13;
	v19 =	vmul.f32 $1.442695020e+00, v7;
	v7 =	vld [tilespmem:s7+$0x160];
	(erf) = vpow2.f32 v6  }
0x2bb: {  	v6 =	vmul.f32 v13, v16;
	v10 =	vmax.f32 v11, v10;
	v11 =	vmul.f32 $2.000000030e-01, v5;
	v13 =	vpop (erf);
	v16 =	vld [tilespmem:s9+$0x70];
	[tilespmem:s13+$0x70] =	vst v3  }
0x2bc: {  	[tilespmem:s11+$0xFFFFFF60] =	vst v13;
	v10 =	vmul.f32 $1.442695020e+00, v10;
	(erf) = vpow2.f32 v19;
	v19 =	vld [tilespmem:s9+$0xF0]  }
0x2bd: {  	[tilespmem:s11+$0xFFFFFEA0] =	vst v6;
	v6 =	vmul.f32 v13, v14;
	v5 =	vmax.f32 v5, v11;
	v11 =	vadd.f32 v15, v12;
	v12 =	vld [tilespmem:s9+$0x170];
	s9 =	smov.u32 s7  }
0x2be: {  	v13 =	vld [tilespmem:s6+$0xFFFFFF70];
	v5 =	vmul.f32 $1.442695020e+00, v5;
	v14 =	vpop (erf);
	(erf) = vpow2.f32 v10;
	[tilespmem:s13+$0xF0] =	vst v4  }
0x2bf: {  	v15 =	vld [tilespmem:s7+$0xFFFFFEB0];
	[tilespmem:s11+$0xFFFFFF20] =	vst v6;
	v6 =	vmul.f32 v14, v9;
	v9 =	vmul.f32 $2.000000030e-01, v11  }
0x2c0: {  	v20 =	vld [tilespmem:s6+$0xFFFFFFB0];
	[tilespmem:s11+$0xFFFFFFE0] =	vst v14;
	(erf) = vpow2.f32 v5;
	v16 =	vmul.f32 v3, v16  }
0x2c1: {  	v5 =	vld [tilespmem:s7+$0xFFFFFF30];
	[tilespmem:s11+$0xFFFFFFA0] =	vst v6;
	v6 =	vmax.f32 v11, v9;
	v4 =	vmul.f32 v4, v19  }
0x2c2: {  	v9 =	vld [tilespmem:s6+$0xFFFFFFF0];
	v14 =	vmul.f32 $1.442695020e+00, v6;
	[tilespmem:s13+$0x30] =	vst v16;
	v12 =	vmul.f32 v2, v12  }
.Ltmp6:
0x2c3: {  	v10 =	vld [tilespmem:s7+$0xFFFFFFB0];
	v3 =	vpop (erf);
	[tilespmem:s13+$0xB0] =	vst v4;
	(pc) =	sbr.rel @p1 .LBB2_13-.Ltmp6, $4  }
0x2c4: {  	v4 =	vmul.f32 v3, v17;
	[tilespmem:s11+$0xFFFFFE60] =	vst v3;
	v6 =	vld [tilespmem:s7+$0xFFFFFEF0];
	v11 =	vadd.f32 v15, v13;
	(erf) = vpow2.f32 v14  }
0x2c5: {  	v3 =	vld [tilespmem:s7+$0xFFFFFF70];
	v15 =	vpop (erf);
	[tilespmem:s13+$0x130] =	vst v12  }
0x2c6: {  	[tilespmem:s11+$0xFFFFFE20] =	vst v4;
	v13 =	vmul.f32 $2.000000030e-01, v11;
	v12 =	vadd.f32 v5, v20;
	v4 =	vld [tilespmem:s7+$0xFFFFFFF0];
	v14 =	vmul.f32 v15, v18  }
0x2c7: {  	s6 =	sadd.s32 $0x200, s6;
	v5 =	vld [tilespmem:s21+$0xFFFFFF30];
	[tilespmem:s11+$0x60] =	vst v15;
	v15 =	vpop (erf)  }
0x2c8: {  	[tilespmem:s11+$0x20] =	vst v14;
	v8 =	vmul.f32 v15, v8;
	v14 =	vld [tilespmem:s9+$0xFFFFFE30]  }
0x2c9: {  	[tilespmem:s11+$0xE0] =	vst v15;
	v16 =	vld [tilespmem:s21+$0x30]  }
0x2ca: {  	v9 =	vadd.f32 v10, v9;
	v15 =	vpop (erf);
	[tilespmem:s11+$0xA0] =	vst v8;
	v8 =	vld [tilespmem:s9+$0x30]  }
0x2cb: {  	v10 =	vmul.f32 $2.000000030e-01, v12;
	v7 =	vmul.f32 v15, v7  }
0x2cc: {  	v11 =	vmax.f32 v11, v13;
	[tilespmem:s11+$0x160] =	vst v15;
	v17 =	vmul.f32 $2.000000030e-01, v9  }
0x2cd: {  	v11 =	vmul.f32 $1.442695020e+00, v11;
	v10 =	vmax.f32 v12, v10;
	v15 =	vld [tilespmem:s21+$0x70];
	[tilespmem:s11+$0x120] =	vst v7  }
0x2ce: {  	v10 =	vmul.f32 $1.442695020e+00, v10;
	v9 =	vmax.f32 v9, v17;
	v12 =	vld [tilespmem:s21+$0xB0];
	v5 =	vadd.f32 v14, v5  }
0x2cf: {  	(erf) = vpow2.f32 v11;
	v13 =	vld [tilespmem:s9+$0x130];
	v9 =	vmul.f32 $1.442695020e+00, v9;
	v8 =	vadd.f32 v8, v16  }
0x2d0: {  	v7 =	vld [tilespmem:s9+$0xB0];
	(erf) = vpow2.f32 v10;
	v11 =	vmul.f32 $2.000000030e-01, v5  }
0x2d1: {  	v10 =	vld [tilespmem:s9+$0x1F0];
	(erf) = vpow2.f32 v9;
	v9 =	vmul.f32 $2.000000030e-01, v8  }
0x2d2: {  	v5 =	vmax.f32 v5, v11  }
0x2d3: {  	v5 =	vmul.f32 $1.442695020e+00, v5  }
0x2d4: {  	v11 =	vadd.f32 v13, v12  }
0x2d5: {  	v7 =	vadd.f32 v7, v15;
	v8 =	vmax.f32 v8, v9;
	(erf) = vpow2.f32 v5;
	v9 =	vpop (erf)  }
0x2d6: {  	[tilespmem:s13+$0x170] =	vst v2;
	v5 =	vmul.f32 $2.000000030e-01, v11;
	v2 =	vmul.f32 v9, v10  }
0x2d7: {  	v12 =	vmul.f32 $2.000000030e-01, v7;
	v8 =	vmul.f32 $1.442695020e+00, v8  }
0x2d8: {  	v5 =	vmax.f32 v11, v5  }
0x2d9: {  	v7 =	vmax.f32 v7, v12;
	(erf) = vpow2.f32 v8;
	v5 =	vmul.f32 $1.442695020e+00, v5  }
0x2da: {  	v7 =	vmul.f32 $1.442695020e+00, v7;
	[tilespmem:s11+$0x1B0] =	vst v2;
	v2 =	vpop (erf)  }
0x2db: {  	v6 =	vmul.f32 v2, v6;
	[tilespmem:s11+$0xFFFFFEF0] =	vst v2;
	v2 =	vpop (erf)  }
0x2dc: {  	(erf) = vpow2.f32 v7;
	v7 =	vld [tilespmem:s9+$0xFFFFFE70];
	[tilespmem:s11+$0xFFFFFF70] =	vst v2;
	v2 =	vmul.f32 v2, v3  }
0x2dd: {  	[tilespmem:s11+$0x1F0] =	vst v9;
	(erf) = vpow2.f32 v5;
	v5 =	vpop (erf)  }
0x2de: {  	[tilespmem:s11+$0xFFFFFEB0] =	vst v6;
	v3 =	vmul.f32 v5, v4;
	v4 =	vld [tilespmem:s9+$0x70]  }
0x2df: {  	[tilespmem:s11+$0xFFFFFFF0] =	vst v5  }
0x2e0: {  	[tilespmem:s11+$0xFFFFFF30] =	vst v2;
	v2 =	vpop (erf)  }
0x2e1: {  	v5 =	vld [tilespmem:s9+$0xF0];
	[tilespmem:s11+$0xFFFFFFB0] =	vst v3;
	v3 =	vmul.f32 v2, v7  }
0x2e2: {  	v6 =	vld [tilespmem:s9+$0x170];
	[tilespmem:s11+$0xFFFFFE70] =	vst v2;
	v2 =	vpop (erf)  }
0x2e3: {  	[tilespmem:s11+$0x70] =	vst v2;
	v2 =	vmul.f32 v2, v4  }
0x2e4: {  	[tilespmem:s11+$0xFFFFFE30] =	vst v3  }
0x2e5: {  	[tilespmem:s11+$0x30] =	vst v2;
	v3 =	vpop (erf)  }
0x2e6: {  	s3 =	smul.u32 $0x280, s0;
	v4 =	vpop (erf);
	[tilespmem:s11+$0xF0] =	vst v3;
	v3 =	vmul.f32 v3, v5  }
0x2e7: {  	v2 =	vmul.f32 v4, v6;
	[tilespmem:s11+$0x170] =	vst v4  }
0x2e8: {  	s3 =	sshra.s32 s3, $0x2;
	[tilespmem:s11+$0xB0] =	vst v3  }
0x2e9: {  	p1 =	seq.s32 s0, $0x4;
	s3 =	sadd.s32 s3, s5;
	[tilespmem:s11+$0x130] =	vst v2  }
0x2ea: {  	[spmem:s2] =	stream.indirect.scatter.add.f32 [tilespmem:s28], [sflag:$0x6], $0x80, s3, s12, $0xb8;
	[tilespmem:$0x1EF00] =	vst v63  }
0x2eb: {  	s3 =	sadd.s32 @!p1 s18, s20  }
0x2ec: {  	s7 =	simm.s32 @!p1 $0x28;
	s9 =	simm.s32 @!p1 $0x12C0;
	s6 =	sadd.s32 @!p1 $0x640, s3  }
0x2ed: {  	[tilespmem:s9], [sflag:$0x1] =	stream.indirect.gather @!p1 [hbm4b:s1+s7], $0x40, s6, s7, $0xb8;
	[tilespmem:$0x1EF00] =	vst v63  }
0x2ee: {  	s6 =	sadd.s32 @!p1 $0xC80, s3;
	s9 =	simm.s32 @!p1 $0x3AC0  }
0x2ef: {  	[tilespmem:s9], [sflag:$0x3] =	stream.indirect.gather @!p1 [hbm4b:s8+s7], $0x80, s6, s7, $0xb8;
	[tilespmem:$0x1EF00] =	vst v63  }
0x2f0: {  	s6 =	sadd.s32 @!p1 $0x668, s3;
	s9 =	simm.s32 @!p1 $0x1CC0  }
0x2f1: {  	[tilespmem:s9], [sflag:$0x1] =	stream.indirect.gather @!p1 [hbm4b:s1+s7], $0x40, s6, s7, $0xb8;
	[tilespmem:$0x1EF00] =	vst v63  }
0x2f2: {  	s3 =	sadd.s32 @!p1 $0xCA8, s3;
	s6 =	simm.s32 @!p1 $0x4EC0  }
0x2f3: {  	[tilespmem:s6], [sflag:$0x3] =	stream.indirect.gather @!p1 [hbm4b:s8+s7], $0x80, s3, s7, $0xb8;
	[tilespmem:$0x1EF00] =	vst v63  }
0x2f4: {  	_ =	swait.ge [sflag:s29], $0xA00  }
0x2f5: {  	[sflag:s29] =	ssyncset.done $0x0  }
0x2f6: {  	[sflag:s29] =	ssyncadd.s32 $0xFFFFF600  }
0x2f7: {  	_ =	swait.ge [sflag:s30], $0x1400  }
0x2f8: {  	[sflag:s30] =	ssyncset.done $0x0  }
0x2f9: {  	[sflag:s30] =	ssyncadd.s32 $0xFFFFEC00  }
0x2fa: {  	_ =	swait.ge [sflag:s29], $0xA00  }
0x2fb: {  	[sflag:s29] =	ssyncset.done $0x0  }
0x2fc: {  	[sflag:s29] =	ssyncadd.s32 $0xFFFFF600  }
0x2fd: {  	_ =	swait.ge [sflag:s30], $0x1400  }
0x2fe: {  	[sflag:s30] =	ssyncset.done $0x0  }
0x2ff: {  	[sflag:s30] =	ssyncadd.s32 $0xFFFFEC00  }
0x300: {  	_ =	swait.ge [sflag:s14], $0x2800  }
0x301: {  	[sflag:s14] =	ssyncset.done $0x0  }
0x302: {  	s7 =	simm.s32 $0x28B0;
	[sflag:s14] =	ssyncadd.s32 $0xFFFFD800  }
0x303: {  	s21 =	simm.s32 $0x66B0;
	v2 =	vld [tilespmem:s7+$0xFFFFFFD0]  }
0x304: {  	v3 =	vld [tilespmem:s21+$0xFFFFFF90]  }
0x305: {  	v4 =	vld [tilespmem:s21+$0xFFFFFC10]  }
0x306: {  	v5 =	vld [tilespmem:s7+$0xFFFFFE50]  }
0x307: {  	v6 =	vld [tilespmem:s21+$0xFFFFFC90]  }
0x308: {  	v7 =	vld [tilespmem:s7+$0xFFFFFE90]  }
0x309: {  	v8 =	vld [tilespmem:s21+$0xFFFFFD10]  }
0x30a: {  	v9 =	vld [tilespmem:s21+$0xFFFFFD90]  }
0x30b: {  	v11 =	vld [tilespmem:s7+$0xFFFFFF10];
	v2 =	vadd.f32 v3, v2  }
0x30c: {  	v3 =	vld [tilespmem:s7+$0xFFFFFED0]  }
0x30d: {  	v12 =	vld [tilespmem:s21+$0xFFFFFE10];
	v10 =	vmul.f32 $2.000000030e-01, v2  }
0x30e: {  	v5 =	vadd.f32 v6, v5;
	v6 =	vld [tilespmem:s7+$0xFFFFFF50]  }
0x30f: {  	v7 =	vadd.f32 v8, v7;
	v8 =	vld [tilespmem:s21+$0xFFFFFE90];
	v2 =	vmax.f32 v2, v10  }
0x310: {  	v13 =	vld [tilespmem:s7+$0xFFFFFF90];
	v10 =	vmul.f32 $2.000000030e-01, v5;
	v2 =	vmul.f32 $1.442695020e+00, v2  }
0x311: {  	v3 =	vadd.f32 v9, v3;
	v9 =	vld [tilespmem:s21+$0xFFFFFF10]  }
0x312: {  	v5 =	vmax.f32 v5, v10;
	v10 =	vld [tilespmem:s7+$0xFFFFFE10];
	(erf) = vpow2.f32 v2  }
0x313: {  	v2 =	vmul.f32 $2.000000030e-01, v7;
	v5 =	vmul.f32 $1.442695020e+00, v5  }
0x314: {  	v11 =	vadd.f32 v12, v11;
	v6 =	vadd.f32 v8, v6  }
0x315: {  	v2 =	vmax.f32 v7, v2;
	v7 =	vmul.f32 $2.000000030e-01, v3;
	(erf) = vpow2.f32 v5  }
0x316: {  	v5 =	vmul.f32 $2.000000030e-01, v11;
	v2 =	vmul.f32 $1.442695020e+00, v2;
	v8 =	vadd.f32 v9, v13  }
0x317: {  	v9 =	vmul.f32 $2.000000030e-01, v6;
	v3 =	vmax.f32 v3, v7;
	v4 =	vadd.f32 v4, v10  }
0x318: {  	v3 =	vmul.f32 $1.442695020e+00, v3;
	(erf) = vpow2.f32 v2;
	v2 =	vmax.f32 v11, v5  }
0x319: {  	v2 =	vmul.f32 $1.442695020e+00, v2  }
0x31a: {  	(erf) = vpow2.f32 v3;
	v3 =	vmax.f32 v6, v9;
	v6 =	vmul.f32 $2.000000030e-01, v4  }
0x31b: {  	v7 =	vld [tilespmem:s21+$0xFFFFFFD0];
	v5 =	vmul.f32 $2.000000030e-01, v8  }
0x31c: {  	(erf) = vpow2.f32 v2;
	v2 =	vmax.f32 v4, v6  }
0x31d: {  	v10 =	vld [tilespmem:s21+$0xFFFFFCD0];
	v5 =	vmax.f32 v8, v5;
	v3 =	vmul.f32 $1.442695020e+00, v3;
	v2 =	vmul.f32 $1.442695020e+00, v2  }
0x31e: {  	v4 =	vmul.f32 $1.442695020e+00, v5  }
0x31f: {  	v9 =	vpop (erf);
	(erf) = vpow2.f32 v3  }
0x320: {  	v7 =	vmul.f32 v9, v7;
	(erf) = vpow2.f32 v4  }
0x321: {  	s13 =	simm.s32 $0x8CC0;
	v5 =	vld [tilespmem:s21+$0xFFFFFD50];
	(erf) = vpow2.f32 v2;
	v2 =	vpop (erf)  }
0x322: {  	v3 =	vld [tilespmem:s21+$0xFFFFFDD0];
	[tilespmem:s13+$0x180] =	vst v7;
	v7 =	vmul.f32 v2, v10  }
0x323: {  	[tilespmem:s13+$0x1C0] =	vst v9  }
0x324: {  	v4 =	vld [tilespmem:s7+$0xFFFFFFE0]  }
0x325: {  	v6 =	vld [tilespmem:s21+$0xFFFFFFA0];
	[tilespmem:s13+$0xFFFFFEC0] =	vst v2;
	v2 =	vpop (erf)  }
0x326: {  	v8 =	vld [tilespmem:s21+$0xFFFFFC50];
	v5 =	vmul.f32 v2, v5;
	[tilespmem:s13+$0xFFFFFE80] =	vst v7;
	v7 =	vpop (erf)  }
0x327: {  	v9 =	vld [tilespmem:s21+$0xFFFFFE50];
	[tilespmem:s13+$0xFFFFFF40] =	vst v2;
	v2 =	vmul.f32 v7, v3  }
0x328: {  	v10 =	vld [tilespmem:s21+$0xFFFFFED0]  }
0x329: {  	v11 =	vld [tilespmem:s7+$0xFFFFFE60]  }
0x32a: {  	[tilespmem:s13+$0xFFFFFF00] =	vst v5;
	v4 =	vadd.f32 v6, v4;
	v3 =	vld [tilespmem:s21+$0xFFFFFCA0];
	v5 =	vpop (erf)  }
0x32b: {  	v6 =	vld [tilespmem:s7+$0xFFFFFEA0];
	[tilespmem:s13+$0xFFFFFF80] =	vst v2;
	v2 =	vpop (erf)  }
0x32c: {  	v12 =	vld [tilespmem:s21+$0xFFFFFD20];
	[tilespmem:s13+$0xFFFFFFC0] =	vst v7;
	v7 =	vmul.f32 $2.000000030e-01, v4;
	v14 =	vpop (erf)  }
0x32d: {  	v13 =	vld [tilespmem:s7+$0xFFFFFEE0];
	v16 =	vpop (erf)  }
0x32e: {  	v4 =	vmax.f32 v4, v7;
	v15 =	vld [tilespmem:s21+$0xFFFFFDA0];
	v7 =	vmul.f32 v16, v8  }
0x32f: {  	v4 =	vmul.f32 $1.442695020e+00, v4;
	v3 =	vadd.f32 v3, v11;
	[tilespmem:s13+$0xFFFFFE40] =	vst v16  }
0x330: {  	v9 =	vmul.f32 v5, v9;
	v8 =	vld [tilespmem:s21+$0xFFFFFF50];
	[tilespmem:s13+$0xFFFFFE00] =	vst v7  }
0x331: {  	[tilespmem:s13+$0x40] =	vst v5;
	v6 =	vadd.f32 v12, v6;
	(erf) = vpow2.f32 v4;
	v7 =	vmul.f32 $2.000000030e-01, v3;
	v4 =	vld [tilespmem:s7+$0xFFFFFE20]  }
0x332: {  	[tilespmem:s13+$0x0] =	vst v9;
	v10 =	vmul.f32 v2, v10;
	v5 =	vld [tilespmem:s21+$0xFFFFFC20]  }
0x333: {  	v11 =	vld [tilespmem:s7+$0xFFFFFF20];
	v9 =	vadd.f32 v15, v13;
	v3 =	vmax.f32 v3, v7;
	v7 =	vmul.f32 $2.000000030e-01, v6  }
0x334: {  	[tilespmem:s13+$0x80] =	vst v10;
	v10 =	vld [tilespmem:s21+$0xFFFFFE20];
	v3 =	vmul.f32 $1.442695020e+00, v3  }
0x335: {  	v8 =	vmul.f32 v14, v8;
	v6 =	vmax.f32 v6, v7;
	v7 =	vmul.f32 $2.000000030e-01, v9  }
0x336: {  	[tilespmem:s13+$0xC0] =	vst v2;
	v2 =	vmul.f32 $1.442695020e+00, v6;
	v6 =	vld [tilespmem:s21+$0xFFFFFFE0];
	(erf) = vpow2.f32 v3  }
0x337: {  	[tilespmem:s13+$0x140] =	vst v14;
	v3 =	vmax.f32 v9, v7;
	v7 =	vld [tilespmem:s7+$0xFFFFFF60];
	v4 =	vadd.f32 v5, v4  }
0x338: {  	[tilespmem:s13+$0x100] =	vst v8;
	v5 =	vld [tilespmem:s21+$0xFFFFFEA0];
	v3 =	vmul.f32 $1.442695020e+00, v3;
	(erf) = vpow2.f32 v2  }
0x339: {  	v9 =	vadd.f32 v10, v11;
	v10 =	vld [tilespmem:s21+$0xFFFFFF20];
	v8 =	vmul.f32 $2.000000030e-01, v4  }
0x33a: {  	v2 =	vld [tilespmem:s7+$0xFFFFFFA0];
	(erf) = vpow2.f32 v3  }
0x33b: {  	v11 =	vpop (erf);
	v3 =	vld [tilespmem:s21+$0xFFFFFCE0];
	v4 =	vmax.f32 v4, v8;
	v8 =	vmul.f32 $2.000000030e-01, v9  }
0x33c: {  	v6 =	vmul.f32 v11, v6  }
0x33d: {  	v12 =	vld [tilespmem:s21+$0xFFFFFD60];
	[tilespmem:s13+$0x1D0] =	vst v11;
	v4 =	vmul.f32 $1.442695020e+00, v4  }
0x33e: {  	v11 =	vld [tilespmem:s21+$0xFFFFFDE0];
	v5 =	vadd.f32 v5, v7;
	[tilespmem:s13+$0x190] =	vst v6;
	v6 =	vmax.f32 v9, v8  }
0x33f: {  	v2 =	vadd.f32 v10, v2;
	v7 =	vld [tilespmem:s7+$0xFFFFFFF0];
	v6 =	vmul.f32 $1.442695020e+00, v6;
	(erf) = vpow2.f32 v4;
	v8 =	vpop (erf)  }
0x340: {  	v4 =	vmul.f32 $2.000000030e-01, v5;
	v9 =	vld [tilespmem:s21+$0xFFFFFFB0];
	v3 =	vmul.f32 v8, v3  }
0x341: {  	v14 =	vld [tilespmem:s21+$0xFFFFFE60];
	[tilespmem:s13+$0xFFFFFED0] =	vst v8;
	v8 =	vmul.f32 $2.000000030e-01, v2;
	v13 =	vpop (erf)  }
0x342: {  	v10 =	vld [tilespmem:s21+$0xFFFFFC60];
	v4 =	vmax.f32 v5, v4;
	(erf) = vpow2.f32 v6;
	[tilespmem:s13+$0xFFFFFE90] =	vst v3;
	v3 =	vmul.f32 v13, v12  }
0x343: {  	v4 =	vmul.f32 $1.442695020e+00, v4;
	[tilespmem:s13+$0xFFFFFF50] =	vst v13;
	v5 =	vld [tilespmem:s7+$0xFFFFFE70];
	v6 =	vpop (erf)  }
0x344: {  	v2 =	vmax.f32 v2, v8;
	v8 =	vld [tilespmem:s21+$0xFFFFFCB0];
	[tilespmem:s13+$0xFFFFFF10] =	vst v3;
	v3 =	vmul.f32 v6, v11  }
0x345: {  	v2 =	vmul.f32 $1.442695020e+00, v2;
	v7 =	vadd.f32 v9, v7;
	(erf) = vpow2.f32 v4;
	[tilespmem:s13+$0xFFFFFFD0] =	vst v6;
	v4 =	vld [tilespmem:s7+$0xFFFFFEB0]  }
0x346: {  	v6 =	vld [tilespmem:s21+$0xFFFFFD30];
	[tilespmem:s13+$0xFFFFFF90] =	vst v3  }
0x347: {  	(erf) = vpow2.f32 v2;
	v3 =	vmul.f32 $2.000000030e-01, v7;
	v2 =	vld [tilespmem:s7+$0xFFFFFEF0]  }
0x348: {  	v9 =	vld [tilespmem:s21+$0xFFFFFDB0];
	v11 =	vpop (erf)  }
0x349: {  	v3 =	vmax.f32 v7, v3;
	v5 =	vadd.f32 v8, v5;
	v7 =	vmul.f32 v11, v10  }
0x34a: {  	v12 =	vld [tilespmem:s21+$0xFFFFFEE0];
	[tilespmem:s13+$0xFFFFFE50] =	vst v11;
	v3 =	vmul.f32 $1.442695020e+00, v3  }
0x34b: {  	v11 =	vpop (erf);
	v4 =	vadd.f32 v6, v4;
	[tilespmem:s13+$0xFFFFFE10] =	vst v7;
	v6 =	vmul.f32 $2.000000030e-01, v5  }
0x34c: {  	v7 =	vmul.f32 v11, v14;
	(erf) = vpow2.f32 v3;
	v3 =	vld [tilespmem:s7+$0xFFFFFE30]  }
0x34d: {  	v14 =	vld [tilespmem:s21+$0xFFFFFC30];
	v13 =	vmul.f32 $2.000000030e-01, v4;
	v5 =	vmax.f32 v5, v6;
	v2 =	vadd.f32 v9, v2  }
0x34e: {  	v8 =	vld [tilespmem:s21+$0xFFFFFF60];
	v9 =	vpop (erf);
	v5 =	vmul.f32 $1.442695020e+00, v5  }
0x34f: {  	[tilespmem:s13+$0x10] =	vst v7;
	v7 =	vmul.f32 v9, v12;
	v4 =	vmax.f32 v4, v13;
	v12 =	vmul.f32 $2.000000030e-01, v2  }
0x350: {  	v4 =	vmul.f32 $1.442695020e+00, v4;
	(erf) = vpow2.f32 v5  }
0x351: {  	s9 =	simm.s32 $0x6AB0;
	v2 =	vmax.f32 v2, v12  }
0x352: {  	v63 =	vld [tilespmem:s9+$0xFFFFFC10];
	v15 =	vpop (erf);
	v3 =	vadd.f32 v14, v3;
	v2 =	vmul.f32 $1.442695020e+00, v2;
	(erf) = vpow2.f32 v4  }
0x353: {  	v10 =	vld [tilespmem:s21+$0xFFFFFCF0];
	v5 =	vmul.f32 v15, v8  }
0x354: {  	v8 =	vld [tilespmem:s21+$0xFFFFFFF0];
	v4 =	vmul.f32 $2.000000030e-01, v3;
	(erf) = vpow2.f32 v2  }
0x355: {  	[tilespmem:s13+$0x50] =	vst v11;
	v11 =	vld [tilespmem:s21+$0xFFFFFDF0]  }
0x356: {  	v6 =	vld [tilespmem:s21+$0xFFFFFD70];
	[tilespmem:s13+$0xD0] =	vst v9;
	v3 =	vmax.f32 v3, v4  }
0x357: {  	v13 =	vld [tilespmem:s7+$0xFFFFFF30];
	[tilespmem:s13+$0x90] =	vst v7;
	v3 =	vmul.f32 $1.442695020e+00, v3  }
0x358: {  	v7 =	vld [tilespmem:s21+$0xFFFFFE30];
	[tilespmem:s13+$0x110] =	vst v5;
	v5 =	vpop (erf)  }
0x359: {  	v9 =	vld [tilespmem:s7+$0xFFFFFF70];
	v8 =	vmul.f32 v5, v8;
	[tilespmem:s13+$0x1E0] =	vst v5;
	(erf) = vpow2.f32 v3;
	v5 =	vpop (erf)  }
0x35a: {  	[tilespmem:s13+$0x150] =	vst v15;
	v14 =	vld [tilespmem:s21+$0xFFFFFEB0];
	v3 =	vmul.f32 v5, v10  }
0x35b: {  	v15 =	vld [tilespmem:s21+$0xFFFFFF30];
	v10 =	vpop (erf)  }
0x35c: {  	v2 =	vld [tilespmem:s7+$0xFFFFFFB0];
	[tilespmem:s13+$0xFFFFFEA0] =	vst v3;
	v3 =	vmul.f32 v10, v6  }
0x35d: {  	v4 =	vld [tilespmem:s21+$0xFFFFFC70];
	[tilespmem:s13+$0x1A0] =	vst v8;
	v6 =	vpop (erf)  }
0x35e: {  	v8 =	vld [tilespmem:s7+$0x0];
	[tilespmem:s13+$0xFFFFFF20] =	vst v3;
	v3 =	vmul.f32 v6, v11  }
0x35f: {  	v17 =	vld [tilespmem:s21+$0xFFFFFFC0];
	[tilespmem:s13+$0xFFFFFEE0] =	vst v5  }
0x360: {  	[tilespmem:s13+$0xFFFFFF60] =	vst v10;
	v10 =	vld [tilespmem:s7+$0xFFFFFE80]  }
0x361: {  	v18 =	vld [tilespmem:s21+$0xFFFFFCC0];
	[tilespmem:s13+$0xFFFFFFE0] =	vst v6;
	v6 =	vadd.f32 v7, v13  }
0x362: {  	v9 =	vadd.f32 v14, v9;
	v11 =	vld [tilespmem:s7+$0xFFFFFEC0];
	[tilespmem:s13+$0xFFFFFFA0] =	vst v3;
	v3 =	vpop (erf)  }
0x363: {  	v14 =	vadd.f32 v15, v2;
	v19 =	vld [tilespmem:s21+$0xFFFFFD40];
	v13 =	vmul.f32 $2.000000030e-01, v6;
	v7 =	vmul.f32 v3, v4  }
0x364: {  	v8 =	vadd.f32 v17, v8;
	v20 =	vld [tilespmem:s7+$0xFFFFFF00]  }
0x365: {  	v21 =	vld [tilespmem:s21+$0xFFFFFDC0];
	v6 =	vmax.f32 v6, v13;
	v13 =	vmul.f32 $2.000000030e-01, v14;
	[tilespmem:s13+$0xFFFFFE20] =	vst v7;
	v7 =	vmul.f32 $2.000000030e-01, v9  }
0x366: {  	s18 =	simm.s32 $0x2AB0;
	v28 =	vld [tilespmem:s9+$0xFFFFFC90];
	v22 =	vmul.f32 $1.442695020e+00, v6  }
0x367: {  	v17 =	vld [tilespmem:s18+$0xFFFFFFD0];
	v7 =	vmax.f32 v9, v7;
	v9 =	vmax.f32 v14, v13;
	v13 =	vmul.f32 $2.000000030e-01, v8  }
0x368: {  	v10 =	vadd.f32 v18, v10;
	v11 =	vadd.f32 v19, v11;
	v14 =	vld [tilespmem:s9+$0xFFFFFF90];
	v7 =	vmul.f32 $1.442695020e+00, v7  }
0x369: {  	v31 =	vld [tilespmem:s18+$0xFFFFFE90];
	(erf) = vpow2.f32 v22;
	v9 =	vmul.f32 $1.442695020e+00, v9;
	v8 =	vmax.f32 v8, v13  }
0x36a: {  	v23 =	vld [tilespmem:s9+$0xFFFFFD10];
	(erf) = vpow2.f32 v7;
	v7 =	vmul.f32 $1.442695020e+00, v8;
	v8 =	vadd.f32 v21, v20  }
0x36b: {  	v29 =	vmul.f32 $2.000000030e-01, v10;
	v30 =	vmul.f32 $2.000000030e-01, v11;
	v13 =	vld [tilespmem:s18+$0xFFFFFE50]  }
0x36c: {  	v32 =	vld [tilespmem:s18+$0xFFFFFF10];
	(erf) = vpow2.f32 v9;
	v9 =	vmul.f32 $2.000000030e-01, v8  }
0x36d: {  	v16 =	vld [tilespmem:s21+$0xFFFFFE70];
	v14 =	vadd.f32 v14, v17;
	(erf) = vpow2.f32 v7;
	v7 =	vmax.f32 v10, v29  }
0x36e: {  	v10 =	vmax.f32 v11, v30;
	v11 =	vld [tilespmem:s18+$0xFFFFFED0];
	v7 =	vmul.f32 $1.442695020e+00, v7  }
0x36f: {  	v10 =	vmul.f32 $1.442695020e+00, v10;
	v8 =	vmax.f32 v8, v9;
	v9 =	vld [tilespmem:s9+$0xFFFFFD90];
	v17 =	vmul.f32 $2.000000030e-01, v14  }
0x370: {  	v8 =	vmul.f32 $1.442695020e+00, v8;
	(erf) = vpow2.f32 v7;
	v7 =	vadd.f32 v28, v13;
	v13 =	vld [tilespmem:s9+$0xFFFFFE10]  }
0x371: {  	v33 =	vld [tilespmem:s9+$0xFFFFFE90];
	v14 =	vmax.f32 v14, v17;
	(erf) = vpow2.f32 v10  }
0x372: {  	v35 =	vld [tilespmem:s18+$0xFFFFFF90];
	v10 =	vadd.f32 v23, v31;
	(erf) = vpow2.f32 v8;
	v8 =	vmul.f32 $2.000000030e-01, v7  }
0x373: {  	v17 =	vld [tilespmem:s18+$0xFFFFFF50];
	v14 =	vmul.f32 $1.442695020e+00, v14  }
0x374: {  	v34 =	vpop (erf);
	v21 =	vmul.f32 $2.000000030e-01, v10;
	v9 =	vadd.f32 v9, v11;
	v7 =	vmax.f32 v7, v8;
	v8 =	vld [tilespmem:s9+$0xFFFFFF10]  }
0x375: {  	(erf) = vpow2.f32 v14;
	v14 =	vmul.f32 v34, v16;
	v16 =	vld [tilespmem:s18+$0xFFFFFE10];
	v13 =	vadd.f32 v13, v32  }
0x376: {  	v24 =	vld [tilespmem:s9+$0xFFFFFC50];
	v10 =	vmax.f32 v10, v21;
	v7 =	vmul.f32 $1.442695020e+00, v7;
	v36 =	vmul.f32 $2.000000030e-01, v9  }
0x377: {  	v26 =	vld [tilespmem:s9+$0xFFFFFCD0];
	v25 =	vmul.f32 $1.442695020e+00, v10;
	v38 =	vmul.f32 $2.000000030e-01, v13  }
0x378: {  	v27 =	vld [tilespmem:s9+$0xFFFFFFD0];
	v37 =	vpop (erf);
	v17 =	vadd.f32 v33, v17;
	(erf) = vpow2.f32 v7;
	v9 =	vmax.f32 v9, v36  }
0x379: {  	v12 =	vld [tilespmem:s21+$0xFFFFFEF0];
	v11 =	vpop (erf);
	(erf) = vpow2.f32 v25;
	v7 =	vmax.f32 v13, v38  }
0x37a: {  	v41 =	vld [tilespmem:s9+$0xFFFFFDD0];
	v10 =	vpop (erf);
	v13 =	vmul.f32 $2.000000030e-01, v17;
	v40 =	vadd.f32 v8, v35;
	v16 =	vadd.f32 v63, v16  }
0x37b: {  	v43 =	vld [tilespmem:s9+$0xFFFFFE50];
	v39 =	vmul.f32 $1.442695020e+00, v9;
	v42 =	vmul.f32 $1.442695020e+00, v7;
	v9 =	vpop (erf)  }
0x37c: {  	v45 =	vld [tilespmem:s9+$0xFFFFFED0];
	[tilespmem:s13+$0xFFFFFE60] =	vst v3;
	v13 =	vmax.f32 v17, v13;
	v17 =	vmul.f32 $2.000000030e-01, v40;
	v44 =	vmul.f32 $2.000000030e-01, v16;
	v8 =	vpop (erf)  }
0x37d: {  	v15 =	vld [tilespmem:s7+$0xFFFFFE40];
	[tilespmem:s13+$0x60] =	vst v34;
	(erf) = vpow2.f32 v39;
	v13 =	vmul.f32 $1.442695020e+00, v13;
	v7 =	vpop (erf)  }
0x37e: {  	v47 =	vld [tilespmem:s21+$0xFFFFFC40];
	v12 =	vmul.f32 v37, v12;
	[tilespmem:s13+$0xE0] =	vst v37;
	v16 =	vmax.f32 v16, v44;
	v29 =	vpop (erf);
	(erf) = vpow2.f32 v42  }
0x37f: {  	v28 =	vld [tilespmem:s9+$0xFFFFFD50];
	[tilespmem:s13+$0x20] =	vst v14;
	v17 =	vmax.f32 v40, v17;
	(erf) = vpow2.f32 v13;
	v13 =	vmul.f32 $1.442695020e+00, v16  }
0x380: {  	s11 =	simm.s32 $0x90C0;
	v14 =	vld [tilespmem:s9+$0xFFFFFF50];
	[tilespmem:s13+$0xA0] =	vst v12;
	v17 =	vmul.f32 $1.442695020e+00, v17;
	v46 =	vmul.f32 v29, v27  }
0x381: {  	v48 =	vld [tilespmem:s21+$0xFFFFFE40];
	[tilespmem:s11+$0x1C0] =	vst v29  }
0x382: {  	v49 =	vld [tilespmem:s7+$0xFFFFFF80];
	(erf) = vpow2.f32 v17;
	[tilespmem:s11+$0x180] =	vst v46  }
0x383: {  	(erf) = vpow2.f32 v13;
	v21 =	vld [tilespmem:s18+$0xFFFFFFE0];
	v13 =	vpop (erf)  }
0x384: {  	v17 =	vld [tilespmem:s9+$0xFFFFFFA0];
	v12 =	vmul.f32 v13, v26  }
0x385: {  	v16 =	vld [tilespmem:s7+$0xFFFFFF40];
	[tilespmem:s11+$0xFFFFFEC0] =	vst v13;
	v13 =	vpop (erf)  }
0x386: {  	v15 =	vadd.f32 v47, v15;
	v51 =	vld [tilespmem:s21+$0xFFFFFEC0];
	[tilespmem:s11+$0xFFFFFE80] =	vst v12;
	v12 =	vmul.f32 v13, v28  }
0x387: {  	v50 =	vpop (erf);
	[tilespmem:s11+$0xFFFFFF40] =	vst v13;
	v52 =	vld [tilespmem:s18+$0xFFFFFE60]  }
0x388: {  	v53 =	vmul.f32 $2.000000030e-01, v15;
	v13 =	vmul.f32 v50, v41;
	v54 =	vld [tilespmem:s9+$0xFFFFFCA0];
	[tilespmem:s11+$0xFFFFFF00] =	vst v12  }
0x389: {  	[tilespmem:s11+$0xFFFFFFC0] =	vst v50;
	v12 =	vadd.f32 v17, v21;
	v55 =	vld [tilespmem:s18+$0xFFFFFEA0]  }
0x38a: {  	v15 =	vmax.f32 v15, v53;
	v16 =	vadd.f32 v48, v16;
	v17 =	vpop (erf);
	[tilespmem:s11+$0xFFFFFF80] =	vst v13;
	v57 =	vld [tilespmem:s9+$0xFFFFFD20]  }
0x38b: {  	v15 =	vmul.f32 $1.442695020e+00, v15;
	v23 =	vadd.f32 v51, v49;
	v56 =	vpop (erf);
	v59 =	vld [tilespmem:s18+$0xFFFFFEE0];
	v58 =	vmul.f32 $2.000000030e-01, v12  }
0x38c: {  	v30 =	vmul.f32 $2.000000030e-01, v16;
	v61 =	vld [tilespmem:s9+$0xFFFFFDA0];
	v60 =	vpop (erf)  }
0x38d: {  	v5 =	vld [tilespmem:s21+$0xFFFFFF70];
	(erf) = vpow2.f32 v15;
	v15 =	vmul.f32 $2.000000030e-01, v23;
	v62 =	vpop (erf);
	v12 =	vmax.f32 v12, v58  }
0x38e: {  	v2 =	vld [tilespmem:s21+$0xFFFFFE00];
	v24 =	vmul.f32 v62, v24;
	v27 =	vadd.f32 v54, v52;
	v12 =	vmul.f32 $1.442695020e+00, v12  }
0x38f: {  	v4 =	vld [tilespmem:s21+$0xFFFFFD00];
	v16 =	vmax.f32 v16, v30;
	v13 =	vmul.f32 v17, v43;
	v20 =	vmul.f32 v56, v45;
	[tilespmem:s11+$0xFFFFFE40] =	vst v62  }
0x390: {  	v3 =	vld [tilespmem:s21+$0xFFFFFD80];
	[tilespmem:s11+$0xFFFFFE00] =	vst v24;
	v19 =	vadd.f32 v57, v55;
	v33 =	vmul.f32 $2.000000030e-01, v27;
	(erf) = vpow2.f32 v12  }
0x391: {  	[tilespmem:s11+$0x0] =	vst v13;
	v13 =	vmax.f32 v23, v15;
	v22 =	vadd.f32 v61, v59;
	v12 =	vmul.f32 v60, v14;
	v14 =	vld [tilespmem:s18+$0xFFFFFE20]  }
0x392: {  	[tilespmem:s11+$0x40] =	vst v17;
	v15 =	vmul.f32 $1.442695020e+00, v16;
	v16 =	vld [tilespmem:s9+$0xFFFFFC20];
	v17 =	vmax.f32 v27, v33;
	v35 =	vmul.f32 $2.000000030e-01, v19  }
0x393: {  	[tilespmem:s11+$0xC0] =	vst v56;
	v36 =	vld [tilespmem:s18+$0xFFFFFF20];
	v37 =	vmul.f32 $2.000000030e-01, v22;
	v17 =	vmul.f32 $1.442695020e+00, v17  }
0x394: {  	v13 =	vmul.f32 $1.442695020e+00, v13;
	[tilespmem:s11+$0x80] =	vst v20;
	(erf) = vpow2.f32 v15;
	v15 =	vld [tilespmem:s9+$0xFFFFFE20];
	v19 =	vmax.f32 v19, v35  }
0x395: {  	v38 =	vld [tilespmem:s9+$0xFFFFFFE0];
	[tilespmem:s11+$0x100] =	vst v12;
	v12 =	vmax.f32 v22, v37;
	v19 =	vmul.f32 $1.442695020e+00, v19;
	(erf) = vpow2.f32 v17  }
0x396: {  	v17 =	vld [tilespmem:s18+$0xFFFFFF60];
	(erf) = vpow2.f32 v13  }
0x397: {  	[tilespmem:s11+$0x140] =	vst v60;
	v13 =	vadd.f32 v16, v14;
	v14 =	vld [tilespmem:s9+$0xFFFFFEA0];
	(erf) = vpow2.f32 v19  }
0x398: {  	v39 =	vld [tilespmem:s18+$0xFFFFFFA0];
	v16 =	vmul.f32 $1.442695020e+00, v12;
	v12 =	vpop (erf)  }
0x399: {  	v41 =	vld [tilespmem:s9+$0xFFFFFF20];
	v15 =	vadd.f32 v15, v36;
	v40 =	vmul.f32 $2.000000030e-01, v13;
	v42 =	vpop (erf)  }
0x39a: {  	v63 =	vld [tilespmem:s9+$0xFFFFFCE0];
	(erf) = vpow2.f32 v16;
	v21 =	vmul.f32 v42, v38  }
0x39b: {  	v6 =	vld [tilespmem:s21+$0x0];
	v44 =	vmul.f32 $2.000000030e-01, v15;
	[tilespmem:s11+$0x1D0] =	vst v42  }
0x39c: {  	v32 =	vld [tilespmem:s9+$0xFFFFFD60];
	v13 =	vmax.f32 v13, v40;
	v14 =	vadd.f32 v14, v17;
	[tilespmem:s11+$0x190] =	vst v21  }
0x39d: {  	v17 =	vmul.f32 v11, v5;
	v13 =	vmul.f32 $1.442695020e+00, v13;
	v15 =	vmax.f32 v15, v44;
	v5 =	vpop (erf);
	v21 =	vld [tilespmem:s18+$0xFFFFFFF0]  }
0x39e: {  	[tilespmem:s13+$0x160] =	vst v11;
	v19 =	vadd.f32 v41, v39;
	v15 =	vmul.f32 $1.442695020e+00, v15;
	v46 =	vmul.f32 $2.000000030e-01, v14;
	v47 =	vld [tilespmem:s9+$0xFFFFFFB0];
	v48 =	vpop (erf)  }
0x39f: {  	v34 =	vld [tilespmem:s9+$0xFFFFFDE0];
	[tilespmem:s13+$0x120] =	vst v17;
	(erf) = vpow2.f32 v13;
	v17 =	vmul.f32 v48, v63;
	v11 =	vpop (erf)  }
0x3a0: {  	(erf) = vpow2.f32 v15;
	v15 =	vld [tilespmem:s7+$0xFFFFFFC0];
	[tilespmem:s11+$0xFFFFFED0] =	vst v48;
	v13 =	vmax.f32 v14, v46;
	v14 =	vmul.f32 $2.000000030e-01, v19;
	v50 =	vpop (erf)  }
0x3a1: {  	v51 =	vld [tilespmem:s21+$0xFFFFFF40];
	v13 =	vmul.f32 $1.442695020e+00, v13;
	[tilespmem:s11+$0xFFFFFE90] =	vst v17;
	v17 =	vmul.f32 v50, v32  }
0x3a2: {  	v6 =	vmul.f32 v10, v6;
	[tilespmem:s13+$0x1F0] =	vst v10;
	v14 =	vmax.f32 v19, v14;
	v52 =	vld [tilespmem:s18+$0xFFFFFE70]  }
0x3a3: {  	v53 =	vpop (erf);
	(erf) = vpow2.f32 v13;
	v13 =	vld [tilespmem:s9+$0xFFFFFCB0];
	v14 =	vmul.f32 $1.442695020e+00, v14;
	[tilespmem:s11+$0xFFFFFF10] =	vst v17;
	v17 =	vadd.f32 v47, v21  }
0x3a4: {  	[tilespmem:s13+$0x1B0] =	vst v6;
	v16 =	vld [tilespmem:s9+$0xFFFFFC60]  }
0x3a5: {  	v43 =	vld [tilespmem:s9+$0xFFFFFE60];
	[tilespmem:s11+$0xFFFFFF50] =	vst v50;
	(erf) = vpow2.f32 v14;
	v14 =	vmul.f32 $2.000000030e-01, v17  }
0x3a6: {  	[tilespmem:s13+$0xFFFFFEF0] =	vst v9;
	v54 =	vmul.f32 v53, v34;
	v10 =	vld [tilespmem:s18+$0xFFFFFEB0]  }
0x3a7: {  	v4 =	vmul.f32 v9, v4;
	[tilespmem:s11+$0xFFFFFFD0] =	vst v53;
	v6 =	vadd.f32 v51, v15;
	v55 =	vld [tilespmem:s9+$0xFFFFFD30];
	v14 =	vmax.f32 v17, v14  }
0x3a8: {  	v45 =	vld [tilespmem:s9+$0xFFFFFEE0];
	[tilespmem:s11+$0xFFFFFF90] =	vst v54;
	v9 =	vadd.f32 v13, v52;
	v17 =	vpop (erf);
	v14 =	vmul.f32 $1.442695020e+00, v14  }
0x3a9: {  	[tilespmem:s13+$0xFFFFFEB0] =	vst v4;
	v15 =	vld [tilespmem:s18+$0xFFFFFEF0];
	v4 =	vmul.f32 $2.000000030e-01, v6;
	v16 =	vmul.f32 v17, v16  }
0x3aa: {  	v13 =	vld [tilespmem:s9+$0xFFFFFDB0];
	(erf) = vpow2.f32 v14;
	v14 =	vmul.f32 $2.000000030e-01, v9  }
0x3ab: {  	v49 =	vld [tilespmem:s9+$0xFFFFFF60];
	[tilespmem:s11+$0xFFFFFE50] =	vst v17;
	v17 =	vpop (erf)  }
0x3ac: {  	v60 =	vld [tilespmem:s9+$0xFFFFFFF0];
	v4 =	vmax.f32 v6, v4;
	v10 =	vadd.f32 v55, v10;
	[tilespmem:s11+$0xFFFFFE10] =	vst v16;
	v16 =	vmul.f32 v17, v43  }
0x3ad: {  	v6 =	vld [tilespmem:s21+$0xFFFFFC80];
	v4 =	vmul.f32 $1.442695020e+00, v4;
	[tilespmem:s11+$0x50] =	vst v17  }
0x3ae: {  	v17 =	vld [tilespmem:s18+$0xFFFFFE30];
	v9 =	vmax.f32 v9, v14;
	[tilespmem:s11+$0x10] =	vst v16;
	v16 =	vmul.f32 $2.000000030e-01, v10;
	v14 =	vpop (erf)  }
0x3af: {  	[tilespmem:s13+$0xFFFFFF70] =	vst v8;
	v13 =	vadd.f32 v13, v15;
	v15 =	vld [tilespmem:s9+$0xFFFFFC30];
	v9 =	vmul.f32 $1.442695020e+00, v9;
	v20 =	vmul.f32 v14, v45  }
0x3b0: {  	(erf) = vpow2.f32 v4;
	[tilespmem:s11+$0xD0] =	vst v14;
	v14 =	vld [tilespmem:s18+$0xFFFFFF30]  }
0x3b1: {  	v10 =	vmax.f32 v10, v16;
	v16 =	vmul.f32 $2.000000030e-01, v13;
	v4 =	vpop (erf);
	(erf) = vpow2.f32 v9;
	v9 =	vld [tilespmem:s9+$0xFFFFFE30];
	[tilespmem:s11+$0x90] =	vst v20  }
0x3b2: {  	v3 =	vmul.f32 v8, v3;
	v59 =	vmul.f32 v4, v49;
	[tilespmem:s11+$0x150] =	vst v4;
	v4 =	vld [tilespmem:s18+$0xFFFFFF70]  }
0x3b3: {  	[tilespmem:s13+$0xFFFFFFF0] =	vst v7;
	v2 =	vmul.f32 v7, v2;
	v10 =	vmul.f32 $1.442695020e+00, v10;
	v8 =	vmax.f32 v13, v16;
	v13 =	vld [tilespmem:s9+$0xFFFFFEB0]  }
0x3b4: {  	[tilespmem:s13+$0xFFFFFF30] =	vst v3;
	v56 =	vld [tilespmem:s9+$0xFFFFFCF0]  }
0x3b5: {  	[tilespmem:s13+$0xFFFFFFB0] =	vst v2;
	v57 =	vld [tilespmem:s9+$0xFFFFFD70];
	(erf) = vpow2.f32 v10;
	v10 =	vadd.f32 v15, v17;
	v16 =	vpop (erf)  }
0x3b6: {  	v58 =	vld [tilespmem:s9+$0xFFFFFDF0];
	v8 =	vmul.f32 $1.442695020e+00, v8;
	[tilespmem:s11+$0x110] =	vst v59;
	v7 =	vmul.f32 v16, v60  }
0x3b7: {  	v15 =	vld [tilespmem:s18+$0xFFFFFFB0];
	v17 =	vmul.f32 $2.000000030e-01, v10;
	[tilespmem:s11+$0x1E0] =	vst v16;
	v9 =	vadd.f32 v9, v14  }
0x3b8: {  	v6 =	vmul.f32 v12, v6;
	v3 =	vld [tilespmem:s9+$0xFFFFFF30];
	(erf) = vpow2.f32 v8;
	[tilespmem:s11+$0x1A0] =	vst v7;
	v4 =	vadd.f32 v13, v4  }
0x3b9: {  	[tilespmem:s13+$0xFFFFFE70] =	vst v12;
	v2 =	vmax.f32 v10, v17;
	v12 =	vmul.f32 $2.000000030e-01, v9;
	v10 =	vld [tilespmem:s18+$0x0]  }
0x3ba: {  	[tilespmem:s13+$0xFFFFFE30] =	vst v6;
	v13 =	vld [tilespmem:s9+$0xFFFFFFC0];
	v6 =	vmul.f32 $2.000000030e-01, v4  }
0x3bb: {  	v61 =	vld [tilespmem:s9+$0xFFFFFC70];
	v7 =	vmul.f32 $1.442695020e+00, v2;
	v9 =	vmax.f32 v9, v12  }
0x3bc: {  	v8 =	vld [tilespmem:s9+$0xFFFFFEF0];
	v2 =	vpop (erf);
	v9 =	vmul.f32 $1.442695020e+00, v9;
	v4 =	vmax.f32 v4, v6  }
0x3bd: {  	(erf) = vpow2.f32 v7;
	v12 =	vld [tilespmem:s21+$0xFFFFFE80];
	v3 =	vadd.f32 v3, v15;
	v16 =	vpop (erf);
	v4 =	vmul.f32 $1.442695020e+00, v4  }
0x3be: {  	v14 =	vld [tilespmem:s9+$0xFFFFFE70];
	[tilespmem:s11+$0xFFFFFEE0] =	vst v16;
	v16 =	vmul.f32 v16, v56;
	(erf) = vpow2.f32 v9  }
0x3bf: {  	v17 =	vld [tilespmem:s21+$0xFFFFFF00];
	[tilespmem:s13+$0x70] =	vst v5;
	v6 =	vpop (erf);
	(erf) = vpow2.f32 v4;
	v4 =	vadd.f32 v13, v10;
	v10 =	vmul.f32 $2.000000030e-01, v3  }
0x3c0: {  	[tilespmem:s11+$0xFFFFFEA0] =	vst v16;
	v16 =	vld [tilespmem:s21+$0xFFFFFF80]  }
0x3c1: {  	v7 =	vld [tilespmem:s9+$0xFFFFFF70];
	[tilespmem:s11+$0xFFFFFF60] =	vst v6;
	v6 =	vmul.f32 v6, v57;
	v9 =	vpop (erf);
	v3 =	vmax.f32 v3, v10  }
0x3c2: {  	v15 =	vld [tilespmem:s18+$0xFFFFFE80];
	v5 =	vmul.f32 v5, v12;
	[tilespmem:s11+$0xFFFFFFE0] =	vst v9;
	v3 =	vmul.f32 $1.442695020e+00, v3  }
0x3c3: {  	v13 =	vld [tilespmem:s9+$0xFFFFFCC0];
	[tilespmem:s11+$0xFFFFFF20] =	vst v6;
	v6 =	vmul.f32 v9, v58;
	v12 =	vmul.f32 $2.000000030e-01, v4  }
0x3c4: {  	[tilespmem:s13+$0x30] =	vst v5;
	v62 =	vld [tilespmem:s18+$0xFFFFFEC0];
	(erf) = vpow2.f32 v3  }
0x3c5: {  	v63 =	vld [tilespmem:s9+$0xFFFFFD40];
	v5 =	vmul.f32 v2, v16;
	[tilespmem:s11+$0xFFFFFFA0] =	vst v6;
	v4 =	vmax.f32 v4, v12  }
0x3c6: {  	[tilespmem:s13+$0xF0] =	vst v11;
	v6 =	vmul.f32 v11, v17;
	v11 =	vpop (erf);
	v9 =	vld [tilespmem:s18+$0xFFFFFF00];
	v4 =	vmul.f32 $1.442695020e+00, v4  }
0x3c7: {  	v10 =	vld [tilespmem:s9+$0xFFFFFDC0];
	[tilespmem:s11+$0xFFFFFE60] =	vst v11  }
0x3c8: {  	v12 =	vmul.f32 v11, v61;
	v3 =	vld [tilespmem:s9+$0xFFFFFD80];
	[tilespmem:s13+$0x130] =	vst v5;
	(erf) = vpow2.f32 v4  }
0x3c9: {  	v11 =	vadd.f32 v13, v15;
	[tilespmem:s13+$0xB0] =	vst v6;
	v6 =	vld [tilespmem:s9+$0xFFFFFD00];
	v15 =	vpop (erf)  }
0x3ca: {  	[tilespmem:s11+$0xFFFFFE20] =	vst v12;
	v4 =	vld [tilespmem:s9+$0xFFFFFE00];
	v14 =	vmul.f32 v15, v14;
	v12 =	vadd.f32 v63, v62  }
0x3cb: {  	s3 =	simm.s32 $0x8;
	s6 =	simm.s32 $0x2CB0;
	s7 =	simm.s32 $0x6AB0;
	v13 =	vmul.f32 $2.000000030e-01, v11;
	[tilespmem:s11+$0x60] =	vst v15;
	v5 =	vld [tilespmem:s18+$0xFFFFFE40];
	v15 =	vpop (erf)  }
.LBB2_15:
0x3cc: {  	v16 =	vld [tilespmem:s6+$0xFFFFFFD0];
	v17 =	vmul.f32 $2.000000030e-01, v12;
	v9 =	vadd.f32 v10, v9;
	[tilespmem:s11+$0x20] =	vst v14;
	v8 =	vmul.f32 v15, v8  }
0x3cd: {  	v10 =	vmax.f32 v11, v13;
	s7 =	sadd.s32 $0x400, s7;
	[tilespmem:s11+$0xE0] =	vst v15;
	v11 =	vld [tilespmem:s9+$0x0];
	v13 =	vpop (erf)  }
0x3ce: {  	v14 =	vld [tilespmem:s7+$0xFFFFFF90];
	v12 =	vmax.f32 v12, v17;
	v15 =	vmul.f32 $2.000000030e-01, v9;
	[tilespmem:s11+$0xA0] =	vst v8;
	v7 =	vmul.f32 v13, v7  }
0x3cf: {  	v17 =	vmul.f32 $1.442695020e+00, v10;
	v8 =	vld [tilespmem:s7+$0xFFFFFC10];
	v12 =	vmul.f32 $1.442695020e+00, v12;
	[tilespmem:s11+$0x160] =	vst v13  }
0x3d0: {  	v13 =	vld [tilespmem:s6+$0xFFFFFE50];
	v9 =	vmax.f32 v9, v15;
	[tilespmem:s11+$0x120] =	vst v7  }
0x3d1: {  	s3 =	sadd.s32 $0x8, s3;
	v7 =	vld [tilespmem:s7+$0xFFFFFC90];
	v9 =	vmul.f32 $1.442695020e+00, v9;
	(erf) = vpow2.f32 v17;
	v10 =	vpop (erf);
	[tilespmem:s13+$0x170] =	vst v2;
	s13 =	smov.u32 s11  }
0x3d2: {  	p1 =	slt.u32 s3, $0x48;
	v2 =	vld [tilespmem:s6+$0xFFFFFE90];
	v11 =	vmul.f32 v10, v11;
	[tilespmem:s11+$0x1F0] =	vst v10;
	(erf) = vpow2.f32 v12  }
0x3d3: {  	v10 =	vld [tilespmem:s7+$0xFFFFFD10];
	v12 =	vadd.f32 v14, v16;
	(erf) = vpow2.f32 v9  }
0x3d4: {  	v9 =	vld [tilespmem:s6+$0xFFFFFED0];
	[tilespmem:s11+$0x1B0] =	vst v11  }
0x3d5: {  	v11 =	vld [tilespmem:s7+$0xFFFFFD90];
	v14 =	vmul.f32 $2.000000030e-01, v12  }
0x3d6: {  	v7 =	vadd.f32 v7, v13;
	v13 =	vld [tilespmem:s6+$0xFFFFFF10]  }
0x3d7: {  	v15 =	vld [tilespmem:s7+$0xFFFFFE10];
	v12 =	vmax.f32 v12, v14  }
0x3d8: {  	v14 =	vmul.f32 $2.000000030e-01, v7;
	v2 =	vadd.f32 v10, v2;
	v10 =	vld [tilespmem:s6+$0xFFFFFF50];
	v18 =	vmul.f32 $1.442695020e+00, v12  }
0x3d9: {  	v16 =	vld [tilespmem:s7+$0xFFFFFE90]  }
0x3da: {  	v17 =	vmul.f32 $2.000000030e-01, v2;
	v9 =	vadd.f32 v11, v9;
	v11 =	vld [tilespmem:s6+$0xFFFFFF90];
	(erf) = vpow2.f32 v18;
	v12 =	vpop (erf)  }
0x3db: {  	v7 =	vmax.f32 v7, v14;
	v14 =	vld [tilespmem:s7+$0xFFFFFF10];
	v6 =	vmul.f32 v12, v6;
	[tilespmem:s11+$0xFFFFFEF0] =	vst v12;
	v12 =	vpop (erf)  }
0x3dc: {  	v18 =	vld [tilespmem:s6+$0xFFFFFE10];
	v2 =	vmax.f32 v2, v17;
	v17 =	vmul.f32 $2.000000030e-01, v9;
	v13 =	vadd.f32 v15, v13;
	[tilespmem:s11+$0xFFFFFF70] =	vst v12;
	v15 =	vpop (erf)  }
0x3dd: {  	v7 =	vmul.f32 $1.442695020e+00, v7;
	v19 =	vld [tilespmem:s7+$0xFFFFFC50];
	v2 =	vmul.f32 $1.442695020e+00, v2;
	[tilespmem:s11+$0xFFFFFEB0] =	vst v6  }
0x3de: {  	v6 =	vld [tilespmem:s7+$0xFFFFFCD0];
	v9 =	vmax.f32 v9, v17;
	v17 =	vmul.f32 $2.000000030e-01, v13;
	v10 =	vadd.f32 v16, v10;
	[tilespmem:s11+$0xFFFFFFF0] =	vst v15  }
0x3df: {  	v9 =	vmul.f32 $1.442695020e+00, v9;
	v16 =	vld [tilespmem:s7+$0xFFFFFFD0];
	(erf) = vpow2.f32 v7  }
0x3e0: {  	v7 =	vld [tilespmem:s7+$0xFFFFFD50];
	v13 =	vmax.f32 v13, v17;
	v17 =	vmul.f32 $2.000000030e-01, v10;
	v11 =	vadd.f32 v14, v11  }
0x3e1: {  	v8 =	vadd.f32 v8, v18;
	v14 =	vld [tilespmem:s7+$0xFFFFFDD0];
	v13 =	vmul.f32 $1.442695020e+00, v13;
	(erf) = vpow2.f32 v2  }
0x3e2: {  	v2 =	vld [tilespmem:s7+$0xFFFFFE50];
	v10 =	vmax.f32 v10, v17;
	v17 =	vmul.f32 $2.000000030e-01, v11;
	(erf) = vpow2.f32 v9  }
0x3e3: {  	v9 =	vmul.f32 $2.000000030e-01, v8;
	v18 =	vld [tilespmem:s7+$0xFFFFFED0];
	v10 =	vmul.f32 $1.442695020e+00, v10;
	v20 =	vpop (erf)  }
0x3e4: {  	s11 =	sadd.s32 $0x400, s11;
	v21 =	vld [tilespmem:s7+$0xFFFFFF50];
	v11 =	vmax.f32 v11, v17;
	v16 =	vmul.f32 v20, v16;
	(erf) = vpow2.f32 v13  }
0x3e5: {  	v8 =	vmax.f32 v8, v9;
	v9 =	vmul.f32 $1.442695020e+00, v11;
	[tilespmem:s11+$0x1C0] =	vst v20;
	(erf) = vpow2.f32 v10;
	v10 =	vld [tilespmem:s9+$0xFFFFFC40]  }
0x3e6: {  	v3 =	vmul.f32 v12, v3;
	v13 =	vmul.f32 $1.442695020e+00, v8;
	[tilespmem:s11+$0x180] =	vst v16;
	v11 =	vld [tilespmem:s18+$0xFFFFFF40]  }
0x3e7: {  	v4 =	vmul.f32 v15, v4;
	v12 =	vld [tilespmem:s6+$0xFFFFFFE0];
	(erf) = vpow2.f32 v9  }
0x3e8: {  	v9 =	vld [tilespmem:s7+$0xFFFFFFA0];
	(erf) = vpow2.f32 v13;
	v8 =	vpop (erf);
	[tilespmem:s13+$0xFFFFFF30] =	vst v3  }
0x3e9: {  	v3 =	vmul.f32 v8, v6;
	[tilespmem:s11+$0xFFFFFEC0] =	vst v8;
	v6 =	vld [tilespmem:s9+$0xFFFFFE40]  }
0x3ea: {  	v8 =	vpop (erf);
	v5 =	vadd.f32 v10, v5;
	[tilespmem:s13+$0xFFFFFFB0] =	vst v4;
	v4 =	vld [tilespmem:s18+$0xFFFFFF80]  }
0x3eb: {  	[tilespmem:s11+$0xFFFFFE80] =	vst v3;
	v3 =	vmul.f32 v8, v7;
	v7 =	vpop (erf);
	v10 =	vld [tilespmem:s9+$0xFFFFFEC0]  }
0x3ec: {  	v13 =	vld [tilespmem:s6+$0xFFFFFE60];
	[tilespmem:s11+$0xFFFFFF40] =	vst v8;
	v16 =	vmul.f32 v7, v14;
	v14 =	vmul.f32 $2.000000030e-01, v5  }
0x3ed: {  	v15 =	vld [tilespmem:s7+$0xFFFFFCA0];
	[tilespmem:s11+$0xFFFFFF00] =	vst v3;
	v3 =	vadd.f32 v9, v12;
	v9 =	vpop (erf)  }
0x3ee: {  	v12 =	vld [tilespmem:s6+$0xFFFFFEA0];
	[tilespmem:s11+$0xFFFFFF80] =	vst v16;
	v17 =	vmul.f32 v9, v2;
	v8 =	vpop (erf);
	v5 =	vmax.f32 v5, v14;
	v6 =	vadd.f32 v6, v11  }
0x3ef: {  	v11 =	vld [tilespmem:s7+$0xFFFFFD20];
	[tilespmem:s11+$0xFFFFFFC0] =	vst v7;
	v7 =	vmul.f32 v8, v18;
	v18 =	vmul.f32 $2.000000030e-01, v3  }
0x3f0: {  	v5 =	vmul.f32 $1.442695020e+00, v5;
	v16 =	vld [tilespmem:s6+$0xFFFFFEE0];
	[tilespmem:s11+$0x0] =	vst v17;
	v2 =	vpop (erf);
	v17 =	vmul.f32 $2.000000030e-01, v6;
	v4 =	vadd.f32 v10, v4  }
0x3f1: {  	v10 =	vld [tilespmem:s7+$0xFFFFFDA0];
	[tilespmem:s11+$0x80] =	vst v7;
	v7 =	vmul.f32 v2, v21;
	v3 =	vmax.f32 v3, v18;
	v14 =	vpop (erf)  }
0x3f2: {  	v18 =	vmul.f32 v14, v19;
	[tilespmem:s11+$0xFFFFFE40] =	vst v14;
	v14 =	vld [tilespmem:s7+$0xFFFFFCE0];
	v13 =	vadd.f32 v15, v13;
	v3 =	vmul.f32 $1.442695020e+00, v3  }
0x3f3: {  	v6 =	vmax.f32 v6, v17;
	v15 =	vld [tilespmem:s7+$0xFFFFFD60];
	[tilespmem:s11+$0x100] =	vst v7;
	v7 =	vmul.f32 $2.000000030e-01, v4;
	(erf) = vpow2.f32 v5  }
0x3f4: {  	[tilespmem:s11+$0xFFFFFE00] =	vst v18;
	v5 =	vmul.f32 $2.000000030e-01, v13;
	v11 =	vadd.f32 v11, v12;
	v12 =	vld [tilespmem:s7+$0xFFFFFDE0];
	(erf) = vpow2.f32 v3  }
0x3f5: {  	v6 =	vmul.f32 $1.442695020e+00, v6;
	v3 =	vld [tilespmem:s6+$0xFFFFFE20];
	[tilespmem:s11+$0x40] =	vst v9;
	v4 =	vmax.f32 v4, v7  }
0x3f6: {  	v7 =	vld [tilespmem:s7+$0xFFFFFC20];
	v5 =	vmax.f32 v13, v5;
	v9 =	vmul.f32 $2.000000030e-01, v11;
	v10 =	vadd.f32 v10, v16;
	[tilespmem:s11+$0xC0] =	vst v8  }
0x3f7: {  	v5 =	vmul.f32 $1.442695020e+00, v5;
	v8 =	vld [tilespmem:s6+$0xFFFFFF20];
	[tilespmem:s11+$0x140] =	vst v2;
	v2 =	vmul.f32 $1.442695020e+00, v4  }
0x3f8: {  	v4 =	vmax.f32 v11, v9;
	v9 =	vmul.f32 $2.000000030e-01, v10;
	v11 =	vld [tilespmem:s7+$0xFFFFFE20];
	(erf) = vpow2.f32 v6  }
0x3f9: {  	v4 =	vmul.f32 $1.442695020e+00, v4;
	v6 =	vld [tilespmem:s7+$0xFFFFFFE0];
	(erf) = vpow2.f32 v5  }
0x3fa: {  	v5 =	vmax.f32 v10, v9;
	v9 =	vld [tilespmem:s6+$0xFFFFFF60];
	(erf) = vpow2.f32 v2  }
0x3fb: {  	v3 =	vadd.f32 v7, v3;
	v13 =	vmul.f32 $1.442695020e+00, v5;
	v7 =	vld [tilespmem:s7+$0xFFFFFEA0];
	(erf) = vpow2.f32 v4  }
0x3fc: {  	v4 =	vld [tilespmem:s6+$0xFFFFFFA0];
	v2 =	vpop (erf)  }
0x3fd: {  	v10 =	vmul.f32 $2.000000030e-01, v3;
	v8 =	vadd.f32 v11, v8;
	v11 =	vld [tilespmem:s7+$0xFFFFFF20];
	(erf) = vpow2.f32 v13;
	v5 =	vpop (erf)  }
0x3fe: {  	v13 =	vld [tilespmem:s7+$0xFFFFFC60];
	v6 =	vmul.f32 v5, v6  }
0x3ff: {  	v18 =	vmax.f32 v3, v10;
	v10 =	vld [tilespmem:s7+$0xFFFFFE60];
	v16 =	vmul.f32 $2.000000030e-01, v8;
	[tilespmem:s11+$0x1D0] =	vst v5  }
0x400: {  	v5 =	vmul.f32 $1.442695020e+00, v18;
	v17 =	vld [tilespmem:s7+$0xFFFFFEE0];
	v7 =	vadd.f32 v7, v9;
	[tilespmem:s11+$0x190] =	vst v6  }
0x401: {  	v6 =	vmax.f32 v8, v16;
	v8 =	vld [tilespmem:s6+$0xFFFFFFF0];
	v3 =	vpop (erf)  }
0x402: {  	v6 =	vmul.f32 $1.442695020e+00, v6;
	v19 =	vmul.f32 $2.000000030e-01, v7;
	v11 =	vadd.f32 v11, v4;
	v16 =	vld [tilespmem:s7+$0xFFFFFFB0];
	v4 =	vpop (erf)  }
0x403: {  	v14 =	vmul.f32 v4, v14;
	[tilespmem:s11+$0xFFFFFED0] =	vst v4;
	v18 =	vld [tilespmem:s7+$0xFFFFFF60];
	(erf) = vpow2.f32 v5;
	v4 =	vpop (erf)  }
0x404: {  	v5 =	vmax.f32 v7, v19;
	v7 =	vmul.f32 $2.000000030e-01, v11;
	v9 =	vpop (erf);
	(erf) = vpow2.f32 v6;
	v6 =	vld [tilespmem:s18+$0xFFFFFFC0];
	s18 =	smov.u32 s6  }
0x405: {  	[tilespmem:s11+$0xFFFFFE90] =	vst v14;
	v14 =	vmul.f32 v9, v15;
	v5 =	vmul.f32 $1.442695020e+00, v5;
	v15 =	vld [tilespmem:s9+$0xFFFFFF40]  }
0x406: {  	v19 =	vld [tilespmem:s6+$0xFFFFFE70];
	[tilespmem:s11+$0xFFFFFF50] =	vst v9;
	v7 =	vmax.f32 v11, v7;
	v9 =	vpop (erf)  }
0x407: {  	v11 =	vld [tilespmem:s7+$0xFFFFFCB0];
	[tilespmem:s11+$0xFFFFFF10] =	vst v14;
	v7 =	vmul.f32 $1.442695020e+00, v7;
	v8 =	vadd.f32 v16, v8;
	(erf) = vpow2.f32 v5  }
0x408: {  	v12 =	vmul.f32 v9, v12;
	v5 =	vld [tilespmem:s6+$0xFFFFFEB0];
	[tilespmem:s11+$0xFFFFFFD0] =	vst v9  }
0x409: {  	v9 =	vld [tilespmem:s7+$0xFFFFFD30];
	v20 =	vmul.f32 $2.000000030e-01, v8;
	(erf) = vpow2.f32 v7  }
0x40a: {  	v16 =	vld [tilespmem:s7+$0xFFFFFCF0];
	[tilespmem:s11+$0xFFFFFF90] =	vst v12;
	v6 =	vadd.f32 v15, v6  }
0x40b: {  	v7 =	vld [tilespmem:s6+$0xFFFFFEF0];
	v8 =	vmax.f32 v8, v20  }
0x40c: {  	v11 =	vadd.f32 v11, v19;
	v12 =	vld [tilespmem:s7+$0xFFFFFDB0];
	v8 =	vmul.f32 $1.442695020e+00, v8;
	v14 =	vpop (erf);
	v15 =	vmul.f32 $2.000000030e-01, v6  }
0x40d: {  	v13 =	vmul.f32 v14, v13;
	[tilespmem:s11+$0xFFFFFE50] =	vst v14;
	v14 =	vld [tilespmem:s7+$0xFFFFFD70];
	v19 =	vpop (erf)  }
0x40e: {  	v5 =	vadd.f32 v9, v5;
	v9 =	vld [tilespmem:s7+$0xFFFFFDF0];
	v20 =	vmul.f32 v19, v10;
	[tilespmem:s11+$0x50] =	vst v19;
	(erf) = vpow2.f32 v8  }
0x40f: {  	v8 =	vmul.f32 $2.000000030e-01, v11;
	v6 =	vmax.f32 v6, v15;
	[tilespmem:s11+$0xFFFFFE10] =	vst v13;
	v13 =	vld [tilespmem:s9+$0xFFFFFC80]  }
0x410: {  	v6 =	vmul.f32 $1.442695020e+00, v6;
	v15 =	vld [tilespmem:s6+$0xFFFFFE30];
	v19 =	vmul.f32 $2.000000030e-01, v5;
	[tilespmem:s11+$0x10] =	vst v20;
	v10 =	vpop (erf)  }
0x411: {  	v8 =	vmax.f32 v11, v8;
	v20 =	vld [tilespmem:s7+$0xFFFFFC30];
	v7 =	vadd.f32 v12, v7;
	v11 =	vmul.f32 v10, v17;
	[tilespmem:s11+$0xD0] =	vst v10  }
0x412: {  	v8 =	vmul.f32 $1.442695020e+00, v8;
	v5 =	vmax.f32 v5, v19;
	v10 =	vld [tilespmem:s6+$0xFFFFFF30];
	v12 =	vpop (erf);
	[tilespmem:s13+$0xFFFFFE70] =	vst v2;
	(erf) = vpow2.f32 v6  }
0x413: {  	v6 =	vmul.f32 $2.000000030e-01, v7;
	[tilespmem:s11+$0x90] =	vst v11;
	v11 =	vmul.f32 v12, v18;
	v17 =	vld [tilespmem:s7+$0xFFFFFFF0]  }
0x414: {  	v5 =	vmul.f32 $1.442695020e+00, v5;
	v18 =	vld [tilespmem:s7+$0xFFFFFE30];
	[tilespmem:s11+$0x150] =	vst v12;
	(erf) = vpow2.f32 v8  }
0x415: {  	v2 =	vmul.f32 v2, v13;
	v6 =	vmax.f32 v7, v6;
	v7 =	vld [tilespmem:s6+$0xFFFFFF70];
	[tilespmem:s11+$0x110] =	vst v11  }
0x416: {  	v8 =	vadd.f32 v20, v15;
	v6 =	vmul.f32 $1.442695020e+00, v6;
	v11 =	vld [tilespmem:s7+$0xFFFFFEB0];
	(erf) = vpow2.f32 v5  }
0x417: {  	v5 =	vld [tilespmem:s6+$0xFFFFFFB0];
	v12 =	vpop (erf);
	[tilespmem:s13+$0xFFFFFE30] =	vst v2  }
0x418: {  	v20 =	vmul.f32 $2.000000030e-01, v8;
	v13 =	vld [tilespmem:s7+$0xFFFFFF30];
	v15 =	vmul.f32 v12, v17  }
0x419: {  	v17 =	vld [tilespmem:s7+$0xFFFFFC70];
	v10 =	vadd.f32 v18, v10;
	[tilespmem:s11+$0x1E0] =	vst v12;
	(erf) = vpow2.f32 v6  }
0x41a: {  	v19 =	vmax.f32 v8, v20;
	v18 =	vld [tilespmem:s7+$0xFFFFFE70];
	[tilespmem:s11+$0x1A0] =	vst v15  }
0x41b: {  	v6 =	vmul.f32 $1.442695020e+00, v19;
	v8 =	vmul.f32 $2.000000030e-01, v10;
	v11 =	vadd.f32 v11, v7;
	v12 =	vld [tilespmem:s6+$0x0];
	v2 =	vpop (erf)  }
0x41c: {  	v15 =	vld [tilespmem:s7+$0xFFFFFFC0]  }
0x41d: {  	v7 =	vmax.f32 v10, v8;
	v8 =	vld [tilespmem:s7+$0xFFFFFEF0];
	v10 =	vmul.f32 $2.000000030e-01, v11;
	v5 =	vadd.f32 v13, v5;
	v13 =	vpop (erf)  }
0x41e: {  	[tilespmem:s11+$0xFFFFFEE0] =	vst v13;
	v19 =	vmul.f32 $1.442695020e+00, v7;
	v7 =	vld [tilespmem:s7+$0xFFFFFF70];
	(erf) = vpow2.f32 v6  }
0x41f: {  	v6 =	vmul.f32 v13, v16;
	v10 =	vmax.f32 v11, v10;
	v11 =	vmul.f32 $2.000000030e-01, v5;
	v13 =	vpop (erf);
	v16 =	vld [tilespmem:s9+$0xFFFFFE80];
	[tilespmem:s13+$0x70] =	vst v3  }
0x420: {  	[tilespmem:s11+$0xFFFFFF60] =	vst v13;
	v10 =	vmul.f32 $1.442695020e+00, v10;
	(erf) = vpow2.f32 v19;
	v19 =	vld [tilespmem:s9+$0xFFFFFF00]  }
0x421: {  	[tilespmem:s11+$0xFFFFFEA0] =	vst v6;
	v6 =	vmul.f32 v13, v14;
	v5 =	vmax.f32 v5, v11;
	v11 =	vadd.f32 v15, v12;
	v12 =	vld [tilespmem:s9+$0xFFFFFF80];
	s9 =	smov.u32 s7  }
0x422: {  	v13 =	vld [tilespmem:s6+$0xFFFFFE80];
	v5 =	vmul.f32 $1.442695020e+00, v5;
	v14 =	vpop (erf);
	(erf) = vpow2.f32 v10;
	[tilespmem:s13+$0xF0] =	vst v4  }
0x423: {  	v15 =	vld [tilespmem:s7+$0xFFFFFCC0];
	[tilespmem:s11+$0xFFFFFF20] =	vst v6;
	v6 =	vmul.f32 v14, v9;
	v9 =	vmul.f32 $2.000000030e-01, v11  }
0x424: {  	v20 =	vld [tilespmem:s6+$0xFFFFFEC0];
	[tilespmem:s11+$0xFFFFFFE0] =	vst v14;
	(erf) = vpow2.f32 v5;
	v16 =	vmul.f32 v3, v16  }
0x425: {  	v5 =	vld [tilespmem:s7+$0xFFFFFD40];
	[tilespmem:s11+$0xFFFFFFA0] =	vst v6;
	v6 =	vmax.f32 v11, v9;
	v4 =	vmul.f32 v4, v19  }
0x426: {  	v9 =	vld [tilespmem:s6+$0xFFFFFF00];
	v14 =	vmul.f32 $1.442695020e+00, v6;
	[tilespmem:s13+$0x30] =	vst v16;
	v12 =	vmul.f32 v2, v12  }
.Ltmp7:
0x427: {  	v10 =	vld [tilespmem:s7+$0xFFFFFDC0];
	v3 =	vpop (erf);
	[tilespmem:s13+$0xB0] =	vst v4;
	(pc) =	sbr.rel @p1 .LBB2_15-.Ltmp7, $4  }
0x428: {  	v4 =	vmul.f32 v3, v17;
	[tilespmem:s11+$0xFFFFFE60] =	vst v3;
	v6 =	vld [tilespmem:s7+$0xFFFFFD00];
	v11 =	vadd.f32 v15, v13;
	(erf) = vpow2.f32 v14  }
0x429: {  	v3 =	vld [tilespmem:s7+$0xFFFFFD80];
	v15 =	vpop (erf);
	[tilespmem:s13+$0x130] =	vst v12  }
0x42a: {  	[tilespmem:s11+$0xFFFFFE20] =	vst v4;
	v13 =	vmul.f32 $2.000000030e-01, v11;
	v12 =	vadd.f32 v5, v20;
	v4 =	vld [tilespmem:s7+$0xFFFFFE00];
	v14 =	vmul.f32 v15, v18  }
0x42b: {  	s6 =	sadd.s32 $0x200, s6;
	v5 =	vld [tilespmem:s18+$0xFFFFFE40];
	[tilespmem:s11+$0x60] =	vst v15;
	v15 =	vpop (erf)  }
0x42c: {  	v42 =	vld [tilespmem:s9+$0xFFFFFC40]  }
0x42d: {  	[tilespmem:s11+$0x20] =	vst v14;
	v8 =	vmul.f32 v15, v8;
	v51 =	vld [tilespmem:s9+$0x0]  }
0x42e: {  	[tilespmem:s11+$0xE0] =	vst v15;
	v43 =	vpop (erf);
	v16 =	vld [tilespmem:s18+$0xFFFFFF40]  }
0x42f: {  	v9 =	vadd.f32 v10, v9;
	v44 =	vld [tilespmem:s9+$0xFFFFFE40];
	[tilespmem:s11+$0xA0] =	vst v8;
	v7 =	vmul.f32 v43, v7  }
0x430: {  	v45 =	vmul.f32 $2.000000030e-01, v12;
	v11 =	vmax.f32 v11, v13;
	[tilespmem:s11+$0x160] =	vst v43;
	v46 =	vld [tilespmem:s18+$0xFFFFFF80]  }
0x431: {  	v11 =	vmul.f32 $1.442695020e+00, v11;
	v17 =	vmul.f32 $2.000000030e-01, v9;
	v47 =	vld [tilespmem:s9+$0xFFFFFEC0];
	[tilespmem:s11+$0x120] =	vst v7  }
0x432: {  	v10 =	vmax.f32 v12, v45;
	v48 =	vld [tilespmem:s18+$0xFFFFFFC0];
	v5 =	vadd.f32 v42, v5  }
0x433: {  	v10 =	vmul.f32 $1.442695020e+00, v10;
	(erf) = vpow2.f32 v11;
	v9 =	vmax.f32 v9, v17;
	v49 =	vld [tilespmem:s9+$0xFFFFFF40]  }
0x434: {  	v9 =	vmul.f32 $1.442695020e+00, v9;
	v56 =	vpop (erf);
	v8 =	vadd.f32 v44, v16;
	v50 =	vmul.f32 $2.000000030e-01, v5  }
0x435: {  	[tilespmem:s13+$0x170] =	vst v2;
	(erf) = vpow2.f32 v10;
	v2 =	vmul.f32 v56, v51  }
0x436: {  	v7 =	vadd.f32 v47, v46;
	v52 =	vmul.f32 $2.000000030e-01, v8;
	v5 =	vmax.f32 v5, v50  }
0x437: {  	(erf) = vpow2.f32 v9;
	v5 =	vmul.f32 $1.442695020e+00, v5  }
0x438: {  	v53 =	vadd.f32 v49, v48;
	v54 =	vmul.f32 $2.000000030e-01, v7;
	v8 =	vmax.f32 v8, v52  }
0x439: {  	v8 =	vmul.f32 $1.442695020e+00, v8;
	(erf) = vpow2.f32 v5  }
0x43a: {  	v55 =	vmul.f32 $2.000000030e-01, v53  }
0x43b: {  	v7 =	vmax.f32 v7, v54;
	(erf) = vpow2.f32 v8  }
0x43c: {  	[tilespmem:s11+$0x1F0] =	vst v56;
	v7 =	vmul.f32 $1.442695020e+00, v7;
	v5 =	vmax.f32 v53, v55  }
0x43d: {  	[tilespmem:s11+$0x1B0] =	vst v2;
	v2 =	vpop (erf);
	v5 =	vmul.f32 $1.442695020e+00, v5  }
0x43e: {  	v57 =	vld [tilespmem:s9+$0xFFFFFC80];
	v6 =	vmul.f32 v2, v6;
	[tilespmem:s11+$0xFFFFFEF0] =	vst v2;
	v2 =	vpop (erf);
	(erf) = vpow2.f32 v7  }
0x43f: {  	[tilespmem:s11+$0xFFFFFF70] =	vst v2;
	(erf) = vpow2.f32 v5  }
0x440: {  	v59 =	vld [tilespmem:s9+$0xFFFFFE80];
	[tilespmem:s11+$0xFFFFFEB0] =	vst v6;
	v2 =	vmul.f32 v2, v3;
	v58 =	vpop (erf)  }
0x441: {  	[tilespmem:s11+$0xFFFFFFF0] =	vst v58;
	v3 =	vmul.f32 v58, v4  }
0x442: {  	[tilespmem:s11+$0xFFFFFF30] =	vst v2;
	v60 =	vpop (erf)  }
0x443: {  	v2 =	vld [tilespmem:s9+$0xFFFFFF00];
	[tilespmem:s11+$0xFFFFFFB0] =	vst v3;
	v3 =	vmul.f32 v60, v57  }
0x444: {  	v61 =	vld [tilespmem:s9+$0xFFFFFF80];
	[tilespmem:s11+$0xFFFFFE70] =	vst v60;
	v62 =	vpop (erf)  }
0x445: {  	[tilespmem:s11+$0x70] =	vst v62;
	v4 =	vmul.f32 v62, v59  }
0x446: {  	s0 =	sadd.s32 $0x1, s0;
	[tilespmem:s11+$0xFFFFFE30] =	vst v3  }
0x447: {  	p1 =	seq.s32 s0, $0x5;
	[tilespmem:s11+$0x30] =	vst v4;
	v3 =	vpop (erf)  }
.Ltmp8:
0x448: {  	v63 =	vpop (erf);
	[tilespmem:s11+$0xF0] =	vst v3;
	v2 =	vmul.f32 v3, v2;
	(pc) =	sbr.rel @!p1 .LBB2_12-.Ltmp8, $4  }
0x449: {  	v3 =	vmul.f32 v63, v61;
	[tilespmem:s11+$0x170] =	vst v63  }
0x44a: {  	[tilespmem:s11+$0xB0] =	vst v2  }
0x44b: {  	[tilespmem:s11+$0x130] =	vst v3  }
0x44c: {  	[spmem:s2] =	stream.indirect.scatter.add.f32 [tilespmem:s28], [sflag:$0x6], $0x80, s10, s12, $0xb8;
	[tilespmem:$0x1EF00] =	vst v63  }
0x44d: {  	s31 =	sld [smem:$0x7FA];
	_ =	sdelay $0x2  }
0x44e: {  	p1 =	seq.s32 s31, $0x19  }
.Ltmp9:
0x44f: {  	_ = 	snop;
	(pc) =	sbr.rel @!p1 .LBB2_7-.Ltmp9, $2  }
0x450: {  	_ =	sdelay $0x2  }
0x451: {  	p0 =	por !p0, !p0;
	s13 =	simm.s32 $0x3AC0  }
0x452: {  	_ =	swait.ge [sflag:s14], $0x2800  }
0x453: {  	[sflag:s14] =	ssyncset.done $0x0  }
0x454: {  	[sflag:s14] =	ssyncadd.s32 $0xFFFFD800  }
0x455: {  	s0 =	simm.s32 $0x0;
	[bflag:$0x0] =	sbarrier.arrive $0xFFFF  }
0x456: {  	s5 =	simm.s32 $0x1EEC0;
	s21 =	simm.s32 $0x7;
	s3 =	rddreg [dreg:$0x11]  }
0x457: {  	[tilespmem:s5], [sflag:$0x7] =	stream.linear.gather [hbm4b:s3+s0], $0x40, $0x38;
	[tilespmem:$0x1EF00] =	vst v63  }
0x458: {  	_ =	swait.ge [sflag:s21], $0x40  }
.Ltmp10:
0x459: {  	s31 =	sld [smem:$0x7FD];
	(pc) =	sbr.rel .LBB2_18-.Ltmp10, $4  }
0x45a: {  	s19 =	rddreg [dreg:$0x8]  }
0x45b: {  	[sflag:s21] =	ssyncset.done $0x0;
	s20 =	rddreg [dreg:$0x14]  }
0x45c: {  	[sflag:s21] =	ssyncadd.s32 $0xFFFFFFC0;
	s21 =	rddreg [dreg:$0x1f]  }
0x45d: {  	[tilespmem:s13], [sflag:$0x1] =	stream.linear.gather [spmem:s31], $0x400, $0x38;
	[tilespmem:$0x1EF00] =	vst v63  }
.LBB2_24:
0x45e: {  	s0 =	sadd.s32 $0x1, s0  }
0x45f: {  	p0 =	sne.s32 s0, $0x28  }
.Ltmp11:
0x460: {  	_ = 	snop;
	(pc) =	sbr.rel @!p0 .LBB2_25-.Ltmp11, $1  }
0x461: {  	_ =	sdelay $0x3  }
.LBB2_18:
0x462: {  	s3 =	sshllo.u32 s0, $0x1  }
0x463: {  	p1 =	sgt.u32 s3, $0x4E  }
0x464: {  	s5 =	sshll.u32 @!p1 s3, $0xA  }
0x465: {  	s5 =	sand.u32 @!p1 $0x3FFFFC00, s5  }
0x466: {  	s6 =	simm.s32 @!p1 $0x62C0;
	s5 =	sadd.s32 @!p1 s5, s31  }
0x467: {  	[tilespmem:s6], [sflag:$0x2] =	stream.linear.gather @!p1 [spmem:s5], $0x400, $0x38;
	[tilespmem:$0x1EF00] =	vst v63  }
0x468: {  	_ =	swait.ge [sflag:s15], $0x400  }
0x469: {  	p0 =	seq.s32 s0, $0x0;
	[sflag:s15] =	ssyncset.done $0x0  }
0x46a: {  	s5 =	simm.s32 @!p0 $0x3;
	[sflag:s15] =	ssyncadd.s32 $0xFFFFFC00  }
0x46b: {  	_ =	swait.ge @!p0 [sflag:s5], $0x200  }
0x46c: {  	[sflag:s5] =	ssyncset.done @!p0 $0x0  }
0x46d: {  	p2 =	por $0x1, $0x1;
	s10 =	simm.s32 $0x0;
	[sflag:s5] =	ssyncadd.s32 @!p0 $0xFFFFFE00  }
.LBB2_19:
0x46e: {  	s5 =	sshll.u32 s10, $0x7  }
0x46f: {  	s6 =	sand.u32 $0x3FFFFF80, s5  }
0x470: {  	v2 =	vld [tilespmem:s6+$0x3B00];
	_ =	sdelay $0x4  }
0x471: {  	v2 =	vadd.f32 $1.000000020e-16, v2;
	_ =	sdelay $0x1  }
0x472: {  	(erf) = vrcp.f32 v2;
	_ =	sdelay $0x4  }
0x473: {  	v2 =	vld [tilespmem:s6+$0x3AC0];
	_ =	sdelay $0x1  }
0x474: {  	v3 =	vld [tilespmem:$0x1EEC0];
	_ =	sdelay $0x1  }
0x475: {  	v4 =	vpop (erf)  }
0x476: {  	v2 =	vmul.f32 v4, v2;
	_ =	sdelay $0x1  }
0x477: {  	s18 =	sshll.u32 s10, $0x6;
	v2 =	vadd.f32 v2, v3  }
0x478: {  	s5 =	sand.u32 $0x3FFFFFC0, s18  }
0x479: {  	[tilespmem:s5+$0x12C0] =	vst v2  }
0x47a: {  	v2 =	vld [tilespmem:s6+$0x3B10];
	_ =	sdelay $0x4  }
0x47b: {  	v2 =	vadd.f32 $1.000000020e-16, v2;
	_ =	sdelay $0x1  }
0x47c: {  	(erf) = vrcp.f32 v2;
	_ =	sdelay $0x4  }
0x47d: {  	v2 =	vld [tilespmem:s6+$0x3AD0];
	_ =	sdelay $0x1  }
0x47e: {  	v40 =	vld [tilespmem:$0x1EED0];
	_ =	sdelay $0x1  }
0x47f: {  	v5 =	vpop (erf)  }
0x480: {  	v2 =	vmul.f32 v5, v2;
	_ =	sdelay $0x1  }
0x481: {  	v2 =	vadd.f32 v2, v40;
	_ =	sdelay $0x1  }
0x482: {  	[tilespmem:s5+$0x12D0] =	vst v2  }
0x483: {  	v2 =	vld [tilespmem:s6+$0x3B20];
	_ =	sdelay $0x4  }
0x484: {  	v2 =	vadd.f32 $1.000000020e-16, v2;
	_ =	sdelay $0x1  }
0x485: {  	(erf) = vrcp.f32 v2;
	_ =	sdelay $0x4  }
0x486: {  	v2 =	vld [tilespmem:s6+$0x3AE0];
	_ =	sdelay $0x1  }
0x487: {  	v41 =	vld [tilespmem:$0x1EEE0];
	_ =	sdelay $0x1  }
0x488: {  	v42 =	vpop (erf)  }
0x489: {  	v2 =	vmul.f32 v42, v2;
	_ =	sdelay $0x1  }
0x48a: {  	v2 =	vadd.f32 v2, v41  }
0x48b: {  	s7 =	sor.u32 $0x1, s10  }
0x48c: {  	s9 =	sshll.u32 s7, $0x7;
	[tilespmem:s5+$0x12E0] =	vst v2  }
0x48d: {  	s9 =	sand.u32 $0x3FFFFF80, s9;
	v2 =	vld [tilespmem:s6+$0x3B30]  }
0x48e: {  	v43 =	vld [tilespmem:s9+$0x3B00];
	_ =	sdelay $0x3  }
0x48f: {  	v2 =	vadd.f32 $1.000000020e-16, v2  }
0x490: {  	v4 =	vadd.f32 $1.000000020e-16, v43  }
0x491: {  	(erf) = vrcp.f32 v2  }
0x492: {  	(erf) = vrcp.f32 v4;
	_ =	sdelay $0x4  }
0x493: {  	v2 =	vld [tilespmem:s9+$0x3AC0];
	_ =	sdelay $0x2  }
0x494: {  	v44 =	vpop (erf)  }
0x495: {  	v45 =	vpop (erf)  }
0x496: {  	v2 =	vmul.f32 v45, v2;
	_ =	sdelay $0x1  }
0x497: {  	s7 =	sshll.u32 s7, $0x6;
	v2 =	vadd.f32 v2, v3  }
0x498: {  	s7 =	sand.u32 $0x3FFFFFC0, s7  }
0x499: {  	[tilespmem:s7+$0x12C0] =	vst v2  }
0x49a: {  	v2 =	vld [tilespmem:s9+$0x3B10];
	_ =	sdelay $0x4  }
0x49b: {  	v2 =	vadd.f32 $1.000000020e-16, v2;
	_ =	sdelay $0x1  }
0x49c: {  	(erf) = vrcp.f32 v2;
	_ =	sdelay $0x4  }
0x49d: {  	v2 =	vld [tilespmem:s9+$0x3AD0];
	_ =	sdelay $0x1  }
0x49e: {  	v46 =	vld [tilespmem:$0x1EED0];
	_ =	sdelay $0x1  }
0x49f: {  	v6 =	vpop (erf)  }
0x4a0: {  	v2 =	vmul.f32 v6, v2;
	_ =	sdelay $0x1  }
0x4a1: {  	v2 =	vadd.f32 v2, v46;
	_ =	sdelay $0x1  }
0x4a2: {  	[tilespmem:s7+$0x12D0] =	vst v2  }
0x4a3: {  	v2 =	vld [tilespmem:s9+$0x3B20];
	_ =	sdelay $0x4  }
0x4a4: {  	v2 =	vadd.f32 $1.000000020e-16, v2;
	_ =	sdelay $0x1  }
0x4a5: {  	(erf) = vrcp.f32 v2;
	_ =	sdelay $0x4  }
0x4a6: {  	v2 =	vld [tilespmem:s9+$0x3AE0];
	_ =	sdelay $0x1  }
0x4a7: {  	v47 =	vld [tilespmem:$0x1EEE0];
	_ =	sdelay $0x1  }
0x4a8: {  	v48 =	vpop (erf)  }
0x4a9: {  	v2 =	vmul.f32 v48, v2;
	_ =	sdelay $0x1  }
0x4aa: {  	v2 =	vadd.f32 v2, v47  }
0x4ab: {  	s11 =	sor.u32 $0x2, s10  }
0x4ac: {  	s13 =	sshll.u32 s11, $0x7;
	[tilespmem:s7+$0x12E0] =	vst v2  }
0x4ad: {  	s13 =	sand.u32 $0x3FFFFF80, s13;
	v2 =	vld [tilespmem:s9+$0x3B30]  }
0x4ae: {  	v49 =	vld [tilespmem:s13+$0x3B00];
	_ =	sdelay $0x3  }
0x4af: {  	v2 =	vadd.f32 $1.000000020e-16, v2  }
0x4b0: {  	v5 =	vadd.f32 $1.000000020e-16, v49  }
0x4b1: {  	(erf) = vrcp.f32 v2  }
0x4b2: {  	(erf) = vrcp.f32 v5;
	_ =	sdelay $0x4  }
0x4b3: {  	v2 =	vld [tilespmem:s13+$0x3AC0];
	_ =	sdelay $0x2  }
0x4b4: {  	v50 =	vpop (erf)  }
0x4b5: {  	v51 =	vpop (erf)  }
0x4b6: {  	v2 =	vmul.f32 v51, v2;
	_ =	sdelay $0x1  }
0x4b7: {  	s11 =	sshll.u32 s11, $0x6;
	v2 =	vadd.f32 v2, v3  }
0x4b8: {  	s11 =	sand.u32 $0x3FFFFFC0, s11  }
0x4b9: {  	[tilespmem:s11+$0x12C0] =	vst v2  }
0x4ba: {  	v2 =	vld [tilespmem:s13+$0x3B10];
	_ =	sdelay $0x4  }
0x4bb: {  	v2 =	vadd.f32 $1.000000020e-16, v2;
	_ =	sdelay $0x1  }
0x4bc: {  	(erf) = vrcp.f32 v2;
	_ =	sdelay $0x4  }
0x4bd: {  	v2 =	vld [tilespmem:s13+$0x3AD0];
	_ =	sdelay $0x1  }
0x4be: {  	v52 =	vld [tilespmem:$0x1EED0];
	_ =	sdelay $0x1  }
0x4bf: {  	v7 =	vpop (erf)  }
0x4c0: {  	v2 =	vmul.f32 v7, v2;
	_ =	sdelay $0x1  }
0x4c1: {  	v2 =	vadd.f32 v2, v52;
	_ =	sdelay $0x1  }
0x4c2: {  	[tilespmem:s11+$0x12D0] =	vst v2  }
0x4c3: {  	v2 =	vld [tilespmem:s13+$0x3B20];
	_ =	sdelay $0x4  }
0x4c4: {  	v2 =	vadd.f32 $1.000000020e-16, v2;
	_ =	sdelay $0x1  }
0x4c5: {  	(erf) = vrcp.f32 v2;
	_ =	sdelay $0x4  }
0x4c6: {  	v2 =	vld [tilespmem:s13+$0x3AE0];
	_ =	sdelay $0x1  }
0x4c7: {  	v53 =	vld [tilespmem:$0x1EEE0];
	_ =	sdelay $0x1  }
0x4c8: {  	v54 =	vpop (erf)  }
0x4c9: {  	v2 =	vmul.f32 v54, v2;
	_ =	sdelay $0x1  }
0x4ca: {  	v2 =	vadd.f32 v2, v53  }
0x4cb: {  	s10 =	sor.u32 $0x3, s10  }
0x4cc: {  	s18 =	sshll.u32 s10, $0x7;
	[tilespmem:s11+$0x12E0] =	vst v2  }
0x4cd: {  	s18 =	sand.u32 $0x3FFFFF80, s18;
	v2 =	vld [tilespmem:s13+$0x3B30]  }
0x4ce: {  	v55 =	vld [tilespmem:s18+$0x3B00];
	_ =	sdelay $0x3  }
0x4cf: {  	v2 =	vadd.f32 $1.000000020e-16, v2  }
0x4d0: {  	v6 =	vadd.f32 $1.000000020e-16, v55  }
0x4d1: {  	(erf) = vrcp.f32 v2  }
0x4d2: {  	(erf) = vrcp.f32 v6;
	_ =	sdelay $0x4  }
0x4d3: {  	v2 =	vld [tilespmem:s18+$0x3AC0];
	_ =	sdelay $0x2  }
0x4d4: {  	v56 =	vpop (erf)  }
0x4d5: {  	v57 =	vpop (erf)  }
0x4d6: {  	v2 =	vmul.f32 v57, v2;
	_ =	sdelay $0x1  }
0x4d7: {  	s10 =	sshll.u32 s10, $0x6;
	v2 =	vadd.f32 v2, v3  }
0x4d8: {  	s10 =	sand.u32 $0x3FFFFFC0, s10  }
0x4d9: {  	[tilespmem:s10+$0x12C0] =	vst v2  }
0x4da: {  	v2 =	vld [tilespmem:s18+$0x3B10];
	_ =	sdelay $0x4  }
0x4db: {  	v2 =	vadd.f32 $1.000000020e-16, v2;
	_ =	sdelay $0x1  }
0x4dc: {  	(erf) = vrcp.f32 v2;
	_ =	sdelay $0x4  }
0x4dd: {  	v2 =	vld [tilespmem:s18+$0x3AD0];
	_ =	sdelay $0x1  }
0x4de: {  	v3 =	vld [tilespmem:$0x1EED0];
	_ =	sdelay $0x1  }
0x4df: {  	v58 =	vpop (erf)  }
0x4e0: {  	v2 =	vmul.f32 v58, v2;
	_ =	sdelay $0x1  }
0x4e1: {  	v2 =	vadd.f32 v2, v3;
	_ =	sdelay $0x1  }
0x4e2: {  	[tilespmem:s10+$0x12D0] =	vst v2  }
0x4e3: {  	v2 =	vld [tilespmem:s18+$0x3B20];
	_ =	sdelay $0x4  }
0x4e4: {  	v2 =	vadd.f32 $1.000000020e-16, v2;
	_ =	sdelay $0x1  }
0x4e5: {  	(erf) = vrcp.f32 v2;
	_ =	sdelay $0x4  }
0x4e6: {  	v2 =	vld [tilespmem:s18+$0x3AE0];
	_ =	sdelay $0x1  }
0x4e7: {  	v3 =	vld [tilespmem:$0x1EEE0];
	_ =	sdelay $0x1  }
0x4e8: {  	v59 =	vpop (erf)  }
0x4e9: {  	v2 =	vmul.f32 v59, v2;
	_ =	sdelay $0x1  }
0x4ea: {  	v2 =	vadd.f32 v2, v3;
	_ =	sdelay $0x1  }
0x4eb: {  	[tilespmem:s10+$0x12E0] =	vst v2  }
0x4ec: {  	v2 =	vld [tilespmem:s18+$0x3B30];
	_ =	sdelay $0x4  }
0x4ed: {  	v2 =	vadd.f32 $1.000000020e-16, v2;
	_ =	sdelay $0x1  }
0x4ee: {  	v9 =	vld [tilespmem:$0x1EEF0];
	(erf) = vrcp.f32 v2  }
0x4ef: {  	v10 =	vld [tilespmem:$0x1EEF0]  }
0x4f0: {  	v3 =	vld [tilespmem:s6+$0x3AF0]  }
0x4f1: {  	v2 =	vld [tilespmem:s9+$0x3AF0]  }
0x4f2: {  	v60 =	vld [tilespmem:s13+$0x3AF0]  }
0x4f3: {  	v8 =	vld [tilespmem:s18+$0x3AF0]  }
0x4f4: {  	v11 =	vld [tilespmem:$0x1EEF0]  }
0x4f5: {  	v61 =	vld [tilespmem:$0x1EEF0];
	v3 =	vmul.f32 v44, v3  }
0x4f6: {  	v2 =	vmul.f32 v50, v2  }
0x4f7: {  	p3 =	por p2, p2;
	v62 =	vmul.f32 v56, v60;
	v3 =	vadd.f32 v3, v9;
	v63 =	vpop (erf)  }
.Ltmp12:
0x4f8: {  	v2 =	vadd.f32 v2, v10;
	v6 =	vmul.f32 v63, v8;
	(pc) =	sbr.rel @p3 .LBB2_19-.Ltmp12, $4  }
0x4f9: {  	[tilespmem:s5+$0x12F0] =	vst v3;
	v3 =	vadd.f32 v62, v11  }
0x4fa: {  	[tilespmem:s7+$0x12F0] =	vst v2;
	v2 =	vadd.f32 v6, v61  }
0x4fb: {  	[tilespmem:s11+$0x12F0] =	vst v3  }
0x4fc: {  	p2 =	por $0x0, $0x0;
	[tilespmem:s10+$0x12F0] =	vst v2;
	s10 =	simm.s32 $0x4  }
.Ltmp13:
0x4fd: {  	s5 =	sshll.u32 s0, $0xB;
	(pc) =	sbr.rel @p1 .LBB2_24-.Ltmp13, $4  }
0x4fe: {  	s6 =	sadd.s32 s20, s5  }
0x4ff: {  	s7 =	simm.s32 $0x12C0;
	s6 =	sshrl.u32 s6, $0x3  }
0x500: {  	s9 =	simm.s32 $0x40;
	s10 =	simm.s32 $0x80;
	s6 =	sadd.s32 s19, s6  }
0x501: {  	[hbm4b:s6+s9] =	stream.strided.scatter [tilespmem:s7], [sflag:$0x3], $0x200, s10, s9, $0x38;
	[tilespmem:$0x1EF00] =	vst v63  }
0x502: {  	s5 =	sand.u32 $0x3FFFF800, s5  }
0x503: {  	s5 =	sadd.s32 s5, s2  }
0x504: {  	s5 =	sadd.s32 s21, s5  }
0x505: {  	s6 =	simm.s32 $0x3AC0;
	s5 =	sadd.s32 $0x800, s5  }
0x506: {  	[tilespmem:s6], [sflag:$0x1] =	stream.linear.gather [spmem:s5], $0x400, $0x38;
	[tilespmem:$0x1EF00] =	vst v63  }
0x507: {  	_ =	swait.ge [sflag:s29], $0x400  }
0x508: {  	[sflag:s29] =	ssyncset.done $0x0  }
0x509: {  	s5 =	simm.s32 @!p0 $0x4;
	[sflag:s29] =	ssyncadd.s32 $0xFFFFFC00  }
0x50a: {  	_ =	swait.ge @!p0 [sflag:s5], $0x200  }
0x50b: {  	[sflag:s5] =	ssyncset.done @!p0 $0x0  }
0x50c: {  	s9 =	simm.s32 $0x0;
	[sflag:s5] =	ssyncadd.s32 @!p0 $0xFFFFFE00;
	p0 =	por $0x1, $0x1  }
.LBB2_22:
0x50d: {  	s5 =	sshll.u32 s9, $0x7  }
0x50e: {  	s6 =	sand.u32 $0x3FFFFF80, s5  }
0x50f: {  	v2 =	vld [tilespmem:s6+$0x6300];
	_ =	sdelay $0x4  }
0x510: {  	v2 =	vadd.f32 $1.000000020e-16, v2;
	_ =	sdelay $0x1  }
0x511: {  	(erf) = vrcp.f32 v2;
	_ =	sdelay $0x4  }
0x512: {  	v2 =	vld [tilespmem:s6+$0x62C0];
	_ =	sdelay $0x1  }
0x513: {  	v3 =	vld [tilespmem:$0x1EEC0];
	_ =	sdelay $0x1  }
0x514: {  	v4 =	vpop (erf)  }
0x515: {  	v2 =	vmul.f32 v4, v2;
	_ =	sdelay $0x1  }
0x516: {  	s18 =	sshll.u32 s9, $0x6;
	v2 =	vadd.f32 v2, v3  }
0x517: {  	s5 =	sand.u32 $0x3FFFFFC0, s18  }
0x518: {  	[tilespmem:s5+$0x26C0] =	vst v2  }
0x519: {  	v2 =	vld [tilespmem:s6+$0x6310];
	_ =	sdelay $0x4  }
0x51a: {  	v2 =	vadd.f32 $1.000000020e-16, v2;
	_ =	sdelay $0x1  }
0x51b: {  	(erf) = vrcp.f32 v2;
	_ =	sdelay $0x4  }
0x51c: {  	v2 =	vld [tilespmem:s6+$0x62D0];
	_ =	sdelay $0x1  }
0x51d: {  	v40 =	vld [tilespmem:$0x1EED0];
	_ =	sdelay $0x1  }
0x51e: {  	v5 =	vpop (erf)  }
0x51f: {  	v2 =	vmul.f32 v5, v2;
	_ =	sdelay $0x1  }
0x520: {  	v2 =	vadd.f32 v2, v40;
	_ =	sdelay $0x1  }
0x521: {  	[tilespmem:s5+$0x26D0] =	vst v2  }
0x522: {  	v2 =	vld [tilespmem:s6+$0x6320];
	_ =	sdelay $0x4  }
0x523: {  	v2 =	vadd.f32 $1.000000020e-16, v2;
	_ =	sdelay $0x1  }
0x524: {  	(erf) = vrcp.f32 v2;
	_ =	sdelay $0x4  }
0x525: {  	v2 =	vld [tilespmem:s6+$0x62E0];
	_ =	sdelay $0x1  }
0x526: {  	v41 =	vld [tilespmem:$0x1EEE0];
	_ =	sdelay $0x1  }
0x527: {  	v42 =	vpop (erf)  }
0x528: {  	v2 =	vmul.f32 v42, v2;
	_ =	sdelay $0x1  }
0x529: {  	v2 =	vadd.f32 v2, v41  }
0x52a: {  	s7 =	sor.u32 $0x1, s9  }
0x52b: {  	s10 =	sshll.u32 s7, $0x7;
	[tilespmem:s5+$0x26E0] =	vst v2  }
0x52c: {  	s10 =	sand.u32 $0x3FFFFF80, s10;
	v2 =	vld [tilespmem:s6+$0x6330]  }
0x52d: {  	v43 =	vld [tilespmem:s10+$0x6300];
	_ =	sdelay $0x3  }
0x52e: {  	v2 =	vadd.f32 $1.000000020e-16, v2  }
0x52f: {  	v4 =	vadd.f32 $1.000000020e-16, v43  }
0x530: {  	(erf) = vrcp.f32 v2  }
0x531: {  	(erf) = vrcp.f32 v4;
	_ =	sdelay $0x4  }
0x532: {  	v2 =	vld [tilespmem:s10+$0x62C0];
	_ =	sdelay $0x2  }
0x533: {  	v44 =	vpop (erf)  }
0x534: {  	v45 =	vpop (erf)  }
0x535: {  	v2 =	vmul.f32 v45, v2;
	_ =	sdelay $0x1  }
0x536: {  	s7 =	sshll.u32 s7, $0x6;
	v2 =	vadd.f32 v2, v3  }
0x537: {  	s7 =	sand.u32 $0x3FFFFFC0, s7  }
0x538: {  	[tilespmem:s7+$0x26C0] =	vst v2  }
0x539: {  	v2 =	vld [tilespmem:s10+$0x6310];
	_ =	sdelay $0x4  }
0x53a: {  	v2 =	vadd.f32 $1.000000020e-16, v2;
	_ =	sdelay $0x1  }
0x53b: {  	(erf) = vrcp.f32 v2;
	_ =	sdelay $0x4  }
0x53c: {  	v2 =	vld [tilespmem:s10+$0x62D0];
	_ =	sdelay $0x1  }
0x53d: {  	v46 =	vld [tilespmem:$0x1EED0];
	_ =	sdelay $0x1  }
0x53e: {  	v6 =	vpop (erf)  }
0x53f: {  	v2 =	vmul.f32 v6, v2;
	_ =	sdelay $0x1  }
0x540: {  	v2 =	vadd.f32 v2, v46;
	_ =	sdelay $0x1  }
0x541: {  	[tilespmem:s7+$0x26D0] =	vst v2  }
0x542: {  	v2 =	vld [tilespmem:s10+$0x6320];
	_ =	sdelay $0x4  }
0x543: {  	v2 =	vadd.f32 $1.000000020e-16, v2;
	_ =	sdelay $0x1  }
0x544: {  	(erf) = vrcp.f32 v2;
	_ =	sdelay $0x4  }
0x545: {  	v2 =	vld [tilespmem:s10+$0x62E0];
	_ =	sdelay $0x1  }
0x546: {  	v47 =	vld [tilespmem:$0x1EEE0];
	_ =	sdelay $0x1  }
0x547: {  	v48 =	vpop (erf)  }
0x548: {  	v2 =	vmul.f32 v48, v2;
	_ =	sdelay $0x1  }
0x549: {  	v2 =	vadd.f32 v2, v47  }
0x54a: {  	s11 =	sor.u32 $0x2, s9  }
0x54b: {  	s13 =	sshll.u32 s11, $0x7;
	[tilespmem:s7+$0x26E0] =	vst v2  }
0x54c: {  	s13 =	sand.u32 $0x3FFFFF80, s13;
	v2 =	vld [tilespmem:s10+$0x6330]  }
0x54d: {  	v49 =	vld [tilespmem:s13+$0x6300];
	_ =	sdelay $0x3  }
0x54e: {  	v2 =	vadd.f32 $1.000000020e-16, v2  }
0x54f: {  	v5 =	vadd.f32 $1.000000020e-16, v49  }
0x550: {  	(erf) = vrcp.f32 v2  }
0x551: {  	(erf) = vrcp.f32 v5;
	_ =	sdelay $0x4  }
0x552: {  	v2 =	vld [tilespmem:s13+$0x62C0];
	_ =	sdelay $0x2  }
0x553: {  	v50 =	vpop (erf)  }
0x554: {  	v51 =	vpop (erf)  }
0x555: {  	v2 =	vmul.f32 v51, v2;
	_ =	sdelay $0x1  }
0x556: {  	s11 =	sshll.u32 s11, $0x6;
	v2 =	vadd.f32 v2, v3  }
0x557: {  	s11 =	sand.u32 $0x3FFFFFC0, s11  }
0x558: {  	[tilespmem:s11+$0x26C0] =	vst v2  }
0x559: {  	v2 =	vld [tilespmem:s13+$0x6310];
	_ =	sdelay $0x4  }
0x55a: {  	v2 =	vadd.f32 $1.000000020e-16, v2;
	_ =	sdelay $0x1  }
0x55b: {  	(erf) = vrcp.f32 v2;
	_ =	sdelay $0x4  }
0x55c: {  	v2 =	vld [tilespmem:s13+$0x62D0];
	_ =	sdelay $0x1  }
0x55d: {  	v52 =	vld [tilespmem:$0x1EED0];
	_ =	sdelay $0x1  }
0x55e: {  	v7 =	vpop (erf)  }
0x55f: {  	v2 =	vmul.f32 v7, v2;
	_ =	sdelay $0x1  }
0x560: {  	v2 =	vadd.f32 v2, v52;
	_ =	sdelay $0x1  }
0x561: {  	[tilespmem:s11+$0x26D0] =	vst v2  }
0x562: {  	v2 =	vld [tilespmem:s13+$0x6320];
	_ =	sdelay $0x4  }
0x563: {  	v2 =	vadd.f32 $1.000000020e-16, v2;
	_ =	sdelay $0x1  }
0x564: {  	(erf) = vrcp.f32 v2;
	_ =	sdelay $0x4  }
0x565: {  	v2 =	vld [tilespmem:s13+$0x62E0];
	_ =	sdelay $0x1  }
0x566: {  	v53 =	vld [tilespmem:$0x1EEE0];
	_ =	sdelay $0x1  }
0x567: {  	v54 =	vpop (erf)  }
0x568: {  	v2 =	vmul.f32 v54, v2;
	_ =	sdelay $0x1  }
0x569: {  	v2 =	vadd.f32 v2, v53  }
0x56a: {  	s9 =	sor.u32 $0x3, s9  }
0x56b: {  	s18 =	sshll.u32 s9, $0x7;
	[tilespmem:s11+$0x26E0] =	vst v2  }
0x56c: {  	s18 =	sand.u32 $0x3FFFFF80, s18;
	v2 =	vld [tilespmem:s13+$0x6330]  }
0x56d: {  	v55 =	vld [tilespmem:s18+$0x6300];
	_ =	sdelay $0x3  }
0x56e: {  	v2 =	vadd.f32 $1.000000020e-16, v2  }
0x56f: {  	v6 =	vadd.f32 $1.000000020e-16, v55  }
0x570: {  	(erf) = vrcp.f32 v2  }
0x571: {  	(erf) = vrcp.f32 v6;
	_ =	sdelay $0x4  }
0x572: {  	v2 =	vld [tilespmem:s18+$0x62C0];
	_ =	sdelay $0x2  }
0x573: {  	v56 =	vpop (erf)  }
0x574: {  	v57 =	vpop (erf)  }
0x575: {  	v2 =	vmul.f32 v57, v2;
	_ =	sdelay $0x1  }
0x576: {  	s9 =	sshll.u32 s9, $0x6;
	v2 =	vadd.f32 v2, v3  }
0x577: {  	s9 =	sand.u32 $0x3FFFFFC0, s9  }
0x578: {  	[tilespmem:s9+$0x26C0] =	vst v2  }
0x579: {  	v2 =	vld [tilespmem:s18+$0x6310];
	_ =	sdelay $0x4  }
0x57a: {  	v2 =	vadd.f32 $1.000000020e-16, v2;
	_ =	sdelay $0x1  }
0x57b: {  	(erf) = vrcp.f32 v2;
	_ =	sdelay $0x4  }
0x57c: {  	v2 =	vld [tilespmem:s18+$0x62D0];
	_ =	sdelay $0x1  }
0x57d: {  	v3 =	vld [tilespmem:$0x1EED0];
	_ =	sdelay $0x1  }
0x57e: {  	v58 =	vpop (erf)  }
0x57f: {  	v2 =	vmul.f32 v58, v2;
	_ =	sdelay $0x1  }
0x580: {  	v2 =	vadd.f32 v2, v3;
	_ =	sdelay $0x1  }
0x581: {  	[tilespmem:s9+$0x26D0] =	vst v2  }
0x582: {  	v2 =	vld [tilespmem:s18+$0x6320];
	_ =	sdelay $0x4  }
0x583: {  	v2 =	vadd.f32 $1.000000020e-16, v2;
	_ =	sdelay $0x1  }
0x584: {  	(erf) = vrcp.f32 v2;
	_ =	sdelay $0x4  }
0x585: {  	v2 =	vld [tilespmem:s18+$0x62E0];
	_ =	sdelay $0x1  }
0x586: {  	v3 =	vld [tilespmem:$0x1EEE0];
	_ =	sdelay $0x1  }
0x587: {  	v59 =	vpop (erf)  }
0x588: {  	v2 =	vmul.f32 v59, v2;
	_ =	sdelay $0x1  }
0x589: {  	v2 =	vadd.f32 v2, v3;
	_ =	sdelay $0x1  }
0x58a: {  	[tilespmem:s9+$0x26E0] =	vst v2  }
0x58b: {  	v2 =	vld [tilespmem:s18+$0x6330];
	_ =	sdelay $0x4  }
0x58c: {  	v2 =	vadd.f32 $1.000000020e-16, v2;
	_ =	sdelay $0x1  }
0x58d: {  	v9 =	vld [tilespmem:$0x1EEF0];
	(erf) = vrcp.f32 v2  }
0x58e: {  	v10 =	vld [tilespmem:$0x1EEF0]  }
0x58f: {  	v3 =	vld [tilespmem:s6+$0x62F0]  }
0x590: {  	v2 =	vld [tilespmem:s10+$0x62F0]  }
0x591: {  	v60 =	vld [tilespmem:s13+$0x62F0]  }
0x592: {  	v8 =	vld [tilespmem:s18+$0x62F0]  }
0x593: {  	v11 =	vld [tilespmem:$0x1EEF0]  }
0x594: {  	v61 =	vld [tilespmem:$0x1EEF0];
	v3 =	vmul.f32 v44, v3  }
0x595: {  	v2 =	vmul.f32 v50, v2  }
0x596: {  	p1 =	por p0, p0;
	v62 =	vmul.f32 v56, v60;
	v3 =	vadd.f32 v3, v9;
	v63 =	vpop (erf)  }
.Ltmp14:
0x597: {  	v2 =	vadd.f32 v2, v10;
	v6 =	vmul.f32 v63, v8;
	(pc) =	sbr.rel @p1 .LBB2_22-.Ltmp14, $4  }
0x598: {  	[tilespmem:s5+$0x26F0] =	vst v3;
	v3 =	vadd.f32 v62, v11  }
0x599: {  	[tilespmem:s7+$0x26F0] =	vst v2;
	v2 =	vadd.f32 v6, v61  }
0x59a: {  	[tilespmem:s11+$0x26F0] =	vst v3  }
0x59b: {  	p0 =	por $0x0, $0x0;
	[tilespmem:s9+$0x26F0] =	vst v2;
	s9 =	simm.s32 $0x4  }
.Ltmp15:
0x59c: {  	s3 =	sshll.u32 s3, $0xA;
	(pc) =	sbr.rel .LBB2_24-.Ltmp15, $4  }
0x59d: {  	s3 =	sadd.s32 s20, s3  }
0x59e: {  	s3 =	sshrl.u32 s3, $0x3  }
0x59f: {  	s5 =	simm.s32 $0x40;
	s6 =	simm.s32 $0x80;
	s3 =	sadd.s32 s19, s3  }
0x5a0: {  	[hbm4b:s3+s5] =	stream.strided.scatter [tilespmem:s22], [sflag:$0x4], $0x200, s6, s5, $0x38;
	[tilespmem:$0x1EF00] =	vst v63  }
.LBB2_26:
0x5a1: {  	_ =	sfence.sel $0x180000  }
0x5a2: {  	[bflag:$0x0] =	sbarrier.arrive $0xFFFF  }
0x5a3: {  	_ =	strace $0x90000047  }
0x5a4: {  	s0 =	stileid.u32;
	[bflag:$0x2] =	sbarrier.arrive $0xFFFF  }
0x5a5: {  	p0 =	sne.s32 s0, $0x0;
	s0 =	rddreg [dreg:$0x4]  }
0x5a6: {  	s0 =	sadd.s32 @!p0 $0x100000, s0  }
0x5a7: {  	[sflag:s0] =	ssyncadd.tile.s32 @!p0 $0x1;
	_ =	shalt  }
.Lfunc_end2:
_tile_overlayer_lowered:
.L_overlay_start_2:
0x5a8: {  	(tag) =	ssettag $0x2  }
0x5a9: {  	s0 =	rddreg [dreg:$0x0];
	s2 =	stileid.u32  }
0x5aa: {  	s1 =	rddreg [dreg:$0x1];
	p0 =	sne.s32 s2, $0x0  }
0x5ab: {  	s3 =	rddreg [dreg:$0x2];
	[bflag:$0x3] =	sbarrier.arrive $0xFFFF;
	s2 =	simm.s32 @!p0 $0x1C07  }
0x5ac: {  	[timem:s3], [sflag:s2] =	dma.local @!p0 [hbm:s0], s1  }
0x5ad: {  	s0 =	simm.s32 @!p0 $0x7  }
0x5ae: {  	_ =	swait.ge @!p0 [sflag:s0], s1  }
0x5af: {  	s1 =	ssub.s32 @!p0 $0x0, s1;
	[sflag:s0] =	ssyncset.done @!p0 $0x0  }
0x5b0: {  	[sflag:s0] =	ssyncadd.s32 @!p0 s1  }
0x5b1: {  	[bflag:$0x3] =	sbarrier.arrive $0xFFFF  }
0x5b2: {  	_ =	shalt  }

</sc_bundles>
